<compile_context>
chip_gen: v7x
topology: tpu7x:2x2x1
jax: 0.10.2.dev20260603
libtpu: 0.0.44.dev20260713+nightly
codegen_flags: <defaults>
</compile_context>

<pallas_src>
import functools

import jax
import jax.numpy as jnp
from jax import lax
from jax.experimental import pallas as pl
from jax.experimental.pallas import tpu as pltpu
from jax.experimental.pallas import tpu_sc as plsc

N = 10000
E = 320000
D = 128
H = 128
DE = 16
G = 64

NC = 2
NS = 16
NW = NC * NS
LANES = 16

EPT = E // NW
CH = 80
NCHUNK = EPT // CH
RPT = 624
ZR = 16

_HI = jax.lax.Precision.HIGHEST



def _sc_edge_body(x_hbm, src_hbm, dst_hbm, ea_hbm, out_hbm,
                  src_v0, src_v1, dst_v0, dst_v1,
                  rows_v0, rows_v1, ea_v0, ea_v1, zbuf_v, agg_sh,
                  si0, si1, se0, se1, sg0, sg1):
    c = lax.axis_index("c")
    s = lax.axis_index("s")
    wid = c * NS + s
    srcs = (src_v0, src_v1)
    dsts = (dst_v0, dst_v1)
    rows = (rows_v0, rows_v1)
    eas = (ea_v0, ea_v1)
    sis = (si0, si1)
    ses = (se0, se1)
    sgs = (sg0, sg1)

    base = wid * EPT

    def _off(k):
        return base + jnp.minimum(k, NCHUNK - 1) * CH

    def issue_idx(k, b):
        off = _off(k)
        pltpu.async_copy(src_hbm.at[pl.ds(off, CH)], srcs[b], sis[b])
        pltpu.async_copy(dst_hbm.at[pl.ds(off, CH)], dsts[b], sis[b])

    def wait_idx(b):
        pltpu.make_async_copy(src_hbm.at[pl.ds(0, CH)], srcs[b], sis[b]).wait()
        pltpu.make_async_copy(dst_hbm.at[pl.ds(0, CH)], dsts[b], sis[b]).wait()

    def issue_ea(k, b):
        pltpu.async_copy(ea_hbm.at[pl.ds(_off(k), CH)], eas[b], ses[b])

    def wait_ea(b):
        pltpu.make_async_copy(ea_hbm.at[pl.ds(0, CH)], eas[b], ses[b]).wait()

    def issue_gather(b):
        pltpu.async_copy(x_hbm.at[srcs[b]], rows[b], sgs[b])

    def wait_gather(b):
        pltpu.make_async_copy(x_hbm.at[pl.ds(0, CH)], rows[b], sgs[b]).wait()

    def compute_scatter(b):
        @plsc.parallel_loop(0, CH, 1, unroll=4)
        def _row(i):
            for j in range(D // LANES):
                sl = pl.ds(j * LANES, LANES)
                rows[b][i, sl] = jnp.maximum(
                    rows[b][i, sl] + eas[b][i, sl], 0.0)
        pltpu.sync_copy(rows[b], agg_sh.at[dsts[b]], add=True)

    issue_idx(0, 0)
    issue_idx(1, 1)
    issue_ea(0, 0)

    def _zrow(i, _):
        for j in range(D // LANES):
            zbuf_v[i, pl.ds(j * LANES, LANES)] = jnp.zeros((LANES,), jnp.float32)
        return 0
    lax.fori_loop(0, ZR, _zrow, 0)

    def _zcopy(i, _):
        pltpu.sync_copy(zbuf_v, agg_sh.at[pl.ds(s * RPT + i * ZR, ZR)])
        return 0
    lax.fori_loop(0, RPT // ZR, _zcopy, 0)

    @pl.when(s == NS - 1)
    def _ztail():
        lax.fori_loop(0, (N - NS * RPT) // ZR, lambda i, _: (
            pltpu.sync_copy(zbuf_v, agg_sh.at[pl.ds(NS * RPT + i * ZR, ZR)]),
            0)[1], 0)

    wait_idx(0)
    issue_gather(0)

    plsc.subcore_barrier()

    def _pair(t, _):
        g = 2 * t
        issue_ea(g + 1, 1)
        wait_idx(1)
        issue_gather(1)
        wait_ea(0)
        wait_gather(0)
        compute_scatter(0)
        issue_idx(g + 2, 0)

        issue_ea(g + 2, 0)
        wait_idx(0)
        issue_gather(0)
        wait_ea(1)
        wait_gather(1)
        compute_scatter(1)
        issue_idx(g + 3, 1)
        return 0
    lax.fori_loop(0, NCHUNK // 2, _pair, 0)

    wait_ea(0)
    wait_gather(0)
    compute_scatter(0)
    wait_idx(1)

    plsc.subcore_barrier()

    pltpu.sync_copy(agg_sh.at[pl.ds(s * RPT, RPT)],
                    out_hbm.at[c, pl.ds(s * RPT, RPT)])

    @pl.when(s == NS - 1)
    def _otail():
        pltpu.sync_copy(agg_sh.at[pl.ds(NS * RPT, N - NS * RPT)],
                        out_hbm.at[c, pl.ds(NS * RPT, N - NS * RPT)])


def _make_sc_edge():
    mesh = plsc.VectorSubcoreMesh(core_axis_name="c", subcore_axis_name="s")
    return functools.partial(
        pl.kernel,
        mesh=mesh,
        out_type=jax.ShapeDtypeStruct((NC, N, D), jnp.float32),
        scratch_types=(
            [pltpu.VMEM((CH,), jnp.int32)] * 4
            + [pltpu.VMEM((CH, D), jnp.float32)] * 4
            + [pltpu.VMEM((ZR, D), jnp.float32),
               pltpu.VMEM_SHARED((N, D), jnp.float32)]
            + [pltpu.SemaphoreType.DMA] * 6
        ),
    )(_sc_edge_body)


_sc_edge = _make_sc_edge()


_BE = 8000


def _edge_mm_body(ea_ref, w_ref, b_ref, o_ref):
    o_ref[...] = jnp.dot(ea_ref[...], w_ref[...],
                         preferred_element_type=jnp.float32) + b_ref[...]


def _edge_mm(edge_attr, W, b):
    return pl.pallas_call(
        _edge_mm_body,
        grid=(E // _BE,),
        in_specs=[
            pl.BlockSpec((_BE, DE), lambda i: (i, 0)),
            pl.BlockSpec((DE, D), lambda i: (0, 0)),
            pl.BlockSpec((1, D), lambda i: (0, 0)),
        ],
        out_specs=pl.BlockSpec((_BE, D), lambda i: (i, 0)),
        out_shape=jax.ShapeDtypeStruct((E, D), jnp.float32),
    )(edge_attr, W, b.reshape(1, D))


def _mlp_body(x_ref, agg_ref, wa_ref, ba_ref, g_ref, bt_ref, wb_ref, bb_ref,
              o_ref):
    y = x_ref[...] + agg_ref[0] + agg_ref[1]
    h = jnp.dot(y, wa_ref[...],
                preferred_element_type=jnp.float32) + ba_ref[...]
    mu = jnp.mean(h, axis=0, keepdims=True)
    var = jnp.mean((h - mu) * (h - mu), axis=0, keepdims=True)
    hn = (h - mu) * jax.lax.rsqrt(var + 1e-5) * g_ref[...] + bt_ref[...]
    r = jnp.maximum(hn, 0.0)
    o_ref[...] = jnp.maximum(
        jnp.dot(r, wb_ref[...],
                preferred_element_type=jnp.float32) + bb_ref[...], 0.0)


def _mlp(x, agg, Wa, ba, g, bt, Wb, bb):
    return pl.pallas_call(
        _mlp_body,
        out_shape=jax.ShapeDtypeStruct((N, H), jnp.float32),
    )(x, agg, Wa, ba.reshape(1, H), g.reshape(1, H), bt.reshape(1, H),
      Wb, bb.reshape(1, H))


def _head_body(x_ref, agg_ref, wa_ref, ba_ref, g_ref, bt_ref, wb_ref, bb_ref,
               batch_ref, wc1_ref, bc1_ref, wc2_ref, bc2_ref, o_ref):
    y = x_ref[...] + agg_ref[0] + agg_ref[1]
    h = jnp.dot(y, wa_ref[...],
                preferred_element_type=jnp.float32) + ba_ref[...]
    mu = jnp.mean(h, axis=0, keepdims=True)
    var = jnp.mean((h - mu) * (h - mu), axis=0, keepdims=True)
    hn = (h - mu) * jax.lax.rsqrt(var + 1e-5) * g_ref[...] + bt_ref[...]
    r = jnp.maximum(hn, 0.0)
    h2 = jnp.maximum(
        jnp.dot(r, wb_ref[...],
                preferred_element_type=jnp.float32) + bb_ref[...], 0.0)
    seg = jax.lax.broadcasted_iota(jnp.int32, (G, N), 0)
    mask = (seg == batch_ref[...]).astype(jnp.float32)
    pooled = jnp.dot(mask, h2, precision=_HI)
    z = jnp.maximum(jnp.dot(pooled, wc1_ref[...])
                    + bc1_ref[...], 0.0)
    o_ref[...] = jnp.dot(z, wc2_ref[...]) + bc2_ref[...]


def _head(x, agg, Wa, ba, g, bt, Wb, bb, batch, Wc1, bc1, Wc2, bc2):
    return pl.pallas_call(
        _head_body,
        out_shape=jax.ShapeDtypeStruct((G, 2), jnp.float32),
    )(x, agg, Wa, ba.reshape(1, H), g.reshape(1, H), bt.reshape(1, H),
      Wb, bb.reshape(1, H), batch.reshape(1, N),
      Wc1, bc1.reshape(1, 64), Wc2, bc2.reshape(1, 2))


def kernel(x, edge_index, edge_attr, batch, We1, be1, W1a, b1a, g1, bt1,
           W1b, b1b, We2, be2, W2a, b2a, g2, bt2, W2b, b2b, Wc1, bc1,
           Wc2, bc2):
    src = edge_index[0]
    dst = edge_index[1]
    ea1 = _edge_mm(edge_attr, We1, be1)
    agg1 = _sc_edge(x, src, dst, ea1)
    ea2 = _edge_mm(edge_attr, We2, be2)
    h1 = _mlp(x, agg1, W1a, b1a, g1, bt1, W1b, b1b)
    agg2 = _sc_edge(h1, src, dst, ea2)
    return _head(h1, agg2, W2a, b2a, g2, bt2, W2b, b2b, batch,
                 Wc1, bc1, Wc2, bc2)

# --- scband reference (transcript-rebuilt; emitter-appended) ---
"""Pipeline reference for scband-ginclassifier-2276332667278 (READ-ONLY COPY).

The authoritative reference and input builder live on the scoring server;
editing this copy changes nothing except your own understanding.
"""

import jax, jax.numpy as jnp
import numpy as np

N = 10000
E = 320000
D = 128
H = 128
DE = 16
G = 64

def setup_inputs(seed: int = 0):
    key = jax.random.key(seed)
    ks = jax.random.split(key, 30)
    inp = {}
    inp['x'] = jax.random.normal(ks[0], (N, D), jnp.float32)
    inp['edge_index'] = jax.random.randint(ks[1], (2, E), 0, N, dtype=jnp.int32)
    inp['edge_attr'] = jax.random.normal(ks[2], (E, DE), jnp.float32)
    inp['batch'] = jnp.sort(jax.random.randint(ks[3], (N,), 0, G, dtype=jnp.int32))
    def lin(k, fan_in, shape):
        b = 1.0 / np.sqrt(fan_in)
        return jax.random.uniform(k, shape, jnp.float32, -b, b)
    inp['We1'] = lin(ks[4], DE, (DE, D)); inp['be1'] = lin(ks[5], DE, (D,))
    inp['W1a'] = lin(ks[6], D, (D, H)); inp['b1a'] = lin(ks[7], D, (H,))
    inp['g1'] = jnp.ones((H,), jnp.float32); inp['bt1'] = jnp.zeros((H,), jnp.float32)
    inp['W1b'] = lin(ks[8], H, (H, H)); inp['b1b'] = lin(ks[9], H, (H,))
    inp['We2'] = lin(ks[10], DE, (DE, H)); inp['be2'] = lin(ks[11], DE, (H,))
    inp['W2a'] = lin(ks[12], H, (H, H)); inp['b2a'] = lin(ks[13], H, (H,))
    inp['g2'] = jnp.ones((H,), jnp.float32); inp['bt2'] = jnp.zeros((H,), jnp.float32)
    inp['W2b'] = lin(ks[14], H, (H, H)); inp['b2b'] = lin(ks[15], H, (H,))
    inp['Wc1'] = lin(ks[16], H, (H, 64)); inp['bc1'] = lin(ks[17], H, (64,))
    inp['Wc2'] = lin(ks[18], 64, (64, 2)); inp['bc2'] = lin(ks[19], 64, (2,))
    return inp

def _gine(x, src, dst, ea, We, be, Wa, ba, g, bt, Wb, bb):
    # GINEConv: out = MLP((1+eps)*x + sum_j ReLU(x_j + lin_edge(e_ij))), eps=0
    msg = jax.nn.relu(x[src] + ea @ We + be)
    agg = jax.ops.segment_sum(msg, dst, num_segments=x.shape[0])
    h = (x + agg) @ Wa + ba
    # BatchNorm1d (training mode: batch statistics)
    mu = jnp.mean(h, axis=0)
    var = jnp.var(h, axis=0)
    h = (h - mu) / jnp.sqrt(var + 1e-5) * g + bt
    return jax.nn.relu(h) @ Wb + bb

def reference(x, edge_index, edge_attr, batch, We1, be1, W1a, b1a, g1, bt1, W1b, b1b, We2, be2, W2a, b2a, g2, bt2, W2b, b2b, Wc1, bc1, Wc2, bc2):
    src = edge_index[0]
    dst = edge_index[1]
    h = jax.nn.relu(_gine(x, src, dst, edge_attr, We1, be1, W1a, b1a, g1, bt1, W1b, b1b))
    h = jax.nn.relu(_gine(h, src, dst, edge_attr, We2, be2, W2a, b2a, g2, bt2, W2b, b2b))
    pooled = jax.ops.segment_sum(h, batch, num_segments=G)
    z = jax.nn.relu(pooled @ Wc1 + bc1)
    # Dropout is identity in eval / deterministic reference
    return z @ Wc2 + bc2

if __name__ == "__main__":
    import jax
    _d = setup_inputs()
    print(jax.jit(kernel)(*tuple(_d.values())))

</pallas_src>

<mosaic_0001>
#map = affine_map<(d0, d1) -> (0, 0)>
#map1 = affine_map<(d0, d1) -> (0)>
#map2 = affine_map<(d0, d1) -> (0, 0, 0)>
module attributes {stable_mosaic.version = 14 : i64} {
  func.func @_sc_edge_body(%arg0: i32, %arg1: i32, %arg2: memref<10000x128xf32, #tpu.memory_space<hbm>>, %arg3: memref<320000xi32, #tpu.memory_space<hbm>>, %arg4: memref<320000xi32, #tpu.memory_space<hbm>>, %arg5: memref<320000x128xf32, #tpu.memory_space<hbm>>, %arg6: memref<2x10000x128xf32, #tpu.memory_space<hbm>>, %arg7: memref<80xi32, #tpu.memory_space<vmem>>, %arg8: memref<80xi32, #tpu.memory_space<vmem>>, %arg9: memref<80xi32, #tpu.memory_space<vmem>>, %arg10: memref<80xi32, #tpu.memory_space<vmem>>, %arg11: memref<80x128xf32, #tpu.memory_space<vmem>>, %arg12: memref<80x128xf32, #tpu.memory_space<vmem>>, %arg13: memref<80x128xf32, #tpu.memory_space<vmem>>, %arg14: memref<80x128xf32, #tpu.memory_space<vmem>>, %arg15: memref<16x128xf32, #tpu.memory_space<vmem>>, %arg16: memref<10000x128xf32, #tpu.memory_space<vmem_shared>>, %arg17: memref<!tpu.dma_semaphore, #tpu.memory_space<semaphore_mem>>, %arg18: memref<!tpu.dma_semaphore, #tpu.memory_space<semaphore_mem>>, %arg19: memref<!tpu.dma_semaphore, #tpu.memory_space<semaphore_mem>>, %arg20: memref<!tpu.dma_semaphore, #tpu.memory_space<semaphore_mem>>, %arg21: memref<!tpu.dma_semaphore, #tpu.memory_space<semaphore_mem>>, %arg22: memref<!tpu.dma_semaphore, #tpu.memory_space<semaphore_mem>>) attributes {dimension_semantics = [#tpu.dimension_semantics<core_parallel>, #tpu.dimension_semantics<subcore_parallel>], iteration_bounds = array<i64: 2, 16>, scalar_prefetch = 0 : i64, scratch_operands = 16 : i64, tpu.core_type = #tpu.core_type<sc_vector_subcore>, window_params = [{transform_indices = #map}, {transform_indices = #map1}, {transform_indices = #map1}, {transform_indices = #map}, {transform_indices = #map2}]} {
    %mul3A = arith.constant 16 : i32
    %mul3A_0 = arith.muli %arg0, %mul3A : i32
    %add3A = arith.addi %mul3A_0, %arg1 : i32
    %mul3A_1 = arith.constant 10000 : i32
    %mul3A_2 = arith.muli %add3A, %mul3A_1 : i32
    %min3A = arith.constant 0 : i32
    %min3A_3 = arith.constant 124 : i32
    %min3A_4 = arith.minsi %min3A, %min3A_3 : i32
    %mul3A_5 = arith.constant 80 : i32
    %mul3A_6 = arith.muli %min3A_4, %mul3A_5 : i32
    %add3A_7 = arith.addi %mul3A_2, %mul3A_6 : i32
    %dma_start3A = tpu.memref_slice %arg3[%add3A_7] : memref<320000xi32, #tpu.memory_space<hbm>> -> memref<80xi32, #tpu.memory_space<hbm>>
    %dma_start3A_8 = tpu.memref_slice %arg3[%add3A_7] : memref<320000xi32, #tpu.memory_space<hbm>> -> memref<80xi32, #tpu.memory_space<hbm>>
    tpu.enqueue_dma source(%dma_start3A_8 : memref<80xi32, #tpu.memory_space<hbm>>) target(%arg7 : memref<80xi32, #tpu.memory_space<vmem>>) target_semaphore(%arg17 : memref<!tpu.dma_semaphore, #tpu.memory_space<semaphore_mem>>)
    %dma_start3A_9 = tpu.memref_slice %arg4[%add3A_7] : memref<320000xi32, #tpu.memory_space<hbm>> -> memref<80xi32, #tpu.memory_space<hbm>>
    %dma_start3A_10 = tpu.memref_slice %arg4[%add3A_7] : memref<320000xi32, #tpu.memory_space<hbm>> -> memref<80xi32, #tpu.memory_space<hbm>>
    tpu.enqueue_dma source(%dma_start3A_10 : memref<80xi32, #tpu.memory_space<hbm>>) target(%arg9 : memref<80xi32, #tpu.memory_space<vmem>>) target_semaphore(%arg17 : memref<!tpu.dma_semaphore, #tpu.memory_space<semaphore_mem>>)
    %min3A_11 = arith.constant 1 : i32
    %min3A_12 = arith.constant 124 : i32
    %min3A_13 = arith.minsi %min3A_11, %min3A_12 : i32
    %mul3A_14 = arith.constant 80 : i32
    %mul3A_15 = arith.muli %min3A_13, %mul3A_14 : i32
    %add3A_16 = arith.addi %mul3A_2, %mul3A_15 : i32
    %dma_start3A_17 = tpu.memref_slice %arg3[%add3A_16] : memref<320000xi32, #tpu.memory_space<hbm>> -> memref<80xi32, #tpu.memory_space<hbm>>
    %dma_start3A_18 = tpu.memref_slice %arg3[%add3A_16] : memref<320000xi32, #tpu.memory_space<hbm>> -> memref<80xi32, #tpu.memory_space<hbm>>
    tpu.enqueue_dma source(%dma_start3A_18 : memref<80xi32, #tpu.memory_space<hbm>>) target(%arg8 : memref<80xi32, #tpu.memory_space<vmem>>) target_semaphore(%arg18 : memref<!tpu.dma_semaphore, #tpu.memory_space<semaphore_mem>>)
    %dma_start3A_19 = tpu.memref_slice %arg4[%add3A_16] : memref<320000xi32, #tpu.memory_space<hbm>> -> memref<80xi32, #tpu.memory_space<hbm>>
    %dma_start3A_20 = tpu.memref_slice %arg4[%add3A_16] : memref<320000xi32, #tpu.memory_space<hbm>> -> memref<80xi32, #tpu.memory_space<hbm>>
    tpu.enqueue_dma source(%dma_start3A_20 : memref<80xi32, #tpu.memory_space<hbm>>) target(%arg10 : memref<80xi32, #tpu.memory_space<vmem>>) target_semaphore(%arg18 : memref<!tpu.dma_semaphore, #tpu.memory_space<semaphore_mem>>)
    %min3A_21 = arith.constant 0 : i32
    %min3A_22 = arith.constant 124 : i32
    %min3A_23 = arith.minsi %min3A_21, %min3A_22 : i32
    %mul3A_24 = arith.constant 80 : i32
    %mul3A_25 = arith.muli %min3A_23, %mul3A_24 : i32
    %add3A_26 = arith.addi %mul3A_2, %mul3A_25 : i32
    %dma_start3A_27 = arith.constant 0 : i32
    %dma_start3A_28 = tpu.memref_slice %arg5[%add3A_26, %dma_start3A_27] : memref<320000x128xf32, #tpu.memory_space<hbm>> -> memref<80x128xf32, #tpu.memory_space<hbm>>
    %dma_start3A_29 = arith.constant 0 : i32
    %dma_start3A_30 = tpu.memref_slice %arg5[%add3A_26, %dma_start3A_29] : memref<320000x128xf32, #tpu.memory_space<hbm>> -> memref<80x128xf32, #tpu.memory_space<hbm>>
    tpu.enqueue_dma source(%dma_start3A_30 : memref<80x128xf32, #tpu.memory_space<hbm>>) target(%arg13 : memref<80x128xf32, #tpu.memory_space<vmem>>) target_semaphore(%arg19 : memref<!tpu.dma_semaphore, #tpu.memory_space<semaphore_mem>>)
    %scan3A = arith.constant 0 : i32
    %scan3A_31 = arith.constant 0 : i32
    %scan3A_32 = arith.constant 16 : i32
    %scan3A_33 = arith.addi %scan3A_31, %scan3A_32 : i32
    %scan3A_34 = arith.constant 1 : i32
    %scan3A_35 = scf.for %scan3A_95 = %scan3A_31 to %scan3A_33 step %scan3A_34 iter_args(%scan3A_96 = %scan3A) -> (i32)  : i32 {
      %broadcast_in_dim3A = arith.constant 0.000000e+00 : f32
      %broadcast_in_dim3A_97 = vector.broadcast %broadcast_in_dim3A : f32 to vector<16xf32>
      %swap3A = arith.index_cast %scan3A_95 : i32 to index
      %swap3A_98 = arith.constant 0 : index
      %swap3A_99 = tpu.vector_load %arg15[%swap3A, %swap3A_98] {strides = array<i32>} : memref<16x128xf32, #tpu.memory_space<vmem>>, vector<1x16xf32>,
      %swap3A_100 = vector.shape_cast %swap3A_99 : vector<1x16xf32> to vector<16xf32>
      %swap3A_101 = vector.shape_cast %broadcast_in_dim3A_97 : vector<16xf32> to vector<1x16xf32>
      tpu.vector_store %arg15[%swap3A, %swap3A_98], %swap3A_101 {strides = array<i32>} : memref<16x128xf32, #tpu.memory_space<vmem>>, vector<1x16xf32>,
      %broadcast_in_dim3A_102 = arith.constant 0.000000e+00 : f32
      %broadcast_in_dim3A_103 = vector.broadcast %broadcast_in_dim3A_102 : f32 to vector<16xf32>
      %swap3A_104 = arith.index_cast %scan3A_95 : i32 to index
      %swap3A_105 = arith.constant 16 : index
      %swap3A_106 = tpu.vector_load %arg15[%swap3A_104, %swap3A_105] {strides = array<i32>} : memref<16x128xf32, #tpu.memory_space<vmem>>, vector<1x16xf32>,
      %swap3A_107 = vector.shape_cast %swap3A_106 : vector<1x16xf32> to vector<16xf32>
      %swap3A_108 = vector.shape_cast %broadcast_in_dim3A_103 : vector<16xf32> to vector<1x16xf32>
      tpu.vector_store %arg15[%swap3A_104, %swap3A_105], %swap3A_108 {strides = array<i32>} : memref<16x128xf32, #tpu.memory_space<vmem>>, vector<1x16xf32>,
      %broadcast_in_dim3A_109 = arith.constant 0.000000e+00 : f32
      %broadcast_in_dim3A_110 = vector.broadcast %broadcast_in_dim3A_109 : f32 to vector<16xf32>
      %swap3A_111 = arith.index_cast %scan3A_95 : i32 to index
      %swap3A_112 = arith.constant 32 : index
      %swap3A_113 = tpu.vector_load %arg15[%swap3A_111, %swap3A_112] {strides = array<i32>} : memref<16x128xf32, #tpu.memory_space<vmem>>, vector<1x16xf32>,
      %swap3A_114 = vector.shape_cast %swap3A_113 : vector<1x16xf32> to vector<16xf32>
      %swap3A_115 = vector.shape_cast %broadcast_in_dim3A_110 : vector<16xf32> to vector<1x16xf32>
      tpu.vector_store %arg15[%swap3A_111, %swap3A_112], %swap3A_115 {strides = array<i32>} : memref<16x128xf32, #tpu.memory_space<vmem>>, vector<1x16xf32>,
      %broadcast_in_dim3A_116 = arith.constant 0.000000e+00 : f32
      %broadcast_in_dim3A_117 = vector.broadcast %broadcast_in_dim3A_116 : f32 to vector<16xf32>
      %swap3A_118 = arith.index_cast %scan3A_95 : i32 to index
      %swap3A_119 = arith.constant 48 : index
      %swap3A_120 = tpu.vector_load %arg15[%swap3A_118, %swap3A_119] {strides = array<i32>} : memref<16x128xf32, #tpu.memory_space<vmem>>, vector<1x16xf32>,
      %swap3A_121 = vector.shape_cast %swap3A_120 : vector<1x16xf32> to vector<16xf32>
      %swap3A_122 = vector.shape_cast %broadcast_in_dim3A_117 : vector<16xf32> to vector<1x16xf32>
      tpu.vector_store %arg15[%swap3A_118, %swap3A_119], %swap3A_122 {strides = array<i32>} : memref<16x128xf32, #tpu.memory_space<vmem>>, vector<1x16xf32>,
      %broadcast_in_dim3A_123 = arith.constant 0.000000e+00 : f32
      %broadcast_in_dim3A_124 = vector.broadcast %broadcast_in_dim3A_123 : f32 to vector<16xf32>
      %swap3A_125 = arith.index_cast %scan3A_95 : i32 to index
      %swap3A_126 = arith.constant 64 : index
      %swap3A_127 = tpu.vector_load %arg15[%swap3A_125, %swap3A_126] {strides = array<i32>} : memref<16x128xf32, #tpu.memory_space<vmem>>, vector<1x16xf32>,
      %swap3A_128 = vector.shape_cast %swap3A_127 : vector<1x16xf32> to vector<16xf32>
      %swap3A_129 = vector.shape_cast %broadcast_in_dim3A_124 : vector<16xf32> to vector<1x16xf32>
      tpu.vector_store %arg15[%swap3A_125, %swap3A_126], %swap3A_129 {strides = array<i32>} : memref<16x128xf32, #tpu.memory_space<vmem>>, vector<1x16xf32>,
      %broadcast_in_dim3A_130 = arith.constant 0.000000e+00 : f32
      %broadcast_in_dim3A_131 = vector.broadcast %broadcast_in_dim3A_130 : f32 to vector<16xf32>
      %swap3A_132 = arith.index_cast %scan3A_95 : i32 to index
      %swap3A_133 = arith.constant 80 : index
      %swap3A_134 = tpu.vector_load %arg15[%swap3A_132, %swap3A_133] {strides = array<i32>} : memref<16x128xf32, #tpu.memory_space<vmem>>, vector<1x16xf32>,
      %swap3A_135 = vector.shape_cast %swap3A_134 : vector<1x16xf32> to vector<16xf32>
      %swap3A_136 = vector.shape_cast %broadcast_in_dim3A_131 : vector<16xf32> to vector<1x16xf32>
      tpu.vector_store %arg15[%swap3A_132, %swap3A_133], %swap3A_136 {strides = array<i32>} : memref<16x128xf32, #tpu.memory_space<vmem>>, vector<1x16xf32>,
      %broadcast_in_dim3A_137 = arith.constant 0.000000e+00 : f32
      %broadcast_in_dim3A_138 = vector.broadcast %broadcast_in_dim3A_137 : f32 to vector<16xf32>
      %swap3A_139 = arith.index_cast %scan3A_95 : i32 to index
      %swap3A_140 = arith.constant 96 : index
      %swap3A_141 = tpu.vector_load %arg15[%swap3A_139, %swap3A_140] {strides = array<i32>} : memref<16x128xf32, #tpu.memory_space<vmem>>, vector<1x16xf32>,
      %swap3A_142 = vector.shape_cast %swap3A_141 : vector<1x16xf32> to vector<16xf32>
      %swap3A_143 = vector.shape_cast %broadcast_in_dim3A_138 : vector<16xf32> to vector<1x16xf32>
      tpu.vector_store %arg15[%swap3A_139, %swap3A_140], %swap3A_143 {strides = array<i32>} : memref<16x128xf32, #tpu.memory_space<vmem>>, vector<1x16xf32>,
      %broadcast_in_dim3A_144 = arith.constant 0.000000e+00 : f32
      %broadcast_in_dim3A_145 = vector.broadcast %broadcast_in_dim3A_144 : f32 to vector<16xf32>
      %swap3A_146 = arith.index_cast %scan3A_95 : i32 to index
      %swap3A_147 = arith.constant 112 : index
      %swap3A_148 = tpu.vector_load %arg15[%swap3A_146, %swap3A_147] {strides = array<i32>} : memref<16x128xf32, #tpu.memory_space<vmem>>, vector<1x16xf32>,
      %swap3A_149 = vector.shape_cast %swap3A_148 : vector<1x16xf32> to vector<16xf32>
      %swap3A_150 = vector.shape_cast %broadcast_in_dim3A_145 : vector<16xf32> to vector<1x16xf32>
      tpu.vector_store %arg15[%swap3A_146, %swap3A_147], %swap3A_150 {strides = array<i32>} : memref<16x128xf32, #tpu.memory_space<vmem>>, vector<1x16xf32>,
      %scan3A_151 = arith.constant 0 : i32
      scf.yield %scan3A_151 : i32
    }
    %scan3A_36 = arith.constant 16 : i32
    %scan3A_37 = arith.constant 0 : i32
    %scan3A_38 = arith.constant 0 : i32
    %scan3A_39 = arith.constant 39 : i32
    %scan3A_40 = arith.addi %scan3A_38, %scan3A_39 : i32
    %scan3A_41 = arith.constant 1 : i32
    %scan3A_42 = scf.for %scan3A_95 = %scan3A_38 to %scan3A_40 step %scan3A_41 iter_args(%scan3A_96 = %scan3A_37) -> (i32)  : i32 {
      %mul3A_97 = arith.constant 624 : i32
      %mul3A_98 = arith.muli %arg1, %mul3A_97 : i32
      %mul3A_99 = arith.constant 16 : i32
      %mul3A_100 = arith.muli %scan3A_95, %mul3A_99 : i32
      %add3A_101 = arith.addi %mul3A_98, %mul3A_100 : i32
      "tpu.region"() ({
        %run_scoped3A = tpu.sem_alloc : memref<!tpu.dma_semaphore, #tpu.memory_space<semaphore_mem>>
        %dma_start3A_103 = arith.constant 0 : i32
        %dma_start3A_104 = tpu.memref_slice %arg16[%add3A_101, %dma_start3A_103] : memref<10000x128xf32, #tpu.memory_space<vmem_shared>> -> memref<16x128xf32, #tpu.memory_space<vmem_shared>>
        %dma_start3A_105 = arith.constant 0 : i32
        %dma_start3A_106 = tpu.memref_slice %arg16[%add3A_101, %dma_start3A_105] : memref<10000x128xf32, #tpu.memory_space<vmem_shared>> -> memref<16x128xf32, #tpu.memory_space<vmem_shared>>
        tpu.enqueue_dma source(%arg15 : memref<16x128xf32, #tpu.memory_space<vmem>>) target(%dma_start3A_106 : memref<16x128xf32, #tpu.memory_space<vmem_shared>>) target_semaphore(%run_scoped3A : memref<!tpu.dma_semaphore, #tpu.memory_space<semaphore_mem>>)
        %dma_wait3A_107 = arith.constant 0 : i32
        %dma_wait3A_108 = tpu.memref_slice %arg16[%add3A_101, %dma_wait3A_107] : memref<10000x128xf32, #tpu.memory_space<vmem_shared>> -> memref<16x128xf32, #tpu.memory_space<vmem_shared>>
        %dma_wait3A_109 = arith.constant 0 : i32
        %dma_wait3A_110 = tpu.memref_slice %arg16[%add3A_101, %dma_wait3A_109] : memref<10000x128xf32, #tpu.memory_space<vmem_shared>> -> memref<16x128xf32, #tpu.memory_space<vmem_shared>>
        tpu.wait_dma2 semaphore(%run_scoped3A : memref<!tpu.dma_semaphore, #tpu.memory_space<semaphore_mem>>) src(%arg15 : memref<16x128xf32, #tpu.memory_space<vmem>>) dst(%dma_wait3A_110 : memref<16x128xf32, #tpu.memory_space<vmem_shared>>)
        tpu.yield
      }) : () -> ()
      %scan3A_102 = arith.constant 0 : i32
      scf.yield %scan3A_102 : i32
    }
    %scan3A_43 = arith.constant 39 : i32
    %eq3A = arith.constant 15 : i32
    %eq3A_44 = arith.cmpi eq, %arg1, %eq3A : i32
    %convert_element_type3A = arith.extui %eq3A_44 : i1 to i32
    %cond3A = arith.constant 0 : i32
    %cond3A_45 = arith.cmpi ne, %convert_element_type3A, %cond3A : i32
    scf.if %cond3A_45 {
      %scan3A_95 = arith.constant 0 : i32
      %scan3A_96 = arith.constant 0 : i32
      %mul3A_97 = arith.constant 16 : i32
      %mul3A_98 = arith.muli %scan3A_96, %mul3A_97 : i32
      %add3A_99 = arith.constant 9984 : i32
      %add3A_100 = arith.addi %add3A_99, %mul3A_98 : i32
      "tpu.region"() ({
        %run_scoped3A = tpu.sem_alloc : memref<!tpu.dma_semaphore, #tpu.memory_space<semaphore_mem>>
        %dma_start3A_103 = arith.constant 0 : i32
        %dma_start3A_104 = tpu.memref_slice %arg16[%add3A_100, %dma_start3A_103] : memref<10000x128xf32, #tpu.memory_space<vmem_shared>> -> memref<16x128xf32, #tpu.memory_space<vmem_shared>>
        %dma_start3A_105 = arith.constant 0 : i32
        %dma_start3A_106 = tpu.memref_slice %arg16[%add3A_100, %dma_start3A_105] : memref<10000x128xf32, #tpu.memory_space<vmem_shared>> -> memref<16x128xf32, #tpu.memory_space<vmem_shared>>
        tpu.enqueue_dma source(%arg15 : memref<16x128xf32, #tpu.memory_space<vmem>>) target(%dma_start3A_106 : memref<16x128xf32, #tpu.memory_space<vmem_shared>>) target_semaphore(%run_scoped3A : memref<!tpu.dma_semaphore, #tpu.memory_space<semaphore_mem>>)
        %dma_wait3A_107 = arith.constant 0 : i32
        %dma_wait3A_108 = tpu.memref_slice %arg16[%add3A_100, %dma_wait3A_107] : memref<10000x128xf32, #tpu.memory_space<vmem_shared>> -> memref<16x128xf32, #tpu.memory_space<vmem_shared>>
        %dma_wait3A_109 = arith.constant 0 : i32
        %dma_wait3A_110 = tpu.memref_slice %arg16[%add3A_100, %dma_wait3A_109] : memref<10000x128xf32, #tpu.memory_space<vmem_shared>> -> memref<16x128xf32, #tpu.memory_space<vmem_shared>>
        tpu.wait_dma2 semaphore(%run_scoped3A : memref<!tpu.dma_semaphore, #tpu.memory_space<semaphore_mem>>) src(%arg15 : memref<16x128xf32, #tpu.memory_space<vmem>>) dst(%dma_wait3A_110 : memref<16x128xf32, #tpu.memory_space<vmem_shared>>)
        tpu.yield
      }) : () -> ()
      %scan3A_101 = arith.constant 0 : i32
      %scan3A_102 = arith.constant 1 : i32
    } else {
    }
    %dma_wait3A = arith.constant 0 : i32
    %dma_wait3A_46 = tpu.memref_slice %arg3[%dma_wait3A] : memref<320000xi32, #tpu.memory_space<hbm>> -> memref<80xi32, #tpu.memory_space<hbm>>
    %dma_wait3A_47 = arith.constant 0 : i32
    %dma_wait3A_48 = tpu.memref_slice %arg3[%dma_wait3A_47] : memref<320000xi32, #tpu.memory_space<hbm>> -> memref<80xi32, #tpu.memory_space<hbm>>
    tpu.wait_dma2 semaphore(%arg17 : memref<!tpu.dma_semaphore, #tpu.memory_space<semaphore_mem>>) src(%dma_wait3A_48 : memref<80xi32, #tpu.memory_space<hbm>>) dst(%arg7 : memref<80xi32, #tpu.memory_space<vmem>>)
    %dma_wait3A_49 = arith.constant 0 : i32
    %dma_wait3A_50 = tpu.memref_slice %arg4[%dma_wait3A_49] : memref<320000xi32, #tpu.memory_space<hbm>> -> memref<80xi32, #tpu.memory_space<hbm>>
    %dma_wait3A_51 = arith.constant 0 : i32
    %dma_wait3A_52 = tpu.memref_slice %arg4[%dma_wait3A_51] : memref<320000xi32, #tpu.memory_space<hbm>> -> memref<80xi32, #tpu.memory_space<hbm>>
    tpu.wait_dma2 semaphore(%arg17 : memref<!tpu.dma_semaphore, #tpu.memory_space<semaphore_mem>>) src(%dma_wait3A_52 : memref<80xi32, #tpu.memory_space<hbm>>) dst(%arg9 : memref<80xi32, #tpu.memory_space<vmem>>)
    %dma_start3A_53 = arith.constant 0 : i32
    %dma_start3A_54 = arith.constant 0 : i32
    %dma_start3A_55 = tpu.memref_slice %arg2[%dma_start3A_53, %dma_start3A_54] : memref<10000x128xf32, #tpu.memory_space<hbm>> -> memref<10000x128xf32, #tpu.memory_space<hbm>>
    tpu.enqueue_indirect_dma source(%dma_start3A_55 : memref<10000x128xf32, #tpu.memory_space<hbm>>) target(%arg11 : memref<80x128xf32, #tpu.memory_space<vmem>>) offsets(%arg7 : memref<80xi32, #tpu.memory_space<vmem>>) semaphore(%arg21 : memref<!tpu.dma_semaphore, #tpu.memory_space<semaphore_mem>>)
    %barrier3A = arith.constant 0 : index
    tpu.barrier barrier_id(%barrier3A)
    %scan3A_56 = arith.constant 0 : i32
    %scan3A_57 = arith.constant 0 : i32
    %scan3A_58 = arith.constant 62 : i32
    %scan3A_59 = arith.addi %scan3A_57, %scan3A_58 : i32
    %scan3A_60 = arith.constant 1 : i32
    %scan3A_61 = scf.for %scan3A_95 = %scan3A_57 to %scan3A_59 step %scan3A_60 iter_args(%scan3A_96 = %scan3A_56) -> (i32)  : i32 {
      %mul3A_97 = arith.constant 2 : i32
      %mul3A_98 = arith.muli %mul3A_97, %scan3A_95 : i32
      %add3A_99 = arith.constant 1 : i32
      %add3A_100 = arith.addi %mul3A_98, %add3A_99 : i32
      %min3A_101 = arith.constant 124 : i32
      %min3A_102 = arith.minsi %add3A_100, %min3A_101 : i32
      %mul3A_103 = arith.constant 80 : i32
      %mul3A_104 = arith.muli %min3A_102, %mul3A_103 : i32
      %add3A_105 = arith.addi %mul3A_2, %mul3A_104 : i32
      %dma_start3A_106 = arith.constant 0 : i32
      %dma_start3A_107 = tpu.memref_slice %arg5[%add3A_105, %dma_start3A_106] : memref<320000x128xf32, #tpu.memory_space<hbm>> -> memref<80x128xf32, #tpu.memory_space<hbm>>
      %dma_start3A_108 = arith.constant 0 : i32
      %dma_start3A_109 = tpu.memref_slice %arg5[%add3A_105, %dma_start3A_108] : memref<320000x128xf32, #tpu.memory_space<hbm>> -> memref<80x128xf32, #tpu.memory_space<hbm>>
      tpu.enqueue_dma source(%dma_start3A_109 : memref<80x128xf32, #tpu.memory_space<hbm>>) target(%arg14 : memref<80x128xf32, #tpu.memory_space<vmem>>) target_semaphore(%arg20 : memref<!tpu.dma_semaphore, #tpu.memory_space<semaphore_mem>>)
      %dma_wait3A_110 = arith.constant 0 : i32
      %dma_wait3A_111 = tpu.memref_slice %arg3[%dma_wait3A_110] : memref<320000xi32, #tpu.memory_space<hbm>> -> memref<80xi32, #tpu.memory_space<hbm>>
      %dma_wait3A_112 = arith.constant 0 : i32
      %dma_wait3A_113 = tpu.memref_slice %arg3[%dma_wait3A_112] : memref<320000xi32, #tpu.memory_space<hbm>> -> memref<80xi32, #tpu.memory_space<hbm>>
      tpu.wait_dma2 semaphore(%arg18 : memref<!tpu.dma_semaphore, #tpu.memory_space<semaphore_mem>>) src(%dma_wait3A_113 : memref<80xi32, #tpu.memory_space<hbm>>) dst(%arg8 : memref<80xi32, #tpu.memory_space<vmem>>)
      %dma_wait3A_114 = arith.constant 0 : i32
      %dma_wait3A_115 = tpu.memref_slice %arg4[%dma_wait3A_114] : memref<320000xi32, #tpu.memory_space<hbm>> -> memref<80xi32, #tpu.memory_space<hbm>>
      %dma_wait3A_116 = arith.constant 0 : i32
      %dma_wait3A_117 = tpu.memref_slice %arg4[%dma_wait3A_116] : memref<320000xi32, #tpu.memory_space<hbm>> -> memref<80xi32, #tpu.memory_space<hbm>>
      tpu.wait_dma2 semaphore(%arg18 : memref<!tpu.dma_semaphore, #tpu.memory_space<semaphore_mem>>) src(%dma_wait3A_117 : memref<80xi32, #tpu.memory_space<hbm>>) dst(%arg10 : memref<80xi32, #tpu.memory_space<vmem>>)
      %dma_start3A_118 = arith.constant 0 : i32
      %dma_start3A_119 = arith.constant 0 : i32
      %dma_start3A_120 = tpu.memref_slice %arg2[%dma_start3A_118, %dma_start3A_119] : memref<10000x128xf32, #tpu.memory_space<hbm>> -> memref<10000x128xf32, #tpu.memory_space<hbm>>
      tpu.enqueue_indirect_dma source(%dma_start3A_120 : memref<10000x128xf32, #tpu.memory_space<hbm>>) target(%arg12 : memref<80x128xf32, #tpu.memory_space<vmem>>) offsets(%arg8 : memref<80xi32, #tpu.memory_space<vmem>>) semaphore(%arg22 : memref<!tpu.dma_semaphore, #tpu.memory_space<semaphore_mem>>)
      %dma_wait3A_121 = arith.constant 0 : i32
      %dma_wait3A_122 = arith.constant 0 : i32
      %dma_wait3A_123 = tpu.memref_slice %arg5[%dma_wait3A_121, %dma_wait3A_122] : memref<320000x128xf32, #tpu.memory_space<hbm>> -> memref<80x128xf32, #tpu.memory_space<hbm>>
      %dma_wait3A_124 = arith.constant 0 : i32
      %dma_wait3A_125 = arith.constant 0 : i32
      %dma_wait3A_126 = tpu.memref_slice %arg5[%dma_wait3A_124, %dma_wait3A_125] : memref<320000x128xf32, #tpu.memory_space<hbm>> -> memref<80x128xf32, #tpu.memory_space<hbm>>
      tpu.wait_dma2 semaphore(%arg19 : memref<!tpu.dma_semaphore, #tpu.memory_space<semaphore_mem>>) src(%dma_wait3A_126 : memref<80x128xf32, #tpu.memory_space<hbm>>) dst(%arg13 : memref<80x128xf32, #tpu.memory_space<vmem>>)
      %dma_wait3A_127 = arith.constant 0 : i32
      %dma_wait3A_128 = arith.constant 0 : i32
      %dma_wait3A_129 = tpu.memref_slice %arg2[%dma_wait3A_127, %dma_wait3A_128] : memref<10000x128xf32, #tpu.memory_space<hbm>> -> memref<80x128xf32, #tpu.memory_space<hbm>>
      %dma_wait3A_130 = arith.constant 0 : i32
      %dma_wait3A_131 = arith.constant 0 : i32
      %dma_wait3A_132 = tpu.memref_slice %arg2[%dma_wait3A_130, %dma_wait3A_131] : memref<10000x128xf32, #tpu.memory_space<hbm>> -> memref<80x128xf32, #tpu.memory_space<hbm>>
      tpu.wait_dma2 semaphore(%arg21 : memref<!tpu.dma_semaphore, #tpu.memory_space<semaphore_mem>>) src(%dma_wait3A_132 : memref<80x128xf32, #tpu.memory_space<hbm>>) dst(%arg11 : memref<80x128xf32, #tpu.memory_space<vmem>>)
      %parallel_loop3A_133 = arith.constant 0 : i32
      %parallel_loop3A_134 = arith.constant 80 : i32
      %parallel_loop3A_135 = arith.constant 1 : i32
      scf.for %parallel_loop3A_196 = %parallel_loop3A_133 to %parallel_loop3A_134 step %parallel_loop3A_135  : i32 {
        %parallel_loop3A_197 = arith.index_cast %parallel_loop3A_196 : i32 to index
        %parallel_loop3A_198 = arith.constant 0 : index
        %parallel_loop3A_199 = tpu.vector_load %arg11[%parallel_loop3A_197, %parallel_loop3A_198] {strides = array<i32>} : memref<80x128xf32, #tpu.memory_space<vmem>>, vector<1x16xf32>,
        %parallel_loop3A_200 = vector.shape_cast %parallel_loop3A_199 : vector<1x16xf32> to vector<16xf32>
        %parallel_loop3A_201 = arith.index_cast %parallel_loop3A_196 : i32 to index
        %parallel_loop3A_202 = arith.constant 0 : index
        %parallel_loop3A_203 = tpu.vector_load %arg13[%parallel_loop3A_201, %parallel_loop3A_202] {strides = array<i32>} : memref<80x128xf32, #tpu.memory_space<vmem>>, vector<1x16xf32>,
        %parallel_loop3A_204 = vector.shape_cast %parallel_loop3A_203 : vector<1x16xf32> to vector<16xf32>
        %parallel_loop3A_205 = arith.addf %parallel_loop3A_200, %parallel_loop3A_204 : vector<16xf32>
        %parallel_loop3A_206 = arith.constant 0.000000e+00 : f32
        %parallel_loop3A_207 = vector.broadcast %parallel_loop3A_206 : f32 to vector<16xf32>
        %parallel_loop3A_208 = arith.maximumf %parallel_loop3A_205, %parallel_loop3A_207 : vector<16xf32>
        %parallel_loop3A_209 = arith.index_cast %parallel_loop3A_196 : i32 to index
        %parallel_loop3A_210 = arith.constant 0 : index
        %parallel_loop3A_211 = tpu.vector_load %arg11[%parallel_loop3A_209, %parallel_loop3A_210] {strides = array<i32>} : memref<80x128xf32, #tpu.memory_space<vmem>>, vector<1x16xf32>,
        %parallel_loop3A_212 = vector.shape_cast %parallel_loop3A_211 : vector<1x16xf32> to vector<16xf32>
        %parallel_loop3A_213 = vector.shape_cast %parallel_loop3A_208 : vector<16xf32> to vector<1x16xf32>
        tpu.vector_store %arg11[%parallel_loop3A_209, %parallel_loop3A_210], %parallel_loop3A_213 {strides = array<i32>} : memref<80x128xf32, #tpu.memory_space<vmem>>, vector<1x16xf32>,
        %parallel_loop3A_214 = arith.index_cast %parallel_loop3A_196 : i32 to index
        %parallel_loop3A_215 = arith.constant 16 : index
        %parallel_loop3A_216 = tpu.vector_load %arg11[%parallel_loop3A_214, %parallel_loop3A_215] {strides = array<i32>} : memref<80x128xf32, #tpu.memory_space<vmem>>, vector<1x16xf32>,
        %parallel_loop3A_217 = vector.shape_cast %parallel_loop3A_216 : vector<1x16xf32> to vector<16xf32>
        %parallel_loop3A_218 = arith.index_cast %parallel_loop3A_196 : i32 to index
        %parallel_loop3A_219 = arith.constant 16 : index
        %parallel_loop3A_220 = tpu.vector_load %arg13[%parallel_loop3A_218, %parallel_loop3A_219] {strides = array<i32>} : memref<80x128xf32, #tpu.memory_space<vmem>>, vector<1x16xf32>,
        %parallel_loop3A_221 = vector.shape_cast %parallel_loop3A_220 : vector<1x16xf32> to vector<16xf32>
        %parallel_loop3A_222 = arith.addf %parallel_loop3A_217, %parallel_loop3A_221 : vector<16xf32>
        %parallel_loop3A_223 = arith.constant 0.000000e+00 : f32
        %parallel_loop3A_224 = vector.broadcast %parallel_loop3A_223 : f32 to vector<16xf32>
        %parallel_loop3A_225 = arith.maximumf %parallel_loop3A_222, %parallel_loop3A_224 : vector<16xf32>
        %parallel_loop3A_226 = arith.index_cast %parallel_loop3A_196 : i32 to index
        %parallel_loop3A_227 = arith.constant 16 : index
        %parallel_loop3A_228 = tpu.vector_load %arg11[%parallel_loop3A_226, %parallel_loop3A_227] {strides = array<i32>} : memref<80x128xf32, #tpu.memory_space<vmem>>, vector<1x16xf32>,
        %parallel_loop3A_229 = vector.shape_cast %parallel_loop3A_228 : vector<1x16xf32> to vector<16xf32>
        %parallel_loop3A_230 = vector.shape_cast %parallel_loop3A_225 : vector<16xf32> to vector<1x16xf32>
        tpu.vector_store %arg11[%parallel_loop3A_226, %parallel_loop3A_227], %parallel_loop3A_230 {strides = array<i32>} : memref<80x128xf32, #tpu.memory_space<vmem>>, vector<1x16xf32>,
        %parallel_loop3A_231 = arith.index_cast %parallel_loop3A_196 : i32 to index
        %parallel_loop3A_232 = arith.constant 32 : index
        %parallel_loop3A_233 = tpu.vector_load %arg11[%parallel_loop3A_231, %parallel_loop3A_232] {strides = array<i32>} : memref<80x128xf32, #tpu.memory_space<vmem>>, vector<1x16xf32>,
        %parallel_loop3A_234 = vector.shape_cast %parallel_loop3A_233 : vector<1x16xf32> to vector<16xf32>
        %parallel_loop3A_235 = arith.index_cast %parallel_loop3A_196 : i32 to index
        %parallel_loop3A_236 = arith.constant 32 : index
        %parallel_loop3A_237 = tpu.vector_load %arg13[%parallel_loop3A_235, %parallel_loop3A_236] {strides = array<i32>} : memref<80x128xf32, #tpu.memory_space<vmem>>, vector<1x16xf32>,
        %parallel_loop3A_238 = vector.shape_cast %parallel_loop3A_237 : vector<1x16xf32> to vector<16xf32>
        %parallel_loop3A_239 = arith.addf %parallel_loop3A_234, %parallel_loop3A_238 : vector<16xf32>
        %parallel_loop3A_240 = arith.constant 0.000000e+00 : f32
        %parallel_loop3A_241 = vector.broadcast %parallel_loop3A_240 : f32 to vector<16xf32>
        %parallel_loop3A_242 = arith.maximumf %parallel_loop3A_239, %parallel_loop3A_241 : vector<16xf32>
        %parallel_loop3A_243 = arith.index_cast %parallel_loop3A_196 : i32 to index
        %parallel_loop3A_244 = arith.constant 32 : index
        %parallel_loop3A_245 = tpu.vector_load %arg11[%parallel_loop3A_243, %parallel_loop3A_244] {strides = array<i32>} : memref<80x128xf32, #tpu.memory_space<vmem>>, vector<1x16xf32>,
        %parallel_loop3A_246 = vector.shape_cast %parallel_loop3A_245 : vector<1x16xf32> to vector<16xf32>
        %parallel_loop3A_247 = vector.shape_cast %parallel_loop3A_242 : vector<16xf32> to vector<1x16xf32>
        tpu.vector_store %arg11[%parallel_loop3A_243, %parallel_loop3A_244], %parallel_loop3A_247 {strides = array<i32>} : memref<80x128xf32, #tpu.memory_space<vmem>>, vector<1x16xf32>,
        %parallel_loop3A_248 = arith.index_cast %parallel_loop3A_196 : i32 to index
        %parallel_loop3A_249 = arith.constant 48 : index
        %parallel_loop3A_250 = tpu.vector_load %arg11[%parallel_loop3A_248, %parallel_loop3A_249] {strides = array<i32>} : memref<80x128xf32, #tpu.memory_space<vmem>>, vector<1x16xf32>,
        %parallel_loop3A_251 = vector.shape_cast %parallel_loop3A_250 : vector<1x16xf32> to vector<16xf32>
        %parallel_loop3A_252 = arith.index_cast %parallel_loop3A_196 : i32 to index
        %parallel_loop3A_253 = arith.constant 48 : index
        %parallel_loop3A_254 = tpu.vector_load %arg13[%parallel_loop3A_252, %parallel_loop3A_253] {strides = array<i32>} : memref<80x128xf32, #tpu.memory_space<vmem>>, vector<1x16xf32>,
        %parallel_loop3A_255 = vector.shape_cast %parallel_loop3A_254 : vector<1x16xf32> to vector<16xf32>
        %parallel_loop3A_256 = arith.addf %parallel_loop3A_251, %parallel_loop3A_255 : vector<16xf32>
        %parallel_loop3A_257 = arith.constant 0.000000e+00 : f32
        %parallel_loop3A_258 = vector.broadcast %parallel_loop3A_257 : f32 to vector<16xf32>
        %parallel_loop3A_259 = arith.maximumf %parallel_loop3A_256, %parallel_loop3A_258 : vector<16xf32>
        %parallel_loop3A_260 = arith.index_cast %parallel_loop3A_196 : i32 to index
        %parallel_loop3A_261 = arith.constant 48 : index
        %parallel_loop3A_262 = tpu.vector_load %arg11[%parallel_loop3A_260, %parallel_loop3A_261] {strides = array<i32>} : memref<80x128xf32, #tpu.memory_space<vmem>>, vector<1x16xf32>,
        %parallel_loop3A_263 = vector.shape_cast %parallel_loop3A_262 : vector<1x16xf32> to vector<16xf32>
        %parallel_loop3A_264 = vector.shape_cast %parallel_loop3A_259 : vector<16xf32> to vector<1x16xf32>
        tpu.vector_store %arg11[%parallel_loop3A_260, %parallel_loop3A_261], %parallel_loop3A_264 {strides = array<i32>} : memref<80x128xf32, #tpu.memory_space<vmem>>, vector<1x16xf32>,
        %parallel_loop3A_265 = arith.index_cast %parallel_loop3A_196 : i32 to index
        %parallel_loop3A_266 = arith.constant 64 : index
        %parallel_loop3A_267 = tpu.vector_load %arg11[%parallel_loop3A_265, %parallel_loop3A_266] {strides = array<i32>} : memref<80x128xf32, #tpu.memory_space<vmem>>, vector<1x16xf32>,
        %parallel_loop3A_268 = vector.shape_cast %parallel_loop3A_267 : vector<1x16xf32> to vector<16xf32>
        %parallel_loop3A_269 = arith.index_cast %parallel_loop3A_196 : i32 to index
        %parallel_loop3A_270 = arith.constant 64 : index
        %parallel_loop3A_271 = tpu.vector_load %arg13[%parallel_loop3A_269, %parallel_loop3A_270] {strides = array<i32>} : memref<80x128xf32, #tpu.memory_space<vmem>>, vector<1x16xf32>,
        %parallel_loop3A_272 = vector.shape_cast %parallel_loop3A_271 : vector<1x16xf32> to vector<16xf32>
        %parallel_loop3A_273 = arith.addf %parallel_loop3A_268, %parallel_loop3A_272 : vector<16xf32>
        %parallel_loop3A_274 = arith.constant 0.000000e+00 : f32
        %parallel_loop3A_275 = vector.broadcast %parallel_loop3A_274 : f32 to vector<16xf32>
        %parallel_loop3A_276 = arith.maximumf %parallel_loop3A_273, %parallel_loop3A_275 : vector<16xf32>
        %parallel_loop3A_277 = arith.index_cast %parallel_loop3A_196 : i32 to index
        %parallel_loop3A_278 = arith.constant 64 : index
        %parallel_loop3A_279 = tpu.vector_load %arg11[%parallel_loop3A_277, %parallel_loop3A_278] {strides = array<i32>} : memref<80x128xf32, #tpu.memory_space<vmem>>, vector<1x16xf32>,
        %parallel_loop3A_280 = vector.shape_cast %parallel_loop3A_279 : vector<1x16xf32> to vector<16xf32>
        %parallel_loop3A_281 = vector.shape_cast %parallel_loop3A_276 : vector<16xf32> to vector<1x16xf32>
        tpu.vector_store %arg11[%parallel_loop3A_277, %parallel_loop3A_278], %parallel_loop3A_281 {strides = array<i32>} : memref<80x128xf32, #tpu.memory_space<vmem>>, vector<1x16xf32>,
        %parallel_loop3A_282 = arith.index_cast %parallel_loop3A_196 : i32 to index
        %parallel_loop3A_283 = arith.constant 80 : index
        %parallel_loop3A_284 = tpu.vector_load %arg11[%parallel_loop3A_282, %parallel_loop3A_283] {strides = array<i32>} : memref<80x128xf32, #tpu.memory_space<vmem>>, vector<1x16xf32>,
        %parallel_loop3A_285 = vector.shape_cast %parallel_loop3A_284 : vector<1x16xf32> to vector<16xf32>
        %parallel_loop3A_286 = arith.index_cast %parallel_loop3A_196 : i32 to index
        %parallel_loop3A_287 = arith.constant 80 : index
        %parallel_loop3A_288 = tpu.vector_load %arg13[%parallel_loop3A_286, %parallel_loop3A_287] {strides = array<i32>} : memref<80x128xf32, #tpu.memory_space<vmem>>, vector<1x16xf32>,
        %parallel_loop3A_289 = vector.shape_cast %parallel_loop3A_288 : vector<1x16xf32> to vector<16xf32>
        %parallel_loop3A_290 = arith.addf %parallel_loop3A_285, %parallel_loop3A_289 : vector<16xf32>
        %parallel_loop3A_291 = arith.constant 0.000000e+00 : f32
        %parallel_loop3A_292 = vector.broadcast %parallel_loop3A_291 : f32 to vector<16xf32>
        %parallel_loop3A_293 = arith.maximumf %parallel_loop3A_290, %parallel_loop3A_292 : vector<16xf32>
        %parallel_loop3A_294 = arith.index_cast %parallel_loop3A_196 : i32 to index
        %parallel_loop3A_295 = arith.constant 80 : index
        %parallel_loop3A_296 = tpu.vector_load %arg11[%parallel_loop3A_294, %parallel_loop3A_295] {strides = array<i32>} : memref<80x128xf32, #tpu.memory_space<vmem>>, vector<1x16xf32>,
        %parallel_loop3A_297 = vector.shape_cast %parallel_loop3A_296 : vector<1x16xf32> to vector<16xf32>
        %parallel_loop3A_298 = vector.shape_cast %parallel_loop3A_293 : vector<16xf32> to vector<1x16xf32>
        tpu.vector_store %arg11[%parallel_loop3A_294, %parallel_loop3A_295], %parallel_loop3A_298 {strides = array<i32>} : memref<80x128xf32, #tpu.memory_space<vmem>>, vector<1x16xf32>,
        %parallel_loop3A_299 = arith.index_cast %parallel_loop3A_196 : i32 to index
        %parallel_loop3A_300 = arith.constant 96 : index
        %parallel_loop3A_301 = tpu.vector_load %arg11[%parallel_loop3A_299, %parallel_loop3A_300] {strides = array<i32>} : memref<80x128xf32, #tpu.memory_space<vmem>>, vector<1x16xf32>,
        %parallel_loop3A_302 = vector.shape_cast %parallel_loop3A_301 : vector<1x16xf32> to vector<16xf32>
        %parallel_loop3A_303 = arith.index_cast %parallel_loop3A_196 : i32 to index
        %parallel_loop3A_304 = arith.constant 96 : index
        %parallel_loop3A_305 = tpu.vector_load %arg13[%parallel_loop3A_303, %parallel_loop3A_304] {strides = array<i32>} : memref<80x128xf32, #tpu.memory_space<vmem>>, vector<1x16xf32>,
        %parallel_loop3A_306 = vector.shape_cast %parallel_loop3A_305 : vector<1x16xf32> to vector<16xf32>
        %parallel_loop3A_307 = arith.addf %parallel_loop3A_302, %parallel_loop3A_306 : vector<16xf32>
        %parallel_loop3A_308 = arith.constant 0.000000e+00 : f32
        %parallel_loop3A_309 = vector.broadcast %parallel_loop3A_308 : f32 to vector<16xf32>
        %parallel_loop3A_310 = arith.maximumf %parallel_loop3A_307, %parallel_loop3A_309 : vector<16xf32>
        %parallel_loop3A_311 = arith.index_cast %parallel_loop3A_196 : i32 to index
        %parallel_loop3A_312 = arith.constant 96 : index
        %parallel_loop3A_313 = tpu.vector_load %arg11[%parallel_loop3A_311, %parallel_loop3A_312] {strides = array<i32>} : memref<80x128xf32, #tpu.memory_space<vmem>>, vector<1x16xf32>,
        %parallel_loop3A_314 = vector.shape_cast %parallel_loop3A_313 : vector<1x16xf32> to vector<16xf32>
        %parallel_loop3A_315 = vector.shape_cast %parallel_loop3A_310 : vector<16xf32> to vector<1x16xf32>
        tpu.vector_store %arg11[%parallel_loop3A_311, %parallel_loop3A_312], %parallel_loop3A_315 {strides = array<i32>} : memref<80x128xf32, #tpu.memory_space<vmem>>, vector<1x16xf32>,
        %parallel_loop3A_316 = arith.index_cast %parallel_loop3A_196 : i32 to index
        %parallel_loop3A_317 = arith.constant 112 : index
        %parallel_loop3A_318 = tpu.vector_load %arg11[%parallel_loop3A_316, %parallel_loop3A_317] {strides = array<i32>} : memref<80x128xf32, #tpu.memory_space<vmem>>, vector<1x16xf32>,
        %parallel_loop3A_319 = vector.shape_cast %parallel_loop3A_318 : vector<1x16xf32> to vector<16xf32>
        %parallel_loop3A_320 = arith.index_cast %parallel_loop3A_196 : i32 to index
        %parallel_loop3A_321 = arith.constant 112 : index
        %parallel_loop3A_322 = tpu.vector_load %arg13[%parallel_loop3A_320, %parallel_loop3A_321] {strides = array<i32>} : memref<80x128xf32, #tpu.memory_space<vmem>>, vector<1x16xf32>,
        %parallel_loop3A_323 = vector.shape_cast %parallel_loop3A_322 : vector<1x16xf32> to vector<16xf32>
        %parallel_loop3A_324 = arith.addf %parallel_loop3A_319, %parallel_loop3A_323 : vector<16xf32>
        %parallel_loop3A_325 = arith.constant 0.000000e+00 : f32
        %parallel_loop3A_326 = vector.broadcast %parallel_loop3A_325 : f32 to vector<16xf32>
        %parallel_loop3A_327 = arith.maximumf %parallel_loop3A_324, %parallel_loop3A_326 : vector<16xf32>
        %parallel_loop3A_328 = arith.index_cast %parallel_loop3A_196 : i32 to index
        %parallel_loop3A_329 = arith.constant 112 : index
        %parallel_loop3A_330 = tpu.vector_load %arg11[%parallel_loop3A_328, %parallel_loop3A_329] {strides = array<i32>} : memref<80x128xf32, #tpu.memory_space<vmem>>, vector<1x16xf32>,
        %parallel_loop3A_331 = vector.shape_cast %parallel_loop3A_330 : vector<1x16xf32> to vector<16xf32>
        %parallel_loop3A_332 = vector.shape_cast %parallel_loop3A_327 : vector<16xf32> to vector<1x16xf32>
        tpu.vector_store %arg11[%parallel_loop3A_328, %parallel_loop3A_329], %parallel_loop3A_332 {strides = array<i32>} : memref<80x128xf32, #tpu.memory_space<vmem>>, vector<1x16xf32>,
      } {sc.loop_unroll_factor = 4 : i64, sc.parallel_access}
      "tpu.region"() ({
        %run_scoped3A = tpu.sem_alloc : memref<!tpu.dma_semaphore, #tpu.memory_space<semaphore_mem>>
        %dma_start3A_196 = arith.constant 0 : i32
        %dma_start3A_197 = arith.constant 0 : i32
        %dma_start3A_198 = tpu.memref_slice %arg16[%dma_start3A_196, %dma_start3A_197] : memref<10000x128xf32, #tpu.memory_space<vmem_shared>> -> memref<10000x128xf32, #tpu.memory_space<vmem_shared>>
        tpu.enqueue_indirect_dma source(%arg11 : memref<80x128xf32, #tpu.memory_space<vmem>>) target(%dma_start3A_198 : memref<10000x128xf32, #tpu.memory_space<vmem_shared>>) offsets(%arg9 : memref<80xi32, #tpu.memory_space<vmem>>) semaphore(%run_scoped3A : memref<!tpu.dma_semaphore, #tpu.memory_space<semaphore_mem>>) {add = true}
        %dma_wait3A_199 = arith.constant 0 : i32
        %dma_wait3A_200 = arith.constant 0 : i32
        %dma_wait3A_201 = tpu.memref_slice %arg16[%dma_wait3A_199, %dma_wait3A_200] : memref<10000x128xf32, #tpu.memory_space<vmem_shared>> -> memref<10000x128xf32, #tpu.memory_space<vmem_shared>>
        tpu.wait_indirect_dma semaphore(%run_scoped3A : memref<!tpu.dma_semaphore, #tpu.memory_space<semaphore_mem>>) src(%arg11 : memref<80x128xf32, #tpu.memory_space<vmem>>) dst(%dma_wait3A_201 : memref<10000x128xf32, #tpu.memory_space<vmem_shared>>)
        tpu.yield
      }) : () -> ()
      %add3A_136 = arith.constant 2 : i32
      %add3A_137 = arith.addi %mul3A_98, %add3A_136 : i32
      %min3A_138 = arith.constant 124 : i32
      %min3A_139 = arith.minsi %add3A_137, %min3A_138 : i32
      %mul3A_140 = arith.constant 80 : i32
      %mul3A_141 = arith.muli %min3A_139, %mul3A_140 : i32
      %add3A_142 = arith.addi %mul3A_2, %mul3A_141 : i32
      %dma_start3A_143 = tpu.memref_slice %arg3[%add3A_142] : memref<320000xi32, #tpu.memory_space<hbm>> -> memref<80xi32, #tpu.memory_space<hbm>>
      %dma_start3A_144 = tpu.memref_slice %arg3[%add3A_142] : memref<320000xi32, #tpu.memory_space<hbm>> -> memref<80xi32, #tpu.memory_space<hbm>>
      tpu.enqueue_dma source(%dma_start3A_144 : memref<80xi32, #tpu.memory_space<hbm>>) target(%arg7 : memref<80xi32, #tpu.memory_space<vmem>>) target_semaphore(%arg17 : memref<!tpu.dma_semaphore, #tpu.memory_space<semaphore_mem>>)
      %dma_start3A_145 = tpu.memref_slice %arg4[%add3A_142] : memref<320000xi32, #tpu.memory_space<hbm>> -> memref<80xi32, #tpu.memory_space<hbm>>
      %dma_start3A_146 = tpu.memref_slice %arg4[%add3A_142] : memref<320000xi32, #tpu.memory_space<hbm>> -> memref<80xi32, #tpu.memory_space<hbm>>
      tpu.enqueue_dma source(%dma_start3A_146 : memref<80xi32, #tpu.memory_space<hbm>>) target(%arg9 : memref<80xi32, #tpu.memory_space<vmem>>) target_semaphore(%arg17 : memref<!tpu.dma_semaphore, #tpu.memory_space<semaphore_mem>>)
      %add3A_147 = arith.constant 2 : i32
      %add3A_148 = arith.addi %mul3A_98, %add3A_147 : i32
      %min3A_149 = arith.constant 124 : i32
      %min3A_150 = arith.minsi %add3A_148, %min3A_149 : i32
      %mul3A_151 = arith.constant 80 : i32
      %mul3A_152 = arith.muli %min3A_150, %mul3A_151 : i32
      %add3A_153 = arith.addi %mul3A_2, %mul3A_152 : i32
      %dma_start3A_154 = arith.constant 0 : i32
      %dma_start3A_155 = tpu.memref_slice %arg5[%add3A_153, %dma_start3A_154] : memref<320000x128xf32, #tpu.memory_space<hbm>> -> memref<80x128xf32, #tpu.memory_space<hbm>>
      %dma_start3A_156 = arith.constant 0 : i32
      %dma_start3A_157 = tpu.memref_slice %arg5[%add3A_153, %dma_start3A_156] : memref<320000x128xf32, #tpu.memory_space<hbm>> -> memref<80x128xf32, #tpu.memory_space<hbm>>
      tpu.enqueue_dma source(%dma_start3A_157 : memref<80x128xf32, #tpu.memory_space<hbm>>) target(%arg13 : memref<80x128xf32, #tpu.memory_space<vmem>>) target_semaphore(%arg19 : memref<!tpu.dma_semaphore, #tpu.memory_space<semaphore_mem>>)
      %dma_wait3A_158 = arith.constant 0 : i32
      %dma_wait3A_159 = tpu.memref_slice %arg3[%dma_wait3A_158] : memref<320000xi32, #tpu.memory_space<hbm>> -> memref<80xi32, #tpu.memory_space<hbm>>
      %dma_wait3A_160 = arith.constant 0 : i32
      %dma_wait3A_161 = tpu.memref_slice %arg3[%dma_wait3A_160] : memref<320000xi32, #tpu.memory_space<hbm>> -> memref<80xi32, #tpu.memory_space<hbm>>
      tpu.wait_dma2 semaphore(%arg17 : memref<!tpu.dma_semaphore, #tpu.memory_space<semaphore_mem>>) src(%dma_wait3A_161 : memref<80xi32, #tpu.memory_space<hbm>>) dst(%arg7 : memref<80xi32, #tpu.memory_space<vmem>>)
      %dma_wait3A_162 = arith.constant 0 : i32
      %dma_wait3A_163 = tpu.memref_slice %arg4[%dma_wait3A_162] : memref<320000xi32, #tpu.memory_space<hbm>> -> memref<80xi32, #tpu.memory_space<hbm>>
      %dma_wait3A_164 = arith.constant 0 : i32
      %dma_wait3A_165 = tpu.memref_slice %arg4[%dma_wait3A_164] : memref<320000xi32, #tpu.memory_space<hbm>> -> memref<80xi32, #tpu.memory_space<hbm>>
      tpu.wait_dma2 semaphore(%arg17 : memref<!tpu.dma_semaphore, #tpu.memory_space<semaphore_mem>>) src(%dma_wait3A_165 : memref<80xi32, #tpu.memory_space<hbm>>) dst(%arg9 : memref<80xi32, #tpu.memory_space<vmem>>)
      %dma_start3A_166 = arith.constant 0 : i32
      %dma_start3A_167 = arith.constant 0 : i32
      %dma_start3A_168 = tpu.memref_slice %arg2[%dma_start3A_166, %dma_start3A_167] : memref<10000x128xf32, #tpu.memory_space<hbm>> -> memref<10000x128xf32, #tpu.memory_space<hbm>>
      tpu.enqueue_indirect_dma source(%dma_start3A_168 : memref<10000x128xf32, #tpu.memory_space<hbm>>) target(%arg11 : memref<80x128xf32, #tpu.memory_space<vmem>>) offsets(%arg7 : memref<80xi32, #tpu.memory_space<vmem>>) semaphore(%arg21 : memref<!tpu.dma_semaphore, #tpu.memory_space<semaphore_mem>>)
      %dma_wait3A_169 = arith.constant 0 : i32
      %dma_wait3A_170 = arith.constant 0 : i32
      %dma_wait3A_171 = tpu.memref_slice %arg5[%dma_wait3A_169, %dma_wait3A_170] : memref<320000x128xf32, #tpu.memory_space<hbm>> -> memref<80x128xf32, #tpu.memory_space<hbm>>
      %dma_wait3A_172 = arith.constant 0 : i32
      %dma_wait3A_173 = arith.constant 0 : i32
      %dma_wait3A_174 = tpu.memref_slice %arg5[%dma_wait3A_172, %dma_wait3A_173] : memref<320000x128xf32, #tpu.memory_space<hbm>> -> memref<80x128xf32, #tpu.memory_space<hbm>>
      tpu.wait_dma2 semaphore(%arg20 : memref<!tpu.dma_semaphore, #tpu.memory_space<semaphore_mem>>) src(%dma_wait3A_174 : memref<80x128xf32, #tpu.memory_space<hbm>>) dst(%arg14 : memref<80x128xf32, #tpu.memory_space<vmem>>)
      %dma_wait3A_175 = arith.constant 0 : i32
      %dma_wait3A_176 = arith.constant 0 : i32
      %dma_wait3A_177 = tpu.memref_slice %arg2[%dma_wait3A_175, %dma_wait3A_176] : memref<10000x128xf32, #tpu.memory_space<hbm>> -> memref<80x128xf32, #tpu.memory_space<hbm>>
      %dma_wait3A_178 = arith.constant 0 : i32
      %dma_wait3A_179 = arith.constant 0 : i32
      %dma_wait3A_180 = tpu.memref_slice %arg2[%dma_wait3A_178, %dma_wait3A_179] : memref<10000x128xf32, #tpu.memory_space<hbm>> -> memref<80x128xf32, #tpu.memory_space<hbm>>
      tpu.wait_dma2 semaphore(%arg22 : memref<!tpu.dma_semaphore, #tpu.memory_space<semaphore_mem>>) src(%dma_wait3A_180 : memref<80x128xf32, #tpu.memory_space<hbm>>) dst(%arg12 : memref<80x128xf32, #tpu.memory_space<vmem>>)
      %parallel_loop3A_181 = arith.constant 0 : i32
      %parallel_loop3A_182 = arith.constant 80 : i32
      %parallel_loop3A_183 = arith.constant 1 : i32
      scf.for %parallel_loop3A_196 = %parallel_loop3A_181 to %parallel_loop3A_182 step %parallel_loop3A_183  : i32 {
        %parallel_loop3A_197 = arith.index_cast %parallel_loop3A_196 : i32 to index
        %parallel_loop3A_198 = arith.constant 0 : index
        %parallel_loop3A_199 = tpu.vector_load %arg12[%parallel_loop3A_197, %parallel_loop3A_198] {strides = array<i32>} : memref<80x128xf32, #tpu.memory_space<vmem>>, vector<1x16xf32>,
        %parallel_loop3A_200 = vector.shape_cast %parallel_loop3A_199 : vector<1x16xf32> to vector<16xf32>
        %parallel_loop3A_201 = arith.index_cast %parallel_loop3A_196 : i32 to index
        %parallel_loop3A_202 = arith.constant 0 : index
        %parallel_loop3A_203 = tpu.vector_load %arg14[%parallel_loop3A_201, %parallel_loop3A_202] {strides = array<i32>} : memref<80x128xf32, #tpu.memory_space<vmem>>, vector<1x16xf32>,
        %parallel_loop3A_204 = vector.shape_cast %parallel_loop3A_203 : vector<1x16xf32> to vector<16xf32>
        %parallel_loop3A_205 = arith.addf %parallel_loop3A_200, %parallel_loop3A_204 : vector<16xf32>
        %parallel_loop3A_206 = arith.constant 0.000000e+00 : f32
        %parallel_loop3A_207 = vector.broadcast %parallel_loop3A_206 : f32 to vector<16xf32>
        %parallel_loop3A_208 = arith.maximumf %parallel_loop3A_205, %parallel_loop3A_207 : vector<16xf32>
        %parallel_loop3A_209 = arith.index_cast %parallel_loop3A_196 : i32 to index
        %parallel_loop3A_210 = arith.constant 0 : index
        %parallel_loop3A_211 = tpu.vector_load %arg12[%parallel_loop3A_209, %parallel_loop3A_210] {strides = array<i32>} : memref<80x128xf32, #tpu.memory_space<vmem>>, vector<1x16xf32>,
        %parallel_loop3A_212 = vector.shape_cast %parallel_loop3A_211 : vector<1x16xf32> to vector<16xf32>
        %parallel_loop3A_213 = vector.shape_cast %parallel_loop3A_208 : vector<16xf32> to vector<1x16xf32>
        tpu.vector_store %arg12[%parallel_loop3A_209, %parallel_loop3A_210], %parallel_loop3A_213 {strides = array<i32>} : memref<80x128xf32, #tpu.memory_space<vmem>>, vector<1x16xf32>,
        %parallel_loop3A_214 = arith.index_cast %parallel_loop3A_196 : i32 to index
        %parallel_loop3A_215 = arith.constant 16 : index
        %parallel_loop3A_216 = tpu.vector_load %arg12[%parallel_loop3A_214, %parallel_loop3A_215] {strides = array<i32>} : memref<80x128xf32, #tpu.memory_space<vmem>>, vector<1x16xf32>,
        %parallel_loop3A_217 = vector.shape_cast %parallel_loop3A_216 : vector<1x16xf32> to vector<16xf32>
        %parallel_loop3A_218 = arith.index_cast %parallel_loop3A_196 : i32 to index
        %parallel_loop3A_219 = arith.constant 16 : index
        %parallel_loop3A_220 = tpu.vector_load %arg14[%parallel_loop3A_218, %parallel_loop3A_219] {strides = array<i32>} : memref<80x128xf32, #tpu.memory_space<vmem>>, vector<1x16xf32>,
        %parallel_loop3A_221 = vector.shape_cast %parallel_loop3A_220 : vector<1x16xf32> to vector<16xf32>
        %parallel_loop3A_222 = arith.addf %parallel_loop3A_217, %parallel_loop3A_221 : vector<16xf32>
        %parallel_loop3A_223 = arith.constant 0.000000e+00 : f32
        %parallel_loop3A_224 = vector.broadcast %parallel_loop3A_223 : f32 to vector<16xf32>
        %parallel_loop3A_225 = arith.maximumf %parallel_loop3A_222, %parallel_loop3A_224 : vector<16xf32>
        %parallel_loop3A_226 = arith.index_cast %parallel_loop3A_196 : i32 to index
        %parallel_loop3A_227 = arith.constant 16 : index
        %parallel_loop3A_228 = tpu.vector_load %arg12[%parallel_loop3A_226, %parallel_loop3A_227] {strides = array<i32>} : memref<80x128xf32, #tpu.memory_space<vmem>>, vector<1x16xf32>,
        %parallel_loop3A_229 = vector.shape_cast %parallel_loop3A_228 : vector<1x16xf32> to vector<16xf32>
        %parallel_loop3A_230 = vector.shape_cast %parallel_loop3A_225 : vector<16xf32> to vector<1x16xf32>
        tpu.vector_store %arg12[%parallel_loop3A_226, %parallel_loop3A_227], %parallel_loop3A_230 {strides = array<i32>} : memref<80x128xf32, #tpu.memory_space<vmem>>, vector<1x16xf32>,
        %parallel_loop3A_231 = arith.index_cast %parallel_loop3A_196 : i32 to index
        %parallel_loop3A_232 = arith.constant 32 : index
        %parallel_loop3A_233 = tpu.vector_load %arg12[%parallel_loop3A_231, %parallel_loop3A_232] {strides = array<i32>} : memref<80x128xf32, #tpu.memory_space<vmem>>, vector<1x16xf32>,
        %parallel_loop3A_234 = vector.shape_cast %parallel_loop3A_233 : vector<1x16xf32> to vector<16xf32>
        %parallel_loop3A_235 = arith.index_cast %parallel_loop3A_196 : i32 to index
        %parallel_loop3A_236 = arith.constant 32 : index
        %parallel_loop3A_237 = tpu.vector_load %arg14[%parallel_loop3A_235, %parallel_loop3A_236] {strides = array<i32>} : memref<80x128xf32, #tpu.memory_space<vmem>>, vector<1x16xf32>,
        %parallel_loop3A_238 = vector.shape_cast %parallel_loop3A_237 : vector<1x16xf32> to vector<16xf32>
        %parallel_loop3A_239 = arith.addf %parallel_loop3A_234, %parallel_loop3A_238 : vector<16xf32>
        %parallel_loop3A_240 = arith.constant 0.000000e+00 : f32
        %parallel_loop3A_241 = vector.broadcast %parallel_loop3A_240 : f32 to vector<16xf32>
        %parallel_loop3A_242 = arith.maximumf %parallel_loop3A_239, %parallel_loop3A_241 : vector<16xf32>
        %parallel_loop3A_243 = arith.index_cast %parallel_loop3A_196 : i32 to index
        %parallel_loop3A_244 = arith.constant 32 : index
        %parallel_loop3A_245 = tpu.vector_load %arg12[%parallel_loop3A_243, %parallel_loop3A_244] {strides = array<i32>} : memref<80x128xf32, #tpu.memory_space<vmem>>, vector<1x16xf32>,
        %parallel_loop3A_246 = vector.shape_cast %parallel_loop3A_245 : vector<1x16xf32> to vector<16xf32>
        %parallel_loop3A_247 = vector.shape_cast %parallel_loop3A_242 : vector<16xf32> to vector<1x16xf32>
        tpu.vector_store %arg12[%parallel_loop3A_243, %parallel_loop3A_244], %parallel_loop3A_247 {strides = array<i32>} : memref<80x128xf32, #tpu.memory_space<vmem>>, vector<1x16xf32>,
        %parallel_loop3A_248 = arith.index_cast %parallel_loop3A_196 : i32 to index
        %parallel_loop3A_249 = arith.constant 48 : index
        %parallel_loop3A_250 = tpu.vector_load %arg12[%parallel_loop3A_248, %parallel_loop3A_249] {strides = array<i32>} : memref<80x128xf32, #tpu.memory_space<vmem>>, vector<1x16xf32>,
        %parallel_loop3A_251 = vector.shape_cast %parallel_loop3A_250 : vector<1x16xf32> to vector<16xf32>
        %parallel_loop3A_252 = arith.index_cast %parallel_loop3A_196 : i32 to index
        %parallel_loop3A_253 = arith.constant 48 : index
        %parallel_loop3A_254 = tpu.vector_load %arg14[%parallel_loop3A_252, %parallel_loop3A_253] {strides = array<i32>} : memref<80x128xf32, #tpu.memory_space<vmem>>, vector<1x16xf32>,
        %parallel_loop3A_255 = vector.shape_cast %parallel_loop3A_254 : vector<1x16xf32> to vector<16xf32>
        %parallel_loop3A_256 = arith.addf %parallel_loop3A_251, %parallel_loop3A_255 : vector<16xf32>
        %parallel_loop3A_257 = arith.constant 0.000000e+00 : f32
        %parallel_loop3A_258 = vector.broadcast %parallel_loop3A_257 : f32 to vector<16xf32>
        %parallel_loop3A_259 = arith.maximumf %parallel_loop3A_256, %parallel_loop3A_258 : vector<16xf32>
        %parallel_loop3A_260 = arith.index_cast %parallel_loop3A_196 : i32 to index
        %parallel_loop3A_261 = arith.constant 48 : index
        %parallel_loop3A_262 = tpu.vector_load %arg12[%parallel_loop3A_260, %parallel_loop3A_261] {strides = array<i32>} : memref<80x128xf32, #tpu.memory_space<vmem>>, vector<1x16xf32>,
        %parallel_loop3A_263 = vector.shape_cast %parallel_loop3A_262 : vector<1x16xf32> to vector<16xf32>
        %parallel_loop3A_264 = vector.shape_cast %parallel_loop3A_259 : vector<16xf32> to vector<1x16xf32>
        tpu.vector_store %arg12[%parallel_loop3A_260, %parallel_loop3A_261], %parallel_loop3A_264 {strides = array<i32>} : memref<80x128xf32, #tpu.memory_space<vmem>>, vector<1x16xf32>,
        %parallel_loop3A_265 = arith.index_cast %parallel_loop3A_196 : i32 to index
        %parallel_loop3A_266 = arith.constant 64 : index
        %parallel_loop3A_267 = tpu.vector_load %arg12[%parallel_loop3A_265, %parallel_loop3A_266] {strides = array<i32>} : memref<80x128xf32, #tpu.memory_space<vmem>>, vector<1x16xf32>,
        %parallel_loop3A_268 = vector.shape_cast %parallel_loop3A_267 : vector<1x16xf32> to vector<16xf32>
        %parallel_loop3A_269 = arith.index_cast %parallel_loop3A_196 : i32 to index
        %parallel_loop3A_270 = arith.constant 64 : index
        %parallel_loop3A_271 = tpu.vector_load %arg14[%parallel_loop3A_269, %parallel_loop3A_270] {strides = array<i32>} : memref<80x128xf32, #tpu.memory_space<vmem>>, vector<1x16xf32>,
        %parallel_loop3A_272 = vector.shape_cast %parallel_loop3A_271 : vector<1x16xf32> to vector<16xf32>
        %parallel_loop3A_273 = arith.addf %parallel_loop3A_268, %parallel_loop3A_272 : vector<16xf32>
        %parallel_loop3A_274 = arith.constant 0.000000e+00 : f32
        %parallel_loop3A_275 = vector.broadcast %parallel_loop3A_274 : f32 to vector<16xf32>
        %parallel_loop3A_276 = arith.maximumf %parallel_loop3A_273, %parallel_loop3A_275 : vector<16xf32>
        %parallel_loop3A_277 = arith.index_cast %parallel_loop3A_196 : i32 to index
        %parallel_loop3A_278 = arith.constant 64 : index
        %parallel_loop3A_279 = tpu.vector_load %arg12[%parallel_loop3A_277, %parallel_loop3A_278] {strides = array<i32>} : memref<80x128xf32, #tpu.memory_space<vmem>>, vector<1x16xf32>,
        %parallel_loop3A_280 = vector.shape_cast %parallel_loop3A_279 : vector<1x16xf32> to vector<16xf32>
        %parallel_loop3A_281 = vector.shape_cast %parallel_loop3A_276 : vector<16xf32> to vector<1x16xf32>
        tpu.vector_store %arg12[%parallel_loop3A_277, %parallel_loop3A_278], %parallel_loop3A_281 {strides = array<i32>} : memref<80x128xf32, #tpu.memory_space<vmem>>, vector<1x16xf32>,
        %parallel_loop3A_282 = arith.index_cast %parallel_loop3A_196 : i32 to index
        %parallel_loop3A_283 = arith.constant 80 : index
        %parallel_loop3A_284 = tpu.vector_load %arg12[%parallel_loop3A_282, %parallel_loop3A_283] {strides = array<i32>} : memref<80x128xf32, #tpu.memory_space<vmem>>, vector<1x16xf32>,
        %parallel_loop3A_285 = vector.shape_cast %parallel_loop3A_284 : vector<1x16xf32> to vector<16xf32>
        %parallel_loop3A_286 = arith.index_cast %parallel_loop3A_196 : i32 to index
        %parallel_loop3A_287 = arith.constant 80 : index
        %parallel_loop3A_288 = tpu.vector_load %arg14[%parallel_loop3A_286, %parallel_loop3A_287] {strides = array<i32>} : memref<80x128xf32, #tpu.memory_space<vmem>>, vector<1x16xf32>,
        %parallel_loop3A_289 = vector.shape_cast %parallel_loop3A_288 : vector<1x16xf32> to vector<16xf32>
        %parallel_loop3A_290 = arith.addf %parallel_loop3A_285, %parallel_loop3A_289 : vector<16xf32>
        %parallel_loop3A_291 = arith.constant 0.000000e+00 : f32
        %parallel_loop3A_292 = vector.broadcast %parallel_loop3A_291 : f32 to vector<16xf32>
        %parallel_loop3A_293 = arith.maximumf %parallel_loop3A_290, %parallel_loop3A_292 : vector<16xf32>
        %parallel_loop3A_294 = arith.index_cast %parallel_loop3A_196 : i32 to index
        %parallel_loop3A_295 = arith.constant 80 : index
        %parallel_loop3A_296 = tpu.vector_load %arg12[%parallel_loop3A_294, %parallel_loop3A_295] {strides = array<i32>} : memref<80x128xf32, #tpu.memory_space<vmem>>, vector<1x16xf32>,
        %parallel_loop3A_297 = vector.shape_cast %parallel_loop3A_296 : vector<1x16xf32> to vector<16xf32>
        %parallel_loop3A_298 = vector.shape_cast %parallel_loop3A_293 : vector<16xf32> to vector<1x16xf32>
        tpu.vector_store %arg12[%parallel_loop3A_294, %parallel_loop3A_295], %parallel_loop3A_298 {strides = array<i32>} : memref<80x128xf32, #tpu.memory_space<vmem>>, vector<1x16xf32>,
        %parallel_loop3A_299 = arith.index_cast %parallel_loop3A_196 : i32 to index
        %parallel_loop3A_300 = arith.constant 96 : index
        %parallel_loop3A_301 = tpu.vector_load %arg12[%parallel_loop3A_299, %parallel_loop3A_300] {strides = array<i32>} : memref<80x128xf32, #tpu.memory_space<vmem>>, vector<1x16xf32>,
        %parallel_loop3A_302 = vector.shape_cast %parallel_loop3A_301 : vector<1x16xf32> to vector<16xf32>
        %parallel_loop3A_303 = arith.index_cast %parallel_loop3A_196 : i32 to index
        %parallel_loop3A_304 = arith.constant 96 : index
        %parallel_loop3A_305 = tpu.vector_load %arg14[%parallel_loop3A_303, %parallel_loop3A_304] {strides = array<i32>} : memref<80x128xf32, #tpu.memory_space<vmem>>, vector<1x16xf32>,
        %parallel_loop3A_306 = vector.shape_cast %parallel_loop3A_305 : vector<1x16xf32> to vector<16xf32>
        %parallel_loop3A_307 = arith.addf %parallel_loop3A_302, %parallel_loop3A_306 : vector<16xf32>
        %parallel_loop3A_308 = arith.constant 0.000000e+00 : f32
        %parallel_loop3A_309 = vector.broadcast %parallel_loop3A_308 : f32 to vector<16xf32>
        %parallel_loop3A_310 = arith.maximumf %parallel_loop3A_307, %parallel_loop3A_309 : vector<16xf32>
        %parallel_loop3A_311 = arith.index_cast %parallel_loop3A_196 : i32 to index
        %parallel_loop3A_312 = arith.constant 96 : index
        %parallel_loop3A_313 = tpu.vector_load %arg12[%parallel_loop3A_311, %parallel_loop3A_312] {strides = array<i32>} : memref<80x128xf32, #tpu.memory_space<vmem>>, vector<1x16xf32>,
        %parallel_loop3A_314 = vector.shape_cast %parallel_loop3A_313 : vector<1x16xf32> to vector<16xf32>
        %parallel_loop3A_315 = vector.shape_cast %parallel_loop3A_310 : vector<16xf32> to vector<1x16xf32>
        tpu.vector_store %arg12[%parallel_loop3A_311, %parallel_loop3A_312], %parallel_loop3A_315 {strides = array<i32>} : memref<80x128xf32, #tpu.memory_space<vmem>>, vector<1x16xf32>,
        %parallel_loop3A_316 = arith.index_cast %parallel_loop3A_196 : i32 to index
        %parallel_loop3A_317 = arith.constant 112 : index
        %parallel_loop3A_318 = tpu.vector_load %arg12[%parallel_loop3A_316, %parallel_loop3A_317] {strides = array<i32>} : memref<80x128xf32, #tpu.memory_space<vmem>>, vector<1x16xf32>,
        %parallel_loop3A_319 = vector.shape_cast %parallel_loop3A_318 : vector<1x16xf32> to vector<16xf32>
        %parallel_loop3A_320 = arith.index_cast %parallel_loop3A_196 : i32 to index
        %parallel_loop3A_321 = arith.constant 112 : index
        %parallel_loop3A_322 = tpu.vector_load %arg14[%parallel_loop3A_320, %parallel_loop3A_321] {strides = array<i32>} : memref<80x128xf32, #tpu.memory_space<vmem>>, vector<1x16xf32>,
        %parallel_loop3A_323 = vector.shape_cast %parallel_loop3A_322 : vector<1x16xf32> to vector<16xf32>
        %parallel_loop3A_324 = arith.addf %parallel_loop3A_319, %parallel_loop3A_323 : vector<16xf32>
        %parallel_loop3A_325 = arith.constant 0.000000e+00 : f32
        %parallel_loop3A_326 = vector.broadcast %parallel_loop3A_325 : f32 to vector<16xf32>
        %parallel_loop3A_327 = arith.maximumf %parallel_loop3A_324, %parallel_loop3A_326 : vector<16xf32>
        %parallel_loop3A_328 = arith.index_cast %parallel_loop3A_196 : i32 to index
        %parallel_loop3A_329 = arith.constant 112 : index
        %parallel_loop3A_330 = tpu.vector_load %arg12[%parallel_loop3A_328, %parallel_loop3A_329] {strides = array<i32>} : memref<80x128xf32, #tpu.memory_space<vmem>>, vector<1x16xf32>,
        %parallel_loop3A_331 = vector.shape_cast %parallel_loop3A_330 : vector<1x16xf32> to vector<16xf32>
        %parallel_loop3A_332 = vector.shape_cast %parallel_loop3A_327 : vector<16xf32> to vector<1x16xf32>
        tpu.vector_store %arg12[%parallel_loop3A_328, %parallel_loop3A_329], %parallel_loop3A_332 {strides = array<i32>} : memref<80x128xf32, #tpu.memory_space<vmem>>, vector<1x16xf32>,
      } {sc.loop_unroll_factor = 4 : i64, sc.parallel_access}
      "tpu.region"() ({
        %run_scoped3A = tpu.sem_alloc : memref<!tpu.dma_semaphore, #tpu.memory_space<semaphore_mem>>
        %dma_start3A_196 = arith.constant 0 : i32
        %dma_start3A_197 = arith.constant 0 : i32
        %dma_start3A_198 = tpu.memref_slice %arg16[%dma_start3A_196, %dma_start3A_197] : memref<10000x128xf32, #tpu.memory_space<vmem_shared>> -> memref<10000x128xf32, #tpu.memory_space<vmem_shared>>
        tpu.enqueue_indirect_dma source(%arg12 : memref<80x128xf32, #tpu.memory_space<vmem>>) target(%dma_start3A_198 : memref<10000x128xf32, #tpu.memory_space<vmem_shared>>) offsets(%arg10 : memref<80xi32, #tpu.memory_space<vmem>>) semaphore(%run_scoped3A : memref<!tpu.dma_semaphore, #tpu.memory_space<semaphore_mem>>) {add = true}
        %dma_wait3A_199 = arith.constant 0 : i32
        %dma_wait3A_200 = arith.constant 0 : i32
        %dma_wait3A_201 = tpu.memref_slice %arg16[%dma_wait3A_199, %dma_wait3A_200] : memref<10000x128xf32, #tpu.memory_space<vmem_shared>> -> memref<10000x128xf32, #tpu.memory_space<vmem_shared>>
        tpu.wait_indirect_dma semaphore(%run_scoped3A : memref<!tpu.dma_semaphore, #tpu.memory_space<semaphore_mem>>) src(%arg12 : memref<80x128xf32, #tpu.memory_space<vmem>>) dst(%dma_wait3A_201 : memref<10000x128xf32, #tpu.memory_space<vmem_shared>>)
        tpu.yield
      }) : () -> ()
      %add3A_184 = arith.constant 3 : i32
      %add3A_185 = arith.addi %mul3A_98, %add3A_184 : i32
      %min3A_186 = arith.constant 124 : i32
      %min3A_187 = arith.minsi %add3A_185, %min3A_186 : i32
      %mul3A_188 = arith.constant 80 : i32
      %mul3A_189 = arith.muli %min3A_187, %mul3A_188 : i32
      %add3A_190 = arith.addi %mul3A_2, %mul3A_189 : i32
      %dma_start3A_191 = tpu.memref_slice %arg3[%add3A_190] : memref<320000xi32, #tpu.memory_space<hbm>> -> memref<80xi32, #tpu.memory_space<hbm>>
      %dma_start3A_192 = tpu.memref_slice %arg3[%add3A_190] : memref<320000xi32, #tpu.memory_space<hbm>> -> memref<80xi32, #tpu.memory_space<hbm>>
      tpu.enqueue_dma source(%dma_start3A_192 : memref<80xi32, #tpu.memory_space<hbm>>) target(%arg8 : memref<80xi32, #tpu.memory_space<vmem>>) target_semaphore(%arg18 : memref<!tpu.dma_semaphore, #tpu.memory_space<semaphore_mem>>)
      %dma_start3A_193 = tpu.memref_slice %arg4[%add3A_190] : memref<320000xi32, #tpu.memory_space<hbm>> -> memref<80xi32, #tpu.memory_space<hbm>>
      %dma_start3A_194 = tpu.memref_slice %arg4[%add3A_190] : memref<320000xi32, #tpu.memory_space<hbm>> -> memref<80xi32, #tpu.memory_space<hbm>>
      tpu.enqueue_dma source(%dma_start3A_194 : memref<80xi32, #tpu.memory_space<hbm>>) target(%arg10 : memref<80xi32, #tpu.memory_space<vmem>>) target_semaphore(%arg18 : memref<!tpu.dma_semaphore, #tpu.memory_space<semaphore_mem>>)
      %scan3A_195 = arith.constant 0 : i32
      scf.yield %scan3A_195 : i32
    }
    %scan3A_62 = arith.constant 62 : i32
    %dma_wait3A_63 = arith.constant 0 : i32
    %dma_wait3A_64 = arith.constant 0 : i32
    %dma_wait3A_65 = tpu.memref_slice %arg5[%dma_wait3A_63, %dma_wait3A_64] : memref<320000x128xf32, #tpu.memory_space<hbm>> -> memref<80x128xf32, #tpu.memory_space<hbm>>
    %dma_wait3A_66 = arith.constant 0 : i32
    %dma_wait3A_67 = arith.constant 0 : i32
    %dma_wait3A_68 = tpu.memref_slice %arg5[%dma_wait3A_66, %dma_wait3A_67] : memref<320000x128xf32, #tpu.memory_space<hbm>> -> memref<80x128xf32, #tpu.memory_space<hbm>>
    tpu.wait_dma2 semaphore(%arg19 : memref<!tpu.dma_semaphore, #tpu.memory_space<semaphore_mem>>) src(%dma_wait3A_68 : memref<80x128xf32, #tpu.memory_space<hbm>>) dst(%arg13 : memref<80x128xf32, #tpu.memory_space<vmem>>)
    %dma_wait3A_69 = arith.constant 0 : i32
    %dma_wait3A_70 = arith.constant 0 : i32
    %dma_wait3A_71 = tpu.memref_slice %arg2[%dma_wait3A_69, %dma_wait3A_70] : memref<10000x128xf32, #tpu.memory_space<hbm>> -> memref<80x128xf32, #tpu.memory_space<hbm>>
    %dma_wait3A_72 = arith.constant 0 : i32
    %dma_wait3A_73 = arith.constant 0 : i32
    %dma_wait3A_74 = tpu.memref_slice %arg2[%dma_wait3A_72, %dma_wait3A_73] : memref<10000x128xf32, #tpu.memory_space<hbm>> -> memref<80x128xf32, #tpu.memory_space<hbm>>
    tpu.wait_dma2 semaphore(%arg21 : memref<!tpu.dma_semaphore, #tpu.memory_space<semaphore_mem>>) src(%dma_wait3A_74 : memref<80x128xf32, #tpu.memory_space<hbm>>) dst(%arg11 : memref<80x128xf32, #tpu.memory_space<vmem>>)
    %parallel_loop3A = arith.constant 0 : i32
    %parallel_loop3A_75 = arith.constant 80 : i32
    %parallel_loop3A_76 = arith.constant 1 : i32
    scf.for %parallel_loop3A_95 = %parallel_loop3A to %parallel_loop3A_75 step %parallel_loop3A_76  : i32 {
      %parallel_loop3A_96 = arith.index_cast %parallel_loop3A_95 : i32 to index
      %parallel_loop3A_97 = arith.constant 0 : index
      %parallel_loop3A_98 = tpu.vector_load %arg11[%parallel_loop3A_96, %parallel_loop3A_97] {strides = array<i32>} : memref<80x128xf32, #tpu.memory_space<vmem>>, vector<1x16xf32>,
      %parallel_loop3A_99 = vector.shape_cast %parallel_loop3A_98 : vector<1x16xf32> to vector<16xf32>
      %parallel_loop3A_100 = arith.index_cast %parallel_loop3A_95 : i32 to index
      %parallel_loop3A_101 = arith.constant 0 : index
      %parallel_loop3A_102 = tpu.vector_load %arg13[%parallel_loop3A_100, %parallel_loop3A_101] {strides = array<i32>} : memref<80x128xf32, #tpu.memory_space<vmem>>, vector<1x16xf32>,
      %parallel_loop3A_103 = vector.shape_cast %parallel_loop3A_102 : vector<1x16xf32> to vector<16xf32>
      %parallel_loop3A_104 = arith.addf %parallel_loop3A_99, %parallel_loop3A_103 : vector<16xf32>
      %parallel_loop3A_105 = arith.constant 0.000000e+00 : f32
      %parallel_loop3A_106 = vector.broadcast %parallel_loop3A_105 : f32 to vector<16xf32>
      %parallel_loop3A_107 = arith.maximumf %parallel_loop3A_104, %parallel_loop3A_106 : vector<16xf32>
      %parallel_loop3A_108 = arith.index_cast %parallel_loop3A_95 : i32 to index
      %parallel_loop3A_109 = arith.constant 0 : index
      %parallel_loop3A_110 = tpu.vector_load %arg11[%parallel_loop3A_108, %parallel_loop3A_109] {strides = array<i32>} : memref<80x128xf32, #tpu.memory_space<vmem>>, vector<1x16xf32>,
      %parallel_loop3A_111 = vector.shape_cast %parallel_loop3A_110 : vector<1x16xf32> to vector<16xf32>
      %parallel_loop3A_112 = vector.shape_cast %parallel_loop3A_107 : vector<16xf32> to vector<1x16xf32>
      tpu.vector_store %arg11[%parallel_loop3A_108, %parallel_loop3A_109], %parallel_loop3A_112 {strides = array<i32>} : memref<80x128xf32, #tpu.memory_space<vmem>>, vector<1x16xf32>,
      %parallel_loop3A_113 = arith.index_cast %parallel_loop3A_95 : i32 to index
      %parallel_loop3A_114 = arith.constant 16 : index
      %parallel_loop3A_115 = tpu.vector_load %arg11[%parallel_loop3A_113, %parallel_loop3A_114] {strides = array<i32>} : memref<80x128xf32, #tpu.memory_space<vmem>>, vector<1x16xf32>,
      %parallel_loop3A_116 = vector.shape_cast %parallel_loop3A_115 : vector<1x16xf32> to vector<16xf32>
      %parallel_loop3A_117 = arith.index_cast %parallel_loop3A_95 : i32 to index
      %parallel_loop3A_118 = arith.constant 16 : index
      %parallel_loop3A_119 = tpu.vector_load %arg13[%parallel_loop3A_117, %parallel_loop3A_118] {strides = array<i32>} : memref<80x128xf32, #tpu.memory_space<vmem>>, vector<1x16xf32>,
      %parallel_loop3A_120 = vector.shape_cast %parallel_loop3A_119 : vector<1x16xf32> to vector<16xf32>
      %parallel_loop3A_121 = arith.addf %parallel_loop3A_116, %parallel_loop3A_120 : vector<16xf32>
      %parallel_loop3A_122 = arith.constant 0.000000e+00 : f32
      %parallel_loop3A_123 = vector.broadcast %parallel_loop3A_122 : f32 to vector<16xf32>
      %parallel_loop3A_124 = arith.maximumf %parallel_loop3A_121, %parallel_loop3A_123 : vector<16xf32>
      %parallel_loop3A_125 = arith.index_cast %parallel_loop3A_95 : i32 to index
      %parallel_loop3A_126 = arith.constant 16 : index
      %parallel_loop3A_127 = tpu.vector_load %arg11[%parallel_loop3A_125, %parallel_loop3A_126] {strides = array<i32>} : memref<80x128xf32, #tpu.memory_space<vmem>>, vector<1x16xf32>,
      %parallel_loop3A_128 = vector.shape_cast %parallel_loop3A_127 : vector<1x16xf32> to vector<16xf32>
      %parallel_loop3A_129 = vector.shape_cast %parallel_loop3A_124 : vector<16xf32> to vector<1x16xf32>
      tpu.vector_store %arg11[%parallel_loop3A_125, %parallel_loop3A_126], %parallel_loop3A_129 {strides = array<i32>} : memref<80x128xf32, #tpu.memory_space<vmem>>, vector<1x16xf32>,
      %parallel_loop3A_130 = arith.index_cast %parallel_loop3A_95 : i32 to index
      %parallel_loop3A_131 = arith.constant 32 : index
      %parallel_loop3A_132 = tpu.vector_load %arg11[%parallel_loop3A_130, %parallel_loop3A_131] {strides = array<i32>} : memref<80x128xf32, #tpu.memory_space<vmem>>, vector<1x16xf32>,
      %parallel_loop3A_133 = vector.shape_cast %parallel_loop3A_132 : vector<1x16xf32> to vector<16xf32>
      %parallel_loop3A_134 = arith.index_cast %parallel_loop3A_95 : i32 to index
      %parallel_loop3A_135 = arith.constant 32 : index
      %parallel_loop3A_136 = tpu.vector_load %arg13[%parallel_loop3A_134, %parallel_loop3A_135] {strides = array<i32>} : memref<80x128xf32, #tpu.memory_space<vmem>>, vector<1x16xf32>,
      %parallel_loop3A_137 = vector.shape_cast %parallel_loop3A_136 : vector<1x16xf32> to vector<16xf32>
      %parallel_loop3A_138 = arith.addf %parallel_loop3A_133, %parallel_loop3A_137 : vector<16xf32>
      %parallel_loop3A_139 = arith.constant 0.000000e+00 : f32
      %parallel_loop3A_140 = vector.broadcast %parallel_loop3A_139 : f32 to vector<16xf32>
      %parallel_loop3A_141 = arith.maximumf %parallel_loop3A_138, %parallel_loop3A_140 : vector<16xf32>
      %parallel_loop3A_142 = arith.index_cast %parallel_loop3A_95 : i32 to index
      %parallel_loop3A_143 = arith.constant 32 : index
      %parallel_loop3A_144 = tpu.vector_load %arg11[%parallel_loop3A_142, %parallel_loop3A_143] {strides = array<i32>} : memref<80x128xf32, #tpu.memory_space<vmem>>, vector<1x16xf32>,
      %parallel_loop3A_145 = vector.shape_cast %parallel_loop3A_144 : vector<1x16xf32> to vector<16xf32>
      %parallel_loop3A_146 = vector.shape_cast %parallel_loop3A_141 : vector<16xf32> to vector<1x16xf32>
      tpu.vector_store %arg11[%parallel_loop3A_142, %parallel_loop3A_143], %parallel_loop3A_146 {strides = array<i32>} : memref<80x128xf32, #tpu.memory_space<vmem>>, vector<1x16xf32>,
      %parallel_loop3A_147 = arith.index_cast %parallel_loop3A_95 : i32 to index
      %parallel_loop3A_148 = arith.constant 48 : index
      %parallel_loop3A_149 = tpu.vector_load %arg11[%parallel_loop3A_147, %parallel_loop3A_148] {strides = array<i32>} : memref<80x128xf32, #tpu.memory_space<vmem>>, vector<1x16xf32>,
      %parallel_loop3A_150 = vector.shape_cast %parallel_loop3A_149 : vector<1x16xf32> to vector<16xf32>
      %parallel_loop3A_151 = arith.index_cast %parallel_loop3A_95 : i32 to index
      %parallel_loop3A_152 = arith.constant 48 : index
      %parallel_loop3A_153 = tpu.vector_load %arg13[%parallel_loop3A_151, %parallel_loop3A_152] {strides = array<i32>} : memref<80x128xf32, #tpu.memory_space<vmem>>, vector<1x16xf32>,
      %parallel_loop3A_154 = vector.shape_cast %parallel_loop3A_153 : vector<1x16xf32> to vector<16xf32>
      %parallel_loop3A_155 = arith.addf %parallel_loop3A_150, %parallel_loop3A_154 : vector<16xf32>
      %parallel_loop3A_156 = arith.constant 0.000000e+00 : f32
      %parallel_loop3A_157 = vector.broadcast %parallel_loop3A_156 : f32 to vector<16xf32>
      %parallel_loop3A_158 = arith.maximumf %parallel_loop3A_155, %parallel_loop3A_157 : vector<16xf32>
      %parallel_loop3A_159 = arith.index_cast %parallel_loop3A_95 : i32 to index
      %parallel_loop3A_160 = arith.constant 48 : index
      %parallel_loop3A_161 = tpu.vector_load %arg11[%parallel_loop3A_159, %parallel_loop3A_160] {strides = array<i32>} : memref<80x128xf32, #tpu.memory_space<vmem>>, vector<1x16xf32>,
      %parallel_loop3A_162 = vector.shape_cast %parallel_loop3A_161 : vector<1x16xf32> to vector<16xf32>
      %parallel_loop3A_163 = vector.shape_cast %parallel_loop3A_158 : vector<16xf32> to vector<1x16xf32>
      tpu.vector_store %arg11[%parallel_loop3A_159, %parallel_loop3A_160], %parallel_loop3A_163 {strides = array<i32>} : memref<80x128xf32, #tpu.memory_space<vmem>>, vector<1x16xf32>,
      %parallel_loop3A_164 = arith.index_cast %parallel_loop3A_95 : i32 to index
      %parallel_loop3A_165 = arith.constant 64 : index
      %parallel_loop3A_166 = tpu.vector_load %arg11[%parallel_loop3A_164, %parallel_loop3A_165] {strides = array<i32>} : memref<80x128xf32, #tpu.memory_space<vmem>>, vector<1x16xf32>,
      %parallel_loop3A_167 = vector.shape_cast %parallel_loop3A_166 : vector<1x16xf32> to vector<16xf32>
      %parallel_loop3A_168 = arith.index_cast %parallel_loop3A_95 : i32 to index
      %parallel_loop3A_169 = arith.constant 64 : index
      %parallel_loop3A_170 = tpu.vector_load %arg13[%parallel_loop3A_168, %parallel_loop3A_169] {strides = array<i32>} : memref<80x128xf32, #tpu.memory_space<vmem>>, vector<1x16xf32>,
      %parallel_loop3A_171 = vector.shape_cast %parallel_loop3A_170 : vector<1x16xf32> to vector<16xf32>
      %parallel_loop3A_172 = arith.addf %parallel_loop3A_167, %parallel_loop3A_171 : vector<16xf32>
      %parallel_loop3A_173 = arith.constant 0.000000e+00 : f32
      %parallel_loop3A_174 = vector.broadcast %parallel_loop3A_173 : f32 to vector<16xf32>
      %parallel_loop3A_175 = arith.maximumf %parallel_loop3A_172, %parallel_loop3A_174 : vector<16xf32>
      %parallel_loop3A_176 = arith.index_cast %parallel_loop3A_95 : i32 to index
      %parallel_loop3A_177 = arith.constant 64 : index
      %parallel_loop3A_178 = tpu.vector_load %arg11[%parallel_loop3A_176, %parallel_loop3A_177] {strides = array<i32>} : memref<80x128xf32, #tpu.memory_space<vmem>>, vector<1x16xf32>,
      %parallel_loop3A_179 = vector.shape_cast %parallel_loop3A_178 : vector<1x16xf32> to vector<16xf32>
      %parallel_loop3A_180 = vector.shape_cast %parallel_loop3A_175 : vector<16xf32> to vector<1x16xf32>
      tpu.vector_store %arg11[%parallel_loop3A_176, %parallel_loop3A_177], %parallel_loop3A_180 {strides = array<i32>} : memref<80x128xf32, #tpu.memory_space<vmem>>, vector<1x16xf32>,
      %parallel_loop3A_181 = arith.index_cast %parallel_loop3A_95 : i32 to index
      %parallel_loop3A_182 = arith.constant 80 : index
      %parallel_loop3A_183 = tpu.vector_load %arg11[%parallel_loop3A_181, %parallel_loop3A_182] {strides = array<i32>} : memref<80x128xf32, #tpu.memory_space<vmem>>, vector<1x16xf32>,
      %parallel_loop3A_184 = vector.shape_cast %parallel_loop3A_183 : vector<1x16xf32> to vector<16xf32>
      %parallel_loop3A_185 = arith.index_cast %parallel_loop3A_95 : i32 to index
      %parallel_loop3A_186 = arith.constant 80 : index
      %parallel_loop3A_187 = tpu.vector_load %arg13[%parallel_loop3A_185, %parallel_loop3A_186] {strides = array<i32>} : memref<80x128xf32, #tpu.memory_space<vmem>>, vector<1x16xf32>,
      %parallel_loop3A_188 = vector.shape_cast %parallel_loop3A_187 : vector<1x16xf32> to vector<16xf32>
      %parallel_loop3A_189 = arith.addf %parallel_loop3A_184, %parallel_loop3A_188 : vector<16xf32>
      %parallel_loop3A_190 = arith.constant 0.000000e+00 : f32
      %parallel_loop3A_191 = vector.broadcast %parallel_loop3A_190 : f32 to vector<16xf32>
      %parallel_loop3A_192 = arith.maximumf %parallel_loop3A_189, %parallel_loop3A_191 : vector<16xf32>
      %parallel_loop3A_193 = arith.index_cast %parallel_loop3A_95 : i32 to index
      %parallel_loop3A_194 = arith.constant 80 : index
      %parallel_loop3A_195 = tpu.vector_load %arg11[%parallel_loop3A_193, %parallel_loop3A_194] {strides = array<i32>} : memref<80x128xf32, #tpu.memory_space<vmem>>, vector<1x16xf32>,
      %parallel_loop3A_196 = vector.shape_cast %parallel_loop3A_195 : vector<1x16xf32> to vector<16xf32>
      %parallel_loop3A_197 = vector.shape_cast %parallel_loop3A_192 : vector<16xf32> to vector<1x16xf32>
      tpu.vector_store %arg11[%parallel_loop3A_193, %parallel_loop3A_194], %parallel_loop3A_197 {strides = array<i32>} : memref<80x128xf32, #tpu.memory_space<vmem>>, vector<1x16xf32>,
      %parallel_loop3A_198 = arith.index_cast %parallel_loop3A_95 : i32 to index
      %parallel_loop3A_199 = arith.constant 96 : index
      %parallel_loop3A_200 = tpu.vector_load %arg11[%parallel_loop3A_198, %parallel_loop3A_199] {strides = array<i32>} : memref<80x128xf32, #tpu.memory_space<vmem>>, vector<1x16xf32>,
      %parallel_loop3A_201 = vector.shape_cast %parallel_loop3A_200 : vector<1x16xf32> to vector<16xf32>
      %parallel_loop3A_202 = arith.index_cast %parallel_loop3A_95 : i32 to index
      %parallel_loop3A_203 = arith.constant 96 : index
      %parallel_loop3A_204 = tpu.vector_load %arg13[%parallel_loop3A_202, %parallel_loop3A_203] {strides = array<i32>} : memref<80x128xf32, #tpu.memory_space<vmem>>, vector<1x16xf32>,
      %parallel_loop3A_205 = vector.shape_cast %parallel_loop3A_204 : vector<1x16xf32> to vector<16xf32>
      %parallel_loop3A_206 = arith.addf %parallel_loop3A_201, %parallel_loop3A_205 : vector<16xf32>
      %parallel_loop3A_207 = arith.constant 0.000000e+00 : f32
      %parallel_loop3A_208 = vector.broadcast %parallel_loop3A_207 : f32 to vector<16xf32>
      %parallel_loop3A_209 = arith.maximumf %parallel_loop3A_206, %parallel_loop3A_208 : vector<16xf32>
      %parallel_loop3A_210 = arith.index_cast %parallel_loop3A_95 : i32 to index
      %parallel_loop3A_211 = arith.constant 96 : index
      %parallel_loop3A_212 = tpu.vector_load %arg11[%parallel_loop3A_210, %parallel_loop3A_211] {strides = array<i32>} : memref<80x128xf32, #tpu.memory_space<vmem>>, vector<1x16xf32>,
      %parallel_loop3A_213 = vector.shape_cast %parallel_loop3A_212 : vector<1x16xf32> to vector<16xf32>
      %parallel_loop3A_214 = vector.shape_cast %parallel_loop3A_209 : vector<16xf32> to vector<1x16xf32>
      tpu.vector_store %arg11[%parallel_loop3A_210, %parallel_loop3A_211], %parallel_loop3A_214 {strides = array<i32>} : memref<80x128xf32, #tpu.memory_space<vmem>>, vector<1x16xf32>,
      %parallel_loop3A_215 = arith.index_cast %parallel_loop3A_95 : i32 to index
      %parallel_loop3A_216 = arith.constant 112 : index
      %parallel_loop3A_217 = tpu.vector_load %arg11[%parallel_loop3A_215, %parallel_loop3A_216] {strides = array<i32>} : memref<80x128xf32, #tpu.memory_space<vmem>>, vector<1x16xf32>,
      %parallel_loop3A_218 = vector.shape_cast %parallel_loop3A_217 : vector<1x16xf32> to vector<16xf32>
      %parallel_loop3A_219 = arith.index_cast %parallel_loop3A_95 : i32 to index
      %parallel_loop3A_220 = arith.constant 112 : index
      %parallel_loop3A_221 = tpu.vector_load %arg13[%parallel_loop3A_219, %parallel_loop3A_220] {strides = array<i32>} : memref<80x128xf32, #tpu.memory_space<vmem>>, vector<1x16xf32>,
      %parallel_loop3A_222 = vector.shape_cast %parallel_loop3A_221 : vector<1x16xf32> to vector<16xf32>
      %parallel_loop3A_223 = arith.addf %parallel_loop3A_218, %parallel_loop3A_222 : vector<16xf32>
      %parallel_loop3A_224 = arith.constant 0.000000e+00 : f32
      %parallel_loop3A_225 = vector.broadcast %parallel_loop3A_224 : f32 to vector<16xf32>
      %parallel_loop3A_226 = arith.maximumf %parallel_loop3A_223, %parallel_loop3A_225 : vector<16xf32>
      %parallel_loop3A_227 = arith.index_cast %parallel_loop3A_95 : i32 to index
      %parallel_loop3A_228 = arith.constant 112 : index
      %parallel_loop3A_229 = tpu.vector_load %arg11[%parallel_loop3A_227, %parallel_loop3A_228] {strides = array<i32>} : memref<80x128xf32, #tpu.memory_space<vmem>>, vector<1x16xf32>,
      %parallel_loop3A_230 = vector.shape_cast %parallel_loop3A_229 : vector<1x16xf32> to vector<16xf32>
      %parallel_loop3A_231 = vector.shape_cast %parallel_loop3A_226 : vector<16xf32> to vector<1x16xf32>
      tpu.vector_store %arg11[%parallel_loop3A_227, %parallel_loop3A_228], %parallel_loop3A_231 {strides = array<i32>} : memref<80x128xf32, #tpu.memory_space<vmem>>, vector<1x16xf32>,
    } {sc.loop_unroll_factor = 4 : i64, sc.parallel_access}
    "tpu.region"() ({
      %run_scoped3A = tpu.sem_alloc : memref<!tpu.dma_semaphore, #tpu.memory_space<semaphore_mem>>
      %dma_start3A_95 = arith.constant 0 : i32
      %dma_start3A_96 = arith.constant 0 : i32
      %dma_start3A_97 = tpu.memref_slice %arg16[%dma_start3A_95, %dma_start3A_96] : memref<10000x128xf32, #tpu.memory_space<vmem_shared>> -> memref<10000x128xf32, #tpu.memory_space<vmem_shared>>
      tpu.enqueue_indirect_dma source(%arg11 : memref<80x128xf32, #tpu.memory_space<vmem>>) target(%dma_start3A_97 : memref<10000x128xf32, #tpu.memory_space<vmem_shared>>) offsets(%arg9 : memref<80xi32, #tpu.memory_space<vmem>>) semaphore(%run_scoped3A : memref<!tpu.dma_semaphore, #tpu.memory_space<semaphore_mem>>) {add = true}
      %dma_wait3A_98 = arith.constant 0 : i32
      %dma_wait3A_99 = arith.constant 0 : i32
      %dma_wait3A_100 = tpu.memref_slice %arg16[%dma_wait3A_98, %dma_wait3A_99] : memref<10000x128xf32, #tpu.memory_space<vmem_shared>> -> memref<10000x128xf32, #tpu.memory_space<vmem_shared>>
      tpu.wait_indirect_dma semaphore(%run_scoped3A : memref<!tpu.dma_semaphore, #tpu.memory_space<semaphore_mem>>) src(%arg11 : memref<80x128xf32, #tpu.memory_space<vmem>>) dst(%dma_wait3A_100 : memref<10000x128xf32, #tpu.memory_space<vmem_shared>>)
      tpu.yield
    }) : () -> ()
    %dma_wait3A_77 = arith.constant 0 : i32
    %dma_wait3A_78 = tpu.memref_slice %arg3[%dma_wait3A_77] : memref<320000xi32, #tpu.memory_space<hbm>> -> memref<80xi32, #tpu.memory_space<hbm>>
    %dma_wait3A_79 = arith.constant 0 : i32
    %dma_wait3A_80 = tpu.memref_slice %arg3[%dma_wait3A_79] : memref<320000xi32, #tpu.memory_space<hbm>> -> memref<80xi32, #tpu.memory_space<hbm>>
    tpu.wait_dma2 semaphore(%arg18 : memref<!tpu.dma_semaphore, #tpu.memory_space<semaphore_mem>>) src(%dma_wait3A_80 : memref<80xi32, #tpu.memory_space<hbm>>) dst(%arg8 : memref<80xi32, #tpu.memory_space<vmem>>)
    %dma_wait3A_81 = arith.constant 0 : i32
    %dma_wait3A_82 = tpu.memref_slice %arg4[%dma_wait3A_81] : memref<320000xi32, #tpu.memory_space<hbm>> -> memref<80xi32, #tpu.memory_space<hbm>>
    %dma_wait3A_83 = arith.constant 0 : i32
    %dma_wait3A_84 = tpu.memref_slice %arg4[%dma_wait3A_83] : memref<320000xi32, #tpu.memory_space<hbm>> -> memref<80xi32, #tpu.memory_space<hbm>>
    tpu.wait_dma2 semaphore(%arg18 : memref<!tpu.dma_semaphore, #tpu.memory_space<semaphore_mem>>) src(%dma_wait3A_84 : memref<80xi32, #tpu.memory_space<hbm>>) dst(%arg10 : memref<80xi32, #tpu.memory_space<vmem>>)
    %barrier3A_85 = arith.constant 0 : index
    tpu.barrier barrier_id(%barrier3A_85)
    %mul3A_86 = arith.constant 624 : i32
    %mul3A_87 = arith.muli %arg1, %mul3A_86 : i32
    %mul3A_88 = arith.constant 624 : i32
    %mul3A_89 = arith.muli %arg1, %mul3A_88 : i32
    "tpu.region"() ({
      %run_scoped3A = tpu.sem_alloc : memref<!tpu.dma_semaphore, #tpu.memory_space<semaphore_mem>>
      %dma_start3A_95 = arith.constant 0 : i32
      %dma_start3A_96 = tpu.memref_slice %arg6[%arg0, %mul3A_89, %dma_start3A_95] : memref<2x10000x128xf32, #tpu.memory_space<hbm>> -> memref<1x624x128xf32, #tpu.memory_space<hbm>>
      %dma_start3A_97 = tpu.memref_squeeze %dma_start3A_96 : memref<1x624x128xf32, #tpu.memory_space<hbm>> -> memref<624x128xf32, #tpu.memory_space<hbm>>
      %dma_start3A_98 = arith.constant 0 : i32
      %dma_start3A_99 = tpu.memref_slice %arg16[%mul3A_87, %dma_start3A_98] : memref<10000x128xf32, #tpu.memory_space<vmem_shared>> -> memref<624x128xf32, #tpu.memory_space<vmem_shared>>
      tpu.enqueue_dma source(%dma_start3A_99 : memref<624x128xf32, #tpu.memory_space<vmem_shared>>) target(%dma_start3A_97 : memref<624x128xf32, #tpu.memory_space<hbm>>) target_semaphore(%run_scoped3A : memref<!tpu.dma_semaphore, #tpu.memory_space<semaphore_mem>>)
      %dma_wait3A_100 = arith.constant 0 : i32
      %dma_wait3A_101 = tpu.memref_slice %arg6[%arg0, %mul3A_89, %dma_wait3A_100] : memref<2x10000x128xf32, #tpu.memory_space<hbm>> -> memref<1x624x128xf32, #tpu.memory_space<hbm>>
      %dma_wait3A_102 = tpu.memref_squeeze %dma_wait3A_101 : memref<1x624x128xf32, #tpu.memory_space<hbm>> -> memref<624x128xf32, #tpu.memory_space<hbm>>
      %dma_wait3A_103 = arith.constant 0 : i32
      %dma_wait3A_104 = tpu.memref_slice %arg16[%mul3A_87, %dma_wait3A_103] : memref<10000x128xf32, #tpu.memory_space<vmem_shared>> -> memref<624x128xf32, #tpu.memory_space<vmem_shared>>
      tpu.wait_dma2 semaphore(%run_scoped3A : memref<!tpu.dma_semaphore, #tpu.memory_space<semaphore_mem>>) src(%dma_wait3A_104 : memref<624x128xf32, #tpu.memory_space<vmem_shared>>) dst(%dma_wait3A_102 : memref<624x128xf32, #tpu.memory_space<hbm>>)
      tpu.yield
    }) : () -> ()
    %eq3A_90 = arith.constant 15 : i32
    %eq3A_91 = arith.cmpi eq, %arg1, %eq3A_90 : i32
    %convert_element_type3A_92 = arith.extui %eq3A_91 : i1 to i32
    %cond3A_93 = arith.constant 0 : i32
    %cond3A_94 = arith.cmpi ne, %convert_element_type3A_92, %cond3A_93 : i32
    scf.if %cond3A_94 {
      "tpu.region"() ({
        %run_scoped3A = tpu.sem_alloc : memref<!tpu.dma_semaphore, #tpu.memory_space<semaphore_mem>>
        %dma_start3A_95 = arith.constant 9984 : i32
        %dma_start3A_96 = arith.constant 0 : i32
        %dma_start3A_97 = tpu.memref_slice %arg6[%arg0, %dma_start3A_95, %dma_start3A_96] : memref<2x10000x128xf32, #tpu.memory_space<hbm>> -> memref<1x16x128xf32, #tpu.memory_space<hbm>>
        %dma_start3A_98 = tpu.memref_squeeze %dma_start3A_97 : memref<1x16x128xf32, #tpu.memory_space<hbm>> -> memref<16x128xf32, #tpu.memory_space<hbm>>
        %dma_start3A_99 = arith.constant 9984 : i32
        %dma_start3A_100 = arith.constant 0 : i32
        %dma_start3A_101 = tpu.memref_slice %arg16[%dma_start3A_99, %dma_start3A_100] : memref<10000x128xf32, #tpu.memory_space<vmem_shared>> -> memref<16x128xf32, #tpu.memory_space<vmem_shared>>
        tpu.enqueue_dma source(%dma_start3A_101 : memref<16x128xf32, #tpu.memory_space<vmem_shared>>) target(%dma_start3A_98 : memref<16x128xf32, #tpu.memory_space<hbm>>) target_semaphore(%run_scoped3A : memref<!tpu.dma_semaphore, #tpu.memory_space<semaphore_mem>>)
        %dma_wait3A_102 = arith.constant 9984 : i32
        %dma_wait3A_103 = arith.constant 0 : i32
        %dma_wait3A_104 = tpu.memref_slice %arg6[%arg0, %dma_wait3A_102, %dma_wait3A_103] : memref<2x10000x128xf32, #tpu.memory_space<hbm>> -> memref<1x16x128xf32, #tpu.memory_space<hbm>>
        %dma_wait3A_105 = tpu.memref_squeeze %dma_wait3A_104 : memref<1x16x128xf32, #tpu.memory_space<hbm>> -> memref<16x128xf32, #tpu.memory_space<hbm>>
        %dma_wait3A_106 = arith.constant 9984 : i32
        %dma_wait3A_107 = arith.constant 0 : i32
        %dma_wait3A_108 = tpu.memref_slice %arg16[%dma_wait3A_106, %dma_wait3A_107] : memref<10000x128xf32, #tpu.memory_space<vmem_shared>> -> memref<16x128xf32, #tpu.memory_space<vmem_shared>>
        tpu.wait_dma2 semaphore(%run_scoped3A : memref<!tpu.dma_semaphore, #tpu.memory_space<semaphore_mem>>) src(%dma_wait3A_108 : memref<16x128xf32, #tpu.memory_space<vmem_shared>>) dst(%dma_wait3A_105 : memref<16x128xf32, #tpu.memory_space<hbm>>)
        tpu.yield
      }) : () -> ()
    } else {
    }
    return
  }
}

#map = affine_map<(d0, d1) -> (0, 0)>
#map1 = affine_map<(d0, d1) -> (0)>
#map2 = affine_map<(d0, d1) -> (0, 0, 0)>
module attributes {stable_mosaic.version = 14 : i64} {
  func.func @_sc_edge_body(%arg0: i32, %arg1: i32, %arg2: memref<10000x128xf32, #tpu.memory_space<hbm>>, %arg3: memref<320000xi32, #tpu.memory_space<hbm>>, %arg4: memref<320000xi32, #tpu.memory_space<hbm>>, %arg5: memref<320000x128xf32, #tpu.memory_space<hbm>>, %arg6: memref<2x10000x128xf32, #tpu.memory_space<hbm>>, %arg7: memref<80xi32, #tpu.memory_space<vmem>>, %arg8: memref<80xi32, #tpu.memory_space<vmem>>, %arg9: memref<80xi32, #tpu.memory_space<vmem>>, %arg10: memref<80xi32, #tpu.memory_space<vmem>>, %arg11: memref<80x128xf32, #tpu.memory_space<vmem>>, %arg12: memref<80x128xf32, #tpu.memory_space<vmem>>, %arg13: memref<80x128xf32, #tpu.memory_space<vmem>>, %arg14: memref<80x128xf32, #tpu.memory_space<vmem>>, %arg15: memref<16x128xf32, #tpu.memory_space<vmem>>, %arg16: memref<10000x128xf32, #tpu.memory_space<vmem_shared>>, %arg17: memref<!tpu.dma_semaphore, #tpu.memory_space<semaphore_mem>>, %arg18: memref<!tpu.dma_semaphore, #tpu.memory_space<semaphore_mem>>, %arg19: memref<!tpu.dma_semaphore, #tpu.memory_space<semaphore_mem>>, %arg20: memref<!tpu.dma_semaphore, #tpu.memory_space<semaphore_mem>>, %arg21: memref<!tpu.dma_semaphore, #tpu.memory_space<semaphore_mem>>, %arg22: memref<!tpu.dma_semaphore, #tpu.memory_space<semaphore_mem>>) attributes {dimension_semantics = [#tpu.dimension_semantics<core_parallel>, #tpu.dimension_semantics<subcore_parallel>], iteration_bounds = array<i64: 2, 16>, scalar_prefetch = 0 : i64, scratch_operands = 16 : i64, tpu.core_type = #tpu.core_type<sc_vector_subcore>, window_params = [{transform_indices = #map}, {transform_indices = #map1}, {transform_indices = #map1}, {transform_indices = #map}, {transform_indices = #map2}]} {
    %mul3A = arith.constant 16 : i32
    %mul3A_0 = arith.muli %arg0, %mul3A : i32
    %add3A = arith.addi %mul3A_0, %arg1 : i32
    %mul3A_1 = arith.constant 10000 : i32
    %mul3A_2 = arith.muli %add3A, %mul3A_1 : i32
    %min3A = arith.constant 0 : i32
    %min3A_3 = arith.constant 124 : i32
    %min3A_4 = arith.minsi %min3A, %min3A_3 : i32
    %mul3A_5 = arith.constant 80 : i32
    %mul3A_6 = arith.muli %min3A_4, %mul3A_5 : i32
    %add3A_7 = arith.addi %mul3A_2, %mul3A_6 : i32
    %dma_start3A = tpu.memref_slice %arg3[%add3A_7] : memref<320000xi32, #tpu.memory_space<hbm>> -> memref<80xi32, #tpu.memory_space<hbm>>
    %dma_start3A_8 = tpu.memref_slice %arg3[%add3A_7] : memref<320000xi32, #tpu.memory_space<hbm>> -> memref<80xi32, #tpu.memory_space<hbm>>
    tpu.enqueue_dma source(%dma_start3A_8 : memref<80xi32, #tpu.memory_space<hbm>>) target(%arg7 : memref<80xi32, #tpu.memory_space<vmem>>) target_semaphore(%arg17 : memref<!tpu.dma_semaphore, #tpu.memory_space<semaphore_mem>>)
    %dma_start3A_9 = tpu.memref_slice %arg4[%add3A_7] : memref<320000xi32, #tpu.memory_space<hbm>> -> memref<80xi32, #tpu.memory_space<hbm>>
    %dma_start3A_10 = tpu.memref_slice %arg4[%add3A_7] : memref<320000xi32, #tpu.memory_space<hbm>> -> memref<80xi32, #tpu.memory_space<hbm>>
    tpu.enqueue_dma source(%dma_start3A_10 : memref<80xi32, #tpu.memory_space<hbm>>) target(%arg9 : memref<80xi32, #tpu.memory_space<vmem>>) target_semaphore(%arg17 : memref<!tpu.dma_semaphore, #tpu.memory_space<semaphore_mem>>)
    %min3A_11 = arith.constant 1 : i32
    %min3A_12 = arith.constant 124 : i32
    %min3A_13 = arith.minsi %min3A_11, %min3A_12 : i32
    %mul3A_14 = arith.constant 80 : i32
    %mul3A_15 = arith.muli %min3A_13, %mul3A_14 : i32
    %add3A_16 = arith.addi %mul3A_2, %mul3A_15 : i32
    %dma_start3A_17 = tpu.memref_slice %arg3[%add3A_16] : memref<320000xi32, #tpu.memory_space<hbm>> -> memref<80xi32, #tpu.memory_space<hbm>>
    %dma_start3A_18 = tpu.memref_slice %arg3[%add3A_16] : memref<320000xi32, #tpu.memory_space<hbm>> -> memref<80xi32, #tpu.memory_space<hbm>>
    tpu.enqueue_dma source(%dma_start3A_18 : memref<80xi32, #tpu.memory_space<hbm>>) target(%arg8 : memref<80xi32, #tpu.memory_space<vmem>>) target_semaphore(%arg18 : memref<!tpu.dma_semaphore, #tpu.memory_space<semaphore_mem>>)
    %dma_start3A_19 = tpu.memref_slice %arg4[%add3A_16] : memref<320000xi32, #tpu.memory_space<hbm>> -> memref<80xi32, #tpu.memory_space<hbm>>
    %dma_start3A_20 = tpu.memref_slice %arg4[%add3A_16] : memref<320000xi32, #tpu.memory_space<hbm>> -> memref<80xi32, #tpu.memory_space<hbm>>
    tpu.enqueue_dma source(%dma_start3A_20 : memref<80xi32, #tpu.memory_space<hbm>>) target(%arg10 : memref<80xi32, #tpu.memory_space<vmem>>) target_semaphore(%arg18 : memref<!tpu.dma_semaphore, #tpu.memory_space<semaphore_mem>>)
    %min3A_21 = arith.constant 0 : i32
    %min3A_22 = arith.constant 124 : i32
    %min3A_23 = arith.minsi %min3A_21, %min3A_22 : i32
    %mul3A_24 = arith.constant 80 : i32
    %mul3A_25 = arith.muli %min3A_23, %mul3A_24 : i32
    %add3A_26 = arith.addi %mul3A_2, %mul3A_25 : i32
    %dma_start3A_27 = arith.constant 0 : i32
    %dma_start3A_28 = tpu.memref_slice %arg5[%add3A_26, %dma_start3A_27] : memref<320000x128xf32, #tpu.memory_space<hbm>> -> memref<80x128xf32, #tpu.memory_space<hbm>>
    %dma_start3A_29 = arith.constant 0 : i32
    %dma_start3A_30 = tpu.memref_slice %arg5[%add3A_26, %dma_start3A_29] : memref<320000x128xf32, #tpu.memory_space<hbm>> -> memref<80x128xf32, #tpu.memory_space<hbm>>
    tpu.enqueue_dma source(%dma_start3A_30 : memref<80x128xf32, #tpu.memory_space<hbm>>) target(%arg13 : memref<80x128xf32, #tpu.memory_space<vmem>>) target_semaphore(%arg19 : memref<!tpu.dma_semaphore, #tpu.memory_space<semaphore_mem>>)
    %scan3A = arith.constant 0 : i32
    %scan3A_31 = arith.constant 0 : i32
    %scan3A_32 = arith.constant 16 : i32
    %scan3A_33 = arith.addi %scan3A_31, %scan3A_32 : i32
    %scan3A_34 = arith.constant 1 : i32
    %scan3A_35 = scf.for %scan3A_95 = %scan3A_31 to %scan3A_33 step %scan3A_34 iter_args(%scan3A_96 = %scan3A) -> (i32)  : i32 {
      %broadcast_in_dim3A = arith.constant 0.000000e+00 : f32
      %broadcast_in_dim3A_97 = vector.broadcast %broadcast_in_dim3A : f32 to vector<16xf32>
      %swap3A = arith.index_cast %scan3A_95 : i32 to index
      %swap3A_98 = arith.constant 0 : index
      %swap3A_99 = tpu.vector_load %arg15[%swap3A, %swap3A_98] {strides = array<i32>} : memref<16x128xf32, #tpu.memory_space<vmem>>, vector<1x16xf32>,
      %swap3A_100 = vector.shape_cast %swap3A_99 : vector<1x16xf32> to vector<16xf32>
      %swap3A_101 = vector.shape_cast %broadcast_in_dim3A_97 : vector<16xf32> to vector<1x16xf32>
      tpu.vector_store %arg15[%swap3A, %swap3A_98], %swap3A_101 {strides = array<i32>} : memref<16x128xf32, #tpu.memory_space<vmem>>, vector<1x16xf32>,
      %broadcast_in_dim3A_102 = arith.constant 0.000000e+00 : f32
      %broadcast_in_dim3A_103 = vector.broadcast %broadcast_in_dim3A_102 : f32 to vector<16xf32>
      %swap3A_104 = arith.index_cast %scan3A_95 : i32 to index
      %swap3A_105 = arith.constant 16 : index
      %swap3A_106 = tpu.vector_load %arg15[%swap3A_104, %swap3A_105] {strides = array<i32>} : memref<16x128xf32, #tpu.memory_space<vmem>>, vector<1x16xf32>,
      %swap3A_107 = vector.shape_cast %swap3A_106 : vector<1x16xf32> to vector<16xf32>
      %swap3A_108 = vector.shape_cast %broadcast_in_dim3A_103 : vector<16xf32> to vector<1x16xf32>
      tpu.vector_store %arg15[%swap3A_104, %swap3A_105], %swap3A_108 {strides = array<i32>} : memref<16x128xf32, #tpu.memory_space<vmem>>, vector<1x16xf32>,
      %broadcast_in_dim3A_109 = arith.constant 0.000000e+00 : f32
      %broadcast_in_dim3A_110 = vector.broadcast %broadcast_in_dim3A_109 : f32 to vector<16xf32>
      %swap3A_111 = arith.index_cast %scan3A_95 : i32 to index
      %swap3A_112 = arith.constant 32 : index
      %swap3A_113 = tpu.vector_load %arg15[%swap3A_111, %swap3A_112] {strides = array<i32>} : memref<16x128xf32, #tpu.memory_space<vmem>>, vector<1x16xf32>,
      %swap3A_114 = vector.shape_cast %swap3A_113 : vector<1x16xf32> to vector<16xf32>
      %swap3A_115 = vector.shape_cast %broadcast_in_dim3A_110 : vector<16xf32> to vector<1x16xf32>
      tpu.vector_store %arg15[%swap3A_111, %swap3A_112], %swap3A_115 {strides = array<i32>} : memref<16x128xf32, #tpu.memory_space<vmem>>, vector<1x16xf32>,
      %broadcast_in_dim3A_116 = arith.constant 0.000000e+00 : f32
      %broadcast_in_dim3A_117 = vector.broadcast %broadcast_in_dim3A_116 : f32 to vector<16xf32>
      %swap3A_118 = arith.index_cast %scan3A_95 : i32 to index
      %swap3A_119 = arith.constant 48 : index
      %swap3A_120 = tpu.vector_load %arg15[%swap3A_118, %swap3A_119] {strides = array<i32>} : memref<16x128xf32, #tpu.memory_space<vmem>>, vector<1x16xf32>,
      %swap3A_121 = vector.shape_cast %swap3A_120 : vector<1x16xf32> to vector<16xf32>
      %swap3A_122 = vector.shape_cast %broadcast_in_dim3A_117 : vector<16xf32> to vector<1x16xf32>
      tpu.vector_store %arg15[%swap3A_118, %swap3A_119], %swap3A_122 {strides = array<i32>} : memref<16x128xf32, #tpu.memory_space<vmem>>, vector<1x16xf32>,
      %broadcast_in_dim3A_123 = arith.constant 0.000000e+00 : f32
      %broadcast_in_dim3A_124 = vector.broadcast %broadcast_in_dim3A_123 : f32 to vector<16xf32>
      %swap3A_125 = arith.index_cast %scan3A_95 : i32 to index
      %swap3A_126 = arith.constant 64 : index
      %swap3A_127 = tpu.vector_load %arg15[%swap3A_125, %swap3A_126] {strides = array<i32>} : memref<16x128xf32, #tpu.memory_space<vmem>>, vector<1x16xf32>,
      %swap3A_128 = vector.shape_cast %swap3A_127 : vector<1x16xf32> to vector<16xf32>
      %swap3A_129 = vector.shape_cast %broadcast_in_dim3A_124 : vector<16xf32> to vector<1x16xf32>
      tpu.vector_store %arg15[%swap3A_125, %swap3A_126], %swap3A_129 {strides = array<i32>} : memref<16x128xf32, #tpu.memory_space<vmem>>, vector<1x16xf32>,
      %broadcast_in_dim3A_130 = arith.constant 0.000000e+00 : f32
      %broadcast_in_dim3A_131 = vector.broadcast %broadcast_in_dim3A_130 : f32 to vector<16xf32>
      %swap3A_132 = arith.index_cast %scan3A_95 : i32 to index
      %swap3A_133 = arith.constant 80 : index
      %swap3A_134 = tpu.vector_load %arg15[%swap3A_132, %swap3A_133] {strides = array<i32>} : memref<16x128xf32, #tpu.memory_space<vmem>>, vector<1x16xf32>,
      %swap3A_135 = vector.shape_cast %swap3A_134 : vector<1x16xf32> to vector<16xf32>
      %swap3A_136 = vector.shape_cast %broadcast_in_dim3A_131 : vector<16xf32> to vector<1x16xf32>
      tpu.vector_store %arg15[%swap3A_132, %swap3A_133], %swap3A_136 {strides = array<i32>} : memref<16x128xf32, #tpu.memory_space<vmem>>, vector<1x16xf32>,
      %broadcast_in_dim3A_137 = arith.constant 0.000000e+00 : f32
      %broadcast_in_dim3A_138 = vector.broadcast %broadcast_in_dim3A_137 : f32 to vector<16xf32>
      %swap3A_139 = arith.index_cast %scan3A_95 : i32 to index
      %swap3A_140 = arith.constant 96 : index
      %swap3A_141 = tpu.vector_load %arg15[%swap3A_139, %swap3A_140] {strides = array<i32>} : memref<16x128xf32, #tpu.memory_space<vmem>>, vector<1x16xf32>,
      %swap3A_142 = vector.shape_cast %swap3A_141 : vector<1x16xf32> to vector<16xf32>
      %swap3A_143 = vector.shape_cast %broadcast_in_dim3A_138 : vector<16xf32> to vector<1x16xf32>
      tpu.vector_store %arg15[%swap3A_139, %swap3A_140], %swap3A_143 {strides = array<i32>} : memref<16x128xf32, #tpu.memory_space<vmem>>, vector<1x16xf32>,
      %broadcast_in_dim3A_144 = arith.constant 0.000000e+00 : f32
      %broadcast_in_dim3A_145 = vector.broadcast %broadcast_in_dim3A_144 : f32 to vector<16xf32>
      %swap3A_146 = arith.index_cast %scan3A_95 : i32 to index
      %swap3A_147 = arith.constant 112 : index
      %swap3A_148 = tpu.vector_load %arg15[%swap3A_146, %swap3A_147] {strides = array<i32>} : memref<16x128xf32, #tpu.memory_space<vmem>>, vector<1x16xf32>,
      %swap3A_149 = vector.shape_cast %swap3A_148 : vector<1x16xf32> to vector<16xf32>
      %swap3A_150 = vector.shape_cast %broadcast_in_dim3A_145 : vector<16xf32> to vector<1x16xf32>
      tpu.vector_store %arg15[%swap3A_146, %swap3A_147], %swap3A_150 {strides = array<i32>} : memref<16x128xf32, #tpu.memory_space<vmem>>, vector<1x16xf32>,
      %scan3A_151 = arith.constant 0 : i32
      scf.yield %scan3A_151 : i32
    }
    %scan3A_36 = arith.constant 16 : i32
    %scan3A_37 = arith.constant 0 : i32
    %scan3A_38 = arith.constant 0 : i32
    %scan3A_39 = arith.constant 39 : i32
    %scan3A_40 = arith.addi %scan3A_38, %scan3A_39 : i32
    %scan3A_41 = arith.constant 1 : i32
    %scan3A_42 = scf.for %scan3A_95 = %scan3A_38 to %scan3A_40 step %scan3A_41 iter_args(%scan3A_96 = %scan3A_37) -> (i32)  : i32 {
      %mul3A_97 = arith.constant 624 : i32
      %mul3A_98 = arith.muli %arg1, %mul3A_97 : i32
      %mul3A_99 = arith.constant 16 : i32
      %mul3A_100 = arith.muli %scan3A_95, %mul3A_99 : i32
      %add3A_101 = arith.addi %mul3A_98, %mul3A_100 : i32
      "tpu.region"() ({
        %run_scoped3A = tpu.sem_alloc : memref<!tpu.dma_semaphore, #tpu.memory_space<semaphore_mem>>
        %dma_start3A_103 = arith.constant 0 : i32
        %dma_start3A_104 = tpu.memref_slice %arg16[%add3A_101, %dma_start3A_103] : memref<10000x128xf32, #tpu.memory_space<vmem_shared>> -> memref<16x128xf32, #tpu.memory_space<vmem_shared>>
        %dma_start3A_105 = arith.constant 0 : i32
        %dma_start3A_106 = tpu.memref_slice %arg16[%add3A_101, %dma_start3A_105] : memref<10000x128xf32, #tpu.memory_space<vmem_shared>> -> memref<16x128xf32, #tpu.memory_space<vmem_shared>>
        tpu.enqueue_dma source(%arg15 : memref<16x128xf32, #tpu.memory_space<vmem>>) target(%dma_start3A_106 : memref<16x128xf32, #tpu.memory_space<vmem_shared>>) target_semaphore(%run_scoped3A : memref<!tpu.dma_semaphore, #tpu.memory_space<semaphore_mem>>)
        %dma_wait3A_107 = arith.constant 0 : i32
        %dma_wait3A_108 = tpu.memref_slice %arg16[%add3A_101, %dma_wait3A_107] : memref<10000x128xf32, #tpu.memory_space<vmem_shared>> -> memref<16x128xf32, #tpu.memory_space<vmem_shared>>
        %dma_wait3A_109 = arith.constant 0 : i32
        %dma_wait3A_110 = tpu.memref_slice %arg16[%add3A_101, %dma_wait3A_109] : memref<10000x128xf32, #tpu.memory_space<vmem_shared>> -> memref<16x128xf32, #tpu.memory_space<vmem_shared>>
        tpu.wait_dma2 semaphore(%run_scoped3A : memref<!tpu.dma_semaphore, #tpu.memory_space<semaphore_mem>>) src(%arg15 : memref<16x128xf32, #tpu.memory_space<vmem>>) dst(%dma_wait3A_110 : memref<16x128xf32, #tpu.memory_space<vmem_shared>>)
        tpu.yield
      }) : () -> ()
      %scan3A_102 = arith.constant 0 : i32
      scf.yield %scan3A_102 : i32
    }
    %scan3A_43 = arith.constant 39 : i32
    %eq3A = arith.constant 15 : i32
    %eq3A_44 = arith.cmpi eq, %arg1, %eq3A : i32
    %convert_element_type3A = arith.extui %eq3A_44 : i1 to i32
    %cond3A = arith.constant 0 : i32
    %cond3A_45 = arith.cmpi ne, %convert_element_type3A, %cond3A : i32
    scf.if %cond3A_45 {
      %scan3A_95 = arith.constant 0 : i32
      %scan3A_96 = arith.constant 0 : i32
      %mul3A_97 = arith.constant 16 : i32
      %mul3A_98 = arith.muli %scan3A_96, %mul3A_97 : i32
      %add3A_99 = arith.constant 9984 : i32
      %add3A_100 = arith.addi %add3A_99, %mul3A_98 : i32
      "tpu.region"() ({
        %run_scoped3A = tpu.sem_alloc : memref<!tpu.dma_semaphore, #tpu.memory_space<semaphore_mem>>
        %dma_start3A_103 = arith.constant 0 : i32
        %dma_start3A_104 = tpu.memref_slice %arg16[%add3A_100, %dma_start3A_103] : memref<10000x128xf32, #tpu.memory_space<vmem_shared>> -> memref<16x128xf32, #tpu.memory_space<vmem_shared>>
        %dma_start3A_105 = arith.constant 0 : i32
        %dma_start3A_106 = tpu.memref_slice %arg16[%add3A_100, %dma_start3A_105] : memref<10000x128xf32, #tpu.memory_space<vmem_shared>> -> memref<16x128xf32, #tpu.memory_space<vmem_shared>>
        tpu.enqueue_dma source(%arg15 : memref<16x128xf32, #tpu.memory_space<vmem>>) target(%dma_start3A_106 : memref<16x128xf32, #tpu.memory_space<vmem_shared>>) target_semaphore(%run_scoped3A : memref<!tpu.dma_semaphore, #tpu.memory_space<semaphore_mem>>)
        %dma_wait3A_107 = arith.constant 0 : i32
        %dma_wait3A_108 = tpu.memref_slice %arg16[%add3A_100, %dma_wait3A_107] : memref<10000x128xf32, #tpu.memory_space<vmem_shared>> -> memref<16x128xf32, #tpu.memory_space<vmem_shared>>
        %dma_wait3A_109 = arith.constant 0 : i32
        %dma_wait3A_110 = tpu.memref_slice %arg16[%add3A_100, %dma_wait3A_109] : memref<10000x128xf32, #tpu.memory_space<vmem_shared>> -> memref<16x128xf32, #tpu.memory_space<vmem_shared>>
        tpu.wait_dma2 semaphore(%run_scoped3A : memref<!tpu.dma_semaphore, #tpu.memory_space<semaphore_mem>>) src(%arg15 : memref<16x128xf32, #tpu.memory_space<vmem>>) dst(%dma_wait3A_110 : memref<16x128xf32, #tpu.memory_space<vmem_shared>>)
        tpu.yield
      }) : () -> ()
      %scan3A_101 = arith.constant 0 : i32
      %scan3A_102 = arith.constant 1 : i32
    } else {
    }
    %dma_wait3A = arith.constant 0 : i32
    %dma_wait3A_46 = tpu.memref_slice %arg3[%dma_wait3A] : memref<320000xi32, #tpu.memory_space<hbm>> -> memref<80xi32, #tpu.memory_space<hbm>>
    %dma_wait3A_47 = arith.constant 0 : i32
    %dma_wait3A_48 = tpu.memref_slice %arg3[%dma_wait3A_47] : memref<320000xi32, #tpu.memory_space<hbm>> -> memref<80xi32, #tpu.memory_space<hbm>>
    tpu.wait_dma2 semaphore(%arg17 : memref<!tpu.dma_semaphore, #tpu.memory_space<semaphore_mem>>) src(%dma_wait3A_48 : memref<80xi32, #tpu.memory_space<hbm>>) dst(%arg7 : memref<80xi32, #tpu.memory_space<vmem>>)
    %dma_wait3A_49 = arith.constant 0 : i32
    %dma_wait3A_50 = tpu.memref_slice %arg4[%dma_wait3A_49] : memref<320000xi32, #tpu.memory_space<hbm>> -> memref<80xi32, #tpu.memory_space<hbm>>
    %dma_wait3A_51 = arith.constant 0 : i32
    %dma_wait3A_52 = tpu.memref_slice %arg4[%dma_wait3A_51] : memref<320000xi32, #tpu.memory_space<hbm>> -> memref<80xi32, #tpu.memory_space<hbm>>
    tpu.wait_dma2 semaphore(%arg17 : memref<!tpu.dma_semaphore, #tpu.memory_space<semaphore_mem>>) src(%dma_wait3A_52 : memref<80xi32, #tpu.memory_space<hbm>>) dst(%arg9 : memref<80xi32, #tpu.memory_space<vmem>>)
    %dma_start3A_53 = arith.constant 0 : i32
    %dma_start3A_54 = arith.constant 0 : i32
    %dma_start3A_55 = tpu.memref_slice %arg2[%dma_start3A_53, %dma_start3A_54] : memref<10000x128xf32, #tpu.memory_space<hbm>> -> memref<10000x128xf32, #tpu.memory_space<hbm>>
    tpu.enqueue_indirect_dma source(%dma_start3A_55 : memref<10000x128xf32, #tpu.memory_space<hbm>>) target(%arg11 : memref<80x128xf32, #tpu.memory_space<vmem>>) offsets(%arg7 : memref<80xi32, #tpu.memory_space<vmem>>) semaphore(%arg21 : memref<!tpu.dma_semaphore, #tpu.memory_space<semaphore_mem>>)
    %barrier3A = arith.constant 0 : index
    tpu.barrier barrier_id(%barrier3A)
    %scan3A_56 = arith.constant 0 : i32
    %scan3A_57 = arith.constant 0 : i32
    %scan3A_58 = arith.constant 62 : i32
    %scan3A_59 = arith.addi %scan3A_57, %scan3A_58 : i32
    %scan3A_60 = arith.constant 1 : i32
    %scan3A_61 = scf.for %scan3A_95 = %scan3A_57 to %scan3A_59 step %scan3A_60 iter_args(%scan3A_96 = %scan3A_56) -> (i32)  : i32 {
      %mul3A_97 = arith.constant 2 : i32
      %mul3A_98 = arith.muli %mul3A_97, %scan3A_95 : i32
      %add3A_99 = arith.constant 1 : i32
      %add3A_100 = arith.addi %mul3A_98, %add3A_99 : i32
      %min3A_101 = arith.constant 124 : i32
      %min3A_102 = arith.minsi %add3A_100, %min3A_101 : i32
      %mul3A_103 = arith.constant 80 : i32
      %mul3A_104 = arith.muli %min3A_102, %mul3A_103 : i32
      %add3A_105 = arith.addi %mul3A_2, %mul3A_104 : i32
      %dma_start3A_106 = arith.constant 0 : i32
      %dma_start3A_107 = tpu.memref_slice %arg5[%add3A_105, %dma_start3A_106] : memref<320000x128xf32, #tpu.memory_space<hbm>> -> memref<80x128xf32, #tpu.memory_space<hbm>>
      %dma_start3A_108 = arith.constant 0 : i32
      %dma_start3A_109 = tpu.memref_slice %arg5[%add3A_105, %dma_start3A_108] : memref<320000x128xf32, #tpu.memory_space<hbm>> -> memref<80x128xf32, #tpu.memory_space<hbm>>
      tpu.enqueue_dma source(%dma_start3A_109 : memref<80x128xf32, #tpu.memory_space<hbm>>) target(%arg14 : memref<80x128xf32, #tpu.memory_space<vmem>>) target_semaphore(%arg20 : memref<!tpu.dma_semaphore, #tpu.memory_space<semaphore_mem>>)
      %dma_wait3A_110 = arith.constant 0 : i32
      %dma_wait3A_111 = tpu.memref_slice %arg3[%dma_wait3A_110] : memref<320000xi32, #tpu.memory_space<hbm>> -> memref<80xi32, #tpu.memory_space<hbm>>
      %dma_wait3A_112 = arith.constant 0 : i32
      %dma_wait3A_113 = tpu.memref_slice %arg3[%dma_wait3A_112] : memref<320000xi32, #tpu.memory_space<hbm>> -> memref<80xi32, #tpu.memory_space<hbm>>
      tpu.wait_dma2 semaphore(%arg18 : memref<!tpu.dma_semaphore, #tpu.memory_space<semaphore_mem>>) src(%dma_wait3A_113 : memref<80xi32, #tpu.memory_space<hbm>>) dst(%arg8 : memref<80xi32, #tpu.memory_space<vmem>>)
      %dma_wait3A_114 = arith.constant 0 : i32
      %dma_wait3A_115 = tpu.memref_slice %arg4[%dma_wait3A_114] : memref<320000xi32, #tpu.memory_space<hbm>> -> memref<80xi32, #tpu.memory_space<hbm>>
      %dma_wait3A_116 = arith.constant 0 : i32
      %dma_wait3A_117 = tpu.memref_slice %arg4[%dma_wait3A_116] : memref<320000xi32, #tpu.memory_space<hbm>> -> memref<80xi32, #tpu.memory_space<hbm>>
      tpu.wait_dma2 semaphore(%arg18 : memref<!tpu.dma_semaphore, #tpu.memory_space<semaphore_mem>>) src(%dma_wait3A_117 : memref<80xi32, #tpu.memory_space<hbm>>) dst(%arg10 : memref<80xi32, #tpu.memory_space<vmem>>)
      %dma_start3A_118 = arith.constant 0 : i32
      %dma_start3A_119 = arith.constant 0 : i32
      %dma_start3A_120 = tpu.memref_slice %arg2[%dma_start3A_118, %dma_start3A_119] : memref<10000x128xf32, #tpu.memory_space<hbm>> -> memref<10000x128xf32, #tpu.memory_space<hbm>>
      tpu.enqueue_indirect_dma source(%dma_start3A_120 : memref<10000x128xf32, #tpu.memory_space<hbm>>) target(%arg12 : memref<80x128xf32, #tpu.memory_space<vmem>>) offsets(%arg8 : memref<80xi32, #tpu.memory_space<vmem>>) semaphore(%arg22 : memref<!tpu.dma_semaphore, #tpu.memory_space<semaphore_mem>>)
      %dma_wait3A_121 = arith.constant 0 : i32
      %dma_wait3A_122 = arith.constant 0 : i32
      %dma_wait3A_123 = tpu.memref_slice %arg5[%dma_wait3A_121, %dma_wait3A_122] : memref<320000x128xf32, #tpu.memory_space<hbm>> -> memref<80x128xf32, #tpu.memory_space<hbm>>
      %dma_wait3A_124 = arith.constant 0 : i32
      %dma_wait3A_125 = arith.constant 0 : i32
      %dma_wait3A_126 = tpu.memref_slice %arg5[%dma_wait3A_124, %dma_wait3A_125] : memref<320000x128xf32, #tpu.memory_space<hbm>> -> memref<80x128xf32, #tpu.memory_space<hbm>>
      tpu.wait_dma2 semaphore(%arg19 : memref<!tpu.dma_semaphore, #tpu.memory_space<semaphore_mem>>) src(%dma_wait3A_126 : memref<80x128xf32, #tpu.memory_space<hbm>>) dst(%arg13 : memref<80x128xf32, #tpu.memory_space<vmem>>)
      %dma_wait3A_127 = arith.constant 0 : i32
      %dma_wait3A_128 = arith.constant 0 : i32
      %dma_wait3A_129 = tpu.memref_slice %arg2[%dma_wait3A_127, %dma_wait3A_128] : memref<10000x128xf32, #tpu.memory_space<hbm>> -> memref<80x128xf32, #tpu.memory_space<hbm>>
      %dma_wait3A_130 = arith.constant 0 : i32
      %dma_wait3A_131 = arith.constant 0 : i32
      %dma_wait3A_132 = tpu.memref_slice %arg2[%dma_wait3A_130, %dma_wait3A_131] : memref<10000x128xf32, #tpu.memory_space<hbm>> -> memref<80x128xf32, #tpu.memory_space<hbm>>
      tpu.wait_dma2 semaphore(%arg21 : memref<!tpu.dma_semaphore, #tpu.memory_space<semaphore_mem>>) src(%dma_wait3A_132 : memref<80x128xf32, #tpu.memory_space<hbm>>) dst(%arg11 : memref<80x128xf32, #tpu.memory_space<vmem>>)
      %parallel_loop3A_133 = arith.constant 0 : i32
      %parallel_loop3A_134 = arith.constant 80 : i32
      %parallel_loop3A_135 = arith.constant 1 : i32
      scf.for %parallel_loop3A_196 = %parallel_loop3A_133 to %parallel_loop3A_134 step %parallel_loop3A_135  : i32 {
        %parallel_loop3A_197 = arith.index_cast %parallel_loop3A_196 : i32 to index
        %parallel_loop3A_198 = arith.constant 0 : index
        %parallel_loop3A_199 = tpu.vector_load %arg11[%parallel_loop3A_197, %parallel_loop3A_198] {strides = array<i32>} : memref<80x128xf32, #tpu.memory_space<vmem>>, vector<1x16xf32>,
        %parallel_loop3A_200 = vector.shape_cast %parallel_loop3A_199 : vector<1x16xf32> to vector<16xf32>
        %parallel_loop3A_201 = arith.index_cast %parallel_loop3A_196 : i32 to index
        %parallel_loop3A_202 = arith.constant 0 : index
        %parallel_loop3A_203 = tpu.vector_load %arg13[%parallel_loop3A_201, %parallel_loop3A_202] {strides = array<i32>} : memref<80x128xf32, #tpu.memory_space<vmem>>, vector<1x16xf32>,
        %parallel_loop3A_204 = vector.shape_cast %parallel_loop3A_203 : vector<1x16xf32> to vector<16xf32>
        %parallel_loop3A_205 = arith.addf %parallel_loop3A_200, %parallel_loop3A_204 : vector<16xf32>
        %parallel_loop3A_206 = arith.constant 0.000000e+00 : f32
        %parallel_loop3A_207 = vector.broadcast %parallel_loop3A_206 : f32 to vector<16xf32>
        %parallel_loop3A_208 = arith.maximumf %parallel_loop3A_205, %parallel_loop3A_207 : vector<16xf32>
        %parallel_loop3A_209 = arith.index_cast %parallel_loop3A_196 : i32 to index
        %parallel_loop3A_210 = arith.constant 0 : index
        %parallel_loop3A_211 = tpu.vector_load %arg11[%parallel_loop3A_209, %parallel_loop3A_210] {strides = array<i32>} : memref<80x128xf32, #tpu.memory_space<vmem>>, vector<1x16xf32>,
        %parallel_loop3A_212 = vector.shape_cast %parallel_loop3A_211 : vector<1x16xf32> to vector<16xf32>
        %parallel_loop3A_213 = vector.shape_cast %parallel_loop3A_208 : vector<16xf32> to vector<1x16xf32>
        tpu.vector_store %arg11[%parallel_loop3A_209, %parallel_loop3A_210], %parallel_loop3A_213 {strides = array<i32>} : memref<80x128xf32, #tpu.memory_space<vmem>>, vector<1x16xf32>,
        %parallel_loop3A_214 = arith.index_cast %parallel_loop3A_196 : i32 to index
        %parallel_loop3A_215 = arith.constant 16 : index
        %parallel_loop3A_216 = tpu.vector_load %arg11[%parallel_loop3A_214, %parallel_loop3A_215] {strides = array<i32>} : memref<80x128xf32, #tpu.memory_space<vmem>>, vector<1x16xf32>,
        %parallel_loop3A_217 = vector.shape_cast %parallel_loop3A_216 : vector<1x16xf32> to vector<16xf32>
        %parallel_loop3A_218 = arith.index_cast %parallel_loop3A_196 : i32 to index
        %parallel_loop3A_219 = arith.constant 16 : index
        %parallel_loop3A_220 = tpu.vector_load %arg13[%parallel_loop3A_218, %parallel_loop3A_219] {strides = array<i32>} : memref<80x128xf32, #tpu.memory_space<vmem>>, vector<1x16xf32>,
        %parallel_loop3A_221 = vector.shape_cast %parallel_loop3A_220 : vector<1x16xf32> to vector<16xf32>
        %parallel_loop3A_222 = arith.addf %parallel_loop3A_217, %parallel_loop3A_221 : vector<16xf32>
        %parallel_loop3A_223 = arith.constant 0.000000e+00 : f32
        %parallel_loop3A_224 = vector.broadcast %parallel_loop3A_223 : f32 to vector<16xf32>
        %parallel_loop3A_225 = arith.maximumf %parallel_loop3A_222, %parallel_loop3A_224 : vector<16xf32>
        %parallel_loop3A_226 = arith.index_cast %parallel_loop3A_196 : i32 to index
        %parallel_loop3A_227 = arith.constant 16 : index
        %parallel_loop3A_228 = tpu.vector_load %arg11[%parallel_loop3A_226, %parallel_loop3A_227] {strides = array<i32>} : memref<80x128xf32, #tpu.memory_space<vmem>>, vector<1x16xf32>,
        %parallel_loop3A_229 = vector.shape_cast %parallel_loop3A_228 : vector<1x16xf32> to vector<16xf32>
        %parallel_loop3A_230 = vector.shape_cast %parallel_loop3A_225 : vector<16xf32> to vector<1x16xf32>
        tpu.vector_store %arg11[%parallel_loop3A_226, %parallel_loop3A_227], %parallel_loop3A_230 {strides = array<i32>} : memref<80x128xf32, #tpu.memory_space<vmem>>, vector<1x16xf32>,
        %parallel_loop3A_231 = arith.index_cast %parallel_loop3A_196 : i32 to index
        %parallel_loop3A_232 = arith.constant 32 : index
        %parallel_loop3A_233 = tpu.vector_load %arg11[%parallel_loop3A_231, %parallel_loop3A_232] {strides = array<i32>} : memref<80x128xf32, #tpu.memory_space<vmem>>, vector<1x16xf32>,
        %parallel_loop3A_234 = vector.shape_cast %parallel_loop3A_233 : vector<1x16xf32> to vector<16xf32>
        %parallel_loop3A_235 = arith.index_cast %parallel_loop3A_196 : i32 to index
        %parallel_loop3A_236 = arith.constant 32 : index
        %parallel_loop3A_237 = tpu.vector_load %arg13[%parallel_loop3A_235, %parallel_loop3A_236] {strides = array<i32>} : memref<80x128xf32, #tpu.memory_space<vmem>>, vector<1x16xf32>,
        %parallel_loop3A_238 = vector.shape_cast %parallel_loop3A_237 : vector<1x16xf32> to vector<16xf32>
        %parallel_loop3A_239 = arith.addf %parallel_loop3A_234, %parallel_loop3A_238 : vector<16xf32>
        %parallel_loop3A_240 = arith.constant 0.000000e+00 : f32
        %parallel_loop3A_241 = vector.broadcast %parallel_loop3A_240 : f32 to vector<16xf32>
        %parallel_loop3A_242 = arith.maximumf %parallel_loop3A_239, %parallel_loop3A_241 : vector<16xf32>
        %parallel_loop3A_243 = arith.index_cast %parallel_loop3A_196 : i32 to index
        %parallel_loop3A_244 = arith.constant 32 : index
        %parallel_loop3A_245 = tpu.vector_load %arg11[%parallel_loop3A_243, %parallel_loop3A_244] {strides = array<i32>} : memref<80x128xf32, #tpu.memory_space<vmem>>, vector<1x16xf32>,
        %parallel_loop3A_246 = vector.shape_cast %parallel_loop3A_245 : vector<1x16xf32> to vector<16xf32>
        %parallel_loop3A_247 = vector.shape_cast %parallel_loop3A_242 : vector<16xf32> to vector<1x16xf32>
        tpu.vector_store %arg11[%parallel_loop3A_243, %parallel_loop3A_244], %parallel_loop3A_247 {strides = array<i32>} : memref<80x128xf32, #tpu.memory_space<vmem>>, vector<1x16xf32>,
        %parallel_loop3A_248 = arith.index_cast %parallel_loop3A_196 : i32 to index
        %parallel_loop3A_249 = arith.constant 48 : index
        %parallel_loop3A_250 = tpu.vector_load %arg11[%parallel_loop3A_248, %parallel_loop3A_249] {strides = array<i32>} : memref<80x128xf32, #tpu.memory_space<vmem>>, vector<1x16xf32>,
        %parallel_loop3A_251 = vector.shape_cast %parallel_loop3A_250 : vector<1x16xf32> to vector<16xf32>
        %parallel_loop3A_252 = arith.index_cast %parallel_loop3A_196 : i32 to index
        %parallel_loop3A_253 = arith.constant 48 : index
        %parallel_loop3A_254 = tpu.vector_load %arg13[%parallel_loop3A_252, %parallel_loop3A_253] {strides = array<i32>} : memref<80x128xf32, #tpu.memory_space<vmem>>, vector<1x16xf32>,
        %parallel_loop3A_255 = vector.shape_cast %parallel_loop3A_254 : vector<1x16xf32> to vector<16xf32>
        %parallel_loop3A_256 = arith.addf %parallel_loop3A_251, %parallel_loop3A_255 : vector<16xf32>
        %parallel_loop3A_257 = arith.constant 0.000000e+00 : f32
        %parallel_loop3A_258 = vector.broadcast %parallel_loop3A_257 : f32 to vector<16xf32>
        %parallel_loop3A_259 = arith.maximumf %parallel_loop3A_256, %parallel_loop3A_258 : vector<16xf32>
        %parallel_loop3A_260 = arith.index_cast %parallel_loop3A_196 : i32 to index
        %parallel_loop3A_261 = arith.constant 48 : index
        %parallel_loop3A_262 = tpu.vector_load %arg11[%parallel_loop3A_260, %parallel_loop3A_261] {strides = array<i32>} : memref<80x128xf32, #tpu.memory_space<vmem>>, vector<1x16xf32>,
        %parallel_loop3A_263 = vector.shape_cast %parallel_loop3A_262 : vector<1x16xf32> to vector<16xf32>
        %parallel_loop3A_264 = vector.shape_cast %parallel_loop3A_259 : vector<16xf32> to vector<1x16xf32>
        tpu.vector_store %arg11[%parallel_loop3A_260, %parallel_loop3A_261], %parallel_loop3A_264 {strides = array<i32>} : memref<80x128xf32, #tpu.memory_space<vmem>>, vector<1x16xf32>,
        %parallel_loop3A_265 = arith.index_cast %parallel_loop3A_196 : i32 to index
        %parallel_loop3A_266 = arith.constant 64 : index
        %parallel_loop3A_267 = tpu.vector_load %arg11[%parallel_loop3A_265, %parallel_loop3A_266] {strides = array<i32>} : memref<80x128xf32, #tpu.memory_space<vmem>>, vector<1x16xf32>,
        %parallel_loop3A_268 = vector.shape_cast %parallel_loop3A_267 : vector<1x16xf32> to vector<16xf32>
        %parallel_loop3A_269 = arith.index_cast %parallel_loop3A_196 : i32 to index
        %parallel_loop3A_270 = arith.constant 64 : index
        %parallel_loop3A_271 = tpu.vector_load %arg13[%parallel_loop3A_269, %parallel_loop3A_270] {strides = array<i32>} : memref<80x128xf32, #tpu.memory_space<vmem>>, vector<1x16xf32>,
        %parallel_loop3A_272 = vector.shape_cast %parallel_loop3A_271 : vector<1x16xf32> to vector<16xf32>
        %parallel_loop3A_273 = arith.addf %parallel_loop3A_268, %parallel_loop3A_272 : vector<16xf32>
        %parallel_loop3A_274 = arith.constant 0.000000e+00 : f32
        %parallel_loop3A_275 = vector.broadcast %parallel_loop3A_274 : f32 to vector<16xf32>
        %parallel_loop3A_276 = arith.maximumf %parallel_loop3A_273, %parallel_loop3A_275 : vector<16xf32>
        %parallel_loop3A_277 = arith.index_cast %parallel_loop3A_196 : i32 to index
        %parallel_loop3A_278 = arith.constant 64 : index
        %parallel_loop3A_279 = tpu.vector_load %arg11[%parallel_loop3A_277, %parallel_loop3A_278] {strides = array<i32>} : memref<80x128xf32, #tpu.memory_space<vmem>>, vector<1x16xf32>,
        %parallel_loop3A_280 = vector.shape_cast %parallel_loop3A_279 : vector<1x16xf32> to vector<16xf32>
        %parallel_loop3A_281 = vector.shape_cast %parallel_loop3A_276 : vector<16xf32> to vector<1x16xf32>
        tpu.vector_store %arg11[%parallel_loop3A_277, %parallel_loop3A_278], %parallel_loop3A_281 {strides = array<i32>} : memref<80x128xf32, #tpu.memory_space<vmem>>, vector<1x16xf32>,
        %parallel_loop3A_282 = arith.index_cast %parallel_loop3A_196 : i32 to index
        %parallel_loop3A_283 = arith.constant 80 : index
        %parallel_loop3A_284 = tpu.vector_load %arg11[%parallel_loop3A_282, %parallel_loop3A_283] {strides = array<i32>} : memref<80x128xf32, #tpu.memory_space<vmem>>, vector<1x16xf32>,
        %parallel_loop3A_285 = vector.shape_cast %parallel_loop3A_284 : vector<1x16xf32> to vector<16xf32>
        %parallel_loop3A_286 = arith.index_cast %parallel_loop3A_196 : i32 to index
        %parallel_loop3A_287 = arith.constant 80 : index
        %parallel_loop3A_288 = tpu.vector_load %arg13[%parallel_loop3A_286, %parallel_loop3A_287] {strides = array<i32>} : memref<80x128xf32, #tpu.memory_space<vmem>>, vector<1x16xf32>,
        %parallel_loop3A_289 = vector.shape_cast %parallel_loop3A_288 : vector<1x16xf32> to vector<16xf32>
        %parallel_loop3A_290 = arith.addf %parallel_loop3A_285, %parallel_loop3A_289 : vector<16xf32>
        %parallel_loop3A_291 = arith.constant 0.000000e+00 : f32
        %parallel_loop3A_292 = vector.broadcast %parallel_loop3A_291 : f32 to vector<16xf32>
        %parallel_loop3A_293 = arith.maximumf %parallel_loop3A_290, %parallel_loop3A_292 : vector<16xf32>
        %parallel_loop3A_294 = arith.index_cast %parallel_loop3A_196 : i32 to index
        %parallel_loop3A_295 = arith.constant 80 : index
        %parallel_loop3A_296 = tpu.vector_load %arg11[%parallel_loop3A_294, %parallel_loop3A_295] {strides = array<i32>} : memref<80x128xf32, #tpu.memory_space<vmem>>, vector<1x16xf32>,
        %parallel_loop3A_297 = vector.shape_cast %parallel_loop3A_296 : vector<1x16xf32> to vector<16xf32>
        %parallel_loop3A_298 = vector.shape_cast %parallel_loop3A_293 : vector<16xf32> to vector<1x16xf32>
        tpu.vector_store %arg11[%parallel_loop3A_294, %parallel_loop3A_295], %parallel_loop3A_298 {strides = array<i32>} : memref<80x128xf32, #tpu.memory_space<vmem>>, vector<1x16xf32>,
        %parallel_loop3A_299 = arith.index_cast %parallel_loop3A_196 : i32 to index
        %parallel_loop3A_300 = arith.constant 96 : index
        %parallel_loop3A_301 = tpu.vector_load %arg11[%parallel_loop3A_299, %parallel_loop3A_300] {strides = array<i32>} : memref<80x128xf32, #tpu.memory_space<vmem>>, vector<1x16xf32>,
        %parallel_loop3A_302 = vector.shape_cast %parallel_loop3A_301 : vector<1x16xf32> to vector<16xf32>
        %parallel_loop3A_303 = arith.index_cast %parallel_loop3A_196 : i32 to index
        %parallel_loop3A_304 = arith.constant 96 : index
        %parallel_loop3A_305 = tpu.vector_load %arg13[%parallel_loop3A_303, %parallel_loop3A_304] {strides = array<i32>} : memref<80x128xf32, #tpu.memory_space<vmem>>, vector<1x16xf32>,
        %parallel_loop3A_306 = vector.shape_cast %parallel_loop3A_305 : vector<1x16xf32> to vector<16xf32>
        %parallel_loop3A_307 = arith.addf %parallel_loop3A_302, %parallel_loop3A_306 : vector<16xf32>
        %parallel_loop3A_308 = arith.constant 0.000000e+00 : f32
        %parallel_loop3A_309 = vector.broadcast %parallel_loop3A_308 : f32 to vector<16xf32>
        %parallel_loop3A_310 = arith.maximumf %parallel_loop3A_307, %parallel_loop3A_309 : vector<16xf32>
        %parallel_loop3A_311 = arith.index_cast %parallel_loop3A_196 : i32 to index
        %parallel_loop3A_312 = arith.constant 96 : index
        %parallel_loop3A_313 = tpu.vector_load %arg11[%parallel_loop3A_311, %parallel_loop3A_312] {strides = array<i32>} : memref<80x128xf32, #tpu.memory_space<vmem>>, vector<1x16xf32>,
        %parallel_loop3A_314 = vector.shape_cast %parallel_loop3A_313 : vector<1x16xf32> to vector<16xf32>
        %parallel_loop3A_315 = vector.shape_cast %parallel_loop3A_310 : vector<16xf32> to vector<1x16xf32>
        tpu.vector_store %arg11[%parallel_loop3A_311, %parallel_loop3A_312], %parallel_loop3A_315 {strides = array<i32>} : memref<80x128xf32, #tpu.memory_space<vmem>>, vector<1x16xf32>,
        %parallel_loop3A_316 = arith.index_cast %parallel_loop3A_196 : i32 to index
        %parallel_loop3A_317 = arith.constant 112 : index
        %parallel_loop3A_318 = tpu.vector_load %arg11[%parallel_loop3A_316, %parallel_loop3A_317] {strides = array<i32>} : memref<80x128xf32, #tpu.memory_space<vmem>>, vector<1x16xf32>,
        %parallel_loop3A_319 = vector.shape_cast %parallel_loop3A_318 : vector<1x16xf32> to vector<16xf32>
        %parallel_loop3A_320 = arith.index_cast %parallel_loop3A_196 : i32 to index
        %parallel_loop3A_321 = arith.constant 112 : index
        %parallel_loop3A_322 = tpu.vector_load %arg13[%parallel_loop3A_320, %parallel_loop3A_321] {strides = array<i32>} : memref<80x128xf32, #tpu.memory_space<vmem>>, vector<1x16xf32>,
        %parallel_loop3A_323 = vector.shape_cast %parallel_loop3A_322 : vector<1x16xf32> to vector<16xf32>
        %parallel_loop3A_324 = arith.addf %parallel_loop3A_319, %parallel_loop3A_323 : vector<16xf32>
        %parallel_loop3A_325 = arith.constant 0.000000e+00 : f32
        %parallel_loop3A_326 = vector.broadcast %parallel_loop3A_325 : f32 to vector<16xf32>
        %parallel_loop3A_327 = arith.maximumf %parallel_loop3A_324, %parallel_loop3A_326 : vector<16xf32>
        %parallel_loop3A_328 = arith.index_cast %parallel_loop3A_196 : i32 to index
        %parallel_loop3A_329 = arith.constant 112 : index
        %parallel_loop3A_330 = tpu.vector_load %arg11[%parallel_loop3A_328, %parallel_loop3A_329] {strides = array<i32>} : memref<80x128xf32, #tpu.memory_space<vmem>>, vector<1x16xf32>,
        %parallel_loop3A_331 = vector.shape_cast %parallel_loop3A_330 : vector<1x16xf32> to vector<16xf32>
        %parallel_loop3A_332 = vector.shape_cast %parallel_loop3A_327 : vector<16xf32> to vector<1x16xf32>
        tpu.vector_store %arg11[%parallel_loop3A_328, %parallel_loop3A_329], %parallel_loop3A_332 {strides = array<i32>} : memref<80x128xf32, #tpu.memory_space<vmem>>, vector<1x16xf32>,
      } {sc.loop_unroll_factor = 4 : i64, sc.parallel_access}
      "tpu.region"() ({
        %run_scoped3A = tpu.sem_alloc : memref<!tpu.dma_semaphore, #tpu.memory_space<semaphore_mem>>
        %dma_start3A_196 = arith.constant 0 : i32
        %dma_start3A_197 = arith.constant 0 : i32
        %dma_start3A_198 = tpu.memref_slice %arg16[%dma_start3A_196, %dma_start3A_197] : memref<10000x128xf32, #tpu.memory_space<vmem_shared>> -> memref<10000x128xf32, #tpu.memory_space<vmem_shared>>
        tpu.enqueue_indirect_dma source(%arg11 : memref<80x128xf32, #tpu.memory_space<vmem>>) target(%dma_start3A_198 : memref<10000x128xf32, #tpu.memory_space<vmem_shared>>) offsets(%arg9 : memref<80xi32, #tpu.memory_space<vmem>>) semaphore(%run_scoped3A : memref<!tpu.dma_semaphore, #tpu.memory_space<semaphore_mem>>) {add = true}
        %dma_wait3A_199 = arith.constant 0 : i32
        %dma_wait3A_200 = arith.constant 0 : i32
        %dma_wait3A_201 = tpu.memref_slice %arg16[%dma_wait3A_199, %dma_wait3A_200] : memref<10000x128xf32, #tpu.memory_space<vmem_shared>> -> memref<10000x128xf32, #tpu.memory_space<vmem_shared>>
        tpu.wait_indirect_dma semaphore(%run_scoped3A : memref<!tpu.dma_semaphore, #tpu.memory_space<semaphore_mem>>) src(%arg11 : memref<80x128xf32, #tpu.memory_space<vmem>>) dst(%dma_wait3A_201 : memref<10000x128xf32, #tpu.memory_space<vmem_shared>>)
        tpu.yield
      }) : () -> ()
      %add3A_136 = arith.constant 2 : i32
      %add3A_137 = arith.addi %mul3A_98, %add3A_136 : i32
      %min3A_138 = arith.constant 124 : i32
      %min3A_139 = arith.minsi %add3A_137, %min3A_138 : i32
      %mul3A_140 = arith.constant 80 : i32
      %mul3A_141 = arith.muli %min3A_139, %mul3A_140 : i32
      %add3A_142 = arith.addi %mul3A_2, %mul3A_141 : i32
      %dma_start3A_143 = tpu.memref_slice %arg3[%add3A_142] : memref<320000xi32, #tpu.memory_space<hbm>> -> memref<80xi32, #tpu.memory_space<hbm>>
      %dma_start3A_144 = tpu.memref_slice %arg3[%add3A_142] : memref<320000xi32, #tpu.memory_space<hbm>> -> memref<80xi32, #tpu.memory_space<hbm>>
      tpu.enqueue_dma source(%dma_start3A_144 : memref<80xi32, #tpu.memory_space<hbm>>) target(%arg7 : memref<80xi32, #tpu.memory_space<vmem>>) target_semaphore(%arg17 : memref<!tpu.dma_semaphore, #tpu.memory_space<semaphore_mem>>)
      %dma_start3A_145 = tpu.memref_slice %arg4[%add3A_142] : memref<320000xi32, #tpu.memory_space<hbm>> -> memref<80xi32, #tpu.memory_space<hbm>>
      %dma_start3A_146 = tpu.memref_slice %arg4[%add3A_142] : memref<320000xi32, #tpu.memory_space<hbm>> -> memref<80xi32, #tpu.memory_space<hbm>>
      tpu.enqueue_dma source(%dma_start3A_146 : memref<80xi32, #tpu.memory_space<hbm>>) target(%arg9 : memref<80xi32, #tpu.memory_space<vmem>>) target_semaphore(%arg17 : memref<!tpu.dma_semaphore, #tpu.memory_space<semaphore_mem>>)
      %add3A_147 = arith.constant 2 : i32
      %add3A_148 = arith.addi %mul3A_98, %add3A_147 : i32
      %min3A_149 = arith.constant 124 : i32
      %min3A_150 = arith.minsi %add3A_148, %min3A_149 : i32
      %mul3A_151 = arith.constant 80 : i32
      %mul3A_152 = arith.muli %min3A_150, %mul3A_151 : i32
      %add3A_153 = arith.addi %mul3A_2, %mul3A_152 : i32
      %dma_start3A_154 = arith.constant 0 : i32
      %dma_start3A_155 = tpu.memref_slice %arg5[%add3A_153, %dma_start3A_154] : memref<320000x128xf32, #tpu.memory_space<hbm>> -> memref<80x128xf32, #tpu.memory_space<hbm>>
      %dma_start3A_156 = arith.constant 0 : i32
      %dma_start3A_157 = tpu.memref_slice %arg5[%add3A_153, %dma_start3A_156] : memref<320000x128xf32, #tpu.memory_space<hbm>> -> memref<80x128xf32, #tpu.memory_space<hbm>>
      tpu.enqueue_dma source(%dma_start3A_157 : memref<80x128xf32, #tpu.memory_space<hbm>>) target(%arg13 : memref<80x128xf32, #tpu.memory_space<vmem>>) target_semaphore(%arg19 : memref<!tpu.dma_semaphore, #tpu.memory_space<semaphore_mem>>)
      %dma_wait3A_158 = arith.constant 0 : i32
      %dma_wait3A_159 = tpu.memref_slice %arg3[%dma_wait3A_158] : memref<320000xi32, #tpu.memory_space<hbm>> -> memref<80xi32, #tpu.memory_space<hbm>>
      %dma_wait3A_160 = arith.constant 0 : i32
      %dma_wait3A_161 = tpu.memref_slice %arg3[%dma_wait3A_160] : memref<320000xi32, #tpu.memory_space<hbm>> -> memref<80xi32, #tpu.memory_space<hbm>>
      tpu.wait_dma2 semaphore(%arg17 : memref<!tpu.dma_semaphore, #tpu.memory_space<semaphore_mem>>) src(%dma_wait3A_161 : memref<80xi32, #tpu.memory_space<hbm>>) dst(%arg7 : memref<80xi32, #tpu.memory_space<vmem>>)
      %dma_wait3A_162 = arith.constant 0 : i32
      %dma_wait3A_163 = tpu.memref_slice %arg4[%dma_wait3A_162] : memref<320000xi32, #tpu.memory_space<hbm>> -> memref<80xi32, #tpu.memory_space<hbm>>
      %dma_wait3A_164 = arith.constant 0 : i32
      %dma_wait3A_165 = tpu.memref_slice %arg4[%dma_wait3A_164] : memref<320000xi32, #tpu.memory_space<hbm>> -> memref<80xi32, #tpu.memory_space<hbm>>
      tpu.wait_dma2 semaphore(%arg17 : memref<!tpu.dma_semaphore, #tpu.memory_space<semaphore_mem>>) src(%dma_wait3A_165 : memref<80xi32, #tpu.memory_space<hbm>>) dst(%arg9 : memref<80xi32, #tpu.memory_space<vmem>>)
      %dma_start3A_166 = arith.constant 0 : i32
      %dma_start3A_167 = arith.constant 0 : i32
      %dma_start3A_168 = tpu.memref_slice %arg2[%dma_start3A_166, %dma_start3A_167] : memref<10000x128xf32, #tpu.memory_space<hbm>> -> memref<10000x128xf32, #tpu.memory_space<hbm>>
      tpu.enqueue_indirect_dma source(%dma_start3A_168 : memref<10000x128xf32, #tpu.memory_space<hbm>>) target(%arg11 : memref<80x128xf32, #tpu.memory_space<vmem>>) offsets(%arg7 : memref<80xi32, #tpu.memory_space<vmem>>) semaphore(%arg21 : memref<!tpu.dma_semaphore, #tpu.memory_space<semaphore_mem>>)
      %dma_wait3A_169 = arith.constant 0 : i32
      %dma_wait3A_170 = arith.constant 0 : i32
      %dma_wait3A_171 = tpu.memref_slice %arg5[%dma_wait3A_169, %dma_wait3A_170] : memref<320000x128xf32, #tpu.memory_space<hbm>> -> memref<80x128xf32, #tpu.memory_space<hbm>>
      %dma_wait3A_172 = arith.constant 0 : i32
      %dma_wait3A_173 = arith.constant 0 : i32
      %dma_wait3A_174 = tpu.memref_slice %arg5[%dma_wait3A_172, %dma_wait3A_173] : memref<320000x128xf32, #tpu.memory_space<hbm>> -> memref<80x128xf32, #tpu.memory_space<hbm>>
      tpu.wait_dma2 semaphore(%arg20 : memref<!tpu.dma_semaphore, #tpu.memory_space<semaphore_mem>>) src(%dma_wait3A_174 : memref<80x128xf32, #tpu.memory_space<hbm>>) dst(%arg14 : memref<80x128xf32, #tpu.memory_space<vmem>>)
      %dma_wait3A_175 = arith.constant 0 : i32
      %dma_wait3A_176 = arith.constant 0 : i32
      %dma_wait3A_177 = tpu.memref_slice %arg2[%dma_wait3A_175, %dma_wait3A_176] : memref<10000x128xf32, #tpu.memory_space<hbm>> -> memref<80x128xf32, #tpu.memory_space<hbm>>
      %dma_wait3A_178 = arith.constant 0 : i32
      %dma_wait3A_179 = arith.constant 0 : i32
      %dma_wait3A_180 = tpu.memref_slice %arg2[%dma_wait3A_178, %dma_wait3A_179] : memref<10000x128xf32, #tpu.memory_space<hbm>> -> memref<80x128xf32, #tpu.memory_space<hbm>>
      tpu.wait_dma2 semaphore(%arg22 : memref<!tpu.dma_semaphore, #tpu.memory_space<semaphore_mem>>) src(%dma_wait3A_180 : memref<80x128xf32, #tpu.memory_space<hbm>>) dst(%arg12 : memref<80x128xf32, #tpu.memory_space<vmem>>)
      %parallel_loop3A_181 = arith.constant 0 : i32
      %parallel_loop3A_182 = arith.constant 80 : i32
      %parallel_loop3A_183 = arith.constant 1 : i32
      scf.for %parallel_loop3A_196 = %parallel_loop3A_181 to %parallel_loop3A_182 step %parallel_loop3A_183  : i32 {
        %parallel_loop3A_197 = arith.index_cast %parallel_loop3A_196 : i32 to index
        %parallel_loop3A_198 = arith.constant 0 : index
        %parallel_loop3A_199 = tpu.vector_load %arg12[%parallel_loop3A_197, %parallel_loop3A_198] {strides = array<i32>} : memref<80x128xf32, #tpu.memory_space<vmem>>, vector<1x16xf32>,
        %parallel_loop3A_200 = vector.shape_cast %parallel_loop3A_199 : vector<1x16xf32> to vector<16xf32>
        %parallel_loop3A_201 = arith.index_cast %parallel_loop3A_196 : i32 to index
        %parallel_loop3A_202 = arith.constant 0 : index
        %parallel_loop3A_203 = tpu.vector_load %arg14[%parallel_loop3A_201, %parallel_loop3A_202] {strides = array<i32>} : memref<80x128xf32, #tpu.memory_space<vmem>>, vector<1x16xf32>,
        %parallel_loop3A_204 = vector.shape_cast %parallel_loop3A_203 : vector<1x16xf32> to vector<16xf32>
        %parallel_loop3A_205 = arith.addf %parallel_loop3A_200, %parallel_loop3A_204 : vector<16xf32>
        %parallel_loop3A_206 = arith.constant 0.000000e+00 : f32
        %parallel_loop3A_207 = vector.broadcast %parallel_loop3A_206 : f32 to vector<16xf32>
        %parallel_loop3A_208 = arith.maximumf %parallel_loop3A_205, %parallel_loop3A_207 : vector<16xf32>
        %parallel_loop3A_209 = arith.index_cast %parallel_loop3A_196 : i32 to index
        %parallel_loop3A_210 = arith.constant 0 : index
        %parallel_loop3A_211 = tpu.vector_load %arg12[%parallel_loop3A_209, %parallel_loop3A_210] {strides = array<i32>} : memref<80x128xf32, #tpu.memory_space<vmem>>, vector<1x16xf32>,
        %parallel_loop3A_212 = vector.shape_cast %parallel_loop3A_211 : vector<1x16xf32> to vector<16xf32>
        %parallel_loop3A_213 = vector.shape_cast %parallel_loop3A_208 : vector<16xf32> to vector<1x16xf32>
        tpu.vector_store %arg12[%parallel_loop3A_209, %parallel_loop3A_210], %parallel_loop3A_213 {strides = array<i32>} : memref<80x128xf32, #tpu.memory_space<vmem>>, vector<1x16xf32>,
        %parallel_loop3A_214 = arith.index_cast %parallel_loop3A_196 : i32 to index
        %parallel_loop3A_215 = arith.constant 16 : index
        %parallel_loop3A_216 = tpu.vector_load %arg12[%parallel_loop3A_214, %parallel_loop3A_215] {strides = array<i32>} : memref<80x128xf32, #tpu.memory_space<vmem>>, vector<1x16xf32>,
        %parallel_loop3A_217 = vector.shape_cast %parallel_loop3A_216 : vector<1x16xf32> to vector<16xf32>
        %parallel_loop3A_218 = arith.index_cast %parallel_loop3A_196 : i32 to index
        %parallel_loop3A_219 = arith.constant 16 : index
        %parallel_loop3A_220 = tpu.vector_load %arg14[%parallel_loop3A_218, %parallel_loop3A_219] {strides = array<i32>} : memref<80x128xf32, #tpu.memory_space<vmem>>, vector<1x16xf32>,
        %parallel_loop3A_221 = vector.shape_cast %parallel_loop3A_220 : vector<1x16xf32> to vector<16xf32>
        %parallel_loop3A_222 = arith.addf %parallel_loop3A_217, %parallel_loop3A_221 : vector<16xf32>
        %parallel_loop3A_223 = arith.constant 0.000000e+00 : f32
        %parallel_loop3A_224 = vector.broadcast %parallel_loop3A_223 : f32 to vector<16xf32>
        %parallel_loop3A_225 = arith.maximumf %parallel_loop3A_222, %parallel_loop3A_224 : vector<16xf32>
        %parallel_loop3A_226 = arith.index_cast %parallel_loop3A_196 : i32 to index
        %parallel_loop3A_227 = arith.constant 16 : index
        %parallel_loop3A_228 = tpu.vector_load %arg12[%parallel_loop3A_226, %parallel_loop3A_227] {strides = array<i32>} : memref<80x128xf32, #tpu.memory_space<vmem>>, vector<1x16xf32>,
        %parallel_loop3A_229 = vector.shape_cast %parallel_loop3A_228 : vector<1x16xf32> to vector<16xf32>
        %parallel_loop3A_230 = vector.shape_cast %parallel_loop3A_225 : vector<16xf32> to vector<1x16xf32>
        tpu.vector_store %arg12[%parallel_loop3A_226, %parallel_loop3A_227], %parallel_loop3A_230 {strides = array<i32>} : memref<80x128xf32, #tpu.memory_space<vmem>>, vector<1x16xf32>,
        %parallel_loop3A_231 = arith.index_cast %parallel_loop3A_196 : i32 to index
        %parallel_loop3A_232 = arith.constant 32 : index
        %parallel_loop3A_233 = tpu.vector_load %arg12[%parallel_loop3A_231, %parallel_loop3A_232] {strides = array<i32>} : memref<80x128xf32, #tpu.memory_space<vmem>>, vector<1x16xf32>,
        %parallel_loop3A_234 = vector.shape_cast %parallel_loop3A_233 : vector<1x16xf32> to vector<16xf32>
        %parallel_loop3A_235 = arith.index_cast %parallel_loop3A_196 : i32 to index
        %parallel_loop3A_236 = arith.constant 32 : index
        %parallel_loop3A_237 = tpu.vector_load %arg14[%parallel_loop3A_235, %parallel_loop3A_236] {strides = array<i32>} : memref<80x128xf32, #tpu.memory_space<vmem>>, vector<1x16xf32>,
        %parallel_loop3A_238 = vector.shape_cast %parallel_loop3A_237 : vector<1x16xf32> to vector<16xf32>
        %parallel_loop3A_239 = arith.addf %parallel_loop3A_234, %parallel_loop3A_238 : vector<16xf32>
        %parallel_loop3A_240 = arith.constant 0.000000e+00 : f32
        %parallel_loop3A_241 = vector.broadcast %parallel_loop3A_240 : f32 to vector<16xf32>
        %parallel_loop3A_242 = arith.maximumf %parallel_loop3A_239, %parallel_loop3A_241 : vector<16xf32>
        %parallel_loop3A_243 = arith.index_cast %parallel_loop3A_196 : i32 to index
        %parallel_loop3A_244 = arith.constant 32 : index
        %parallel_loop3A_245 = tpu.vector_load %arg12[%parallel_loop3A_243, %parallel_loop3A_244] {strides = array<i32>} : memref<80x128xf32, #tpu.memory_space<vmem>>, vector<1x16xf32>,
        %parallel_loop3A_246 = vector.shape_cast %parallel_loop3A_245 : vector<1x16xf32> to vector<16xf32>
        %parallel_loop3A_247 = vector.shape_cast %parallel_loop3A_242 : vector<16xf32> to vector<1x16xf32>
        tpu.vector_store %arg12[%parallel_loop3A_243, %parallel_loop3A_244], %parallel_loop3A_247 {strides = array<i32>} : memref<80x128xf32, #tpu.memory_space<vmem>>, vector<1x16xf32>,
        %parallel_loop3A_248 = arith.index_cast %parallel_loop3A_196 : i32 to index
        %parallel_loop3A_249 = arith.constant 48 : index
        %parallel_loop3A_250 = tpu.vector_load %arg12[%parallel_loop3A_248, %parallel_loop3A_249] {strides = array<i32>} : memref<80x128xf32, #tpu.memory_space<vmem>>, vector<1x16xf32>,
        %parallel_loop3A_251 = vector.shape_cast %parallel_loop3A_250 : vector<1x16xf32> to vector<16xf32>
        %parallel_loop3A_252 = arith.index_cast %parallel_loop3A_196 : i32 to index
        %parallel_loop3A_253 = arith.constant 48 : index
        %parallel_loop3A_254 = tpu.vector_load %arg14[%parallel_loop3A_252, %parallel_loop3A_253] {strides = array<i32>} : memref<80x128xf32, #tpu.memory_space<vmem>>, vector<1x16xf32>,
        %parallel_loop3A_255 = vector.shape_cast %parallel_loop3A_254 : vector<1x16xf32> to vector<16xf32>
        %parallel_loop3A_256 = arith.addf %parallel_loop3A_251, %parallel_loop3A_255 : vector<16xf32>
        %parallel_loop3A_257 = arith.constant 0.000000e+00 : f32
        %parallel_loop3A_258 = vector.broadcast %parallel_loop3A_257 : f32 to vector<16xf32>
        %parallel_loop3A_259 = arith.maximumf %parallel_loop3A_256, %parallel_loop3A_258 : vector<16xf32>
        %parallel_loop3A_260 = arith.index_cast %parallel_loop3A_196 : i32 to index
        %parallel_loop3A_261 = arith.constant 48 : index
        %parallel_loop3A_262 = tpu.vector_load %arg12[%parallel_loop3A_260, %parallel_loop3A_261] {strides = array<i32>} : memref<80x128xf32, #tpu.memory_space<vmem>>, vector<1x16xf32>,
        %parallel_loop3A_263 = vector.shape_cast %parallel_loop3A_262 : vector<1x16xf32> to vector<16xf32>
        %parallel_loop3A_264 = vector.shape_cast %parallel_loop3A_259 : vector<16xf32> to vector<1x16xf32>
        tpu.vector_store %arg12[%parallel_loop3A_260, %parallel_loop3A_261], %parallel_loop3A_264 {strides = array<i32>} : memref<80x128xf32, #tpu.memory_space<vmem>>, vector<1x16xf32>,
        %parallel_loop3A_265 = arith.index_cast %parallel_loop3A_196 : i32 to index
        %parallel_loop3A_266 = arith.constant 64 : index
        %parallel_loop3A_267 = tpu.vector_load %arg12[%parallel_loop3A_265, %parallel_loop3A_266] {strides = array<i32>} : memref<80x128xf32, #tpu.memory_space<vmem>>, vector<1x16xf32>,
        %parallel_loop3A_268 = vector.shape_cast %parallel_loop3A_267 : vector<1x16xf32> to vector<16xf32>
        %parallel_loop3A_269 = arith.index_cast %parallel_loop3A_196 : i32 to index
        %parallel_loop3A_270 = arith.constant 64 : index
        %parallel_loop3A_271 = tpu.vector_load %arg14[%parallel_loop3A_269, %parallel_loop3A_270] {strides = array<i32>} : memref<80x128xf32, #tpu.memory_space<vmem>>, vector<1x16xf32>,
        %parallel_loop3A_272 = vector.shape_cast %parallel_loop3A_271 : vector<1x16xf32> to vector<16xf32>
        %parallel_loop3A_273 = arith.addf %parallel_loop3A_268, %parallel_loop3A_272 : vector<16xf32>
        %parallel_loop3A_274 = arith.constant 0.000000e+00 : f32
        %parallel_loop3A_275 = vector.broadcast %parallel_loop3A_274 : f32 to vector<16xf32>
        %parallel_loop3A_276 = arith.maximumf %parallel_loop3A_273, %parallel_loop3A_275 : vector<16xf32>
        %parallel_loop3A_277 = arith.index_cast %parallel_loop3A_196 : i32 to index
        %parallel_loop3A_278 = arith.constant 64 : index
        %parallel_loop3A_279 = tpu.vector_load %arg12[%parallel_loop3A_277, %parallel_loop3A_278] {strides = array<i32>} : memref<80x128xf32, #tpu.memory_space<vmem>>, vector<1x16xf32>,
        %parallel_loop3A_280 = vector.shape_cast %parallel_loop3A_279 : vector<1x16xf32> to vector<16xf32>
        %parallel_loop3A_281 = vector.shape_cast %parallel_loop3A_276 : vector<16xf32> to vector<1x16xf32>
        tpu.vector_store %arg12[%parallel_loop3A_277, %parallel_loop3A_278], %parallel_loop3A_281 {strides = array<i32>} : memref<80x128xf32, #tpu.memory_space<vmem>>, vector<1x16xf32>,
        %parallel_loop3A_282 = arith.index_cast %parallel_loop3A_196 : i32 to index
        %parallel_loop3A_283 = arith.constant 80 : index
        %parallel_loop3A_284 = tpu.vector_load %arg12[%parallel_loop3A_282, %parallel_loop3A_283] {strides = array<i32>} : memref<80x128xf32, #tpu.memory_space<vmem>>, vector<1x16xf32>,
        %parallel_loop3A_285 = vector.shape_cast %parallel_loop3A_284 : vector<1x16xf32> to vector<16xf32>
        %parallel_loop3A_286 = arith.index_cast %parallel_loop3A_196 : i32 to index
        %parallel_loop3A_287 = arith.constant 80 : index
        %parallel_loop3A_288 = tpu.vector_load %arg14[%parallel_loop3A_286, %parallel_loop3A_287] {strides = array<i32>} : memref<80x128xf32, #tpu.memory_space<vmem>>, vector<1x16xf32>,
        %parallel_loop3A_289 = vector.shape_cast %parallel_loop3A_288 : vector<1x16xf32> to vector<16xf32>
        %parallel_loop3A_290 = arith.addf %parallel_loop3A_285, %parallel_loop3A_289 : vector<16xf32>
        %parallel_loop3A_291 = arith.constant 0.000000e+00 : f32
        %parallel_loop3A_292 = vector.broadcast %parallel_loop3A_291 : f32 to vector<16xf32>
        %parallel_loop3A_293 = arith.maximumf %parallel_loop3A_290, %parallel_loop3A_292 : vector<16xf32>
        %parallel_loop3A_294 = arith.index_cast %parallel_loop3A_196 : i32 to index
        %parallel_loop3A_295 = arith.constant 80 : index
        %parallel_loop3A_296 = tpu.vector_load %arg12[%parallel_loop3A_294, %parallel_loop3A_295] {strides = array<i32>} : memref<80x128xf32, #tpu.memory_space<vmem>>, vector<1x16xf32>,
        %parallel_loop3A_297 = vector.shape_cast %parallel_loop3A_296 : vector<1x16xf32> to vector<16xf32>
        %parallel_loop3A_298 = vector.shape_cast %parallel_loop3A_293 : vector<16xf32> to vector<1x16xf32>
        tpu.vector_store %arg12[%parallel_loop3A_294, %parallel_loop3A_295], %parallel_loop3A_298 {strides = array<i32>} : memref<80x128xf32, #tpu.memory_space<vmem>>, vector<1x16xf32>,
        %parallel_loop3A_299 = arith.index_cast %parallel_loop3A_196 : i32 to index
        %parallel_loop3A_300 = arith.constant 96 : index
        %parallel_loop3A_301 = tpu.vector_load %arg12[%parallel_loop3A_299, %parallel_loop3A_300] {strides = array<i32>} : memref<80x128xf32, #tpu.memory_space<vmem>>, vector<1x16xf32>,
        %parallel_loop3A_302 = vector.shape_cast %parallel_loop3A_301 : vector<1x16xf32> to vector<16xf32>
        %parallel_loop3A_303 = arith.index_cast %parallel_loop3A_196 : i32 to index
        %parallel_loop3A_304 = arith.constant 96 : index
        %parallel_loop3A_305 = tpu.vector_load %arg14[%parallel_loop3A_303, %parallel_loop3A_304] {strides = array<i32>} : memref<80x128xf32, #tpu.memory_space<vmem>>, vector<1x16xf32>,
        %parallel_loop3A_306 = vector.shape_cast %parallel_loop3A_305 : vector<1x16xf32> to vector<16xf32>
        %parallel_loop3A_307 = arith.addf %parallel_loop3A_302, %parallel_loop3A_306 : vector<16xf32>
        %parallel_loop3A_308 = arith.constant 0.000000e+00 : f32
        %parallel_loop3A_309 = vector.broadcast %parallel_loop3A_308 : f32 to vector<16xf32>
        %parallel_loop3A_310 = arith.maximumf %parallel_loop3A_307, %parallel_loop3A_309 : vector<16xf32>
        %parallel_loop3A_311 = arith.index_cast %parallel_loop3A_196 : i32 to index
        %parallel_loop3A_312 = arith.constant 96 : index
        %parallel_loop3A_313 = tpu.vector_load %arg12[%parallel_loop3A_311, %parallel_loop3A_312] {strides = array<i32>} : memref<80x128xf32, #tpu.memory_space<vmem>>, vector<1x16xf32>,
        %parallel_loop3A_314 = vector.shape_cast %parallel_loop3A_313 : vector<1x16xf32> to vector<16xf32>
        %parallel_loop3A_315 = vector.shape_cast %parallel_loop3A_310 : vector<16xf32> to vector<1x16xf32>
        tpu.vector_store %arg12[%parallel_loop3A_311, %parallel_loop3A_312], %parallel_loop3A_315 {strides = array<i32>} : memref<80x128xf32, #tpu.memory_space<vmem>>, vector<1x16xf32>,
        %parallel_loop3A_316 = arith.index_cast %parallel_loop3A_196 : i32 to index
        %parallel_loop3A_317 = arith.constant 112 : index
        %parallel_loop3A_318 = tpu.vector_load %arg12[%parallel_loop3A_316, %parallel_loop3A_317] {strides = array<i32>} : memref<80x128xf32, #tpu.memory_space<vmem>>, vector<1x16xf32>,
        %parallel_loop3A_319 = vector.shape_cast %parallel_loop3A_318 : vector<1x16xf32> to vector<16xf32>
        %parallel_loop3A_320 = arith.index_cast %parallel_loop3A_196 : i32 to index
        %parallel_loop3A_321 = arith.constant 112 : index
        %parallel_loop3A_322 = tpu.vector_load %arg14[%parallel_loop3A_320, %parallel_loop3A_321] {strides = array<i32>} : memref<80x128xf32, #tpu.memory_space<vmem>>, vector<1x16xf32>,
        %parallel_loop3A_323 = vector.shape_cast %parallel_loop3A_322 : vector<1x16xf32> to vector<16xf32>
        %parallel_loop3A_324 = arith.addf %parallel_loop3A_319, %parallel_loop3A_323 : vector<16xf32>
        %parallel_loop3A_325 = arith.constant 0.000000e+00 : f32
        %parallel_loop3A_326 = vector.broadcast %parallel_loop3A_325 : f32 to vector<16xf32>
        %parallel_loop3A_327 = arith.maximumf %parallel_loop3A_324, %parallel_loop3A_326 : vector<16xf32>
        %parallel_loop3A_328 = arith.index_cast %parallel_loop3A_196 : i32 to index
        %parallel_loop3A_329 = arith.constant 112 : index
        %parallel_loop3A_330 = tpu.vector_load %arg12[%parallel_loop3A_328, %parallel_loop3A_329] {strides = array<i32>} : memref<80x128xf32, #tpu.memory_space<vmem>>, vector<1x16xf32>,
        %parallel_loop3A_331 = vector.shape_cast %parallel_loop3A_330 : vector<1x16xf32> to vector<16xf32>
        %parallel_loop3A_332 = vector.shape_cast %parallel_loop3A_327 : vector<16xf32> to vector<1x16xf32>
        tpu.vector_store %arg12[%parallel_loop3A_328, %parallel_loop3A_329], %parallel_loop3A_332 {strides = array<i32>} : memref<80x128xf32, #tpu.memory_space<vmem>>, vector<1x16xf32>,
      } {sc.loop_unroll_factor = 4 : i64, sc.parallel_access}
      "tpu.region"() ({
        %run_scoped3A = tpu.sem_alloc : memref<!tpu.dma_semaphore, #tpu.memory_space<semaphore_mem>>
        %dma_start3A_196 = arith.constant 0 : i32
        %dma_start3A_197 = arith.constant 0 : i32
        %dma_start3A_198 = tpu.memref_slice %arg16[%dma_start3A_196, %dma_start3A_197] : memref<10000x128xf32, #tpu.memory_space<vmem_shared>> -> memref<10000x128xf32, #tpu.memory_space<vmem_shared>>
        tpu.enqueue_indirect_dma source(%arg12 : memref<80x128xf32, #tpu.memory_space<vmem>>) target(%dma_start3A_198 : memref<10000x128xf32, #tpu.memory_space<vmem_shared>>) offsets(%arg10 : memref<80xi32, #tpu.memory_space<vmem>>) semaphore(%run_scoped3A : memref<!tpu.dma_semaphore, #tpu.memory_space<semaphore_mem>>) {add = true}
        %dma_wait3A_199 = arith.constant 0 : i32
        %dma_wait3A_200 = arith.constant 0 : i32
        %dma_wait3A_201 = tpu.memref_slice %arg16[%dma_wait3A_199, %dma_wait3A_200] : memref<10000x128xf32, #tpu.memory_space<vmem_shared>> -> memref<10000x128xf32, #tpu.memory_space<vmem_shared>>
        tpu.wait_indirect_dma semaphore(%run_scoped3A : memref<!tpu.dma_semaphore, #tpu.memory_space<semaphore_mem>>) src(%arg12 : memref<80x128xf32, #tpu.memory_space<vmem>>) dst(%dma_wait3A_201 : memref<10000x128xf32, #tpu.memory_space<vmem_shared>>)
        tpu.yield
      }) : () -> ()
      %add3A_184 = arith.constant 3 : i32
      %add3A_185 = arith.addi %mul3A_98, %add3A_184 : i32
      %min3A_186 = arith.constant 124 : i32
      %min3A_187 = arith.minsi %add3A_185, %min3A_186 : i32
      %mul3A_188 = arith.constant 80 : i32
      %mul3A_189 = arith.muli %min3A_187, %mul3A_188 : i32
      %add3A_190 = arith.addi %mul3A_2, %mul3A_189 : i32
      %dma_start3A_191 = tpu.memref_slice %arg3[%add3A_190] : memref<320000xi32, #tpu.memory_space<hbm>> -> memref<80xi32, #tpu.memory_space<hbm>>
      %dma_start3A_192 = tpu.memref_slice %arg3[%add3A_190] : memref<320000xi32, #tpu.memory_space<hbm>> -> memref<80xi32, #tpu.memory_space<hbm>>
      tpu.enqueue_dma source(%dma_start3A_192 : memref<80xi32, #tpu.memory_space<hbm>>) target(%arg8 : memref<80xi32, #tpu.memory_space<vmem>>) target_semaphore(%arg18 : memref<!tpu.dma_semaphore, #tpu.memory_space<semaphore_mem>>)
      %dma_start3A_193 = tpu.memref_slice %arg4[%add3A_190] : memref<320000xi32, #tpu.memory_space<hbm>> -> memref<80xi32, #tpu.memory_space<hbm>>
      %dma_start3A_194 = tpu.memref_slice %arg4[%add3A_190] : memref<320000xi32, #tpu.memory_space<hbm>> -> memref<80xi32, #tpu.memory_space<hbm>>
      tpu.enqueue_dma source(%dma_start3A_194 : memref<80xi32, #tpu.memory_space<hbm>>) target(%arg10 : memref<80xi32, #tpu.memory_space<vmem>>) target_semaphore(%arg18 : memref<!tpu.dma_semaphore, #tpu.memory_space<semaphore_mem>>)
      %scan3A_195 = arith.constant 0 : i32
      scf.yield %scan3A_195 : i32
    }
    %scan3A_62 = arith.constant 62 : i32
    %dma_wait3A_63 = arith.constant 0 : i32
    %dma_wait3A_64 = arith.constant 0 : i32
    %dma_wait3A_65 = tpu.memref_slice %arg5[%dma_wait3A_63, %dma_wait3A_64] : memref<320000x128xf32, #tpu.memory_space<hbm>> -> memref<80x128xf32, #tpu.memory_space<hbm>>
    %dma_wait3A_66 = arith.constant 0 : i32
    %dma_wait3A_67 = arith.constant 0 : i32
    %dma_wait3A_68 = tpu.memref_slice %arg5[%dma_wait3A_66, %dma_wait3A_67] : memref<320000x128xf32, #tpu.memory_space<hbm>> -> memref<80x128xf32, #tpu.memory_space<hbm>>
    tpu.wait_dma2 semaphore(%arg19 : memref<!tpu.dma_semaphore, #tpu.memory_space<semaphore_mem>>) src(%dma_wait3A_68 : memref<80x128xf32, #tpu.memory_space<hbm>>) dst(%arg13 : memref<80x128xf32, #tpu.memory_space<vmem>>)
    %dma_wait3A_69 = arith.constant 0 : i32
    %dma_wait3A_70 = arith.constant 0 : i32
    %dma_wait3A_71 = tpu.memref_slice %arg2[%dma_wait3A_69, %dma_wait3A_70] : memref<10000x128xf32, #tpu.memory_space<hbm>> -> memref<80x128xf32, #tpu.memory_space<hbm>>
    %dma_wait3A_72 = arith.constant 0 : i32
    %dma_wait3A_73 = arith.constant 0 : i32
    %dma_wait3A_74 = tpu.memref_slice %arg2[%dma_wait3A_72, %dma_wait3A_73] : memref<10000x128xf32, #tpu.memory_space<hbm>> -> memref<80x128xf32, #tpu.memory_space<hbm>>
    tpu.wait_dma2 semaphore(%arg21 : memref<!tpu.dma_semaphore, #tpu.memory_space<semaphore_mem>>) src(%dma_wait3A_74 : memref<80x128xf32, #tpu.memory_space<hbm>>) dst(%arg11 : memref<80x128xf32, #tpu.memory_space<vmem>>)
    %parallel_loop3A = arith.constant 0 : i32
    %parallel_loop3A_75 = arith.constant 80 : i32
    %parallel_loop3A_76 = arith.constant 1 : i32
    scf.for %parallel_loop3A_95 = %parallel_loop3A to %parallel_loop3A_75 step %parallel_loop3A_76  : i32 {
      %parallel_loop3A_96 = arith.index_cast %parallel_loop3A_95 : i32 to index
      %parallel_loop3A_97 = arith.constant 0 : index
      %parallel_loop3A_98 = tpu.vector_load %arg11[%parallel_loop3A_96, %parallel_loop3A_97] {strides = array<i32>} : memref<80x128xf32, #tpu.memory_space<vmem>>, vector<1x16xf32>,
      %parallel_loop3A_99 = vector.shape_cast %parallel_loop3A_98 : vector<1x16xf32> to vector<16xf32>
      %parallel_loop3A_100 = arith.index_cast %parallel_loop3A_95 : i32 to index
      %parallel_loop3A_101 = arith.constant 0 : index
      %parallel_loop3A_102 = tpu.vector_load %arg13[%parallel_loop3A_100, %parallel_loop3A_101] {strides = array<i32>} : memref<80x128xf32, #tpu.memory_space<vmem>>, vector<1x16xf32>,
      %parallel_loop3A_103 = vector.shape_cast %parallel_loop3A_102 : vector<1x16xf32> to vector<16xf32>
      %parallel_loop3A_104 = arith.addf %parallel_loop3A_99, %parallel_loop3A_103 : vector<16xf32>
      %parallel_loop3A_105 = arith.constant 0.000000e+00 : f32
      %parallel_loop3A_106 = vector.broadcast %parallel_loop3A_105 : f32 to vector<16xf32>
      %parallel_loop3A_107 = arith.maximumf %parallel_loop3A_104, %parallel_loop3A_106 : vector<16xf32>
      %parallel_loop3A_108 = arith.index_cast %parallel_loop3A_95 : i32 to index
      %parallel_loop3A_109 = arith.constant 0 : index
      %parallel_loop3A_110 = tpu.vector_load %arg11[%parallel_loop3A_108, %parallel_loop3A_109] {strides = array<i32>} : memref<80x128xf32, #tpu.memory_space<vmem>>, vector<1x16xf32>,
      %parallel_loop3A_111 = vector.shape_cast %parallel_loop3A_110 : vector<1x16xf32> to vector<16xf32>
      %parallel_loop3A_112 = vector.shape_cast %parallel_loop3A_107 : vector<16xf32> to vector<1x16xf32>
      tpu.vector_store %arg11[%parallel_loop3A_108, %parallel_loop3A_109], %parallel_loop3A_112 {strides = array<i32>} : memref<80x128xf32, #tpu.memory_space<vmem>>, vector<1x16xf32>,
      %parallel_loop3A_113 = arith.index_cast %parallel_loop3A_95 : i32 to index
      %parallel_loop3A_114 = arith.constant 16 : index
      %parallel_loop3A_115 = tpu.vector_load %arg11[%parallel_loop3A_113, %parallel_loop3A_114] {strides = array<i32>} : memref<80x128xf32, #tpu.memory_space<vmem>>, vector<1x16xf32>,
      %parallel_loop3A_116 = vector.shape_cast %parallel_loop3A_115 : vector<1x16xf32> to vector<16xf32>
      %parallel_loop3A_117 = arith.index_cast %parallel_loop3A_95 : i32 to index
      %parallel_loop3A_118 = arith.constant 16 : index
      %parallel_loop3A_119 = tpu.vector_load %arg13[%parallel_loop3A_117, %parallel_loop3A_118] {strides = array<i32>} : memref<80x128xf32, #tpu.memory_space<vmem>>, vector<1x16xf32>,
      %parallel_loop3A_120 = vector.shape_cast %parallel_loop3A_119 : vector<1x16xf32> to vector<16xf32>
      %parallel_loop3A_121 = arith.addf %parallel_loop3A_116, %parallel_loop3A_120 : vector<16xf32>
      %parallel_loop3A_122 = arith.constant 0.000000e+00 : f32
      %parallel_loop3A_123 = vector.broadcast %parallel_loop3A_122 : f32 to vector<16xf32>
      %parallel_loop3A_124 = arith.maximumf %parallel_loop3A_121, %parallel_loop3A_123 : vector<16xf32>
      %parallel_loop3A_125 = arith.index_cast %parallel_loop3A_95 : i32 to index
      %parallel_loop3A_126 = arith.constant 16 : index
      %parallel_loop3A_127 = tpu.vector_load %arg11[%parallel_loop3A_125, %parallel_loop3A_126] {strides = array<i32>} : memref<80x128xf32, #tpu.memory_space<vmem>>, vector<1x16xf32>,
      %parallel_loop3A_128 = vector.shape_cast %parallel_loop3A_127 : vector<1x16xf32> to vector<16xf32>
      %parallel_loop3A_129 = vector.shape_cast %parallel_loop3A_124 : vector<16xf32> to vector<1x16xf32>
      tpu.vector_store %arg11[%parallel_loop3A_125, %parallel_loop3A_126], %parallel_loop3A_129 {strides = array<i32>} : memref<80x128xf32, #tpu.memory_space<vmem>>, vector<1x16xf32>,
      %parallel_loop3A_130 = arith.index_cast %parallel_loop3A_95 : i32 to index
      %parallel_loop3A_131 = arith.constant 32 : index
      %parallel_loop3A_132 = tpu.vector_load %arg11[%parallel_loop3A_130, %parallel_loop3A_131] {strides = array<i32>} : memref<80x128xf32, #tpu.memory_space<vmem>>, vector<1x16xf32>,
      %parallel_loop3A_133 = vector.shape_cast %parallel_loop3A_132 : vector<1x16xf32> to vector<16xf32>
      %parallel_loop3A_134 = arith.index_cast %parallel_loop3A_95 : i32 to index
      %parallel_loop3A_135 = arith.constant 32 : index
      %parallel_loop3A_136 = tpu.vector_load %arg13[%parallel_loop3A_134, %parallel_loop3A_135] {strides = array<i32>} : memref<80x128xf32, #tpu.memory_space<vmem>>, vector<1x16xf32>,
      %parallel_loop3A_137 = vector.shape_cast %parallel_loop3A_136 : vector<1x16xf32> to vector<16xf32>
      %parallel_loop3A_138 = arith.addf %parallel_loop3A_133, %parallel_loop3A_137 : vector<16xf32>
      %parallel_loop3A_139 = arith.constant 0.000000e+00 : f32
      %parallel_loop3A_140 = vector.broadcast %parallel_loop3A_139 : f32 to vector<16xf32>
      %parallel_loop3A_141 = arith.maximumf %parallel_loop3A_138, %parallel_loop3A_140 : vector<16xf32>
      %parallel_loop3A_142 = arith.index_cast %parallel_loop3A_95 : i32 to index
      %parallel_loop3A_143 = arith.constant 32 : index
      %parallel_loop3A_144 = tpu.vector_load %arg11[%parallel_loop3A_142, %parallel_loop3A_143] {strides = array<i32>} : memref<80x128xf32, #tpu.memory_space<vmem>>, vector<1x16xf32>,
      %parallel_loop3A_145 = vector.shape_cast %parallel_loop3A_144 : vector<1x16xf32> to vector<16xf32>
      %parallel_loop3A_146 = vector.shape_cast %parallel_loop3A_141 : vector<16xf32> to vector<1x16xf32>
      tpu.vector_store %arg11[%parallel_loop3A_142, %parallel_loop3A_143], %parallel_loop3A_146 {strides = array<i32>} : memref<80x128xf32, #tpu.memory_space<vmem>>, vector<1x16xf32>,
      %parallel_loop3A_147 = arith.index_cast %parallel_loop3A_95 : i32 to index
      %parallel_loop3A_148 = arith.constant 48 : index
      %parallel_loop3A_149 = tpu.vector_load %arg11[%parallel_loop3A_147, %parallel_loop3A_148] {strides = array<i32>} : memref<80x128xf32, #tpu.memory_space<vmem>>, vector<1x16xf32>,
      %parallel_loop3A_150 = vector.shape_cast %parallel_loop3A_149 : vector<1x16xf32> to vector<16xf32>
      %parallel_loop3A_151 = arith.index_cast %parallel_loop3A_95 : i32 to index
      %parallel_loop3A_152 = arith.constant 48 : index
      %parallel_loop3A_153 = tpu.vector_load %arg13[%parallel_loop3A_151, %parallel_loop3A_152] {strides = array<i32>} : memref<80x128xf32, #tpu.memory_space<vmem>>, vector<1x16xf32>,
      %parallel_loop3A_154 = vector.shape_cast %parallel_loop3A_153 : vector<1x16xf32> to vector<16xf32>
      %parallel_loop3A_155 = arith.addf %parallel_loop3A_150, %parallel_loop3A_154 : vector<16xf32>
      %parallel_loop3A_156 = arith.constant 0.000000e+00 : f32
      %parallel_loop3A_157 = vector.broadcast %parallel_loop3A_156 : f32 to vector<16xf32>
      %parallel_loop3A_158 = arith.maximumf %parallel_loop3A_155, %parallel_loop3A_157 : vector<16xf32>
      %parallel_loop3A_159 = arith.index_cast %parallel_loop3A_95 : i32 to index
      %parallel_loop3A_160 = arith.constant 48 : index
      %parallel_loop3A_161 = tpu.vector_load %arg11[%parallel_loop3A_159, %parallel_loop3A_160] {strides = array<i32>} : memref<80x128xf32, #tpu.memory_space<vmem>>, vector<1x16xf32>,
      %parallel_loop3A_162 = vector.shape_cast %parallel_loop3A_161 : vector<1x16xf32> to vector<16xf32>
      %parallel_loop3A_163 = vector.shape_cast %parallel_loop3A_158 : vector<16xf32> to vector<1x16xf32>
      tpu.vector_store %arg11[%parallel_loop3A_159, %parallel_loop3A_160], %parallel_loop3A_163 {strides = array<i32>} : memref<80x128xf32, #tpu.memory_space<vmem>>, vector<1x16xf32>,
      %parallel_loop3A_164 = arith.index_cast %parallel_loop3A_95 : i32 to index
      %parallel_loop3A_165 = arith.constant 64 : index
      %parallel_loop3A_166 = tpu.vector_load %arg11[%parallel_loop3A_164, %parallel_loop3A_165] {strides = array<i32>} : memref<80x128xf32, #tpu.memory_space<vmem>>, vector<1x16xf32>,
      %parallel_loop3A_167 = vector.shape_cast %parallel_loop3A_166 : vector<1x16xf32> to vector<16xf32>
      %parallel_loop3A_168 = arith.index_cast %parallel_loop3A_95 : i32 to index
      %parallel_loop3A_169 = arith.constant 64 : index
      %parallel_loop3A_170 = tpu.vector_load %arg13[%parallel_loop3A_168, %parallel_loop3A_169] {strides = array<i32>} : memref<80x128xf32, #tpu.memory_space<vmem>>, vector<1x16xf32>,
      %parallel_loop3A_171 = vector.shape_cast %parallel_loop3A_170 : vector<1x16xf32> to vector<16xf32>
      %parallel_loop3A_172 = arith.addf %parallel_loop3A_167, %parallel_loop3A_171 : vector<16xf32>
      %parallel_loop3A_173 = arith.constant 0.000000e+00 : f32
      %parallel_loop3A_174 = vector.broadcast %parallel_loop3A_173 : f32 to vector<16xf32>
      %parallel_loop3A_175 = arith.maximumf %parallel_loop3A_172, %parallel_loop3A_174 : vector<16xf32>
      %parallel_loop3A_176 = arith.index_cast %parallel_loop3A_95 : i32 to index
      %parallel_loop3A_177 = arith.constant 64 : index
      %parallel_loop3A_178 = tpu.vector_load %arg11[%parallel_loop3A_176, %parallel_loop3A_177] {strides = array<i32>} : memref<80x128xf32, #tpu.memory_space<vmem>>, vector<1x16xf32>,
      %parallel_loop3A_179 = vector.shape_cast %parallel_loop3A_178 : vector<1x16xf32> to vector<16xf32>
      %parallel_loop3A_180 = vector.shape_cast %parallel_loop3A_175 : vector<16xf32> to vector<1x16xf32>
      tpu.vector_store %arg11[%parallel_loop3A_176, %parallel_loop3A_177], %parallel_loop3A_180 {strides = array<i32>} : memref<80x128xf32, #tpu.memory_space<vmem>>, vector<1x16xf32>,
      %parallel_loop3A_181 = arith.index_cast %parallel_loop3A_95 : i32 to index
      %parallel_loop3A_182 = arith.constant 80 : index
      %parallel_loop3A_183 = tpu.vector_load %arg11[%parallel_loop3A_181, %parallel_loop3A_182] {strides = array<i32>} : memref<80x128xf32, #tpu.memory_space<vmem>>, vector<1x16xf32>,
      %parallel_loop3A_184 = vector.shape_cast %parallel_loop3A_183 : vector<1x16xf32> to vector<16xf32>
      %parallel_loop3A_185 = arith.index_cast %parallel_loop3A_95 : i32 to index
      %parallel_loop3A_186 = arith.constant 80 : index
      %parallel_loop3A_187 = tpu.vector_load %arg13[%parallel_loop3A_185, %parallel_loop3A_186] {strides = array<i32>} : memref<80x128xf32, #tpu.memory_space<vmem>>, vector<1x16xf32>,
      %parallel_loop3A_188 = vector.shape_cast %parallel_loop3A_187 : vector<1x16xf32> to vector<16xf32>
      %parallel_loop3A_189 = arith.addf %parallel_loop3A_184, %parallel_loop3A_188 : vector<16xf32>
      %parallel_loop3A_190 = arith.constant 0.000000e+00 : f32
      %parallel_loop3A_191 = vector.broadcast %parallel_loop3A_190 : f32 to vector<16xf32>
      %parallel_loop3A_192 = arith.maximumf %parallel_loop3A_189, %parallel_loop3A_191 : vector<16xf32>
      %parallel_loop3A_193 = arith.index_cast %parallel_loop3A_95 : i32 to index
      %parallel_loop3A_194 = arith.constant 80 : index
      %parallel_loop3A_195 = tpu.vector_load %arg11[%parallel_loop3A_193, %parallel_loop3A_194] {strides = array<i32>} : memref<80x128xf32, #tpu.memory_space<vmem>>, vector<1x16xf32>,
      %parallel_loop3A_196 = vector.shape_cast %parallel_loop3A_195 : vector<1x16xf32> to vector<16xf32>
      %parallel_loop3A_197 = vector.shape_cast %parallel_loop3A_192 : vector<16xf32> to vector<1x16xf32>
      tpu.vector_store %arg11[%parallel_loop3A_193, %parallel_loop3A_194], %parallel_loop3A_197 {strides = array<i32>} : memref<80x128xf32, #tpu.memory_space<vmem>>, vector<1x16xf32>,
      %parallel_loop3A_198 = arith.index_cast %parallel_loop3A_95 : i32 to index
      %parallel_loop3A_199 = arith.constant 96 : index
      %parallel_loop3A_200 = tpu.vector_load %arg11[%parallel_loop3A_198, %parallel_loop3A_199] {strides = array<i32>} : memref<80x128xf32, #tpu.memory_space<vmem>>, vector<1x16xf32>,
      %parallel_loop3A_201 = vector.shape_cast %parallel_loop3A_200 : vector<1x16xf32> to vector<16xf32>
      %parallel_loop3A_202 = arith.index_cast %parallel_loop3A_95 : i32 to index
      %parallel_loop3A_203 = arith.constant 96 : index
      %parallel_loop3A_204 = tpu.vector_load %arg13[%parallel_loop3A_202, %parallel_loop3A_203] {strides = array<i32>} : memref<80x128xf32, #tpu.memory_space<vmem>>, vector<1x16xf32>,
      %parallel_loop3A_205 = vector.shape_cast %parallel_loop3A_204 : vector<1x16xf32> to vector<16xf32>
      %parallel_loop3A_206 = arith.addf %parallel_loop3A_201, %parallel_loop3A_205 : vector<16xf32>
      %parallel_loop3A_207 = arith.constant 0.000000e+00 : f32
      %parallel_loop3A_208 = vector.broadcast %parallel_loop3A_207 : f32 to vector<16xf32>
      %parallel_loop3A_209 = arith.maximumf %parallel_loop3A_206, %parallel_loop3A_208 : vector<16xf32>
      %parallel_loop3A_210 = arith.index_cast %parallel_loop3A_95 : i32 to index
      %parallel_loop3A_211 = arith.constant 96 : index
      %parallel_loop3A_212 = tpu.vector_load %arg11[%parallel_loop3A_210, %parallel_loop3A_211] {strides = array<i32>} : memref<80x128xf32, #tpu.memory_space<vmem>>, vector<1x16xf32>,
      %parallel_loop3A_213 = vector.shape_cast %parallel_loop3A_212 : vector<1x16xf32> to vector<16xf32>
      %parallel_loop3A_214 = vector.shape_cast %parallel_loop3A_209 : vector<16xf32> to vector<1x16xf32>
      tpu.vector_store %arg11[%parallel_loop3A_210, %parallel_loop3A_211], %parallel_loop3A_214 {strides = array<i32>} : memref<80x128xf32, #tpu.memory_space<vmem>>, vector<1x16xf32>,
      %parallel_loop3A_215 = arith.index_cast %parallel_loop3A_95 : i32 to index
      %parallel_loop3A_216 = arith.constant 112 : index
      %parallel_loop3A_217 = tpu.vector_load %arg11[%parallel_loop3A_215, %parallel_loop3A_216] {strides = array<i32>} : memref<80x128xf32, #tpu.memory_space<vmem>>, vector<1x16xf32>,
      %parallel_loop3A_218 = vector.shape_cast %parallel_loop3A_217 : vector<1x16xf32> to vector<16xf32>
      %parallel_loop3A_219 = arith.index_cast %parallel_loop3A_95 : i32 to index
      %parallel_loop3A_220 = arith.constant 112 : index
      %parallel_loop3A_221 = tpu.vector_load %arg13[%parallel_loop3A_219, %parallel_loop3A_220] {strides = array<i32>} : memref<80x128xf32, #tpu.memory_space<vmem>>, vector<1x16xf32>,
      %parallel_loop3A_222 = vector.shape_cast %parallel_loop3A_221 : vector<1x16xf32> to vector<16xf32>
      %parallel_loop3A_223 = arith.addf %parallel_loop3A_218, %parallel_loop3A_222 : vector<16xf32>
      %parallel_loop3A_224 = arith.constant 0.000000e+00 : f32
      %parallel_loop3A_225 = vector.broadcast %parallel_loop3A_224 : f32 to vector<16xf32>
      %parallel_loop3A_226 = arith.maximumf %parallel_loop3A_223, %parallel_loop3A_225 : vector<16xf32>
      %parallel_loop3A_227 = arith.index_cast %parallel_loop3A_95 : i32 to index
      %parallel_loop3A_228 = arith.constant 112 : index
      %parallel_loop3A_229 = tpu.vector_load %arg11[%parallel_loop3A_227, %parallel_loop3A_228] {strides = array<i32>} : memref<80x128xf32, #tpu.memory_space<vmem>>, vector<1x16xf32>,
      %parallel_loop3A_230 = vector.shape_cast %parallel_loop3A_229 : vector<1x16xf32> to vector<16xf32>
      %parallel_loop3A_231 = vector.shape_cast %parallel_loop3A_226 : vector<16xf32> to vector<1x16xf32>
      tpu.vector_store %arg11[%parallel_loop3A_227, %parallel_loop3A_228], %parallel_loop3A_231 {strides = array<i32>} : memref<80x128xf32, #tpu.memory_space<vmem>>, vector<1x16xf32>,
    } {sc.loop_unroll_factor = 4 : i64, sc.parallel_access}
    "tpu.region"() ({
      %run_scoped3A = tpu.sem_alloc : memref<!tpu.dma_semaphore, #tpu.memory_space<semaphore_mem>>
      %dma_start3A_95 = arith.constant 0 : i32
      %dma_start3A_96 = arith.constant 0 : i32
      %dma_start3A_97 = tpu.memref_slice %arg16[%dma_start3A_95, %dma_start3A_96] : memref<10000x128xf32, #tpu.memory_space<vmem_shared>> -> memref<10000x128xf32, #tpu.memory_space<vmem_shared>>
      tpu.enqueue_indirect_dma source(%arg11 : memref<80x128xf32, #tpu.memory_space<vmem>>) target(%dma_start3A_97 : memref<10000x128xf32, #tpu.memory_space<vmem_shared>>) offsets(%arg9 : memref<80xi32, #tpu.memory_space<vmem>>) semaphore(%run_scoped3A : memref<!tpu.dma_semaphore, #tpu.memory_space<semaphore_mem>>) {add = true}
      %dma_wait3A_98 = arith.constant 0 : i32
      %dma_wait3A_99 = arith.constant 0 : i32
      %dma_wait3A_100 = tpu.memref_slice %arg16[%dma_wait3A_98, %dma_wait3A_99] : memref<10000x128xf32, #tpu.memory_space<vmem_shared>> -> memref<10000x128xf32, #tpu.memory_space<vmem_shared>>
      tpu.wait_indirect_dma semaphore(%run_scoped3A : memref<!tpu.dma_semaphore, #tpu.memory_space<semaphore_mem>>) src(%arg11 : memref<80x128xf32, #tpu.memory_space<vmem>>) dst(%dma_wait3A_100 : memref<10000x128xf32, #tpu.memory_space<vmem_shared>>)
      tpu.yield
    }) : () -> ()
    %dma_wait3A_77 = arith.constant 0 : i32
    %dma_wait3A_78 = tpu.memref_slice %arg3[%dma_wait3A_77] : memref<320000xi32, #tpu.memory_space<hbm>> -> memref<80xi32, #tpu.memory_space<hbm>>
    %dma_wait3A_79 = arith.constant 0 : i32
    %dma_wait3A_80 = tpu.memref_slice %arg3[%dma_wait3A_79] : memref<320000xi32, #tpu.memory_space<hbm>> -> memref<80xi32, #tpu.memory_space<hbm>>
    tpu.wait_dma2 semaphore(%arg18 : memref<!tpu.dma_semaphore, #tpu.memory_space<semaphore_mem>>) src(%dma_wait3A_80 : memref<80xi32, #tpu.memory_space<hbm>>) dst(%arg8 : memref<80xi32, #tpu.memory_space<vmem>>)
    %dma_wait3A_81 = arith.constant 0 : i32
    %dma_wait3A_82 = tpu.memref_slice %arg4[%dma_wait3A_81] : memref<320000xi32, #tpu.memory_space<hbm>> -> memref<80xi32, #tpu.memory_space<hbm>>
    %dma_wait3A_83 = arith.constant 0 : i32
    %dma_wait3A_84 = tpu.memref_slice %arg4[%dma_wait3A_83] : memref<320000xi32, #tpu.memory_space<hbm>> -> memref<80xi32, #tpu.memory_space<hbm>>
    tpu.wait_dma2 semaphore(%arg18 : memref<!tpu.dma_semaphore, #tpu.memory_space<semaphore_mem>>) src(%dma_wait3A_84 : memref<80xi32, #tpu.memory_space<hbm>>) dst(%arg10 : memref<80xi32, #tpu.memory_space<vmem>>)
    %barrier3A_85 = arith.constant 0 : index
    tpu.barrier barrier_id(%barrier3A_85)
    %mul3A_86 = arith.constant 624 : i32
    %mul3A_87 = arith.muli %arg1, %mul3A_86 : i32
    %mul3A_88 = arith.constant 624 : i32
    %mul3A_89 = arith.muli %arg1, %mul3A_88 : i32
    "tpu.region"() ({
      %run_scoped3A = tpu.sem_alloc : memref<!tpu.dma_semaphore, #tpu.memory_space<semaphore_mem>>
      %dma_start3A_95 = arith.constant 0 : i32
      %dma_start3A_96 = tpu.memref_slice %arg6[%arg0, %mul3A_89, %dma_start3A_95] : memref<2x10000x128xf32, #tpu.memory_space<hbm>> -> memref<1x624x128xf32, #tpu.memory_space<hbm>>
      %dma_start3A_97 = tpu.memref_squeeze %dma_start3A_96 : memref<1x624x128xf32, #tpu.memory_space<hbm>> -> memref<624x128xf32, #tpu.memory_space<hbm>>
      %dma_start3A_98 = arith.constant 0 : i32
      %dma_start3A_99 = tpu.memref_slice %arg16[%mul3A_87, %dma_start3A_98] : memref<10000x128xf32, #tpu.memory_space<vmem_shared>> -> memref<624x128xf32, #tpu.memory_space<vmem_shared>>
      tpu.enqueue_dma source(%dma_start3A_99 : memref<624x128xf32, #tpu.memory_space<vmem_shared>>) target(%dma_start3A_97 : memref<624x128xf32, #tpu.memory_space<hbm>>) target_semaphore(%run_scoped3A : memref<!tpu.dma_semaphore, #tpu.memory_space<semaphore_mem>>)
      %dma_wait3A_100 = arith.constant 0 : i32
      %dma_wait3A_101 = tpu.memref_slice %arg6[%arg0, %mul3A_89, %dma_wait3A_100] : memref<2x10000x128xf32, #tpu.memory_space<hbm>> -> memref<1x624x128xf32, #tpu.memory_space<hbm>>
      %dma_wait3A_102 = tpu.memref_squeeze %dma_wait3A_101 : memref<1x624x128xf32, #tpu.memory_space<hbm>> -> memref<624x128xf32, #tpu.memory_space<hbm>>
      %dma_wait3A_103 = arith.constant 0 : i32
      %dma_wait3A_104 = tpu.memref_slice %arg16[%mul3A_87, %dma_wait3A_103] : memref<10000x128xf32, #tpu.memory_space<vmem_shared>> -> memref<624x128xf32, #tpu.memory_space<vmem_shared>>
      tpu.wait_dma2 semaphore(%run_scoped3A : memref<!tpu.dma_semaphore, #tpu.memory_space<semaphore_mem>>) src(%dma_wait3A_104 : memref<624x128xf32, #tpu.memory_space<vmem_shared>>) dst(%dma_wait3A_102 : memref<624x128xf32, #tpu.memory_space<hbm>>)
      tpu.yield
    }) : () -> ()
    %eq3A_90 = arith.constant 15 : i32
    %eq3A_91 = arith.cmpi eq, %arg1, %eq3A_90 : i32
    %convert_element_type3A_92 = arith.extui %eq3A_91 : i1 to i32
    %cond3A_93 = arith.constant 0 : i32
    %cond3A_94 = arith.cmpi ne, %convert_element_type3A_92, %cond3A_93 : i32
    scf.if %cond3A_94 {
      "tpu.region"() ({
        %run_scoped3A = tpu.sem_alloc : memref<!tpu.dma_semaphore, #tpu.memory_space<semaphore_mem>>
        %dma_start3A_95 = arith.constant 9984 : i32
        %dma_start3A_96 = arith.constant 0 : i32
        %dma_start3A_97 = tpu.memref_slice %arg6[%arg0, %dma_start3A_95, %dma_start3A_96] : memref<2x10000x128xf32, #tpu.memory_space<hbm>> -> memref<1x16x128xf32, #tpu.memory_space<hbm>>
        %dma_start3A_98 = tpu.memref_squeeze %dma_start3A_97 : memref<1x16x128xf32, #tpu.memory_space<hbm>> -> memref<16x128xf32, #tpu.memory_space<hbm>>
        %dma_start3A_99 = arith.constant 9984 : i32
        %dma_start3A_100 = arith.constant 0 : i32
        %dma_start3A_101 = tpu.memref_slice %arg16[%dma_start3A_99, %dma_start3A_100] : memref<10000x128xf32, #tpu.memory_space<vmem_shared>> -> memref<16x128xf32, #tpu.memory_space<vmem_shared>>
        tpu.enqueue_dma source(%dma_start3A_101 : memref<16x128xf32, #tpu.memory_space<vmem_shared>>) target(%dma_start3A_98 : memref<16x128xf32, #tpu.memory_space<hbm>>) target_semaphore(%run_scoped3A : memref<!tpu.dma_semaphore, #tpu.memory_space<semaphore_mem>>)
        %dma_wait3A_102 = arith.constant 9984 : i32
        %dma_wait3A_103 = arith.constant 0 : i32
        %dma_wait3A_104 = tpu.memref_slice %arg6[%arg0, %dma_wait3A_102, %dma_wait3A_103] : memref<2x10000x128xf32, #tpu.memory_space<hbm>> -> memref<1x16x128xf32, #tpu.memory_space<hbm>>
        %dma_wait3A_105 = tpu.memref_squeeze %dma_wait3A_104 : memref<1x16x128xf32, #tpu.memory_space<hbm>> -> memref<16x128xf32, #tpu.memory_space<hbm>>
        %dma_wait3A_106 = arith.constant 9984 : i32
        %dma_wait3A_107 = arith.constant 0 : i32
        %dma_wait3A_108 = tpu.memref_slice %arg16[%dma_wait3A_106, %dma_wait3A_107] : memref<10000x128xf32, #tpu.memory_space<vmem_shared>> -> memref<16x128xf32, #tpu.memory_space<vmem_shared>>
        tpu.wait_dma2 semaphore(%run_scoped3A : memref<!tpu.dma_semaphore, #tpu.memory_space<semaphore_mem>>) src(%dma_wait3A_108 : memref<16x128xf32, #tpu.memory_space<vmem_shared>>) dst(%dma_wait3A_105 : memref<16x128xf32, #tpu.memory_space<hbm>>)
        tpu.yield
      }) : () -> ()
    } else {
    }
    return
  }
}

module attributes {stable_mosaic.version = 14 : i64} {
  func.func @_edge_mm_body(%arg0: i32, %arg1: memref<8000x16xf32, #tpu.memory_space<vmem>>, %arg2: memref<16x128xf32, #tpu.memory_space<vmem>>, %arg3: memref<1x128xf32, #tpu.memory_space<vmem>>, %arg4: memref<8000x128xf32, #tpu.memory_space<vmem>>) attributes {dimension_semantics = [#tpu.dimension_semantics<arbitrary>], iteration_bounds = array<i64: 40>, scalar_prefetch = 0 : i64, scratch_operands = 0 : i64, tpu.core_type = #tpu.core_type<tc>, window_params = [{transform_indices = @transform_0, window_bounds = array<i64: 8000, 16>}, {pipeline_mode = #tpu.pipeline_mode<synchronous>, transform_indices = @transform_1, window_bounds = array<i64: 16, 128>}, {pipeline_mode = #tpu.pipeline_mode<synchronous>, transform_indices = @transform_2, window_bounds = array<i64: 1, 128>}, {transform_indices = @transform_3, window_bounds = array<i64: 8000, 128>}]} {
    %get3A = arith.constant 0 : index
    %get3A_0 = arith.constant 0 : index
    %get3A_1 = vector.load %arg1[%get3A, %get3A_0] : memref<8000x16xf32, #tpu.memory_space<vmem>>, vector<8000x16xf32>
    %get3A_2 = arith.constant 0 : index
    %get3A_3 = arith.constant 0 : index
    %get3A_4 = vector.load %arg2[%get3A_2, %get3A_3] : memref<16x128xf32, #tpu.memory_space<vmem>>, vector<16x128xf32>
    %dot_general3A = arith.constant dense<0.000000e+00> : vector<8000x128xf32>
    %dot_general3A_5 = tpu.matmul %get3A_1, %get3A_4, %dot_general3A {dimension_numbers = #tpu.dot_dimension_numbers<[1], [0], [0], [1], [0, 0, 1, 1], [], []>, transpose_lhs_hint = false} : vector<8000x16xf32>, vector<16x128xf32>, vector<8000x128xf32> -> vector<8000x128xf32>
    %get3A_6 = arith.constant 0 : index
    %get3A_7 = arith.constant 0 : index
    %get3A_8 = vector.load %arg3[%get3A_6, %get3A_7] : memref<1x128xf32, #tpu.memory_space<vmem>>, vector<1x128xf32>
    %add3A = vector.broadcast %get3A_8 : vector<1x128xf32> to vector<8000x128xf32>
    %add3A_9 = arith.addf %dot_general3A_5, %add3A : vector<8000x128xf32>
    %swap3A = arith.constant 0 : index
    %swap3A_10 = arith.constant 0 : index
    %swap3A_11 = vector.load %arg4[%swap3A, %swap3A_10] : memref<8000x128xf32, #tpu.memory_space<vmem>>, vector<8000x128xf32>
    tpu.vector_store %arg4[%swap3A, %swap3A_10], %add3A_9 {strides = array<i32>} : memref<8000x128xf32, #tpu.memory_space<vmem>>, vector<8000x128xf32>,
    return
  }
  func.func @transform_0(%arg0: i32) -> (i32, i32) {
    %c0_i32 = arith.constant 0 : i32
    %c0_i32_0 = arith.constant 0 : i32
    return %arg0, %c0_i32 : i32, i32
  }
  func.func @transform_1(%arg0: i32) -> (i32, i32) {
    %c0_i32 = arith.constant 0 : i32
    %c0_i32_0 = arith.constant 0 : i32
    %c0_i32_1 = arith.constant 0 : i32
    return %c0_i32, %c0_i32_0 : i32, i32
  }
  func.func @transform_2(%arg0: i32) -> (i32, i32) {
    %c0_i32 = arith.constant 0 : i32
    %c0_i32_0 = arith.constant 0 : i32
    %c0_i32_1 = arith.constant 0 : i32
    return %c0_i32, %c0_i32_0 : i32, i32
  }
  func.func @transform_3(%arg0: i32) -> (i32, i32) {
    %c0_i32 = arith.constant 0 : i32
    %c0_i32_0 = arith.constant 0 : i32
    return %arg0, %c0_i32 : i32, i32
  }
}

module attributes {stable_mosaic.version = 14 : i64} {
  func.func @_mlp_body(%arg0: memref<10000x128xf32, #tpu.memory_space<vmem>>, %arg1: memref<2x10000x128xf32, #tpu.memory_space<vmem>>, %arg2: memref<128x128xf32, #tpu.memory_space<vmem>>, %arg3: memref<1x128xf32, #tpu.memory_space<vmem>>, %arg4: memref<1x128xf32, #tpu.memory_space<vmem>>, %arg5: memref<1x128xf32, #tpu.memory_space<vmem>>, %arg6: memref<128x128xf32, #tpu.memory_space<vmem>>, %arg7: memref<1x128xf32, #tpu.memory_space<vmem>>, %arg8: memref<10000x128xf32, #tpu.memory_space<vmem>>) attributes {dimension_semantics = [], scalar_prefetch = 0 : i64, scratch_operands = 0 : i64, tpu.core_type = #tpu.core_type<tc>} {
    %get3A = arith.constant 0 : index
    %get3A_0 = arith.constant 0 : index
    %get3A_1 = vector.load %arg0[%get3A, %get3A_0] : memref<10000x128xf32, #tpu.memory_space<vmem>>, vector<10000x128xf32>
    %get3A_2 = arith.constant 0 : index
    %get3A_3 = arith.constant 0 : index
    %get3A_4 = arith.constant 0 : index
    %get3A_5 = vector.load %arg1[%get3A_2, %get3A_3, %get3A_4] : memref<2x10000x128xf32, #tpu.memory_space<vmem>>, vector<1x10000x128xf32>
    %get3A_6 = vector.shape_cast %get3A_5 : vector<1x10000x128xf32> to vector<10000x128xf32>
    %add3A = arith.addf %get3A_1, %get3A_6 : vector<10000x128xf32>
    %get3A_7 = arith.constant 1 : index
    %get3A_8 = arith.constant 0 : index
    %get3A_9 = arith.constant 0 : index
    %get3A_10 = vector.load %arg1[%get3A_7, %get3A_8, %get3A_9] : memref<2x10000x128xf32, #tpu.memory_space<vmem>>, vector<1x10000x128xf32>
    %get3A_11 = vector.shape_cast %get3A_10 : vector<1x10000x128xf32> to vector<10000x128xf32>
    %add3A_12 = arith.addf %add3A, %get3A_11 : vector<10000x128xf32>
    %get3A_13 = arith.constant 0 : index
    %get3A_14 = arith.constant 0 : index
    %get3A_15 = vector.load %arg2[%get3A_13, %get3A_14] : memref<128x128xf32, #tpu.memory_space<vmem>>, vector<128x128xf32>
    %dot_general3A = arith.constant dense<0.000000e+00> : vector<10000x128xf32>
    %dot_general3A_16 = tpu.matmul %add3A_12, %get3A_15, %dot_general3A {dimension_numbers = #tpu.dot_dimension_numbers<[1], [0], [0], [1], [0, 0, 1, 1], [], []>, transpose_lhs_hint = false} : vector<10000x128xf32>, vector<128x128xf32>, vector<10000x128xf32> -> vector<10000x128xf32>
    %get3A_17 = arith.constant 0 : index
    %get3A_18 = arith.constant 0 : index
    %get3A_19 = vector.load %arg3[%get3A_17, %get3A_18] : memref<1x128xf32, #tpu.memory_space<vmem>>, vector<1x128xf32>
    %add3A_20 = vector.broadcast %get3A_19 : vector<1x128xf32> to vector<10000x128xf32>
    %add3A_21 = arith.addf %dot_general3A_16, %add3A_20 : vector<10000x128xf32>
    %reduce_sum3A = arith.constant dense<0.000000e+00> : vector<128xf32>
    %reduce_sum3A_22 = vector.multi_reduction <add>, %add3A_21, %reduce_sum3A [0] : vector<10000x128xf32> to vector<128xf32>
    %broadcast_in_dim3A = vector.shape_cast %reduce_sum3A_22 : vector<128xf32> to vector<1x128xf32>
    %div3A = arith.constant 1.000000e+04 : f32
    %div3A_23 = vector.broadcast %div3A : f32 to vector<1x128xf32>
    %div3A_24 = arith.divf %broadcast_in_dim3A, %div3A_23 : vector<1x128xf32>
    %sub3A = vector.broadcast %div3A_24 : vector<1x128xf32> to vector<10000x128xf32>
    %sub3A_25 = arith.subf %add3A_21, %sub3A : vector<10000x128xf32>
    %sub3A_26 = vector.broadcast %div3A_24 : vector<1x128xf32> to vector<10000x128xf32>
    %sub3A_27 = arith.subf %add3A_21, %sub3A_26 : vector<10000x128xf32>
    %mul3A = arith.mulf %sub3A_25, %sub3A_27 : vector<10000x128xf32>
    %reduce_sum3A_28 = arith.constant dense<0.000000e+00> : vector<128xf32>
    %reduce_sum3A_29 = vector.multi_reduction <add>, %mul3A, %reduce_sum3A_28 [0] : vector<10000x128xf32> to vector<128xf32>
    %broadcast_in_dim3A_30 = vector.shape_cast %reduce_sum3A_29 : vector<128xf32> to vector<1x128xf32>
    %div3A_31 = arith.constant 1.000000e+04 : f32
    %div3A_32 = vector.broadcast %div3A_31 : f32 to vector<1x128xf32>
    %div3A_33 = arith.divf %broadcast_in_dim3A_30, %div3A_32 : vector<1x128xf32>
    %sub3A_34 = vector.broadcast %div3A_24 : vector<1x128xf32> to vector<10000x128xf32>
    %sub3A_35 = arith.subf %add3A_21, %sub3A_34 : vector<10000x128xf32>
    %add3A_36 = arith.constant 9.99999974E-6 : f32
    %add3A_37 = vector.broadcast %add3A_36 : f32 to vector<1x128xf32>
    %add3A_38 = arith.addf %div3A_33, %add3A_37 : vector<1x128xf32>
    %rsqrt3A = math.rsqrt %add3A_38 : vector<1x128xf32>
    %mul3A_39 = vector.broadcast %rsqrt3A : vector<1x128xf32> to vector<10000x128xf32>
    %mul3A_40 = arith.mulf %sub3A_35, %mul3A_39 : vector<10000x128xf32>
    %get3A_41 = arith.constant 0 : index
    %get3A_42 = arith.constant 0 : index
    %get3A_43 = vector.load %arg4[%get3A_41, %get3A_42] : memref<1x128xf32, #tpu.memory_space<vmem>>, vector<1x128xf32>
    %mul3A_44 = vector.broadcast %get3A_43 : vector<1x128xf32> to vector<10000x128xf32>
    %mul3A_45 = arith.mulf %mul3A_40, %mul3A_44 : vector<10000x128xf32>
    %get3A_46 = arith.constant 0 : index
    %get3A_47 = arith.constant 0 : index
    %get3A_48 = vector.load %arg5[%get3A_46, %get3A_47] : memref<1x128xf32, #tpu.memory_space<vmem>>, vector<1x128xf32>
    %add3A_49 = vector.broadcast %get3A_48 : vector<1x128xf32> to vector<10000x128xf32>
    %add3A_50 = arith.addf %mul3A_45, %add3A_49 : vector<10000x128xf32>
    %max3A = arith.constant 0.000000e+00 : f32
    %max3A_51 = vector.broadcast %max3A : f32 to vector<10000x128xf32>
    %max3A_52 = arith.maximumf %add3A_50, %max3A_51 : vector<10000x128xf32>
    %get3A_53 = arith.constant 0 : index
    %get3A_54 = arith.constant 0 : index
    %get3A_55 = vector.load %arg6[%get3A_53, %get3A_54] : memref<128x128xf32, #tpu.memory_space<vmem>>, vector<128x128xf32>
    %dot_general3A_56 = arith.constant dense<0.000000e+00> : vector<10000x128xf32>
    %dot_general3A_57 = tpu.matmul %max3A_52, %get3A_55, %dot_general3A_56 {dimension_numbers = #tpu.dot_dimension_numbers<[1], [0], [0], [1], [0, 0, 1, 1], [], []>, transpose_lhs_hint = false} : vector<10000x128xf32>, vector<128x128xf32>, vector<10000x128xf32> -> vector<10000x128xf32>
    %get3A_58 = arith.constant 0 : index
    %get3A_59 = arith.constant 0 : index
    %get3A_60 = vector.load %arg7[%get3A_58, %get3A_59] : memref<1x128xf32, #tpu.memory_space<vmem>>, vector<1x128xf32>
    %add3A_61 = vector.broadcast %get3A_60 : vector<1x128xf32> to vector<10000x128xf32>
    %add3A_62 = arith.addf %dot_general3A_57, %add3A_61 : vector<10000x128xf32>
    %max3A_63 = arith.constant 0.000000e+00 : f32
    %max3A_64 = vector.broadcast %max3A_63 : f32 to vector<10000x128xf32>
    %max3A_65 = arith.maximumf %add3A_62, %max3A_64 : vector<10000x128xf32>
    %swap3A = arith.constant 0 : index
    %swap3A_66 = arith.constant 0 : index
    %swap3A_67 = vector.load %arg8[%swap3A, %swap3A_66] : memref<10000x128xf32, #tpu.memory_space<vmem>>, vector<10000x128xf32>
    tpu.vector_store %arg8[%swap3A, %swap3A_66], %max3A_65 {strides = array<i32>} : memref<10000x128xf32, #tpu.memory_space<vmem>>, vector<10000x128xf32>,
    return
  }
}

module attributes {stable_mosaic.version = 14 : i64} {
  func.func @_head_body(%arg0: memref<10000x128xf32, #tpu.memory_space<vmem>>, %arg1: memref<2x10000x128xf32, #tpu.memory_space<vmem>>, %arg2: memref<128x128xf32, #tpu.memory_space<vmem>>, %arg3: memref<1x128xf32, #tpu.memory_space<vmem>>, %arg4: memref<1x128xf32, #tpu.memory_space<vmem>>, %arg5: memref<1x128xf32, #tpu.memory_space<vmem>>, %arg6: memref<128x128xf32, #tpu.memory_space<vmem>>, %arg7: memref<1x128xf32, #tpu.memory_space<vmem>>, %arg8: memref<1x10000xi32, #tpu.memory_space<vmem>>, %arg9: memref<128x64xf32, #tpu.memory_space<vmem>>, %arg10: memref<1x64xf32, #tpu.memory_space<vmem>>, %arg11: memref<64x2xf32, #tpu.memory_space<vmem>>, %arg12: memref<1x2xf32, #tpu.memory_space<vmem>>, %arg13: memref<64x2xf32, #tpu.memory_space<vmem>>) attributes {dimension_semantics = [], scalar_prefetch = 0 : i64, scratch_operands = 0 : i64, tpu.core_type = #tpu.core_type<tc>} {
    %get3A = arith.constant 0 : index
    %get3A_0 = arith.constant 0 : index
    %get3A_1 = vector.load %arg0[%get3A, %get3A_0] : memref<10000x128xf32, #tpu.memory_space<vmem>>, vector<10000x128xf32>
    %get3A_2 = arith.constant 0 : index
    %get3A_3 = arith.constant 0 : index
    %get3A_4 = arith.constant 0 : index
    %get3A_5 = vector.load %arg1[%get3A_2, %get3A_3, %get3A_4] : memref<2x10000x128xf32, #tpu.memory_space<vmem>>, vector<1x10000x128xf32>
    %get3A_6 = vector.shape_cast %get3A_5 : vector<1x10000x128xf32> to vector<10000x128xf32>
    %add3A = arith.addf %get3A_1, %get3A_6 : vector<10000x128xf32>
    %get3A_7 = arith.constant 1 : index
    %get3A_8 = arith.constant 0 : index
    %get3A_9 = arith.constant 0 : index
    %get3A_10 = vector.load %arg1[%get3A_7, %get3A_8, %get3A_9] : memref<2x10000x128xf32, #tpu.memory_space<vmem>>, vector<1x10000x128xf32>
    %get3A_11 = vector.shape_cast %get3A_10 : vector<1x10000x128xf32> to vector<10000x128xf32>
    %add3A_12 = arith.addf %add3A, %get3A_11 : vector<10000x128xf32>
    %get3A_13 = arith.constant 0 : index
    %get3A_14 = arith.constant 0 : index
    %get3A_15 = vector.load %arg2[%get3A_13, %get3A_14] : memref<128x128xf32, #tpu.memory_space<vmem>>, vector<128x128xf32>
    %dot_general3A = arith.constant dense<0.000000e+00> : vector<10000x128xf32>
    %dot_general3A_16 = tpu.matmul %add3A_12, %get3A_15, %dot_general3A {dimension_numbers = #tpu.dot_dimension_numbers<[1], [0], [0], [1], [0, 0, 1, 1], [], []>, transpose_lhs_hint = false} : vector<10000x128xf32>, vector<128x128xf32>, vector<10000x128xf32> -> vector<10000x128xf32>
    %get3A_17 = arith.constant 0 : index
    %get3A_18 = arith.constant 0 : index
    %get3A_19 = vector.load %arg3[%get3A_17, %get3A_18] : memref<1x128xf32, #tpu.memory_space<vmem>>, vector<1x128xf32>
    %add3A_20 = vector.broadcast %get3A_19 : vector<1x128xf32> to vector<10000x128xf32>
    %add3A_21 = arith.addf %dot_general3A_16, %add3A_20 : vector<10000x128xf32>
    %reduce_sum3A = arith.constant dense<0.000000e+00> : vector<128xf32>
    %reduce_sum3A_22 = vector.multi_reduction <add>, %add3A_21, %reduce_sum3A [0] : vector<10000x128xf32> to vector<128xf32>
    %broadcast_in_dim3A = vector.shape_cast %reduce_sum3A_22 : vector<128xf32> to vector<1x128xf32>
    %div3A = arith.constant 1.000000e+04 : f32
    %div3A_23 = vector.broadcast %div3A : f32 to vector<1x128xf32>
    %div3A_24 = arith.divf %broadcast_in_dim3A, %div3A_23 : vector<1x128xf32>
    %sub3A = vector.broadcast %div3A_24 : vector<1x128xf32> to vector<10000x128xf32>
    %sub3A_25 = arith.subf %add3A_21, %sub3A : vector<10000x128xf32>
    %sub3A_26 = vector.broadcast %div3A_24 : vector<1x128xf32> to vector<10000x128xf32>
    %sub3A_27 = arith.subf %add3A_21, %sub3A_26 : vector<10000x128xf32>
    %mul3A = arith.mulf %sub3A_25, %sub3A_27 : vector<10000x128xf32>
    %reduce_sum3A_28 = arith.constant dense<0.000000e+00> : vector<128xf32>
    %reduce_sum3A_29 = vector.multi_reduction <add>, %mul3A, %reduce_sum3A_28 [0] : vector<10000x128xf32> to vector<128xf32>
    %broadcast_in_dim3A_30 = vector.shape_cast %reduce_sum3A_29 : vector<128xf32> to vector<1x128xf32>
    %div3A_31 = arith.constant 1.000000e+04 : f32
    %div3A_32 = vector.broadcast %div3A_31 : f32 to vector<1x128xf32>
    %div3A_33 = arith.divf %broadcast_in_dim3A_30, %div3A_32 : vector<1x128xf32>
    %sub3A_34 = vector.broadcast %div3A_24 : vector<1x128xf32> to vector<10000x128xf32>
    %sub3A_35 = arith.subf %add3A_21, %sub3A_34 : vector<10000x128xf32>
    %add3A_36 = arith.constant 9.99999974E-6 : f32
    %add3A_37 = vector.broadcast %add3A_36 : f32 to vector<1x128xf32>
    %add3A_38 = arith.addf %div3A_33, %add3A_37 : vector<1x128xf32>
    %rsqrt3A = math.rsqrt %add3A_38 : vector<1x128xf32>
    %mul3A_39 = vector.broadcast %rsqrt3A : vector<1x128xf32> to vector<10000x128xf32>
    %mul3A_40 = arith.mulf %sub3A_35, %mul3A_39 : vector<10000x128xf32>
    %get3A_41 = arith.constant 0 : index
    %get3A_42 = arith.constant 0 : index
    %get3A_43 = vector.load %arg4[%get3A_41, %get3A_42] : memref<1x128xf32, #tpu.memory_space<vmem>>, vector<1x128xf32>
    %mul3A_44 = vector.broadcast %get3A_43 : vector<1x128xf32> to vector<10000x128xf32>
    %mul3A_45 = arith.mulf %mul3A_40, %mul3A_44 : vector<10000x128xf32>
    %get3A_46 = arith.constant 0 : index
    %get3A_47 = arith.constant 0 : index
    %get3A_48 = vector.load %arg5[%get3A_46, %get3A_47] : memref<1x128xf32, #tpu.memory_space<vmem>>, vector<1x128xf32>
    %add3A_49 = vector.broadcast %get3A_48 : vector<1x128xf32> to vector<10000x128xf32>
    %add3A_50 = arith.addf %mul3A_45, %add3A_49 : vector<10000x128xf32>
    %max3A = arith.constant 0.000000e+00 : f32
    %max3A_51 = vector.broadcast %max3A : f32 to vector<10000x128xf32>
    %max3A_52 = arith.maximumf %add3A_50, %max3A_51 : vector<10000x128xf32>
    %get3A_53 = arith.constant 0 : index
    %get3A_54 = arith.constant 0 : index
    %get3A_55 = vector.load %arg6[%get3A_53, %get3A_54] : memref<128x128xf32, #tpu.memory_space<vmem>>, vector<128x128xf32>
    %dot_general3A_56 = arith.constant dense<0.000000e+00> : vector<10000x128xf32>
    %dot_general3A_57 = tpu.matmul %max3A_52, %get3A_55, %dot_general3A_56 {dimension_numbers = #tpu.dot_dimension_numbers<[1], [0], [0], [1], [0, 0, 1, 1], [], []>, transpose_lhs_hint = false} : vector<10000x128xf32>, vector<128x128xf32>, vector<10000x128xf32> -> vector<10000x128xf32>
    %get3A_58 = arith.constant 0 : index
    %get3A_59 = arith.constant 0 : index
    %get3A_60 = vector.load %arg7[%get3A_58, %get3A_59] : memref<1x128xf32, #tpu.memory_space<vmem>>, vector<1x128xf32>
    %add3A_61 = vector.broadcast %get3A_60 : vector<1x128xf32> to vector<10000x128xf32>
    %add3A_62 = arith.addf %dot_general3A_57, %add3A_61 : vector<10000x128xf32>
    %max3A_63 = arith.constant 0.000000e+00 : f32
    %max3A_64 = vector.broadcast %max3A_63 : f32 to vector<10000x128xf32>
    %max3A_65 = arith.maximumf %add3A_62, %max3A_64 : vector<10000x128xf32>
    %iota3A = tpu.iota {dimensions = array<i32: 0>} : vector<64x10000xi32>
    %get3A_66 = arith.constant 0 : index
    %get3A_67 = arith.constant 0 : index
    %get3A_68 = vector.load %arg8[%get3A_66, %get3A_67] : memref<1x10000xi32, #tpu.memory_space<vmem>>, vector<1x10000xi32>
    %eq3A = vector.broadcast %get3A_68 : vector<1x10000xi32> to vector<64x10000xi32>
    %eq3A_69 = arith.cmpi eq, %iota3A, %eq3A : vector<64x10000xi32>
    %convert_element_type3A = arith.extui %eq3A_69 : vector<64x10000xi1> to vector<64x10000xi32>
    %convert_element_type3A_70 = arith.sitofp %convert_element_type3A : vector<64x10000xi32> to vector<64x10000xf32>
    %dot_general3A_71 = arith.constant dense<0.000000e+00> : vector<64x128xf32>
    %dot_general3A_72 = tpu.matmul %convert_element_type3A_70, %max3A_65, %dot_general3A_71 {dimension_numbers = #tpu.dot_dimension_numbers<[1], [0], [0], [1], [0, 0, 1, 1], [], []>, precision = #tpu.contract_precision<fp32>, transpose_lhs_hint = false} : vector<64x10000xf32>, vector<10000x128xf32>, vector<64x128xf32> -> vector<64x128xf32>
    %get3A_73 = arith.constant 0 : index
    %get3A_74 = arith.constant 0 : index
    %get3A_75 = vector.load %arg9[%get3A_73, %get3A_74] : memref<128x64xf32, #tpu.memory_space<vmem>>, vector<128x64xf32>
    %dot_general3A_76 = arith.constant dense<0.000000e+00> : vector<64x64xf32>
    %dot_general3A_77 = tpu.matmul %dot_general3A_72, %get3A_75, %dot_general3A_76 {dimension_numbers = #tpu.dot_dimension_numbers<[1], [0], [0], [1], [0, 0, 1, 1], [], []>, transpose_lhs_hint = false} : vector<64x128xf32>, vector<128x64xf32>, vector<64x64xf32> -> vector<64x64xf32>
    %get3A_78 = arith.constant 0 : index
    %get3A_79 = arith.constant 0 : index
    %get3A_80 = vector.load %arg10[%get3A_78, %get3A_79] : memref<1x64xf32, #tpu.memory_space<vmem>>, vector<1x64xf32>
    %add3A_81 = vector.broadcast %get3A_80 : vector<1x64xf32> to vector<64x64xf32>
    %add3A_82 = arith.addf %dot_general3A_77, %add3A_81 : vector<64x64xf32>
    %max3A_83 = arith.constant 0.000000e+00 : f32
    %max3A_84 = vector.broadcast %max3A_83 : f32 to vector<64x64xf32>
    %max3A_85 = arith.maximumf %add3A_82, %max3A_84 : vector<64x64xf32>
    %get3A_86 = arith.constant 0 : index
    %get3A_87 = arith.constant 0 : index
    %get3A_88 = vector.load %arg11[%get3A_86, %get3A_87] : memref<64x2xf32, #tpu.memory_space<vmem>>, vector<64x2xf32>
    %dot_general3A_89 = arith.constant dense<0.000000e+00> : vector<64x2xf32>
    %dot_general3A_90 = tpu.matmul %max3A_85, %get3A_88, %dot_general3A_89 {dimension_numbers = #tpu.dot_dimension_numbers<[1], [0], [0], [1], [0, 0, 1, 1], [], []>, transpose_lhs_hint = false} : vector<64x64xf32>, vector<64x2xf32>, vector<64x2xf32> -> vector<64x2xf32>
    %get3A_91 = arith.constant 0 : index
    %get3A_92 = arith.constant 0 : index
    %get3A_93 = vector.load %arg12[%get3A_91, %get3A_92] : memref<1x2xf32, #tpu.memory_space<vmem>>, vector<1x2xf32>
    %add3A_94 = vector.broadcast %get3A_93 : vector<1x2xf32> to vector<64x2xf32>
    %add3A_95 = arith.addf %dot_general3A_90, %add3A_94 : vector<64x2xf32>
    %swap3A = arith.constant 0 : index
    %swap3A_96 = arith.constant 0 : index
    %swap3A_97 = vector.load %arg13[%swap3A, %swap3A_96] : memref<64x2xf32, #tpu.memory_space<vmem>>, vector<64x2xf32>
    tpu.vector_store %arg13[%swap3A, %swap3A_96], %add3A_95 {strides = array<i32>} : memref<64x2xf32, #tpu.memory_space<vmem>>, vector<64x2xf32>,
    return
  }
}

</mosaic_0001>

<sc_bundles>
// kernel: kernel.11.cloned.1.call-start
scs
__scs_entry_jumppad:
0x0: {  	(pc) =	sbr.rel $0x88, $3  }
0x1: {  	(tag) =	ssettag $0x0;
	lr =	simm.s32 $0x1  }
0x2: {  	[smem:$0x3F89] =	sst lr;
	_ =	strace $0xD0000000  }
0x3: {  	_ = 	snop  }
0x4: {  	_ = 	snop  }
0x5: {  	_ = 	snop  }
0x6: {  	_ = 	snop  }
0x7: {  	_ = 	snop  }
__scs_overlays_trampoline_lowered:
0x8: {  	[smem:$0x3F98] =	sst s0  }
0x9: {  	[smem:$0x3F99] =	sst s1  }
0xa: {  	[smem:$0x3F9A] =	sst s2  }
0xb: {  	[smem:$0x3F9B] =	sst s3  }
0xc: {  	[smem:$0x3F9C] =	sst s4  }
0xd: {  	[smem:$0x3F9D] =	sst s5  }
0xe: {  	[smem:$0x3F9E] =	sst s6  }
0xf: {  	[smem:$0x3F9F] =	sst s7  }
0x10: {  	[smem:$0x3FA0] =	sst s8  }
0x11: {  	[smem:$0x3FA1] =	sst s9;
	s0 =	simm.s32 @!p0 $0x0  }
0x12: {  	s1 =	sld [smem:$0x3F87];
	s0 =	simm.s32 @p0 $0x1  }
0x13: {  	[smem:$0x3FA2] =	sst s0;
	s0 =	simm.s32 @!p1 $0x0  }
0x14: {  	s2 =	sld [smem:$0x3F86];
	s0 =	simm.s32 @p1 $0x1  }
0x15: {  	[smem:$0x3FA3] =	sst s0;
	s0 =	simm.s32 @!p2 $0x0  }
0x16: {  	s3 =	sld [smem:$0x3FDB];
	s0 =	simm.s32 @p2 $0x1  }
0x17: {  	s4 =	simm.s32 $0x1BF5;
	[smem:$0x3FA5] =	sst s0  }
0x18: {  	s0 =	sld [smem:$0x3F88];
	_ =	swait.ge [sflag:s4], $0x0  }
0x19: {  	s7 =	sld [smem:$0x3F89]  }
0x1a: {  	s8 =	sadd.s32 $0xFFFFE003, lr  }
0x1b: {  	s9 =	sadd.s32 $0xFFFFFEF7, lr;
	s5 =	simm.s32 $0xFFFFFFFF;
	p2 =	slt.u32 s8, $0xFFFFF086  }
0x1c: {  	p1 =	slt.u32 s9, $0xF7A;
	s5 =	simm.s32 @!p2 $0x0  }
0x1d: {  	s5 =	simm.s32 @p1 $0x1;
	p0 =	seq.s32 s7, s2  }
0x1e: {  	s7 =	smul.u32 @!p0 $0xF7A, s2;
	p2 =	seq.s32 @!p0 s5, $0x0  }
0x1f: {  	s9 =	smul.u32 $0xF7A, s1;
	s8 =	simm.s32 @!p0 $0x1BF5;
	p2 =	por !p2, p0  }
0x20: {  	[sflag:s8] =	ssyncset.s32 @!p0 $0xFFFFF086;
	s6 =	sadd.s32 @!p0 s3, s7;
	s7 =	simm.s32 @!p0 $0x108  }
0x21: {  	s3 =	sadd.s32 s3, s9;
	s6 =	sadd.s32 @!p0 $0x88, s6;
	s7 =	simm.s32 @p2 $0x1082  }
0x22: {  	[simem:s7], [sflag:s8] =	dma.local @!p0 [hbm:s6], $0xF7A  }
0x23: {  	s9 =	sor.u32 $0xD0000000, s2;
	s6 =	simm.s32 $0x108;
	_ =	swait.ge @!p0 [sflag:s8], $0x0  }
0x24: {  	s3 =	sadd.s32 $0x88, s3;
	s6 =	simm.s32 @!p1 $0x1082;
	[sflag:s4] =	ssyncset.s32 $0xFFFFF086  }
0x25: {  	[simem:s6], [sflag:s4] =	dma.local [hbm:s3], $0xF7A  }
0x26: {  	[smem:$0x3F89] =	sst s1;
	(tag) =	ssettag s2;
	_ =	strace s9  }
0x27: {  	s1 =	sld [smem:$0x3F99]  }
0x28: {  	s2 =	sld [smem:$0x3F9A]  }
0x29: {  	s4 =	sld [smem:$0x3F9C]  }
0x2a: {  	p0 =	seq.s32 s5, $0x0;
	s5 =	sld [smem:$0x3F9D]  }
0x2b: {  	s6 =	sld [smem:$0x3F9E]  }
0x2c: {  	s7 =	sld [smem:$0x3F9F]  }
0x2d: {  	s3 =	simm.s32 $0x108;
	s8 =	sld [smem:$0x3FA0]  }
0x2e: {  	s3 =	simm.s32 @!p0 $0x1082;
	s9 =	sld [smem:$0x3FA1]  }
0x2f: {  	lr =	sadd.s32 s0, s3;
	s0 =	sld [smem:$0x3F98]  }
0x30: {  	s3 =	sld [smem:$0x3F9B]  }
0x31: {  	[smem:$0x3FA4] =	sst s10  }
0x32: {  	s10 =	sld [smem:$0x3FA2];
	_ =	sdelay $0x3  }
0x33: {  	p0 =	seq.s32 s10, $0x1;
	s10 =	sld [smem:$0x3FA4];
	_ =	sdelay $0x3  }
0x34: {  	[smem:$0x3FA4] =	sst s10  }
0x35: {  	s10 =	sld [smem:$0x3FA3];
	_ =	sdelay $0x3  }
0x36: {  	p1 =	seq.s32 s10, $0x1;
	s10 =	sld [smem:$0x3FA4];
	_ =	sdelay $0x3  }
0x37: {  	[smem:$0x3FA4] =	sst s10  }
0x38: {  	s10 =	sld [smem:$0x3FA5]  }
0x39: {  	_ = 	snop;
	(pc) =	sbr.ind lr, $3  }
0x3a: {  	_ = 	snop  }
0x3b: {  	_ = 	snop  }
0x3c: {  	p2 =	seq.s32 s10, $0x1;
	s10 =	sld [smem:$0x3FA4]  }
0x3d: {  	_ =	shalt  }
0x3e: {  	_ =	shalt  }
0x3f: {  	_ =	shalt  }
0x40: {  	_ =	shalt  }
0x41: {  	_ =	shalt  }
0x42: {  	_ =	shalt  }
0x43: {  	_ =	shalt  }
0x44: {  	_ =	shalt  }
0x45: {  	_ =	shalt  }
0x46: {  	_ =	shalt  }
0x47: {  	_ =	shalt  }
0x48: {  	_ =	shalt  }
0x49: {  	_ =	shalt  }
0x4a: {  	_ =	shalt  }
0x4b: {  	_ =	shalt  }
0x4c: {  	_ =	shalt  }
0x4d: {  	_ =	shalt  }
0x4e: {  	_ =	shalt  }
0x4f: {  	_ =	shalt  }
0x50: {  	_ =	shalt  }
0x51: {  	_ =	shalt  }
0x52: {  	_ =	shalt  }
0x53: {  	_ =	shalt  }
0x54: {  	_ =	shalt  }
0x55: {  	_ =	shalt  }
0x56: {  	_ =	shalt  }
0x57: {  	_ =	shalt  }
0x58: {  	_ =	shalt  }
0x59: {  	_ =	shalt  }
0x5a: {  	_ =	shalt  }
0x5b: {  	_ =	shalt  }
0x5c: {  	_ =	shalt  }
0x5d: {  	_ =	shalt  }
0x5e: {  	_ =	shalt  }
0x5f: {  	_ =	shalt  }
0x60: {  	_ =	shalt  }
0x61: {  	_ =	shalt  }
0x62: {  	_ =	shalt  }
0x63: {  	_ =	shalt  }
0x64: {  	_ =	shalt  }
0x65: {  	_ =	shalt  }
0x66: {  	_ =	shalt  }
0x67: {  	_ =	shalt  }
0x68: {  	_ =	shalt  }
0x69: {  	_ =	shalt  }
0x6a: {  	_ =	shalt  }
0x6b: {  	_ =	shalt  }
0x6c: {  	_ =	shalt  }
0x6d: {  	_ =	shalt  }
0x6e: {  	_ =	shalt  }
0x6f: {  	_ =	shalt  }
0x70: {  	_ =	shalt  }
0x71: {  	_ =	shalt  }
0x72: {  	_ =	shalt  }
0x73: {  	_ =	shalt  }
0x74: {  	_ =	shalt  }
0x75: {  	_ =	shalt  }
0x76: {  	_ =	shalt  }
0x77: {  	_ =	shalt  }
0x78: {  	_ =	shalt  }
0x79: {  	_ =	shalt  }
0x7a: {  	_ =	shalt  }
0x7b: {  	_ =	shalt  }
0x7c: {  	_ =	shalt  }
0x7d: {  	_ =	shalt  }
0x7e: {  	_ =	shalt  }
0x7f: {  	_ =	shalt  }
0x80: {  	_ =	shalt  }
0x81: {  	_ =	shalt  }
0x82: {  	_ =	shalt  }
0x83: {  	_ =	shalt  }
0x84: {  	_ =	shalt  }
0x85: {  	_ =	shalt  }
0x86: {  	_ =	shalt  }
0x87: {  	_ =	shalt  }
.Lfunc_end0:
.L_simem_size_0:
called_computation.1_lowered:
.L_overlay_start_0:
0x88: {  	s2 =	sld [smem:$0x3FD9]  }
0x89: {  	s3 =	sld [smem:$0x3FFE];
	_ =	sdelay $0x1  }
0x8a: {  	s1 =	srdreg.scid  }
0x8b: {  	s0 =	sand.u32 $0x1, s1  }
0x8c: {  	s16 =	sshll.u32 s0, $0xA;
	s2 =	sadd.s32 s3, s2  }
0x8d: {  	s2 =	sadd.s32 s2, s16  }
0x8e: {  	[smem:$0x3FB0] =	sst s2  }
0x8f: {  	_ = 	snop  }
0x90: {  	(tm) =	ssettm $0x1  }
0x91: {  	s17 =	sld [smem:$0x3FFB];
	_ =	sdelay $0x3  }
0x92: {  	_ =	strace s17  }
0x93: {  	s2 =	sld [smem:$0x3FFC];
	_ =	sdelay $0x3  }
0x94: {  	_ =	strace s2  }
0x95: {  	s2 =	sld [smem:$0x3FFD];
	_ =	sdelay $0x3  }
0x96: {  	_ =	strace s2  }
0x97: {  	_ =	strace $0x8FFFFFFF  }
0x98: {  	s18 =	sld [smem:$0x3FDB];
	_ =	sdelay $0x1  }
0x99: {  	s19 =	simm.s32 $_scs_section_size  }
0x9a: {  	s4 =	simm.s32 $_size__tile_overlayer_lowered;
	s5 =	simm.s32 $_tile_overlayer_lowered  }
0x9b: {  	s22 =	simm.s32 $0x1BFF;
	s21 =	sshll.u32 s5, $0x1;
	s2 =	sadd.s32 s19, s18  }
0x9c: {  	s6 =	simm.s32 $0x0;
	s20 =	sshll.u32 s4, $0x1;
	s4 =	sadd.s32 s21, s2  }
0x9d: {  	[timem:s6], [sflag:s22] =	dma.local [hbm:s4], s20  }
0x9e: {  	_ =	swait.ge [sflag:s22], s20  }
0x9f: {  	s3 =	ssub.s32 $0x0, s20;
	[sflag:s22] =	ssyncset.done $0x0  }
0xa0: {  	[sflag:s22] =	ssyncadd.s32 s3;
	_ =	sdelay $0x1  }
0xa1: {  	s23 =	simm.s32 $0x1B8B  }
0xa2: {  	_ =	swait.ge [sflag:s23], $0x1  }
0xa3: {  	[sflag:s23] =	ssyncset.done $0x0  }
0xa4: {  	s25 =	simm.s32 $0x1B8E;
	s24 =	sld [smem:$0x3FFE];
	[sflag:s23] =	ssyncadd.s32 $0xFFFFFFFF  }
0xa5: {  	s26 =	simm.s32 $execute0_lowered;
	[smem:$0x3FD2] =	sst s25  }
0xa6: {  	s4 =	sshll.u32 s26, $0x1;
	_ =	strace $0x80000049;
	[dreg:$0x1] =	wrdreg $0xFFFFFFFF  }
0xa7: {  	s28 =	simm.s32 $_size_execute0_lowered;
	s2 =	sadd.s32 s2, s4;
	[dreg:$0x0] =	wrdreg $0x0  }
0xa8: {  	s4 =	sshll.u32 s28, $0x1;
	[dreg:$0x2] =	wrdreg s2  }
0xa9: {  	[dreg:$0x3] =	wrdreg s4  }
0xaa: {  	[dreg:$0x4] =	wrdreg $0xC0  }
0xab: {  	_ =	task [dreg:s6], $0x5FFFF  }
0xac: {  	[dreg:$0x1] =	wrdreg $0xFFFFFFFF  }
0xad: {  	[dreg:$0x0] =	wrdreg $0x60  }
0xae: {  	[dreg:$0x2] =	wrdreg s24  }
0xaf: {  	[dreg:$0x3] =	wrdreg $0xAA000  }
0xb0: {  	[dreg:$0x4] =	wrdreg $0x9  }
0xb1: {  	_ =	task.clear_ibuf [dreg:s6], $0x5FFFF;
	_ =	strace $0x90000049  }
0xb2: {  	s29 =	simm.s32 $0x9;
	_ =	strace $0x8000004B  }
0xb3: {  	_ =	swait.ge [sflag:s29], $0x1  }
0xb4: {  	[sflag:s29] =	ssyncadd.s32 $0xFFFFFFFF  }
0xb5: {  	_ =	strace $0x9000004B  }
0xb6: {  	_ =	sfence  }
0xb7: {  	s30 =	sld [smem:$0x0];
	_ =	sdelay $0x2  }
0xb8: {  	s31 =	sshll.u32 s1, $0xD;
	s1 =	sshrl.u32 s1, $0x2  }
0xb9: {  	s3 =	sand.u32 $0x4000, s31;
	s1 =	sadd.s32 s1, s30  }
0xba: {  	s0 =	sor.u32 s3, s0;
	s1 =	sshll.u32 s1, $0x11  }
0xbb: {  	s0 =	sor.u32 s1, s0  }
0xbc: {  	s0 =	sadd.s32 $0x8F2B, s0  }
0xbd: {  	[sflag:s0] =	ssyncadd.remote.s32 $0x1  }
0xbe: {  	_ =	sfence.sel $0xFFFF  }
0xbf: {  	[dreg:$0x0] =	wrdreg $0xFFFFFFFF;
	(pc) =	sbr.abs _section_cstart, $3  }
0xc0: {  	[dreg:$0x1] =	wrdreg $0xFFFFFFFF  }
0xc1: {  	_ =	task.clear_ibuf [dreg:s6], $0x2FFFF;
	_ =	strace $0x9FFFFFFF  }
0xc2: {  	(tm) =	ssettm $0x7FFFFFFF  }
0xc3: {  	_ =	shalt  }
tec
execute0_lowered:
.L_overlay_start_1:
0x0: {  	(tag) =	ssettag $0x1  }
0x1: {  	s0 =	rddreg [dreg:$0x0]  }
0x2: {  	s1 =	rddreg [dreg:$0x1]  }
0x3: {  	s2 =	simm.s32 $0x0;
	s3 =	srdreg.scid;
	s15 =	stileid.u32  }
0x4: {  	s28 =	simm.s32 $0x1;
	s29 =	simm.s32 $0x50;
	s30 =	simm.s32 $0x200  }
0x5: {  	s19 =	simm.s32 $0x0;
	[smem:$0x7FF] =	sst s2;
	s3 =	sand.u32 $0x1, s3  }
0x6: {  	s4 =	sadd.s32 $0x17000, s0;
	s5 =	sadd.s32 $0xD200, s0;
	s14 =	smul.u32 $0x4E000, s15  }
0x7: {  	s7 =	sadd.s32 $0xA29200, s0;
	s24 =	smul.u32 $0x13800, s15;
	s18 =	sadd.s32 $0x138000, s1  }
0x8: {  	p0 =	sne.s32 s15, $0xF;
	_ =	strace $0x8000004A;
	s6 =	sshll.u32 s3, $0x4  }
0x9: {  	s8 =	ssub.s32 $0x2, s3;
	s3 =	smul.u32 $0x138800, s3;
	[dreg:$0x8] =	wrdreg s18  }
0xa: {  	s9 =	sor.u32 s15, s6;
	s6 =	sadd.s32 $0x3400, s0;
	s10 =	sshrl.u32 s8, $0x1  }
0xb: {  	s0 =	sadd.s32 $0x3E200, s0;
	s23 =	sshrl.u32 s14, $0x2;
	s11 =	smul.u32 $0x2710, s9  }
0xc: {  	s10 =	ssub.s32 s8, s10;
	s9 =	smul.u32 $0x27100, s9;
	s14 =	sadd.s32 s23, s1  }
0xd: {  	s25 =	sadd.s32 s24, s3;
	s3 =	sshrl.u32 s3, $0x3;
	s23 =	simm.s32 $0x180  }
0xe: {  	s3 =	sadd.s32 s0, s3;
	s31 =	smax.u32 s10, $0x1;
	s10 =	simm.s32 $0x5  }
0xf: {  	s12 =	sshrl.u32 s11, $0x3;
	s8 =	sadd.s32 $0x50, s11;
	s9 =	sadd.s32 s7, s9  }
0x10: {  	s16 =	sadd.s32 $0xA0, s11;
	s17 =	sadd.s32 $0xF0, s11;
	[dreg:$0xb] =	wrdreg s31  }
0x11: {  	s26 =	sadd.s32 $0x27000, s3;
	s3 =	simm.s32 $0x2A00;
	[dreg:$0x7] =	wrdreg s9  }
0x12: {  	s11 =	simm.s32 $0x4;
	s13 =	sadd.s32 s5, s12;
	[dreg:$0xa] =	wrdreg s26  }
0x13: {  	s20 =	sshrl.u32 s8, $0x3;
	s12 =	sadd.s32 s6, s12;
	[dreg:$0x3] =	wrdreg s13  }
0x14: {  	s9 =	sshrl.u32 s25, $0x3;
	[dreg:$0x4] =	wrdreg s12;
	s21 =	sadd.s32 s5, s20  }
0x15: {  	s25 =	simm.s32 $0xA200;
	s22 =	sadd.s32 s6, s20;
	[dreg:$0x5] =	wrdreg s21  }
0x16: {  	s26 =	simm.s32 $0x7;
	s0 =	sadd.s32 s0, s9;
	[dreg:$0x6] =	wrdreg s22  }
0x17: {  	s9 =	simm.s32 $0x3;
	s12 =	simm.s32 $0x6;
	[dreg:$0x9] =	wrdreg s0  }
0x18: {  	v0 =	vimm.f32 $0.0e+00;
	s21 =	simm.s32 $0x100;
	s22 =	simm.s32 $0x80;
	s0 =	simm.s32 $0x2  }
.LBB2_1:
0x19: {  	s13 =	rddreg [dreg:$0x3]  }
0x1a: {  	[tilespmem:s2], [sflag:$0x1] =	stream.linear.gather [hbm4b:s13+s2], $0x50, $0x38;
	[tilespmem:$0x1E280] =	vst v63  }
0x1b: {  	s15 =	rddreg [dreg:$0x4]  }
0x1c: {  	[tilespmem:s21], [sflag:$0x1] =	stream.linear.gather [hbm4b:s15+s2], $0x50, $0x38;
	[tilespmem:$0x1E280] =	vst v63  }
0x1d: {  	s20 =	rddreg [dreg:$0x5]  }
0x1e: {  	[tilespmem:s22], [sflag:$0x2] =	stream.linear.gather [hbm4b:s20+s2], $0x50, $0x38;
	[tilespmem:$0x1E280] =	vst v63  }
0x1f: {  	s24 =	rddreg [dreg:$0x6]  }
0x20: {  	[tilespmem:s23], [sflag:$0x2] =	stream.linear.gather [hbm4b:s24+s2], $0x50, $0x38;
	[tilespmem:$0x1E280] =	vst v63  }
0x21: {  	s31 =	rddreg [dreg:$0x7];
	s15 =	simm.s32 $0x5200  }
0x22: {  	[tilespmem:s15], [sflag:$0x3] =	stream.linear.gather [hbm4b:s31+s2], $0x2800, $0x38;
	[tilespmem:$0x1E280] =	vst v63  }
0x23: {  	s13 =	simm.s32 $0x0;
	s15 =	simm.s32 $0x200  }
.LBB2_2:
0x24: {  	p1 =	sne.s32 s15, $0x1E00;
	[tilespmem:s13+$0xA270] =	vst v0  }
0x25: {  	[tilespmem:s13+$0xA200] =	vst v0  }
0x26: {  	[tilespmem:s13+$0xA210] =	vst v0  }
.Ltmp0:
0x27: {  	[tilespmem:s13+$0xA220] =	vst v0;
	(pc) =	sbr.rel @p1 .LBB2_2-.Ltmp0, $4  }
0x28: {  	[tilespmem:s13+$0xA230] =	vst v0  }
0x29: {  	[tilespmem:s13+$0xA240] =	vst v0  }
0x2a: {  	[tilespmem:s13+$0xA250] =	vst v0  }
0x2b: {  	[tilespmem:s13+$0xA260] =	vst v0;
	s13 =	sshra.s32 s15, $0x2;
	s15 =	sadd.s32 $0x200, s15  }
0x2c: {  	[tilespmem:s13+$0xA270] =	vst v0  }
0x2d: {  	[tilespmem:s13+$0xA200] =	vst v0  }
0x2e: {  	[tilespmem:s13+$0xA210] =	vst v0  }
0x2f: {  	[tilespmem:s13+$0xA220] =	vst v0  }
0x30: {  	[tilespmem:s13+$0xA230] =	vst v0  }
0x31: {  	[tilespmem:s13+$0xA240] =	vst v0  }
0x32: {  	[tilespmem:s13+$0xA250] =	vst v0  }
0x33: {  	[dreg:$0xc] =	wrdreg s19;
	[tilespmem:s13+$0xA260] =	vst v0;
	s31 =	sadd.s32 $0x0, s14  }
0x34: {  	[spmem:s31] =	stream.linear.scatter [tilespmem:s25], [sflag:$0x7], $0x800, $0x38;
	[tilespmem:$0x1E280] =	vst v63  }
0x35: {  	s13 =	simm.s32 $0x2000;
	_ =	swait.ge [sflag:s26], $0x800  }
.LBB2_4:
0x36: {  	s15 =	sshra.s32 s13, $0x2;
	[sflag:s26] =	ssyncset.done $0x0;
	p1 =	sne.s32 s13, $0x4C000  }
.Ltmp1:
0x37: {  	s15 =	sadd.s32 s15, s14;
	[sflag:s26] =	ssyncadd.s32 $0xFFFFF800;
	(pc) =	sbr.rel @p1 .LBB2_4-.Ltmp1, $3  }
0x38: {  	[spmem:s15] =	stream.linear.scatter [tilespmem:s25], [sflag:$0x7], $0x800, $0x38;
	[tilespmem:$0x1E280] =	vst v63  }
0x39: {  	s13 =	sadd.s32 $0x2000, s13;
	_ =	sdelay $0x1  }
0x3a: {  	_ =	swait.ge [sflag:s26], $0x800  }
0x3b: {  	[sflag:s26] =	ssyncset.done $0x0  }
0x3c: {  	s13 =	simm.s32 @!p0 $0xA200;
	[sflag:s26] =	ssyncadd.s32 $0xFFFFF800  }
0x3d: {  	[spmem:s18] =	stream.linear.scatter @!p0 [tilespmem:s13], [sflag:$0x7], $0x800, $0x38;
	[tilespmem:$0x1E280] =	vst v63  }
0x3e: {  	s13 =	simm.s32 @!p0 $0x7  }
0x3f: {  	_ =	swait.ge @!p0 [sflag:s13], $0x800  }
0x40: {  	[sflag:s13] =	ssyncset.done @!p0 $0x0  }
0x41: {  	[sflag:s13] =	ssyncadd.s32 @!p0 $0xFFFFF800  }
0x42: {  	_ =	swait.ge [sflag:s28], $0x50  }
0x43: {  	[sflag:s28] =	ssyncset.done $0x0  }
0x44: {  	[sflag:s28] =	ssyncadd.s32 $0xFFFFFFB0  }
0x45: {  	_ =	swait.ge [sflag:s28], $0x50  }
0x46: {  	[sflag:s28] =	ssyncset.done $0x0  }
0x47: {  	s18 =	simm.s32 $0x0;
	[sflag:s28] =	ssyncadd.s32 $0xFFFFFFB0  }
0x48: {  	[tilespmem:s30], [sflag:$0x5] =	stream.indirect.gather [hbm4b:s4+s29], $0x80, s18, s29, $0xb8;
	[tilespmem:$0x1E280] =	vst v63  }
0x49: {  	[bflag:$0x0] =	sbarrier.arrive $0xFFFF  }
.LBB2_6:
0x4a: {  	s19 =	smul.u32 $0xA0, s18;
	_ =	sdelay $0x1  }
0x4b: {  	s13 =	sadd.s32 s19, s8  }
0x4c: {  	s13 =	sshll.u32 s13, $0x4  }
0x4d: {  	s15 =	simm.s32 $0x7A00;
	s13 =	sadd.s32 s7, s13  }
0x4e: {  	[tilespmem:s15], [sflag:$0x4] =	stream.linear.gather [hbm4b:s13+s2], $0x2800, $0x38;
	[tilespmem:$0x1E280] =	vst v63  }
0x4f: {  	_ =	swait.ge [sflag:s0], $0x50  }
0x50: {  	[sflag:s0] =	ssyncset.done $0x0  }
0x51: {  	[sflag:s0] =	ssyncadd.s32 $0xFFFFFFB0  }
0x52: {  	_ =	swait.ge [sflag:s0], $0x50  }
0x53: {  	[sflag:s0] =	ssyncset.done $0x0  }
0x54: {  	[sflag:s0] =	ssyncadd.s32 $0xFFFFFFB0  }
0x55: {  	[tilespmem:s3], [sflag:$0x6] =	stream.indirect.gather [hbm4b:s4+s29], $0x80, s22, s29, $0xb8;
	[tilespmem:$0x1E280] =	vst v63  }
0x56: {  	_ =	swait.ge [sflag:s9], $0x2800  }
0x57: {  	[sflag:s9] =	ssyncset.done $0x0  }
0x58: {  	[sflag:s9] =	ssyncadd.s32 $0xFFFFD800  }
0x59: {  	_ =	swait.ge [sflag:s10], $0x2800  }
0x5a: {  	[sflag:s10] =	ssyncset.done $0x0  }
0x5b: {  	s20 =	simm.s32 $0x300;
	[sflag:s10] =	ssyncadd.s32 $0xFFFFD800  }
0x5c: {  	s15 =	simm.s32 $0x5300;
	v1 =	vld [tilespmem:s20+$0x80]  }
0x5d: {  	v2 =	vld [tilespmem:s15+$0x80]  }
0x5e: {  	v3 =	vld [tilespmem:s15+$0xFFFFFF00]  }
0x5f: {  	v4 =	vld [tilespmem:s20+$0xFFFFFF80]  }
0x60: {  	v5 =	vld [tilespmem:s15+$0xFFFFFF80]  }
0x61: {  	v6 =	vld [tilespmem:s15+$0x0]  }
0x62: {  	v1 =	vadd.f32 v2, v1;
	v2 =	vld [tilespmem:s20+$0x0]  }
0x63: {  	v7 =	vld [tilespmem:s20+$0xFFFFFF00]  }
0x64: {  	v1 =	vmax.f32 v1, $0.0e+00  }
0x65: {  	v4 =	vadd.f32 v5, v4;
	[tilespmem:s20+$0x80] =	vst v1;
	v1 =	vld [tilespmem:s20+$0x90]  }
0x66: {  	v8 =	vld [tilespmem:s15+$0x90]  }
0x67: {  	v9 =	vld [tilespmem:s20+$0xFFFFFF90];
	v4 =	vmax.f32 v4, $0.0e+00;
	v2 =	vadd.f32 v6, v2  }
0x68: {  	v5 =	vld [tilespmem:s20+$0xFFFFFF10];
	v3 =	vadd.f32 v3, v7;
	[tilespmem:s20+$0xFFFFFF80] =	vst v4  }
0x69: {  	v6 =	vld [tilespmem:s15+$0xFFFFFF90];
	v2 =	vmax.f32 v2, $0.0e+00  }
0x6a: {  	v3 =	vmax.f32 v3, $0.0e+00;
	v4 =	vld [tilespmem:s20+$0x10];
	[tilespmem:s20+$0x0] =	vst v2  }
0x6b: {  	[tilespmem:s20+$0xFFFFFF00] =	vst v3;
	v1 =	vadd.f32 v8, v1;
	v2 =	vld [tilespmem:s15+$0x10]  }
0x6c: {  	v3 =	vld [tilespmem:s15+$0xFFFFFF10]  }
0x6d: {  	v1 =	vmax.f32 v1, $0.0e+00  }
0x6e: {  	v6 =	vadd.f32 v6, v9;
	[tilespmem:s20+$0x90] =	vst v1;
	v1 =	vld [tilespmem:s20+$0xA0]  }
0x6f: {  	v8 =	vld [tilespmem:s15+$0xA0]  }
0x70: {  	v7 =	vld [tilespmem:s20+$0xFFFFFF20];
	v6 =	vmax.f32 v6, $0.0e+00;
	v2 =	vadd.f32 v2, v4  }
0x71: {  	v3 =	vadd.f32 v3, v5;
	v9 =	vld [tilespmem:s20+$0xFFFFFFA0];
	[tilespmem:s20+$0xFFFFFF90] =	vst v6  }
0x72: {  	v5 =	vld [tilespmem:s15+$0xFFFFFFA0];
	v2 =	vmax.f32 v2, $0.0e+00  }
0x73: {  	v3 =	vmax.f32 v3, $0.0e+00;
	v4 =	vld [tilespmem:s20+$0x20];
	[tilespmem:s20+$0x10] =	vst v2  }
0x74: {  	[tilespmem:s20+$0xFFFFFF10] =	vst v3;
	v1 =	vadd.f32 v8, v1;
	v2 =	vld [tilespmem:s15+$0x20]  }
0x75: {  	v3 =	vld [tilespmem:s15+$0xFFFFFF20]  }
0x76: {  	v1 =	vmax.f32 v1, $0.0e+00  }
0x77: {  	v5 =	vadd.f32 v5, v9;
	[tilespmem:s20+$0xA0] =	vst v1;
	v1 =	vld [tilespmem:s20+$0xB0]  }
0x78: {  	v8 =	vld [tilespmem:s15+$0xB0]  }
0x79: {  	v10 =	vld [tilespmem:s20+$0x30];
	v5 =	vmax.f32 v5, $0.0e+00;
	v2 =	vadd.f32 v2, v4  }
0x7a: {  	v3 =	vadd.f32 v3, v7;
	v9 =	vld [tilespmem:s20+$0xFFFFFFB0];
	[tilespmem:s20+$0xFFFFFFA0] =	vst v5  }
0x7b: {  	v4 =	vld [tilespmem:s15+$0xFFFFFFB0];
	v2 =	vmax.f32 v2, $0.0e+00  }
0x7c: {  	v6 =	vld [tilespmem:s20+$0xFFFFFF30];
	[tilespmem:s20+$0x20] =	vst v2;
	v2 =	vmax.f32 v3, $0.0e+00  }
0x7d: {  	v1 =	vadd.f32 v8, v1;
	[tilespmem:s20+$0xFFFFFF20] =	vst v2;
	v2 =	vld [tilespmem:s15+$0x30]  }
0x7e: {  	v7 =	vld [tilespmem:s15+$0xFFFFFF30]  }
0x7f: {  	v11 =	vld [tilespmem:s20+$0xFFFFFF40];
	v1 =	vmax.f32 v1, $0.0e+00  }
0x80: {  	v4 =	vadd.f32 v4, v9;
	[tilespmem:s20+$0xB0] =	vst v1;
	v1 =	vld [tilespmem:s20+$0xC0]  }
0x81: {  	v8 =	vld [tilespmem:s15+$0xC0]  }
0x82: {  	v12 =	vld [tilespmem:s20+$0xFFFFFFD0];
	v4 =	vmax.f32 v4, $0.0e+00;
	v2 =	vadd.f32 v2, v10  }
0x83: {  	v5 =	vld [tilespmem:s20+$0xFFFFFFC0];
	[tilespmem:s20+$0xFFFFFFB0] =	vst v4;
	v6 =	vadd.f32 v7, v6  }
0x84: {  	v7 =	vld [tilespmem:s15+$0xFFFFFFC0];
	v2 =	vmax.f32 v2, $0.0e+00  }
0x85: {  	v3 =	vld [tilespmem:s20+$0x40];
	[tilespmem:s20+$0x30] =	vst v2;
	v2 =	vmax.f32 v6, $0.0e+00  }
0x86: {  	v1 =	vadd.f32 v8, v1;
	v6 =	vld [tilespmem:s15+$0x40];
	[tilespmem:s20+$0xFFFFFF30] =	vst v2  }
0x87: {  	v2 =	vld [tilespmem:s15+$0xFFFFFF40]  }
0x88: {  	v9 =	vld [tilespmem:s20+$0xFFFFFF50];
	v1 =	vmax.f32 v1, $0.0e+00  }
0x89: {  	[tilespmem:s20+$0xC0] =	vst v1;
	v1 =	vadd.f32 v7, v5;
	v7 =	vld [tilespmem:s20+$0xD0]  }
0x8a: {  	v8 =	vld [tilespmem:s15+$0xD0]  }
0x8b: {  	v4 =	vld [tilespmem:s20+$0xFFFFFF60];
	v1 =	vmax.f32 v1, $0.0e+00;
	v3 =	vadd.f32 v6, v3  }
0x8c: {  	v10 =	vld [tilespmem:s20+$0x50];
	[tilespmem:s20+$0xFFFFFFC0] =	vst v1;
	v1 =	vadd.f32 v2, v11  }
0x8d: {  	v2 =	vld [tilespmem:s15+$0xFFFFFFD0];
	v3 =	vmax.f32 v3, $0.0e+00  }
0x8e: {  	v5 =	vld [tilespmem:s20+$0xFFFFFFE0];
	[tilespmem:s20+$0x40] =	vst v3;
	v1 =	vmax.f32 v1, $0.0e+00  }
0x8f: {  	v3 =	vld [tilespmem:s15+$0x50];
	v7 =	vadd.f32 v8, v7;
	[tilespmem:s20+$0xFFFFFF40] =	vst v1  }
0x90: {  	v1 =	vld [tilespmem:s15+$0xFFFFFF50]  }
0x91: {  	v6 =	vld [tilespmem:s20+$0x60];
	v7 =	vmax.f32 v7, $0.0e+00  }
0x92: {  	v2 =	vadd.f32 v2, v12;
	[tilespmem:s20+$0xD0] =	vst v7;
	v7 =	vld [tilespmem:s20+$0xE0]  }
0x93: {  	v11 =	vld [tilespmem:s15+$0xE0]  }
0x94: {  	v2 =	vmax.f32 v2, $0.0e+00;
	v8 =	vadd.f32 v3, v10;
	v3 =	vld [tilespmem:s20+$0xFFFFFF70]  }
0x95: {  	[tilespmem:s20+$0xFFFFFFD0] =	vst v2;
	v1 =	vadd.f32 v1, v9;
	v2 =	vld [tilespmem:s20+$0xFFFFFFF0]  }
0x96: {  	v9 =	vmax.f32 v8, $0.0e+00;
	v8 =	vld [tilespmem:s15+$0xFFFFFFE0]  }
0x97: {  	[tilespmem:s20+$0x50] =	vst v9;
	v9 =	vmax.f32 v1, $0.0e+00;
	v1 =	vld [tilespmem:s20+$0x70]  }
0x98: {  	[tilespmem:s20+$0xFFFFFF50] =	vst v9;
	v9 =	vld [tilespmem:s15+$0x60];
	v7 =	vadd.f32 v11, v7  }
0x99: {  	v10 =	vld [tilespmem:s15+$0xFFFFFF60]  }
0x9a: {  	s31 =	simm.s32 $0x500;
	s24 =	simm.s32 $0x5300;
	s13 =	simm.s32 $0x0;
	v11 =	vmax.f32 v7, $0.0e+00;
	v7 =	vld [tilespmem:s20+$0xF0]  }
.LBB2_7:
0x9b: {  	v12 =	vld [tilespmem:s31+$0x80];
	v5 =	vadd.f32 v8, v5;
	[tilespmem:s20+$0xE0] =	vst v11  }
0x9c: {  	s24 =	sadd.s32 $0x200, s24;
	v8 =	vld [tilespmem:s15+$0xF0]  }
0x9d: {  	s13 =	sadd.s32 $0x4, s13;
	v11 =	vld [tilespmem:s24+$0x80];
	v5 =	vmax.f32 v5, $0.0e+00;
	v6 =	vadd.f32 v9, v6  }
0x9e: {  	p1 =	slt.u32 s13, $0x4C;
	v9 =	vld [tilespmem:s24+$0xFFFFFF00];
	v4 =	vadd.f32 v10, v4;
	[tilespmem:s20+$0xFFFFFFE0] =	vst v5  }
0x9f: {  	v5 =	vld [tilespmem:s31+$0xFFFFFF80];
	v6 =	vmax.f32 v6, $0.0e+00  }
0xa0: {  	v10 =	vld [tilespmem:s24+$0xFFFFFF80];
	v4 =	vmax.f32 v4, $0.0e+00;
	[tilespmem:s20+$0x60] =	vst v6  }
0xa1: {  	v6 =	vld [tilespmem:s31+$0x0];
	[tilespmem:s20+$0xFFFFFF60] =	vst v4;
	v4 =	vadd.f32 v8, v7  }
0xa2: {  	v7 =	vld [tilespmem:s24+$0x0];
	v8 =	vadd.f32 v11, v12  }
0xa3: {  	v11 =	vld [tilespmem:s31+$0xFFFFFF00];
	v4 =	vmax.f32 v4, $0.0e+00  }
0xa4: {  	v12 =	vld [tilespmem:s31+$0xFFFFFF10];
	v8 =	vmax.f32 v8, $0.0e+00;
	[tilespmem:s20+$0xF0] =	vst v4  }
0xa5: {  	v4 =	vadd.f32 v10, v5;
	[tilespmem:s31+$0x80] =	vst v8;
	v5 =	vld [tilespmem:s31+$0x90]  }
0xa6: {  	v8 =	vld [tilespmem:s24+$0x90]  }
0xa7: {  	v4 =	vmax.f32 v4, $0.0e+00;
	v10 =	vld [tilespmem:s31+$0xFFFFFF90];
	v6 =	vadd.f32 v7, v6  }
0xa8: {  	v7 =	vadd.f32 v9, v11;
	[tilespmem:s31+$0xFFFFFF80] =	vst v4;
	v4 =	vld [tilespmem:s31+$0x10]  }
0xa9: {  	v9 =	vld [tilespmem:s24+$0xFFFFFF90];
	v6 =	vmax.f32 v6, $0.0e+00  }
0xaa: {  	v7 =	vmax.f32 v7, $0.0e+00;
	v11 =	vld [tilespmem:s31+$0xFFFFFF20];
	[tilespmem:s31+$0x0] =	vst v6  }
0xab: {  	[tilespmem:s31+$0xFFFFFF00] =	vst v7;
	v6 =	vld [tilespmem:s24+$0x10];
	v5 =	vadd.f32 v8, v5  }
0xac: {  	v7 =	vld [tilespmem:s24+$0xFFFFFF10]  }
0xad: {  	v8 =	vld [tilespmem:s31+$0xFFFFFFA0];
	v5 =	vmax.f32 v5, $0.0e+00  }
0xae: {  	v9 =	vadd.f32 v9, v10;
	[tilespmem:s31+$0x90] =	vst v5;
	v5 =	vld [tilespmem:s31+$0xA0]  }
0xaf: {  	v10 =	vld [tilespmem:s24+$0xA0]  }
0xb0: {  	v9 =	vmax.f32 v9, $0.0e+00;
	v4 =	vadd.f32 v6, v4;
	v6 =	vld [tilespmem:s31+$0x20]  }
0xb1: {  	v7 =	vadd.f32 v7, v12;
	v12 =	vld [tilespmem:s31+$0xFFFFFF30];
	[tilespmem:s31+$0xFFFFFF90] =	vst v9  }
0xb2: {  	v9 =	vld [tilespmem:s24+$0xFFFFFFA0];
	v4 =	vmax.f32 v4, $0.0e+00  }
0xb3: {  	v7 =	vmax.f32 v7, $0.0e+00;
	v13 =	vld [tilespmem:s31+$0xFFFFFFB0];
	[tilespmem:s31+$0x10] =	vst v4  }
0xb4: {  	[tilespmem:s31+$0xFFFFFF10] =	vst v7;
	v4 =	vld [tilespmem:s24+$0x20];
	v5 =	vadd.f32 v10, v5  }
0xb5: {  	v7 =	vld [tilespmem:s24+$0xFFFFFF20]  }
0xb6: {  	v10 =	vld [tilespmem:s31+$0x30];
	v5 =	vmax.f32 v5, $0.0e+00  }
0xb7: {  	v8 =	vadd.f32 v9, v8;
	[tilespmem:s31+$0xA0] =	vst v5;
	v5 =	vld [tilespmem:s31+$0xB0]  }
0xb8: {  	v9 =	vld [tilespmem:s24+$0xB0]  }
0xb9: {  	v14 =	vld [tilespmem:s31+$0xFFFFFF40];
	v8 =	vmax.f32 v8, $0.0e+00;
	v4 =	vadd.f32 v4, v6  }
0xba: {  	v6 =	vadd.f32 v7, v11;
	[tilespmem:s31+$0xFFFFFFA0] =	vst v8;
	v7 =	vld [tilespmem:s31+$0xFFFFFFC0]  }
0xbb: {  	v8 =	vld [tilespmem:s24+$0xFFFFFFB0];
	v4 =	vmax.f32 v4, $0.0e+00  }
0xbc: {  	v6 =	vmax.f32 v6, $0.0e+00;
	[tilespmem:s31+$0x20] =	vst v4;
	v11 =	vld [tilespmem:s31+$0x40]  }
0xbd: {  	[tilespmem:s31+$0xFFFFFF20] =	vst v6;
	v4 =	vld [tilespmem:s24+$0x30];
	v5 =	vadd.f32 v9, v5  }
0xbe: {  	v6 =	vld [tilespmem:s24+$0xFFFFFF30]  }
0xbf: {  	v9 =	vld [tilespmem:s31+$0xFFFFFF50];
	v5 =	vmax.f32 v5, $0.0e+00  }
0xc0: {  	v8 =	vadd.f32 v8, v13;
	[tilespmem:s31+$0xB0] =	vst v5;
	v5 =	vld [tilespmem:s31+$0xC0]  }
0xc1: {  	v13 =	vld [tilespmem:s24+$0xC0]  }
0xc2: {  	v8 =	vmax.f32 v8, $0.0e+00;
	v15 =	vld [tilespmem:s31+$0xFFFFFFD0];
	v4 =	vadd.f32 v4, v10  }
0xc3: {  	v6 =	vadd.f32 v6, v12;
	[tilespmem:s31+$0xFFFFFFB0] =	vst v8;
	v8 =	vld [tilespmem:s31+$0x50]  }
0xc4: {  	v10 =	vld [tilespmem:s24+$0xFFFFFFC0];
	v12 =	vmax.f32 v4, $0.0e+00  }
0xc5: {  	v6 =	vmax.f32 v6, $0.0e+00;
	v4 =	vld [tilespmem:s31+$0xFFFFFF60];
	[tilespmem:s31+$0x30] =	vst v12  }
0xc6: {  	[tilespmem:s31+$0xFFFFFF30] =	vst v6;
	v6 =	vld [tilespmem:s24+$0x40];
	v12 =	vadd.f32 v13, v5  }
0xc7: {  	v13 =	vld [tilespmem:s24+$0xFFFFFF40]  }
0xc8: {  	v5 =	vld [tilespmem:s31+$0xFFFFFFE0];
	v12 =	vmax.f32 v12, $0.0e+00  }
0xc9: {  	v7 =	vadd.f32 v10, v7;
	[tilespmem:s31+$0xC0] =	vst v12;
	v10 =	vld [tilespmem:s31+$0xD0]  }
0xca: {  	v12 =	vld [tilespmem:s24+$0xD0]  }
0xcb: {  	v7 =	vmax.f32 v7, $0.0e+00;
	v11 =	vadd.f32 v6, v11;
	v6 =	vld [tilespmem:s31+$0x60]  }
0xcc: {  	v13 =	vadd.f32 v13, v14;
	[tilespmem:s31+$0xFFFFFFC0] =	vst v7;
	v7 =	vld [tilespmem:s15+$0xFFFFFF70]  }
0xcd: {  	v14 =	vld [tilespmem:s24+$0xFFFFFFD0];
	v11 =	vmax.f32 v11, $0.0e+00  }
0xce: {  	v13 =	vmax.f32 v13, $0.0e+00;
	[tilespmem:s31+$0x40] =	vst v11;
	v11 =	vld [tilespmem:s15+$0xFFFFFFF0]  }
0xcf: {  	[tilespmem:s31+$0xFFFFFF40] =	vst v13;
	v13 =	vld [tilespmem:s24+$0x50];
	v10 =	vadd.f32 v12, v10  }
0xd0: {  	v12 =	vld [tilespmem:s24+$0xFFFFFF50]  }
0xd1: {  	v10 =	vmax.f32 v10, $0.0e+00;
	v3 =	vadd.f32 v7, v3;
	v7 =	vld [tilespmem:s15+$0x70];
	s15 =	smov.u32 s24  }
0xd2: {  	v14 =	vadd.f32 v14, v15;
	[tilespmem:s31+$0xD0] =	vst v10;
	v10 =	vld [tilespmem:s31+$0xE0]  }
0xd3: {  	v15 =	vld [tilespmem:s24+$0xE0];
	v16 =	vmax.f32 v3, $0.0e+00;
	v11 =	vadd.f32 v11, v2  }
0xd4: {  	v3 =	vld [tilespmem:s31+$0xFFFFFF70];
	v2 =	vmax.f32 v14, $0.0e+00;
	v13 =	vadd.f32 v13, v8;
	[tilespmem:s20+$0xFFFFFF70] =	vst v16  }
0xd5: {  	v9 =	vadd.f32 v12, v9;
	[tilespmem:s31+$0xFFFFFFD0] =	vst v2;
	v2 =	vld [tilespmem:s31+$0xFFFFFFF0];
	v11 =	vmax.f32 v11, $0.0e+00  }
.Ltmp2:
0xd6: {  	v8 =	vld [tilespmem:s24+$0xFFFFFFE0];
	v12 =	vmax.f32 v13, $0.0e+00;
	[tilespmem:s20+$0xFFFFFFF0] =	vst v11;
	v7 =	vadd.f32 v7, v1;
	(pc) =	sbr.rel @p1 .LBB2_7-.Ltmp2, $4  }
0xd7: {  	v9 =	vmax.f32 v9, $0.0e+00;
	[tilespmem:s31+$0x50] =	vst v12;
	v1 =	vld [tilespmem:s31+$0x70]  }
0xd8: {  	[tilespmem:s31+$0xFFFFFF50] =	vst v9;
	v9 =	vld [tilespmem:s24+$0x60];
	v11 =	vadd.f32 v15, v10;
	v7 =	vmax.f32 v7, $0.0e+00  }
0xd9: {  	v10 =	vld [tilespmem:s24+$0xFFFFFF60];
	[tilespmem:s20+$0x70] =	vst v7;
	s20 =	smov.u32 s31  }
0xda: {  	s31 =	sadd.s32 $0x200, s31;
	v11 =	vmax.f32 v11, $0.0e+00;
	v7 =	vld [tilespmem:s20+$0xF0]  }
0xdb: {  	_ =	sdelay $0x2  }
0xdc: {  	v4 =	vadd.f32 v10, v4  }
0xdd: {  	v5 =	vadd.f32 v8, v5  }
0xde: {  	[tilespmem:s20+$0xE0] =	vst v11;
	v6 =	vadd.f32 v9, v6;
	v4 =	vmax.f32 v4, $0.0e+00  }
0xdf: {  	v8 =	vld [tilespmem:s15+$0xF0];
	v5 =	vmax.f32 v5, $0.0e+00;
	[tilespmem:s20+$0xFFFFFF60] =	vst v4  }
0xe0: {  	[tilespmem:s20+$0xFFFFFFE0] =	vst v5;
	v4 =	vmax.f32 v6, $0.0e+00;
	v5 =	vld [tilespmem:s15+$0xFFFFFF70]  }
0xe1: {  	[tilespmem:s20+$0x60] =	vst v4;
	v4 =	vld [tilespmem:s15+$0xFFFFFFF0]  }
0xe2: {  	v6 =	vld [tilespmem:s15+$0x70];
	_ =	sdelay $0x1  }
0xe3: {  	v7 =	vadd.f32 v8, v7  }
0xe4: {  	v3 =	vadd.f32 v5, v3  }
0xe5: {  	v5 =	vmax.f32 v7, $0.0e+00;
	v2 =	vadd.f32 v4, v2  }
0xe6: {  	[tilespmem:s20+$0xF0] =	vst v5;
	v1 =	vadd.f32 v6, v1;
	v3 =	vmax.f32 v3, $0.0e+00  }
0xe7: {  	v2 =	vmax.f32 v2, $0.0e+00;
	[tilespmem:s20+$0xFFFFFF70] =	vst v3  }
0xe8: {  	[tilespmem:s20+$0xFFFFFFF0] =	vst v2;
	v1 =	vmax.f32 v1, $0.0e+00  }
0xe9: {  	[tilespmem:s20+$0x70] =	vst v1  }
0xea: {  	[spmem:s1] =	stream.indirect.scatter.add.f32 [tilespmem:s30], [sflag:$0x7], $0x80, s21, s29, $0xb8;
	[tilespmem:$0x1E280] =	vst v63  }
0xeb: {  	s13 =	sadd.s32 s19, s16;
	_ =	swait.ge [sflag:s26], $0x2800  }
0xec: {  	s20 =	sshrl.u32 s13, $0x3;
	[sflag:s26] =	ssyncset.done $0x0  }
0xed: {  	s24 =	sadd.s32 s5, s20;
	[sflag:s26] =	ssyncadd.s32 $0xFFFFD800  }
0xee: {  	[tilespmem:s2], [sflag:$0x1] =	stream.linear.gather [hbm4b:s24+s2], $0x50, $0x38;
	[tilespmem:$0x1E280] =	vst v63  }
0xef: {  	s13 =	sshll.u32 s13, $0x4;
	s15 =	sadd.s32 s6, s20  }
0xf0: {  	[tilespmem:s21], [sflag:$0x1] =	stream.linear.gather [hbm4b:s15+s2], $0x50, $0x38;
	[tilespmem:$0x1E280] =	vst v63  }
0xf1: {  	s31 =	simm.s32 $0x5200;
	s13 =	sadd.s32 s7, s13  }
0xf2: {  	[tilespmem:s31], [sflag:$0x3] =	stream.linear.gather [hbm4b:s13+s2], $0x2800, $0x38;
	[tilespmem:$0x1E280] =	vst v63  }
0xf3: {  	_ =	swait.ge [sflag:s28], $0x50  }
0xf4: {  	[sflag:s28] =	ssyncset.done $0x0  }
0xf5: {  	[sflag:s28] =	ssyncadd.s32 $0xFFFFFFB0  }
0xf6: {  	_ =	swait.ge [sflag:s28], $0x50  }
0xf7: {  	[sflag:s28] =	ssyncset.done $0x0  }
0xf8: {  	[sflag:s28] =	ssyncadd.s32 $0xFFFFFFB0  }
0xf9: {  	[tilespmem:s30], [sflag:$0x5] =	stream.indirect.gather [hbm4b:s4+s29], $0x80, s2, s29, $0xb8;
	[tilespmem:$0x1E280] =	vst v63  }
0xfa: {  	_ =	swait.ge [sflag:s11], $0x2800  }
0xfb: {  	[sflag:s11] =	ssyncset.done $0x0  }
0xfc: {  	[sflag:s11] =	ssyncadd.s32 $0xFFFFD800  }
0xfd: {  	_ =	swait.ge [sflag:s12], $0x2800  }
0xfe: {  	[sflag:s12] =	ssyncset.done $0x0  }
0xff: {  	s19 =	simm.s32 $0x2B00;
	[sflag:s12] =	ssyncadd.s32 $0xFFFFD800  }
0x100: {  	s15 =	simm.s32 $0x7B00;
	v1 =	vld [tilespmem:s19+$0x80]  }
0x101: {  	v2 =	vld [tilespmem:s15+$0x80]  }
0x102: {  	v3 =	vld [tilespmem:s15+$0xFFFFFF00]  }
0x103: {  	v4 =	vld [tilespmem:s19+$0xFFFFFF80]  }
0x104: {  	v5 =	vld [tilespmem:s15+$0xFFFFFF80]  }
0x105: {  	v6 =	vld [tilespmem:s15+$0x0]  }
0x106: {  	v1 =	vadd.f32 v2, v1;
	v2 =	vld [tilespmem:s19+$0x0]  }
0x107: {  	v7 =	vld [tilespmem:s19+$0xFFFFFF00]  }
0x108: {  	v1 =	vmax.f32 v1, $0.0e+00  }
0x109: {  	v4 =	vadd.f32 v5, v4;
	[tilespmem:s19+$0x80] =	vst v1;
	v1 =	vld [tilespmem:s19+$0x90]  }
0x10a: {  	v8 =	vld [tilespmem:s15+$0x90]  }
0x10b: {  	v9 =	vld [tilespmem:s19+$0xFFFFFF90];
	v4 =	vmax.f32 v4, $0.0e+00;
	v2 =	vadd.f32 v6, v2  }
0x10c: {  	v5 =	vld [tilespmem:s19+$0xFFFFFF10];
	v3 =	vadd.f32 v3, v7;
	[tilespmem:s19+$0xFFFFFF80] =	vst v4  }
0x10d: {  	v6 =	vld [tilespmem:s15+$0xFFFFFF90];
	v2 =	vmax.f32 v2, $0.0e+00  }
0x10e: {  	v3 =	vmax.f32 v3, $0.0e+00;
	v4 =	vld [tilespmem:s19+$0x10];
	[tilespmem:s19+$0x0] =	vst v2  }
0x10f: {  	[tilespmem:s19+$0xFFFFFF00] =	vst v3;
	v1 =	vadd.f32 v8, v1;
	v2 =	vld [tilespmem:s15+$0x10]  }
0x110: {  	v3 =	vld [tilespmem:s15+$0xFFFFFF10]  }
0x111: {  	v1 =	vmax.f32 v1, $0.0e+00  }
0x112: {  	v6 =	vadd.f32 v6, v9;
	[tilespmem:s19+$0x90] =	vst v1;
	v1 =	vld [tilespmem:s19+$0xA0]  }
0x113: {  	v8 =	vld [tilespmem:s15+$0xA0]  }
0x114: {  	v7 =	vld [tilespmem:s19+$0xFFFFFF20];
	v6 =	vmax.f32 v6, $0.0e+00;
	v2 =	vadd.f32 v2, v4  }
0x115: {  	v3 =	vadd.f32 v3, v5;
	v9 =	vld [tilespmem:s19+$0xFFFFFFA0];
	[tilespmem:s19+$0xFFFFFF90] =	vst v6  }
0x116: {  	v5 =	vld [tilespmem:s15+$0xFFFFFFA0];
	v2 =	vmax.f32 v2, $0.0e+00  }
0x117: {  	v3 =	vmax.f32 v3, $0.0e+00;
	v4 =	vld [tilespmem:s19+$0x20];
	[tilespmem:s19+$0x10] =	vst v2  }
0x118: {  	[tilespmem:s19+$0xFFFFFF10] =	vst v3;
	v1 =	vadd.f32 v8, v1;
	v2 =	vld [tilespmem:s15+$0x20]  }
0x119: {  	v3 =	vld [tilespmem:s15+$0xFFFFFF20]  }
0x11a: {  	v1 =	vmax.f32 v1, $0.0e+00  }
0x11b: {  	v5 =	vadd.f32 v5, v9;
	[tilespmem:s19+$0xA0] =	vst v1;
	v1 =	vld [tilespmem:s19+$0xB0]  }
0x11c: {  	v8 =	vld [tilespmem:s15+$0xB0]  }
0x11d: {  	v10 =	vld [tilespmem:s19+$0x30];
	v5 =	vmax.f32 v5, $0.0e+00;
	v2 =	vadd.f32 v2, v4  }
0x11e: {  	v3 =	vadd.f32 v3, v7;
	v9 =	vld [tilespmem:s19+$0xFFFFFFB0];
	[tilespmem:s19+$0xFFFFFFA0] =	vst v5  }
0x11f: {  	v4 =	vld [tilespmem:s15+$0xFFFFFFB0];
	v2 =	vmax.f32 v2, $0.0e+00  }
0x120: {  	v6 =	vld [tilespmem:s19+$0xFFFFFF30];
	[tilespmem:s19+$0x20] =	vst v2;
	v2 =	vmax.f32 v3, $0.0e+00  }
0x121: {  	v1 =	vadd.f32 v8, v1;
	[tilespmem:s19+$0xFFFFFF20] =	vst v2;
	v2 =	vld [tilespmem:s15+$0x30]  }
0x122: {  	v7 =	vld [tilespmem:s15+$0xFFFFFF30]  }
0x123: {  	v11 =	vld [tilespmem:s19+$0xFFFFFF40];
	v1 =	vmax.f32 v1, $0.0e+00  }
0x124: {  	v4 =	vadd.f32 v4, v9;
	[tilespmem:s19+$0xB0] =	vst v1;
	v1 =	vld [tilespmem:s19+$0xC0]  }
0x125: {  	v8 =	vld [tilespmem:s15+$0xC0]  }
0x126: {  	v12 =	vld [tilespmem:s19+$0xFFFFFFD0];
	v4 =	vmax.f32 v4, $0.0e+00;
	v2 =	vadd.f32 v2, v10  }
0x127: {  	v5 =	vld [tilespmem:s19+$0xFFFFFFC0];
	[tilespmem:s19+$0xFFFFFFB0] =	vst v4;
	v6 =	vadd.f32 v7, v6  }
0x128: {  	v7 =	vld [tilespmem:s15+$0xFFFFFFC0];
	v2 =	vmax.f32 v2, $0.0e+00  }
0x129: {  	v3 =	vld [tilespmem:s19+$0x40];
	[tilespmem:s19+$0x30] =	vst v2;
	v2 =	vmax.f32 v6, $0.0e+00  }
0x12a: {  	v1 =	vadd.f32 v8, v1;
	v6 =	vld [tilespmem:s15+$0x40];
	[tilespmem:s19+$0xFFFFFF30] =	vst v2  }
0x12b: {  	v2 =	vld [tilespmem:s15+$0xFFFFFF40]  }
0x12c: {  	v9 =	vld [tilespmem:s19+$0xFFFFFF50];
	v1 =	vmax.f32 v1, $0.0e+00  }
0x12d: {  	[tilespmem:s19+$0xC0] =	vst v1;
	v1 =	vadd.f32 v7, v5;
	v7 =	vld [tilespmem:s19+$0xD0]  }
0x12e: {  	v8 =	vld [tilespmem:s15+$0xD0]  }
0x12f: {  	v4 =	vld [tilespmem:s19+$0xFFFFFF60];
	v1 =	vmax.f32 v1, $0.0e+00;
	v3 =	vadd.f32 v6, v3  }
0x130: {  	v10 =	vld [tilespmem:s19+$0x50];
	[tilespmem:s19+$0xFFFFFFC0] =	vst v1;
	v1 =	vadd.f32 v2, v11  }
0x131: {  	v2 =	vld [tilespmem:s15+$0xFFFFFFD0];
	v3 =	vmax.f32 v3, $0.0e+00  }
0x132: {  	v5 =	vld [tilespmem:s19+$0xFFFFFFE0];
	[tilespmem:s19+$0x40] =	vst v3;
	v1 =	vmax.f32 v1, $0.0e+00  }
0x133: {  	v3 =	vld [tilespmem:s15+$0x50];
	v7 =	vadd.f32 v8, v7;
	[tilespmem:s19+$0xFFFFFF40] =	vst v1  }
0x134: {  	v1 =	vld [tilespmem:s15+$0xFFFFFF50]  }
0x135: {  	v6 =	vld [tilespmem:s19+$0x60];
	v7 =	vmax.f32 v7, $0.0e+00  }
0x136: {  	v2 =	vadd.f32 v2, v12;
	[tilespmem:s19+$0xD0] =	vst v7;
	v7 =	vld [tilespmem:s19+$0xE0]  }
0x137: {  	v11 =	vld [tilespmem:s15+$0xE0]  }
0x138: {  	v2 =	vmax.f32 v2, $0.0e+00;
	v8 =	vadd.f32 v3, v10;
	v3 =	vld [tilespmem:s19+$0xFFFFFF70]  }
0x139: {  	[tilespmem:s19+$0xFFFFFFD0] =	vst v2;
	v1 =	vadd.f32 v1, v9;
	v2 =	vld [tilespmem:s19+$0xFFFFFFF0]  }
0x13a: {  	v9 =	vmax.f32 v8, $0.0e+00;
	v8 =	vld [tilespmem:s15+$0xFFFFFFE0]  }
0x13b: {  	[tilespmem:s19+$0x50] =	vst v9;
	v9 =	vmax.f32 v1, $0.0e+00;
	v1 =	vld [tilespmem:s19+$0x70]  }
0x13c: {  	[tilespmem:s19+$0xFFFFFF50] =	vst v9;
	v9 =	vld [tilespmem:s15+$0x60];
	v7 =	vadd.f32 v11, v7  }
0x13d: {  	v10 =	vld [tilespmem:s15+$0xFFFFFF60]  }
0x13e: {  	s20 =	simm.s32 $0x2D00;
	s24 =	simm.s32 $0x7B00;
	s13 =	simm.s32 $0x0;
	v11 =	vmax.f32 v7, $0.0e+00;
	v7 =	vld [tilespmem:s19+$0xF0]  }
.LBB2_9:
0x13f: {  	v12 =	vld [tilespmem:s20+$0x80];
	v5 =	vadd.f32 v8, v5;
	[tilespmem:s19+$0xE0] =	vst v11  }
0x140: {  	s24 =	sadd.s32 $0x200, s24;
	v8 =	vld [tilespmem:s15+$0xF0]  }
0x141: {  	s13 =	sadd.s32 $0x4, s13;
	v11 =	vld [tilespmem:s24+$0x80];
	v5 =	vmax.f32 v5, $0.0e+00;
	v6 =	vadd.f32 v9, v6  }
0x142: {  	p1 =	slt.u32 s13, $0x4C;
	v9 =	vld [tilespmem:s24+$0xFFFFFF00];
	v4 =	vadd.f32 v10, v4;
	[tilespmem:s19+$0xFFFFFFE0] =	vst v5  }
0x143: {  	v5 =	vld [tilespmem:s20+$0xFFFFFF80];
	v6 =	vmax.f32 v6, $0.0e+00  }
0x144: {  	v10 =	vld [tilespmem:s24+$0xFFFFFF80];
	v4 =	vmax.f32 v4, $0.0e+00;
	[tilespmem:s19+$0x60] =	vst v6  }
0x145: {  	v6 =	vld [tilespmem:s20+$0x0];
	[tilespmem:s19+$0xFFFFFF60] =	vst v4;
	v4 =	vadd.f32 v8, v7  }
0x146: {  	v7 =	vld [tilespmem:s24+$0x0];
	v8 =	vadd.f32 v11, v12  }
0x147: {  	v11 =	vld [tilespmem:s20+$0xFFFFFF00];
	v4 =	vmax.f32 v4, $0.0e+00  }
0x148: {  	v12 =	vld [tilespmem:s20+$0xFFFFFF10];
	v8 =	vmax.f32 v8, $0.0e+00;
	[tilespmem:s19+$0xF0] =	vst v4  }
0x149: {  	v4 =	vadd.f32 v10, v5;
	[tilespmem:s20+$0x80] =	vst v8;
	v5 =	vld [tilespmem:s20+$0x90]  }
0x14a: {  	v8 =	vld [tilespmem:s24+$0x90]  }
0x14b: {  	v4 =	vmax.f32 v4, $0.0e+00;
	v10 =	vld [tilespmem:s20+$0xFFFFFF90];
	v6 =	vadd.f32 v7, v6  }
0x14c: {  	v7 =	vadd.f32 v9, v11;
	[tilespmem:s20+$0xFFFFFF80] =	vst v4;
	v4 =	vld [tilespmem:s20+$0x10]  }
0x14d: {  	v9 =	vld [tilespmem:s24+$0xFFFFFF90];
	v6 =	vmax.f32 v6, $0.0e+00  }
0x14e: {  	v7 =	vmax.f32 v7, $0.0e+00;
	v11 =	vld [tilespmem:s20+$0xFFFFFF20];
	[tilespmem:s20+$0x0] =	vst v6  }
0x14f: {  	[tilespmem:s20+$0xFFFFFF00] =	vst v7;
	v6 =	vld [tilespmem:s24+$0x10];
	v5 =	vadd.f32 v8, v5  }
0x150: {  	v7 =	vld [tilespmem:s24+$0xFFFFFF10]  }
0x151: {  	v8 =	vld [tilespmem:s20+$0xFFFFFFA0];
	v5 =	vmax.f32 v5, $0.0e+00  }
0x152: {  	v9 =	vadd.f32 v9, v10;
	[tilespmem:s20+$0x90] =	vst v5;
	v5 =	vld [tilespmem:s20+$0xA0]  }
0x153: {  	v10 =	vld [tilespmem:s24+$0xA0]  }
0x154: {  	v9 =	vmax.f32 v9, $0.0e+00;
	v4 =	vadd.f32 v6, v4;
	v6 =	vld [tilespmem:s20+$0x20]  }
0x155: {  	v7 =	vadd.f32 v7, v12;
	v12 =	vld [tilespmem:s20+$0xFFFFFF30];
	[tilespmem:s20+$0xFFFFFF90] =	vst v9  }
0x156: {  	v9 =	vld [tilespmem:s24+$0xFFFFFFA0];
	v4 =	vmax.f32 v4, $0.0e+00  }
0x157: {  	v7 =	vmax.f32 v7, $0.0e+00;
	v13 =	vld [tilespmem:s20+$0xFFFFFFB0];
	[tilespmem:s20+$0x10] =	vst v4  }
0x158: {  	[tilespmem:s20+$0xFFFFFF10] =	vst v7;
	v4 =	vld [tilespmem:s24+$0x20];
	v5 =	vadd.f32 v10, v5  }
0x159: {  	v7 =	vld [tilespmem:s24+$0xFFFFFF20]  }
0x15a: {  	v10 =	vld [tilespmem:s20+$0x30];
	v5 =	vmax.f32 v5, $0.0e+00  }
0x15b: {  	v8 =	vadd.f32 v9, v8;
	[tilespmem:s20+$0xA0] =	vst v5;
	v5 =	vld [tilespmem:s20+$0xB0]  }
0x15c: {  	v9 =	vld [tilespmem:s24+$0xB0]  }
0x15d: {  	v14 =	vld [tilespmem:s20+$0xFFFFFF40];
	v8 =	vmax.f32 v8, $0.0e+00;
	v4 =	vadd.f32 v4, v6  }
0x15e: {  	v6 =	vadd.f32 v7, v11;
	[tilespmem:s20+$0xFFFFFFA0] =	vst v8;
	v7 =	vld [tilespmem:s20+$0xFFFFFFC0]  }
0x15f: {  	v8 =	vld [tilespmem:s24+$0xFFFFFFB0];
	v4 =	vmax.f32 v4, $0.0e+00  }
0x160: {  	v6 =	vmax.f32 v6, $0.0e+00;
	[tilespmem:s20+$0x20] =	vst v4;
	v11 =	vld [tilespmem:s20+$0x40]  }
0x161: {  	[tilespmem:s20+$0xFFFFFF20] =	vst v6;
	v4 =	vld [tilespmem:s24+$0x30];
	v5 =	vadd.f32 v9, v5  }
0x162: {  	v6 =	vld [tilespmem:s24+$0xFFFFFF30]  }
0x163: {  	v9 =	vld [tilespmem:s20+$0xFFFFFF50];
	v5 =	vmax.f32 v5, $0.0e+00  }
0x164: {  	v8 =	vadd.f32 v8, v13;
	[tilespmem:s20+$0xB0] =	vst v5;
	v5 =	vld [tilespmem:s20+$0xC0]  }
0x165: {  	v13 =	vld [tilespmem:s24+$0xC0]  }
0x166: {  	v8 =	vmax.f32 v8, $0.0e+00;
	v15 =	vld [tilespmem:s20+$0xFFFFFFD0];
	v4 =	vadd.f32 v4, v10  }
0x167: {  	v6 =	vadd.f32 v6, v12;
	[tilespmem:s20+$0xFFFFFFB0] =	vst v8;
	v8 =	vld [tilespmem:s20+$0x50]  }
0x168: {  	v10 =	vld [tilespmem:s24+$0xFFFFFFC0];
	v12 =	vmax.f32 v4, $0.0e+00  }
0x169: {  	v6 =	vmax.f32 v6, $0.0e+00;
	v4 =	vld [tilespmem:s20+$0xFFFFFF60];
	[tilespmem:s20+$0x30] =	vst v12  }
0x16a: {  	[tilespmem:s20+$0xFFFFFF30] =	vst v6;
	v6 =	vld [tilespmem:s24+$0x40];
	v12 =	vadd.f32 v13, v5  }
0x16b: {  	v13 =	vld [tilespmem:s24+$0xFFFFFF40]  }
0x16c: {  	v5 =	vld [tilespmem:s20+$0xFFFFFFE0];
	v12 =	vmax.f32 v12, $0.0e+00  }
0x16d: {  	v7 =	vadd.f32 v10, v7;
	[tilespmem:s20+$0xC0] =	vst v12;
	v10 =	vld [tilespmem:s20+$0xD0]  }
0x16e: {  	v12 =	vld [tilespmem:s24+$0xD0]  }
0x16f: {  	v7 =	vmax.f32 v7, $0.0e+00;
	v11 =	vadd.f32 v6, v11;
	v6 =	vld [tilespmem:s20+$0x60]  }
0x170: {  	v13 =	vadd.f32 v13, v14;
	[tilespmem:s20+$0xFFFFFFC0] =	vst v7;
	v7 =	vld [tilespmem:s15+$0xFFFFFF70]  }
0x171: {  	v14 =	vld [tilespmem:s24+$0xFFFFFFD0];
	v11 =	vmax.f32 v11, $0.0e+00  }
0x172: {  	v13 =	vmax.f32 v13, $0.0e+00;
	[tilespmem:s20+$0x40] =	vst v11;
	v11 =	vld [tilespmem:s15+$0xFFFFFFF0]  }
0x173: {  	[tilespmem:s20+$0xFFFFFF40] =	vst v13;
	v13 =	vld [tilespmem:s24+$0x50];
	v10 =	vadd.f32 v12, v10  }
0x174: {  	v12 =	vld [tilespmem:s24+$0xFFFFFF50]  }
0x175: {  	v10 =	vmax.f32 v10, $0.0e+00;
	v3 =	vadd.f32 v7, v3;
	v7 =	vld [tilespmem:s15+$0x70];
	s15 =	smov.u32 s24  }
0x176: {  	v14 =	vadd.f32 v14, v15;
	[tilespmem:s20+$0xD0] =	vst v10;
	v10 =	vld [tilespmem:s20+$0xE0]  }
0x177: {  	v15 =	vld [tilespmem:s24+$0xE0];
	v16 =	vmax.f32 v3, $0.0e+00;
	v11 =	vadd.f32 v11, v2  }
0x178: {  	v3 =	vld [tilespmem:s20+$0xFFFFFF70];
	v2 =	vmax.f32 v14, $0.0e+00;
	v13 =	vadd.f32 v13, v8;
	[tilespmem:s19+$0xFFFFFF70] =	vst v16  }
0x179: {  	v9 =	vadd.f32 v12, v9;
	[tilespmem:s20+$0xFFFFFFD0] =	vst v2;
	v2 =	vld [tilespmem:s20+$0xFFFFFFF0];
	v11 =	vmax.f32 v11, $0.0e+00  }
.Ltmp3:
0x17a: {  	v8 =	vld [tilespmem:s24+$0xFFFFFFE0];
	v12 =	vmax.f32 v13, $0.0e+00;
	[tilespmem:s19+$0xFFFFFFF0] =	vst v11;
	v7 =	vadd.f32 v7, v1;
	(pc) =	sbr.rel @p1 .LBB2_9-.Ltmp3, $4  }
0x17b: {  	v9 =	vmax.f32 v9, $0.0e+00;
	[tilespmem:s20+$0x50] =	vst v12;
	v1 =	vld [tilespmem:s20+$0x70]  }
0x17c: {  	[tilespmem:s20+$0xFFFFFF50] =	vst v9;
	v9 =	vld [tilespmem:s24+$0x60];
	v11 =	vadd.f32 v15, v10;
	v7 =	vmax.f32 v7, $0.0e+00  }
0x17d: {  	v10 =	vld [tilespmem:s24+$0xFFFFFF60];
	[tilespmem:s19+$0x70] =	vst v7;
	s19 =	smov.u32 s20  }
0x17e: {  	s20 =	sadd.s32 $0x200, s20;
	v11 =	vmax.f32 v11, $0.0e+00;
	v7 =	vld [tilespmem:s19+$0xF0]  }
0x17f: {  	_ = 	snop  }
0x180: {  	v5 =	vadd.f32 v8, v5  }
0x181: {  	v6 =	vadd.f32 v9, v6  }
0x182: {  	[tilespmem:s19+$0xE0] =	vst v11;
	v5 =	vmax.f32 v5, $0.0e+00;
	v4 =	vadd.f32 v10, v4  }
0x183: {  	v58 =	vld [tilespmem:s15+$0xF0];
	[tilespmem:s19+$0xFFFFFFE0] =	vst v5;
	v59 =	vmax.f32 v6, $0.0e+00  }
0x184: {  	v61 =	vld [tilespmem:s15+$0xFFFFFFF0];
	v4 =	vmax.f32 v4, $0.0e+00;
	[tilespmem:s19+$0x60] =	vst v59  }
0x185: {  	[tilespmem:s19+$0xFFFFFF60] =	vst v4;
	v62 =	vld [tilespmem:s15+$0x70]  }
0x186: {  	v60 =	vld [tilespmem:s15+$0xFFFFFF70];
	_ =	sdelay $0x1  }
0x187: {  	v7 =	vadd.f32 v58, v7  }
0x188: {  	v2 =	vadd.f32 v61, v2  }
0x189: {  	v63 =	vmax.f32 v7, $0.0e+00;
	v1 =	vadd.f32 v62, v1  }
0x18a: {  	[tilespmem:s19+$0xF0] =	vst v63;
	v2 =	vmax.f32 v2, $0.0e+00;
	v3 =	vadd.f32 v60, v3  }
0x18b: {  	s13 =	sshll.u32 s18, $0x1;
	[tilespmem:s19+$0xFFFFFFF0] =	vst v2;
	v1 =	vmax.f32 v1, $0.0e+00  }
0x18c: {  	s13 =	smin.u32 s13, $0x79;
	v3 =	vmax.f32 v3, $0.0e+00;
	[tilespmem:s19+$0x70] =	vst v1  }
0x18d: {  	s18 =	sadd.s32 $0x1, s18;
	s13 =	smul.u32 $0x50, s13;
	[tilespmem:s19+$0xFFFFFF70] =	vst v3  }
0x18e: {  	[spmem:s1] =	stream.indirect.scatter.add.f32 [tilespmem:s3], [sflag:$0x7], $0x80, s23, s29, $0xb8;
	[tilespmem:$0x1E280] =	vst v63  }
0x18f: {  	p1 =	sne.s32 s18, $0x3E;
	s13 =	sadd.s32 s13, s17;
	_ =	swait.ge [sflag:s26], $0x2800  }
.Ltmp4:
0x190: {  	s13 =	sshrl.u32 s13, $0x3;
	[sflag:s26] =	ssyncset.done $0x0;
	(pc) =	sbr.rel @p1 .LBB2_6-.Ltmp4, $4  }
0x191: {  	s31 =	sadd.s32 s5, s13;
	[sflag:s26] =	ssyncadd.s32 $0xFFFFD800  }
0x192: {  	[tilespmem:s22], [sflag:$0x2] =	stream.linear.gather [hbm4b:s31+s2], $0x50, $0x38;
	[tilespmem:$0x1E280] =	vst v63  }
0x193: {  	s13 =	sadd.s32 s6, s13  }
0x194: {  	[tilespmem:s23], [sflag:$0x2] =	stream.linear.gather [hbm4b:s13+s2], $0x50, $0x38;
	[tilespmem:$0x1E280] =	vst v63  }
0x195: {  	_ =	swait.ge [sflag:s9], $0x2800  }
0x196: {  	[sflag:s9] =	ssyncset.done $0x0  }
0x197: {  	[sflag:s9] =	ssyncadd.s32 $0xFFFFD800  }
0x198: {  	_ =	swait.ge [sflag:s10], $0x2800  }
0x199: {  	[sflag:s10] =	ssyncset.done $0x0  }
0x19a: {  	s18 =	simm.s32 $0x300;
	[sflag:s10] =	ssyncadd.s32 $0xFFFFD800  }
0x19b: {  	s15 =	simm.s32 $0x5300;
	v1 =	vld [tilespmem:s18+$0x80]  }
0x19c: {  	v2 =	vld [tilespmem:s15+$0x80]  }
0x19d: {  	v3 =	vld [tilespmem:s15+$0xFFFFFF00]  }
0x19e: {  	v4 =	vld [tilespmem:s18+$0xFFFFFF80]  }
0x19f: {  	v5 =	vld [tilespmem:s15+$0xFFFFFF80]  }
0x1a0: {  	v6 =	vld [tilespmem:s15+$0x0]  }
0x1a1: {  	v1 =	vadd.f32 v2, v1;
	v2 =	vld [tilespmem:s18+$0x0]  }
0x1a2: {  	v7 =	vld [tilespmem:s18+$0xFFFFFF00]  }
0x1a3: {  	v1 =	vmax.f32 v1, $0.0e+00  }
0x1a4: {  	v4 =	vadd.f32 v5, v4;
	[tilespmem:s18+$0x80] =	vst v1;
	v1 =	vld [tilespmem:s18+$0x90]  }
0x1a5: {  	v8 =	vld [tilespmem:s15+$0x90]  }
0x1a6: {  	v9 =	vld [tilespmem:s18+$0xFFFFFF90];
	v4 =	vmax.f32 v4, $0.0e+00;
	v2 =	vadd.f32 v6, v2  }
0x1a7: {  	v5 =	vld [tilespmem:s18+$0xFFFFFF10];
	v3 =	vadd.f32 v3, v7;
	[tilespmem:s18+$0xFFFFFF80] =	vst v4  }
0x1a8: {  	v6 =	vld [tilespmem:s15+$0xFFFFFF90];
	v2 =	vmax.f32 v2, $0.0e+00  }
0x1a9: {  	v3 =	vmax.f32 v3, $0.0e+00;
	v4 =	vld [tilespmem:s18+$0x10];
	[tilespmem:s18+$0x0] =	vst v2  }
0x1aa: {  	[tilespmem:s18+$0xFFFFFF00] =	vst v3;
	v1 =	vadd.f32 v8, v1;
	v2 =	vld [tilespmem:s15+$0x10]  }
0x1ab: {  	v3 =	vld [tilespmem:s15+$0xFFFFFF10]  }
0x1ac: {  	v1 =	vmax.f32 v1, $0.0e+00  }
0x1ad: {  	v6 =	vadd.f32 v6, v9;
	[tilespmem:s18+$0x90] =	vst v1;
	v1 =	vld [tilespmem:s18+$0xA0]  }
0x1ae: {  	v8 =	vld [tilespmem:s15+$0xA0]  }
0x1af: {  	v7 =	vld [tilespmem:s18+$0xFFFFFF20];
	v6 =	vmax.f32 v6, $0.0e+00;
	v2 =	vadd.f32 v2, v4  }
0x1b0: {  	v3 =	vadd.f32 v3, v5;
	v9 =	vld [tilespmem:s18+$0xFFFFFFA0];
	[tilespmem:s18+$0xFFFFFF90] =	vst v6  }
0x1b1: {  	v5 =	vld [tilespmem:s15+$0xFFFFFFA0];
	v2 =	vmax.f32 v2, $0.0e+00  }
0x1b2: {  	v3 =	vmax.f32 v3, $0.0e+00;
	v4 =	vld [tilespmem:s18+$0x20];
	[tilespmem:s18+$0x10] =	vst v2  }
0x1b3: {  	[tilespmem:s18+$0xFFFFFF10] =	vst v3;
	v1 =	vadd.f32 v8, v1;
	v2 =	vld [tilespmem:s15+$0x20]  }
0x1b4: {  	v3 =	vld [tilespmem:s15+$0xFFFFFF20]  }
0x1b5: {  	v1 =	vmax.f32 v1, $0.0e+00  }
0x1b6: {  	v5 =	vadd.f32 v5, v9;
	[tilespmem:s18+$0xA0] =	vst v1;
	v1 =	vld [tilespmem:s18+$0xB0]  }
0x1b7: {  	v8 =	vld [tilespmem:s15+$0xB0]  }
0x1b8: {  	v10 =	vld [tilespmem:s18+$0x30];
	v5 =	vmax.f32 v5, $0.0e+00;
	v2 =	vadd.f32 v2, v4  }
0x1b9: {  	v3 =	vadd.f32 v3, v7;
	v9 =	vld [tilespmem:s18+$0xFFFFFFB0];
	[tilespmem:s18+$0xFFFFFFA0] =	vst v5  }
0x1ba: {  	v4 =	vld [tilespmem:s15+$0xFFFFFFB0];
	v2 =	vmax.f32 v2, $0.0e+00  }
0x1bb: {  	v6 =	vld [tilespmem:s18+$0xFFFFFF30];
	[tilespmem:s18+$0x20] =	vst v2;
	v2 =	vmax.f32 v3, $0.0e+00  }
0x1bc: {  	v1 =	vadd.f32 v8, v1;
	[tilespmem:s18+$0xFFFFFF20] =	vst v2;
	v2 =	vld [tilespmem:s15+$0x30]  }
0x1bd: {  	v7 =	vld [tilespmem:s15+$0xFFFFFF30]  }
0x1be: {  	v11 =	vld [tilespmem:s18+$0xFFFFFF40];
	v1 =	vmax.f32 v1, $0.0e+00  }
0x1bf: {  	v4 =	vadd.f32 v4, v9;
	[tilespmem:s18+$0xB0] =	vst v1;
	v1 =	vld [tilespmem:s18+$0xC0]  }
0x1c0: {  	v8 =	vld [tilespmem:s15+$0xC0]  }
0x1c1: {  	v12 =	vld [tilespmem:s18+$0xFFFFFFD0];
	v4 =	vmax.f32 v4, $0.0e+00;
	v2 =	vadd.f32 v2, v10  }
0x1c2: {  	v5 =	vld [tilespmem:s18+$0xFFFFFFC0];
	[tilespmem:s18+$0xFFFFFFB0] =	vst v4;
	v6 =	vadd.f32 v7, v6  }
0x1c3: {  	v7 =	vld [tilespmem:s15+$0xFFFFFFC0];
	v2 =	vmax.f32 v2, $0.0e+00  }
0x1c4: {  	v3 =	vld [tilespmem:s18+$0x40];
	[tilespmem:s18+$0x30] =	vst v2;
	v2 =	vmax.f32 v6, $0.0e+00  }
0x1c5: {  	v1 =	vadd.f32 v8, v1;
	v6 =	vld [tilespmem:s15+$0x40];
	[tilespmem:s18+$0xFFFFFF30] =	vst v2  }
0x1c6: {  	v2 =	vld [tilespmem:s15+$0xFFFFFF40]  }
0x1c7: {  	v9 =	vld [tilespmem:s18+$0xFFFFFF50];
	v1 =	vmax.f32 v1, $0.0e+00  }
0x1c8: {  	[tilespmem:s18+$0xC0] =	vst v1;
	v1 =	vadd.f32 v7, v5;
	v7 =	vld [tilespmem:s18+$0xD0]  }
0x1c9: {  	v8 =	vld [tilespmem:s15+$0xD0]  }
0x1ca: {  	v4 =	vld [tilespmem:s18+$0xFFFFFF60];
	v1 =	vmax.f32 v1, $0.0e+00;
	v3 =	vadd.f32 v6, v3  }
0x1cb: {  	v10 =	vld [tilespmem:s18+$0x50];
	[tilespmem:s18+$0xFFFFFFC0] =	vst v1;
	v1 =	vadd.f32 v2, v11  }
0x1cc: {  	v2 =	vld [tilespmem:s15+$0xFFFFFFD0];
	v3 =	vmax.f32 v3, $0.0e+00  }
0x1cd: {  	v5 =	vld [tilespmem:s18+$0xFFFFFFE0];
	[tilespmem:s18+$0x40] =	vst v3;
	v1 =	vmax.f32 v1, $0.0e+00  }
0x1ce: {  	v3 =	vld [tilespmem:s15+$0x50];
	v7 =	vadd.f32 v8, v7;
	[tilespmem:s18+$0xFFFFFF40] =	vst v1  }
0x1cf: {  	v1 =	vld [tilespmem:s15+$0xFFFFFF50]  }
0x1d0: {  	v6 =	vld [tilespmem:s18+$0x60];
	v7 =	vmax.f32 v7, $0.0e+00  }
0x1d1: {  	v2 =	vadd.f32 v2, v12;
	[tilespmem:s18+$0xD0] =	vst v7;
	v7 =	vld [tilespmem:s18+$0xE0]  }
0x1d2: {  	v11 =	vld [tilespmem:s15+$0xE0]  }
0x1d3: {  	v2 =	vmax.f32 v2, $0.0e+00;
	v8 =	vadd.f32 v3, v10;
	v3 =	vld [tilespmem:s18+$0xFFFFFF70]  }
0x1d4: {  	[tilespmem:s18+$0xFFFFFFD0] =	vst v2;
	v1 =	vadd.f32 v1, v9;
	v2 =	vld [tilespmem:s18+$0xFFFFFFF0]  }
0x1d5: {  	v9 =	vmax.f32 v8, $0.0e+00;
	v8 =	vld [tilespmem:s15+$0xFFFFFFE0]  }
0x1d6: {  	[tilespmem:s18+$0x50] =	vst v9;
	v9 =	vmax.f32 v1, $0.0e+00;
	v1 =	vld [tilespmem:s18+$0x70]  }
0x1d7: {  	[tilespmem:s18+$0xFFFFFF50] =	vst v9;
	v9 =	vld [tilespmem:s15+$0x60];
	v7 =	vadd.f32 v11, v7  }
0x1d8: {  	v10 =	vld [tilespmem:s15+$0xFFFFFF60]  }
0x1d9: {  	s13 =	simm.s32 $0x0;
	s19 =	simm.s32 $0x500;
	s20 =	simm.s32 $0x5300;
	v11 =	vmax.f32 v7, $0.0e+00;
	v7 =	vld [tilespmem:s18+$0xF0]  }
.LBB2_12:
0x1da: {  	v12 =	vld [tilespmem:s19+$0x80];
	v5 =	vadd.f32 v8, v5;
	[tilespmem:s18+$0xE0] =	vst v11  }
0x1db: {  	s20 =	sadd.s32 $0x200, s20;
	v8 =	vld [tilespmem:s15+$0xF0]  }
0x1dc: {  	s13 =	sadd.s32 $0x4, s13;
	v11 =	vld [tilespmem:s20+$0x80];
	v5 =	vmax.f32 v5, $0.0e+00;
	v6 =	vadd.f32 v9, v6  }
0x1dd: {  	p1 =	slt.u32 s13, $0x4C;
	v9 =	vld [tilespmem:s20+$0xFFFFFF00];
	v4 =	vadd.f32 v10, v4;
	[tilespmem:s18+$0xFFFFFFE0] =	vst v5  }
0x1de: {  	v5 =	vld [tilespmem:s19+$0xFFFFFF80];
	v6 =	vmax.f32 v6, $0.0e+00  }
0x1df: {  	v10 =	vld [tilespmem:s20+$0xFFFFFF80];
	v4 =	vmax.f32 v4, $0.0e+00;
	[tilespmem:s18+$0x60] =	vst v6  }
0x1e0: {  	v6 =	vld [tilespmem:s19+$0x0];
	[tilespmem:s18+$0xFFFFFF60] =	vst v4;
	v4 =	vadd.f32 v8, v7  }
0x1e1: {  	v7 =	vld [tilespmem:s20+$0x0];
	v8 =	vadd.f32 v11, v12  }
0x1e2: {  	v11 =	vld [tilespmem:s19+$0xFFFFFF00];
	v4 =	vmax.f32 v4, $0.0e+00  }
0x1e3: {  	v12 =	vld [tilespmem:s19+$0xFFFFFF10];
	v8 =	vmax.f32 v8, $0.0e+00;
	[tilespmem:s18+$0xF0] =	vst v4  }
0x1e4: {  	v4 =	vadd.f32 v10, v5;
	[tilespmem:s19+$0x80] =	vst v8;
	v5 =	vld [tilespmem:s19+$0x90]  }
0x1e5: {  	v8 =	vld [tilespmem:s20+$0x90]  }
0x1e6: {  	v4 =	vmax.f32 v4, $0.0e+00;
	v10 =	vld [tilespmem:s19+$0xFFFFFF90];
	v6 =	vadd.f32 v7, v6  }
0x1e7: {  	v7 =	vadd.f32 v9, v11;
	[tilespmem:s19+$0xFFFFFF80] =	vst v4;
	v4 =	vld [tilespmem:s19+$0x10]  }
0x1e8: {  	v9 =	vld [tilespmem:s20+$0xFFFFFF90];
	v6 =	vmax.f32 v6, $0.0e+00  }
0x1e9: {  	v7 =	vmax.f32 v7, $0.0e+00;
	v11 =	vld [tilespmem:s19+$0xFFFFFF20];
	[tilespmem:s19+$0x0] =	vst v6  }
0x1ea: {  	[tilespmem:s19+$0xFFFFFF00] =	vst v7;
	v6 =	vld [tilespmem:s20+$0x10];
	v5 =	vadd.f32 v8, v5  }
0x1eb: {  	v7 =	vld [tilespmem:s20+$0xFFFFFF10]  }
0x1ec: {  	v8 =	vld [tilespmem:s19+$0xFFFFFFA0];
	v5 =	vmax.f32 v5, $0.0e+00  }
0x1ed: {  	v9 =	vadd.f32 v9, v10;
	[tilespmem:s19+$0x90] =	vst v5;
	v5 =	vld [tilespmem:s19+$0xA0]  }
0x1ee: {  	v10 =	vld [tilespmem:s20+$0xA0]  }
0x1ef: {  	v9 =	vmax.f32 v9, $0.0e+00;
	v4 =	vadd.f32 v6, v4;
	v6 =	vld [tilespmem:s19+$0x20]  }
0x1f0: {  	v7 =	vadd.f32 v7, v12;
	v12 =	vld [tilespmem:s19+$0xFFFFFF30];
	[tilespmem:s19+$0xFFFFFF90] =	vst v9  }
0x1f1: {  	v9 =	vld [tilespmem:s20+$0xFFFFFFA0];
	v4 =	vmax.f32 v4, $0.0e+00  }
0x1f2: {  	v7 =	vmax.f32 v7, $0.0e+00;
	v13 =	vld [tilespmem:s19+$0xFFFFFFB0];
	[tilespmem:s19+$0x10] =	vst v4  }
0x1f3: {  	[tilespmem:s19+$0xFFFFFF10] =	vst v7;
	v4 =	vld [tilespmem:s20+$0x20];
	v5 =	vadd.f32 v10, v5  }
0x1f4: {  	v7 =	vld [tilespmem:s20+$0xFFFFFF20]  }
0x1f5: {  	v10 =	vld [tilespmem:s19+$0x30];
	v5 =	vmax.f32 v5, $0.0e+00  }
0x1f6: {  	v8 =	vadd.f32 v9, v8;
	[tilespmem:s19+$0xA0] =	vst v5;
	v5 =	vld [tilespmem:s19+$0xB0]  }
0x1f7: {  	v9 =	vld [tilespmem:s20+$0xB0]  }
0x1f8: {  	v14 =	vld [tilespmem:s19+$0xFFFFFF40];
	v8 =	vmax.f32 v8, $0.0e+00;
	v4 =	vadd.f32 v4, v6  }
0x1f9: {  	v6 =	vadd.f32 v7, v11;
	[tilespmem:s19+$0xFFFFFFA0] =	vst v8;
	v7 =	vld [tilespmem:s19+$0xFFFFFFC0]  }
0x1fa: {  	v8 =	vld [tilespmem:s20+$0xFFFFFFB0];
	v4 =	vmax.f32 v4, $0.0e+00  }
0x1fb: {  	v6 =	vmax.f32 v6, $0.0e+00;
	[tilespmem:s19+$0x20] =	vst v4;
	v11 =	vld [tilespmem:s19+$0x40]  }
0x1fc: {  	[tilespmem:s19+$0xFFFFFF20] =	vst v6;
	v4 =	vld [tilespmem:s20+$0x30];
	v5 =	vadd.f32 v9, v5  }
0x1fd: {  	v6 =	vld [tilespmem:s20+$0xFFFFFF30]  }
0x1fe: {  	v9 =	vld [tilespmem:s19+$0xFFFFFF50];
	v5 =	vmax.f32 v5, $0.0e+00  }
0x1ff: {  	v8 =	vadd.f32 v8, v13;
	[tilespmem:s19+$0xB0] =	vst v5;
	v5 =	vld [tilespmem:s19+$0xC0]  }
0x200: {  	v13 =	vld [tilespmem:s20+$0xC0]  }
0x201: {  	v8 =	vmax.f32 v8, $0.0e+00;
	v15 =	vld [tilespmem:s19+$0xFFFFFFD0];
	v4 =	vadd.f32 v4, v10  }
0x202: {  	v6 =	vadd.f32 v6, v12;
	[tilespmem:s19+$0xFFFFFFB0] =	vst v8;
	v8 =	vld [tilespmem:s19+$0x50]  }
0x203: {  	v10 =	vld [tilespmem:s20+$0xFFFFFFC0];
	v12 =	vmax.f32 v4, $0.0e+00  }
0x204: {  	v6 =	vmax.f32 v6, $0.0e+00;
	v4 =	vld [tilespmem:s19+$0xFFFFFF60];
	[tilespmem:s19+$0x30] =	vst v12  }
0x205: {  	[tilespmem:s19+$0xFFFFFF30] =	vst v6;
	v6 =	vld [tilespmem:s20+$0x40];
	v12 =	vadd.f32 v13, v5  }
0x206: {  	v13 =	vld [tilespmem:s20+$0xFFFFFF40]  }
0x207: {  	v5 =	vld [tilespmem:s19+$0xFFFFFFE0];
	v12 =	vmax.f32 v12, $0.0e+00  }
0x208: {  	v7 =	vadd.f32 v10, v7;
	[tilespmem:s19+$0xC0] =	vst v12;
	v10 =	vld [tilespmem:s19+$0xD0]  }
0x209: {  	v12 =	vld [tilespmem:s20+$0xD0]  }
0x20a: {  	v7 =	vmax.f32 v7, $0.0e+00;
	v11 =	vadd.f32 v6, v11;
	v6 =	vld [tilespmem:s19+$0x60]  }
0x20b: {  	v13 =	vadd.f32 v13, v14;
	[tilespmem:s19+$0xFFFFFFC0] =	vst v7;
	v7 =	vld [tilespmem:s15+$0xFFFFFF70]  }
0x20c: {  	v14 =	vld [tilespmem:s20+$0xFFFFFFD0];
	v11 =	vmax.f32 v11, $0.0e+00  }
0x20d: {  	v13 =	vmax.f32 v13, $0.0e+00;
	[tilespmem:s19+$0x40] =	vst v11;
	v11 =	vld [tilespmem:s15+$0xFFFFFFF0]  }
0x20e: {  	[tilespmem:s19+$0xFFFFFF40] =	vst v13;
	v13 =	vld [tilespmem:s20+$0x50];
	v10 =	vadd.f32 v12, v10  }
0x20f: {  	v12 =	vld [tilespmem:s20+$0xFFFFFF50]  }
0x210: {  	v10 =	vmax.f32 v10, $0.0e+00;
	v3 =	vadd.f32 v7, v3;
	v7 =	vld [tilespmem:s15+$0x70];
	s15 =	smov.u32 s20  }
0x211: {  	v14 =	vadd.f32 v14, v15;
	[tilespmem:s19+$0xD0] =	vst v10;
	v10 =	vld [tilespmem:s19+$0xE0]  }
0x212: {  	v15 =	vld [tilespmem:s20+$0xE0];
	v16 =	vmax.f32 v3, $0.0e+00;
	v11 =	vadd.f32 v11, v2  }
0x213: {  	v3 =	vld [tilespmem:s19+$0xFFFFFF70];
	v2 =	vmax.f32 v14, $0.0e+00;
	v13 =	vadd.f32 v13, v8;
	[tilespmem:s18+$0xFFFFFF70] =	vst v16  }
0x214: {  	v9 =	vadd.f32 v12, v9;
	[tilespmem:s19+$0xFFFFFFD0] =	vst v2;
	v2 =	vld [tilespmem:s19+$0xFFFFFFF0];
	v11 =	vmax.f32 v11, $0.0e+00  }
.Ltmp5:
0x215: {  	v8 =	vld [tilespmem:s20+$0xFFFFFFE0];
	v12 =	vmax.f32 v13, $0.0e+00;
	[tilespmem:s18+$0xFFFFFFF0] =	vst v11;
	v7 =	vadd.f32 v7, v1;
	(pc) =	sbr.rel @p1 .LBB2_12-.Ltmp5, $4  }
0x216: {  	v9 =	vmax.f32 v9, $0.0e+00;
	[tilespmem:s19+$0x50] =	vst v12;
	v1 =	vld [tilespmem:s19+$0x70]  }
0x217: {  	[tilespmem:s19+$0xFFFFFF50] =	vst v9;
	v9 =	vld [tilespmem:s20+$0x60];
	v11 =	vadd.f32 v15, v10;
	v7 =	vmax.f32 v7, $0.0e+00  }
0x218: {  	v10 =	vld [tilespmem:s20+$0xFFFFFF60];
	[tilespmem:s18+$0x70] =	vst v7;
	s18 =	smov.u32 s19  }
0x219: {  	s19 =	sadd.s32 $0x200, s19;
	v11 =	vmax.f32 v11, $0.0e+00;
	v7 =	vld [tilespmem:s18+$0xF0]  }
0x21a: {  	_ = 	snop  }
0x21b: {  	v5 =	vadd.f32 v8, v5  }
0x21c: {  	v6 =	vadd.f32 v9, v6  }
0x21d: {  	[tilespmem:s18+$0xE0] =	vst v11;
	v5 =	vmax.f32 v5, $0.0e+00;
	v4 =	vadd.f32 v10, v4  }
0x21e: {  	v58 =	vld [tilespmem:s15+$0xF0];
	[tilespmem:s18+$0xFFFFFFE0] =	vst v5;
	v59 =	vmax.f32 v6, $0.0e+00  }
0x21f: {  	v61 =	vld [tilespmem:s15+$0xFFFFFFF0];
	v4 =	vmax.f32 v4, $0.0e+00;
	[tilespmem:s18+$0x60] =	vst v59  }
0x220: {  	[tilespmem:s18+$0xFFFFFF60] =	vst v4;
	v62 =	vld [tilespmem:s15+$0x70]  }
0x221: {  	v60 =	vld [tilespmem:s15+$0xFFFFFF70];
	_ =	sdelay $0x1  }
0x222: {  	v7 =	vadd.f32 v58, v7  }
0x223: {  	v2 =	vadd.f32 v61, v2  }
0x224: {  	v63 =	vmax.f32 v7, $0.0e+00;
	v1 =	vadd.f32 v62, v1  }
0x225: {  	[tilespmem:s18+$0xF0] =	vst v63;
	v2 =	vmax.f32 v2, $0.0e+00;
	v3 =	vadd.f32 v60, v3  }
0x226: {  	[tilespmem:s18+$0xFFFFFFF0] =	vst v2;
	v1 =	vmax.f32 v1, $0.0e+00  }
0x227: {  	v3 =	vmax.f32 v3, $0.0e+00;
	[tilespmem:s18+$0x70] =	vst v1  }
0x228: {  	[tilespmem:s18+$0xFFFFFF70] =	vst v3  }
0x229: {  	[spmem:s1] =	stream.indirect.scatter.add.f32 [tilespmem:s30], [sflag:$0x7], $0x80, s21, s29, $0xb8;
	[tilespmem:$0x1E280] =	vst v63  }
0x22a: {  	_ =	swait.ge [sflag:s26], $0x2800  }
0x22b: {  	[sflag:s26] =	ssyncset.done $0x0  }
0x22c: {  	[sflag:s26] =	ssyncadd.s32 $0xFFFFD800  }
0x22d: {  	_ =	swait.ge [sflag:s0], $0x50  }
0x22e: {  	[sflag:s0] =	ssyncset.done $0x0  }
0x22f: {  	[sflag:s0] =	ssyncadd.s32 $0xFFFFFFB0  }
0x230: {  	_ =	swait.ge [sflag:s0], $0x50  }
0x231: {  	[sflag:s0] =	ssyncset.done $0x0  }
0x232: {  	s13 =	stileid.u32;
	[sflag:s0] =	ssyncadd.s32 $0xFFFFFFB0  }
0x233: {  	s13 =	sshll.u32 s13, $0x6;
	[bflag:$0x0] =	sbarrier.arrive $0xFFFF  }
0x234: {  	s19 =	sshrl.u32 s14, $0x3;
	s13 =	sor.u32 $0x1C07, s13;
	s20 =	rddreg [dreg:$0x9]  }
0x235: {  	[hbm:s20], [sflag:s13] =	dma.local [spmem:s19], $0x2700  }
0x236: {  	_ =	swait.ge [sflag:s26], $0x2700  }
0x237: {  	[sflag:s26] =	ssyncset.done $0x0;
	s18 =	rddreg [dreg:$0x8]  }
0x238: {  	s19 =	rddreg [dreg:$0xa];
	[sflag:s26] =	ssyncadd.s32 $0xFFFFD900;
	s15 =	sshrl.u32 @!p0 s18, $0x3  }
0x239: {  	[hbm:s19], [sflag:s13] =	dma.local @!p0 [spmem:s15], $0x100  }
0x23a: {  	s13 =	simm.s32 @!p0 $0x7  }
0x23b: {  	_ =	swait.ge @!p0 [sflag:s13], $0x100  }
0x23c: {  	s24 =	rddreg [dreg:$0xc]  }
0x23d: {  	s31 =	rddreg [dreg:$0xb];
	s19 =	sadd.s32 $0x1, s24  }
0x23e: {  	p1 =	sne.s32 s19, s31  }
.Ltmp6:
0x23f: {  	_ = 	snop;
	(pc) =	sbr.rel @p1 .LBB2_1-.Ltmp6, $3  }
0x240: {  	_ =	sdelay $0x1  }
0x241: {  	[sflag:s13] =	ssyncset.done @!p0 $0x0  }
0x242: {  	[sflag:s13] =	ssyncadd.s32 @!p0 $0xFFFFFF00  }
0x243: {  	_ =	sfence.sel $0x180000  }
0x244: {  	[bflag:$0x0] =	sbarrier.arrive $0xFFFF  }
0x245: {  	_ =	strace $0x9000004A  }
0x246: {  	s0 =	stileid.u32;
	[bflag:$0x2] =	sbarrier.arrive $0xFFFF  }
0x247: {  	p0 =	sne.s32 s0, $0x0;
	s0 =	rddreg [dreg:$0x2]  }
0x248: {  	s0 =	sadd.s32 @!p0 $0x100000, s0  }
0x249: {  	[sflag:s0] =	ssyncadd.tile.s32 @!p0 $0x1;
	_ =	shalt  }
.Lfunc_end2:
_tile_overlayer_lowered:
.L_overlay_start_2:
0x24a: {  	(tag) =	ssettag $0x2  }
0x24b: {  	s0 =	rddreg [dreg:$0x0];
	s2 =	stileid.u32  }
0x24c: {  	s1 =	rddreg [dreg:$0x1];
	p0 =	sne.s32 s2, $0x0  }
0x24d: {  	s3 =	rddreg [dreg:$0x2];
	[bflag:$0x3] =	sbarrier.arrive $0xFFFF;
	s2 =	simm.s32 @!p0 $0x1C07  }
0x24e: {  	[timem:s3], [sflag:s2] =	dma.local @!p0 [hbm:s0], s1  }
0x24f: {  	s0 =	simm.s32 @!p0 $0x7  }
0x250: {  	_ =	swait.ge @!p0 [sflag:s0], s1  }
0x251: {  	s1 =	ssub.s32 @!p0 $0x0, s1;
	[sflag:s0] =	ssyncset.done @!p0 $0x0  }
0x252: {  	[sflag:s0] =	ssyncadd.s32 @!p0 s1  }
0x253: {  	[bflag:$0x3] =	sbarrier.arrive $0xFFFF  }
0x254: {  	_ =	shalt  }

// kernel: kernel.8.cloned.1.call-start
scs
__scs_entry_jumppad:
0x0: {  	(pc) =	sbr.rel $0x88, $3  }
0x1: {  	(tag) =	ssettag $0x0;
	lr =	simm.s32 $0x1  }
0x2: {  	[smem:$0x3F89] =	sst lr;
	_ =	strace $0xD0000000  }
0x3: {  	_ = 	snop  }
0x4: {  	_ = 	snop  }
0x5: {  	_ = 	snop  }
0x6: {  	_ = 	snop  }
0x7: {  	_ = 	snop  }
__scs_overlays_trampoline_lowered:
0x8: {  	[smem:$0x3F98] =	sst s0  }
0x9: {  	[smem:$0x3F99] =	sst s1  }
0xa: {  	[smem:$0x3F9A] =	sst s2  }
0xb: {  	[smem:$0x3F9B] =	sst s3  }
0xc: {  	[smem:$0x3F9C] =	sst s4  }
0xd: {  	[smem:$0x3F9D] =	sst s5  }
0xe: {  	[smem:$0x3F9E] =	sst s6  }
0xf: {  	[smem:$0x3F9F] =	sst s7  }
0x10: {  	[smem:$0x3FA0] =	sst s8  }
0x11: {  	[smem:$0x3FA1] =	sst s9;
	s0 =	simm.s32 @!p0 $0x0  }
0x12: {  	s1 =	sld [smem:$0x3F87];
	s0 =	simm.s32 @p0 $0x1  }
0x13: {  	[smem:$0x3FA2] =	sst s0;
	s0 =	simm.s32 @!p1 $0x0  }
0x14: {  	s2 =	sld [smem:$0x3F86];
	s0 =	simm.s32 @p1 $0x1  }
0x15: {  	[smem:$0x3FA3] =	sst s0;
	s0 =	simm.s32 @!p2 $0x0  }
0x16: {  	s3 =	sld [smem:$0x3FDB];
	s0 =	simm.s32 @p2 $0x1  }
0x17: {  	s4 =	simm.s32 $0x1BF5;
	[smem:$0x3FA5] =	sst s0  }
0x18: {  	s0 =	sld [smem:$0x3F88];
	_ =	swait.ge [sflag:s4], $0x0  }
0x19: {  	s7 =	sld [smem:$0x3F89]  }
0x1a: {  	s8 =	sadd.s32 $0xFFFFE003, lr  }
0x1b: {  	s9 =	sadd.s32 $0xFFFFFEF7, lr;
	s5 =	simm.s32 $0xFFFFFFFF;
	p2 =	slt.u32 s8, $0xFFFFF086  }
0x1c: {  	p1 =	slt.u32 s9, $0xF7A;
	s5 =	simm.s32 @!p2 $0x0  }
0x1d: {  	s5 =	simm.s32 @p1 $0x1;
	p0 =	seq.s32 s7, s2  }
0x1e: {  	s7 =	smul.u32 @!p0 $0xF7A, s2;
	p2 =	seq.s32 @!p0 s5, $0x0  }
0x1f: {  	s9 =	smul.u32 $0xF7A, s1;
	s8 =	simm.s32 @!p0 $0x1BF5;
	p2 =	por !p2, p0  }
0x20: {  	[sflag:s8] =	ssyncset.s32 @!p0 $0xFFFFF086;
	s6 =	sadd.s32 @!p0 s3, s7;
	s7 =	simm.s32 @!p0 $0x108  }
0x21: {  	s3 =	sadd.s32 s3, s9;
	s6 =	sadd.s32 @!p0 $0x88, s6;
	s7 =	simm.s32 @p2 $0x1082  }
0x22: {  	[simem:s7], [sflag:s8] =	dma.local @!p0 [hbm:s6], $0xF7A  }
0x23: {  	s9 =	sor.u32 $0xD0000000, s2;
	s6 =	simm.s32 $0x108;
	_ =	swait.ge @!p0 [sflag:s8], $0x0  }
0x24: {  	s3 =	sadd.s32 $0x88, s3;
	s6 =	simm.s32 @!p1 $0x1082;
	[sflag:s4] =	ssyncset.s32 $0xFFFFF086  }
0x25: {  	[simem:s6], [sflag:s4] =	dma.local [hbm:s3], $0xF7A  }
0x26: {  	[smem:$0x3F89] =	sst s1;
	(tag) =	ssettag s2;
	_ =	strace s9  }
0x27: {  	s1 =	sld [smem:$0x3F99]  }
0x28: {  	s2 =	sld [smem:$0x3F9A]  }
0x29: {  	s4 =	sld [smem:$0x3F9C]  }
0x2a: {  	p0 =	seq.s32 s5, $0x0;
	s5 =	sld [smem:$0x3F9D]  }
0x2b: {  	s6 =	sld [smem:$0x3F9E]  }
0x2c: {  	s7 =	sld [smem:$0x3F9F]  }
0x2d: {  	s3 =	simm.s32 $0x108;
	s8 =	sld [smem:$0x3FA0]  }
0x2e: {  	s3 =	simm.s32 @!p0 $0x1082;
	s9 =	sld [smem:$0x3FA1]  }
0x2f: {  	lr =	sadd.s32 s0, s3;
	s0 =	sld [smem:$0x3F98]  }
0x30: {  	s3 =	sld [smem:$0x3F9B]  }
0x31: {  	[smem:$0x3FA4] =	sst s10  }
0x32: {  	s10 =	sld [smem:$0x3FA2];
	_ =	sdelay $0x3  }
0x33: {  	p0 =	seq.s32 s10, $0x1;
	s10 =	sld [smem:$0x3FA4];
	_ =	sdelay $0x3  }
0x34: {  	[smem:$0x3FA4] =	sst s10  }
0x35: {  	s10 =	sld [smem:$0x3FA3];
	_ =	sdelay $0x3  }
0x36: {  	p1 =	seq.s32 s10, $0x1;
	s10 =	sld [smem:$0x3FA4];
	_ =	sdelay $0x3  }
0x37: {  	[smem:$0x3FA4] =	sst s10  }
0x38: {  	s10 =	sld [smem:$0x3FA5]  }
0x39: {  	_ = 	snop;
	(pc) =	sbr.ind lr, $3  }
0x3a: {  	_ = 	snop  }
0x3b: {  	_ = 	snop  }
0x3c: {  	p2 =	seq.s32 s10, $0x1;
	s10 =	sld [smem:$0x3FA4]  }
0x3d: {  	_ =	shalt  }
0x3e: {  	_ =	shalt  }
0x3f: {  	_ =	shalt  }
0x40: {  	_ =	shalt  }
0x41: {  	_ =	shalt  }
0x42: {  	_ =	shalt  }
0x43: {  	_ =	shalt  }
0x44: {  	_ =	shalt  }
0x45: {  	_ =	shalt  }
0x46: {  	_ =	shalt  }
0x47: {  	_ =	shalt  }
0x48: {  	_ =	shalt  }
0x49: {  	_ =	shalt  }
0x4a: {  	_ =	shalt  }
0x4b: {  	_ =	shalt  }
0x4c: {  	_ =	shalt  }
0x4d: {  	_ =	shalt  }
0x4e: {  	_ =	shalt  }
0x4f: {  	_ =	shalt  }
0x50: {  	_ =	shalt  }
0x51: {  	_ =	shalt  }
0x52: {  	_ =	shalt  }
0x53: {  	_ =	shalt  }
0x54: {  	_ =	shalt  }
0x55: {  	_ =	shalt  }
0x56: {  	_ =	shalt  }
0x57: {  	_ =	shalt  }
0x58: {  	_ =	shalt  }
0x59: {  	_ =	shalt  }
0x5a: {  	_ =	shalt  }
0x5b: {  	_ =	shalt  }
0x5c: {  	_ =	shalt  }
0x5d: {  	_ =	shalt  }
0x5e: {  	_ =	shalt  }
0x5f: {  	_ =	shalt  }
0x60: {  	_ =	shalt  }
0x61: {  	_ =	shalt  }
0x62: {  	_ =	shalt  }
0x63: {  	_ =	shalt  }
0x64: {  	_ =	shalt  }
0x65: {  	_ =	shalt  }
0x66: {  	_ =	shalt  }
0x67: {  	_ =	shalt  }
0x68: {  	_ =	shalt  }
0x69: {  	_ =	shalt  }
0x6a: {  	_ =	shalt  }
0x6b: {  	_ =	shalt  }
0x6c: {  	_ =	shalt  }
0x6d: {  	_ =	shalt  }
0x6e: {  	_ =	shalt  }
0x6f: {  	_ =	shalt  }
0x70: {  	_ =	shalt  }
0x71: {  	_ =	shalt  }
0x72: {  	_ =	shalt  }
0x73: {  	_ =	shalt  }
0x74: {  	_ =	shalt  }
0x75: {  	_ =	shalt  }
0x76: {  	_ =	shalt  }
0x77: {  	_ =	shalt  }
0x78: {  	_ =	shalt  }
0x79: {  	_ =	shalt  }
0x7a: {  	_ =	shalt  }
0x7b: {  	_ =	shalt  }
0x7c: {  	_ =	shalt  }
0x7d: {  	_ =	shalt  }
0x7e: {  	_ =	shalt  }
0x7f: {  	_ =	shalt  }
0x80: {  	_ =	shalt  }
0x81: {  	_ =	shalt  }
0x82: {  	_ =	shalt  }
0x83: {  	_ =	shalt  }
0x84: {  	_ =	shalt  }
0x85: {  	_ =	shalt  }
0x86: {  	_ =	shalt  }
0x87: {  	_ =	shalt  }
.Lfunc_end0:
.L_simem_size_0:
called_computation_lowered:
.L_overlay_start_0:
0x88: {  	s2 =	sld [smem:$0x3FD9]  }
0x89: {  	s3 =	sld [smem:$0x3FFE];
	_ =	sdelay $0x1  }
0x8a: {  	s1 =	srdreg.scid  }
0x8b: {  	s0 =	sand.u32 $0x1, s1  }
0x8c: {  	s17 =	sshll.u32 s0, $0xA;
	s2 =	sadd.s32 s3, s2  }
0x8d: {  	s2 =	sadd.s32 s2, s17  }
0x8e: {  	[smem:$0x3FB0] =	sst s2  }
0x8f: {  	_ = 	snop  }
0x90: {  	s2 =	sld [smem:$0x3FC9];
	(tm) =	ssettm $0x1  }
0x91: {  	s18 =	sld [smem:$0x3FFB];
	_ =	sdelay $0x3  }
0x92: {  	_ =	strace s18  }
0x93: {  	s3 =	sld [smem:$0x3FFC];
	_ =	sdelay $0x3  }
0x94: {  	_ =	strace s3  }
0x95: {  	s3 =	sld [smem:$0x3FFD];
	_ =	sdelay $0x3  }
0x96: {  	_ =	strace s3  }
0x97: {  	_ =	strace $0x8FFFFFFF  }
0x98: {  	s19 =	sld [smem:$0x3FDB];
	_ =	sdelay $0x1  }
0x99: {  	s4 =	simm.s32 $_scs_section_size  }
0x9a: {  	s5 =	simm.s32 $_size__tile_overlayer_lowered;
	s6 =	simm.s32 $_tile_overlayer_lowered  }
0x9b: {  	s22 =	simm.s32 $0x1BFF;
	s21 =	sshll.u32 s6, $0x1;
	s3 =	sadd.s32 s4, s19  }
0x9c: {  	s7 =	simm.s32 $0x0;
	s20 =	sshll.u32 s5, $0x1;
	s5 =	sadd.s32 s21, s3  }
0x9d: {  	[timem:s7], [sflag:s22] =	dma.local [hbm:s5], s20  }
0x9e: {  	_ =	swait.ge [sflag:s22], s20  }
0x9f: {  	s4 =	ssub.s32 $0x0, s20;
	[sflag:s22] =	ssyncset.done $0x0  }
0xa0: {  	[sflag:s22] =	ssyncadd.s32 s4;
	_ =	sdelay $0x1  }
0xa1: {  	s23 =	simm.s32 $0x1B8B  }
0xa2: {  	_ =	swait.ge [sflag:s23], $0x1  }
0xa3: {  	[sflag:s23] =	ssyncset.done $0x0  }
0xa4: {  	s25 =	simm.s32 $0x1B8E;
	s24 =	sld [smem:$0x3FFE];
	[sflag:s23] =	ssyncadd.s32 $0xFFFFFFFF  }
0xa5: {  	s26 =	simm.s32 $execute0_lowered;
	[smem:$0x3FD2] =	sst s25  }
0xa6: {  	s5 =	sshll.u32 s26, $0x1;
	_ =	strace $0x80000046;
	[dreg:$0x1] =	wrdreg $0xFFFFFFFF  }
0xa7: {  	s28 =	simm.s32 $_size_execute0_lowered;
	s3 =	sadd.s32 s3, s5;
	[dreg:$0x0] =	wrdreg $0x0  }
0xa8: {  	s5 =	sshll.u32 s28, $0x1;
	[dreg:$0x2] =	wrdreg s3  }
0xa9: {  	[dreg:$0x3] =	wrdreg s5  }
0xaa: {  	[dreg:$0x4] =	wrdreg $0xC0  }
0xab: {  	_ =	task [dreg:s7], $0x5FFFF  }
0xac: {  	[dreg:$0x1] =	wrdreg $0xFFFFFFFF  }
0xad: {  	[dreg:$0x0] =	wrdreg $0x60  }
0xae: {  	[dreg:$0x2] =	wrdreg s2  }
0xaf: {  	[dreg:$0x3] =	wrdreg s24  }
0xb0: {  	[dreg:$0x4] =	wrdreg $0xAA000  }
0xb1: {  	[dreg:$0x5] =	wrdreg $0x9  }
0xb2: {  	_ =	task.clear_ibuf [dreg:s7], $0x6FFFF;
	_ =	strace $0x90000046  }
0xb3: {  	s29 =	simm.s32 $0x9;
	_ =	strace $0x80000048  }
0xb4: {  	_ =	swait.ge [sflag:s29], $0x1  }
0xb5: {  	[sflag:s29] =	ssyncadd.s32 $0xFFFFFFFF  }
0xb6: {  	_ =	strace $0x90000048  }
0xb7: {  	_ =	sfence  }
0xb8: {  	s30 =	sld [smem:$0x0];
	_ =	sdelay $0x2  }
0xb9: {  	s31 =	sshll.u32 s1, $0xD;
	s1 =	sshrl.u32 s1, $0x2  }
0xba: {  	s3 =	sand.u32 $0x4000, s31;
	s1 =	sadd.s32 s1, s30  }
0xbb: {  	s0 =	sor.u32 s3, s0;
	s1 =	sshll.u32 s1, $0x11  }
0xbc: {  	s0 =	sor.u32 s1, s0  }
0xbd: {  	s0 =	sadd.s32 $0x8F2B, s0  }
0xbe: {  	[sflag:s0] =	ssyncadd.remote.s32 $0x1  }
0xbf: {  	_ =	sfence.sel $0xFFFF  }
0xc0: {  	[dreg:$0x0] =	wrdreg $0xFFFFFFFF;
	(pc) =	sbr.abs _section_cstart, $3  }
0xc1: {  	[dreg:$0x1] =	wrdreg $0xFFFFFFFF  }
0xc2: {  	_ =	task.clear_ibuf [dreg:s7], $0x2FFFF;
	_ =	strace $0x9FFFFFFF  }
0xc3: {  	(tm) =	ssettm $0x7FFFFFFF  }
tec
execute0_lowered:
.L_overlay_start_1:
0x0: {  	(tag) =	ssettag $0x1  }
0x1: {  	s1 =	rddreg [dreg:$0x0]  }
0x2: {  	s0 =	rddreg [dreg:$0x1]  }
0x3: {  	s2 =	rddreg [dreg:$0x2];
	s3 =	simm.s32 $0x0;
	s4 =	srdreg.scid  }
0x4: {  	s15 =	stileid.u32;
	s28 =	simm.s32 $0x1;
	s29 =	simm.s32 $0x50  }
0x5: {  	s30 =	simm.s32 $0x200;
	s19 =	simm.s32 $0x0;
	[smem:$0x7FF] =	sst s3  }
0x6: {  	s4 =	sand.u32 $0x1, s4;
	s5 =	sadd.s32 $0xD200, s0;
	s14 =	smul.u32 $0x4E000, s15  }
0x7: {  	s7 =	sadd.s32 $0x4F9000, s0;
	s24 =	smul.u32 $0x13800, s15;
	s18 =	sadd.s32 $0x138000, s2  }
0x8: {  	p0 =	sne.s32 s15, $0xF;
	_ =	strace $0x80000047;
	s6 =	sshll.u32 s4, $0x4  }
0x9: {  	s8 =	ssub.s32 $0x2, s4;
	s4 =	smul.u32 $0x138800, s4;
	[dreg:$0x9] =	wrdreg s18  }
0xa: {  	s9 =	sor.u32 s15, s6;
	s6 =	sadd.s32 $0x3400, s0;
	s10 =	sshrl.u32 s8, $0x1  }
0xb: {  	s0 =	sadd.s32 $0x9DB000, s0;
	s23 =	sshrl.u32 s14, $0x2;
	s11 =	smul.u32 $0x2710, s9  }
0xc: {  	s10 =	ssub.s32 s8, s10;
	s9 =	smul.u32 $0x27100, s9;
	s14 =	sadd.s32 s23, s2  }
0xd: {  	s25 =	sadd.s32 s24, s4;
	s4 =	sshrl.u32 s4, $0x3;
	s23 =	simm.s32 $0x180  }
0xe: {  	s4 =	sadd.s32 s0, s4;
	s31 =	smax.u32 s10, $0x1;
	s10 =	simm.s32 $0x5  }
0xf: {  	s12 =	sshrl.u32 s11, $0x3;
	s8 =	sadd.s32 $0x50, s11;
	s9 =	sadd.s32 s7, s9  }
0x10: {  	s16 =	sadd.s32 $0xA0, s11;
	s17 =	sadd.s32 $0xF0, s11;
	[dreg:$0xc] =	wrdreg s31  }
0x11: {  	s26 =	sadd.s32 $0x27000, s4;
	s4 =	simm.s32 $0x2A00;
	[dreg:$0x8] =	wrdreg s9  }
0x12: {  	s11 =	simm.s32 $0x4;
	s13 =	sadd.s32 s5, s12;
	[dreg:$0xb] =	wrdreg s26  }
0x13: {  	s20 =	sshrl.u32 s8, $0x3;
	s12 =	sadd.s32 s6, s12;
	[dreg:$0x4] =	wrdreg s13  }
0x14: {  	s9 =	sshrl.u32 s25, $0x3;
	[dreg:$0x5] =	wrdreg s12;
	s21 =	sadd.s32 s5, s20  }
0x15: {  	s25 =	simm.s32 $0xA200;
	s22 =	sadd.s32 s6, s20;
	[dreg:$0x6] =	wrdreg s21  }
0x16: {  	s26 =	simm.s32 $0x7;
	s0 =	sadd.s32 s0, s9;
	[dreg:$0x7] =	wrdreg s22  }
0x17: {  	s9 =	simm.s32 $0x3;
	s12 =	simm.s32 $0x6;
	[dreg:$0xa] =	wrdreg s0  }
0x18: {  	v0 =	vimm.f32 $0.0e+00;
	s21 =	simm.s32 $0x100;
	s22 =	simm.s32 $0x80;
	s0 =	simm.s32 $0x2  }
.LBB2_1:
0x19: {  	s13 =	rddreg [dreg:$0x4]  }
0x1a: {  	[tilespmem:s3], [sflag:$0x1] =	stream.linear.gather [hbm4b:s13+s3], $0x50, $0x38;
	[tilespmem:$0x1E280] =	vst v63  }
0x1b: {  	s15 =	rddreg [dreg:$0x5]  }
0x1c: {  	[tilespmem:s21], [sflag:$0x1] =	stream.linear.gather [hbm4b:s15+s3], $0x50, $0x38;
	[tilespmem:$0x1E280] =	vst v63  }
0x1d: {  	s20 =	rddreg [dreg:$0x6]  }
0x1e: {  	[tilespmem:s22], [sflag:$0x2] =	stream.linear.gather [hbm4b:s20+s3], $0x50, $0x38;
	[tilespmem:$0x1E280] =	vst v63  }
0x1f: {  	s24 =	rddreg [dreg:$0x7]  }
0x20: {  	[tilespmem:s23], [sflag:$0x2] =	stream.linear.gather [hbm4b:s24+s3], $0x50, $0x38;
	[tilespmem:$0x1E280] =	vst v63  }
0x21: {  	s31 =	rddreg [dreg:$0x8];
	s15 =	simm.s32 $0x5200  }
0x22: {  	[tilespmem:s15], [sflag:$0x3] =	stream.linear.gather [hbm4b:s31+s3], $0x2800, $0x38;
	[tilespmem:$0x1E280] =	vst v63  }
0x23: {  	s13 =	simm.s32 $0x0;
	s15 =	simm.s32 $0x200  }
.LBB2_2:
0x24: {  	p1 =	sne.s32 s15, $0x1E00;
	[tilespmem:s13+$0xA270] =	vst v0  }
0x25: {  	[tilespmem:s13+$0xA200] =	vst v0  }
0x26: {  	[tilespmem:s13+$0xA210] =	vst v0  }
.Ltmp0:
0x27: {  	[tilespmem:s13+$0xA220] =	vst v0;
	(pc) =	sbr.rel @p1 .LBB2_2-.Ltmp0, $4  }
0x28: {  	[tilespmem:s13+$0xA230] =	vst v0  }
0x29: {  	[tilespmem:s13+$0xA240] =	vst v0  }
0x2a: {  	[tilespmem:s13+$0xA250] =	vst v0  }
0x2b: {  	[tilespmem:s13+$0xA260] =	vst v0;
	s13 =	sshra.s32 s15, $0x2;
	s15 =	sadd.s32 $0x200, s15  }
0x2c: {  	[tilespmem:s13+$0xA270] =	vst v0  }
0x2d: {  	[tilespmem:s13+$0xA200] =	vst v0  }
0x2e: {  	[tilespmem:s13+$0xA210] =	vst v0  }
0x2f: {  	[tilespmem:s13+$0xA220] =	vst v0  }
0x30: {  	[tilespmem:s13+$0xA230] =	vst v0  }
0x31: {  	[tilespmem:s13+$0xA240] =	vst v0  }
0x32: {  	[tilespmem:s13+$0xA250] =	vst v0  }
0x33: {  	[dreg:$0xd] =	wrdreg s19;
	[tilespmem:s13+$0xA260] =	vst v0;
	s31 =	sadd.s32 $0x0, s14  }
0x34: {  	[spmem:s31] =	stream.linear.scatter [tilespmem:s25], [sflag:$0x7], $0x800, $0x38;
	[tilespmem:$0x1E280] =	vst v63  }
0x35: {  	s13 =	simm.s32 $0x2000;
	_ =	swait.ge [sflag:s26], $0x800  }
.LBB2_4:
0x36: {  	s15 =	sshra.s32 s13, $0x2;
	[sflag:s26] =	ssyncset.done $0x0;
	p1 =	sne.s32 s13, $0x4C000  }
.Ltmp1:
0x37: {  	s15 =	sadd.s32 s15, s14;
	[sflag:s26] =	ssyncadd.s32 $0xFFFFF800;
	(pc) =	sbr.rel @p1 .LBB2_4-.Ltmp1, $3  }
0x38: {  	[spmem:s15] =	stream.linear.scatter [tilespmem:s25], [sflag:$0x7], $0x800, $0x38;
	[tilespmem:$0x1E280] =	vst v63  }
0x39: {  	s13 =	sadd.s32 $0x2000, s13;
	_ =	sdelay $0x1  }
0x3a: {  	_ =	swait.ge [sflag:s26], $0x800  }
0x3b: {  	[sflag:s26] =	ssyncset.done $0x0  }
0x3c: {  	s13 =	simm.s32 @!p0 $0xA200;
	[sflag:s26] =	ssyncadd.s32 $0xFFFFF800  }
0x3d: {  	[spmem:s18] =	stream.linear.scatter @!p0 [tilespmem:s13], [sflag:$0x7], $0x800, $0x38;
	[tilespmem:$0x1E280] =	vst v63  }
0x3e: {  	s13 =	simm.s32 @!p0 $0x7  }
0x3f: {  	_ =	swait.ge @!p0 [sflag:s13], $0x800  }
0x40: {  	[sflag:s13] =	ssyncset.done @!p0 $0x0  }
0x41: {  	[sflag:s13] =	ssyncadd.s32 @!p0 $0xFFFFF800  }
0x42: {  	_ =	swait.ge [sflag:s28], $0x50  }
0x43: {  	[sflag:s28] =	ssyncset.done $0x0  }
0x44: {  	[sflag:s28] =	ssyncadd.s32 $0xFFFFFFB0  }
0x45: {  	_ =	swait.ge [sflag:s28], $0x50  }
0x46: {  	[sflag:s28] =	ssyncset.done $0x0  }
0x47: {  	s18 =	simm.s32 $0x0;
	[sflag:s28] =	ssyncadd.s32 $0xFFFFFFB0  }
0x48: {  	[tilespmem:s30], [sflag:$0x5] =	stream.indirect.gather [hbm4b:s1+s29], $0x80, s18, s29, $0xb8;
	[tilespmem:$0x1E280] =	vst v63  }
0x49: {  	[bflag:$0x0] =	sbarrier.arrive $0xFFFF  }
.LBB2_6:
0x4a: {  	s19 =	smul.u32 $0xA0, s18;
	_ =	sdelay $0x1  }
0x4b: {  	s13 =	sadd.s32 s19, s8  }
0x4c: {  	s13 =	sshll.u32 s13, $0x4  }
0x4d: {  	s15 =	simm.s32 $0x7A00;
	s13 =	sadd.s32 s7, s13  }
0x4e: {  	[tilespmem:s15], [sflag:$0x4] =	stream.linear.gather [hbm4b:s13+s3], $0x2800, $0x38;
	[tilespmem:$0x1E280] =	vst v63  }
0x4f: {  	_ =	swait.ge [sflag:s0], $0x50  }
0x50: {  	[sflag:s0] =	ssyncset.done $0x0  }
0x51: {  	[sflag:s0] =	ssyncadd.s32 $0xFFFFFFB0  }
0x52: {  	_ =	swait.ge [sflag:s0], $0x50  }
0x53: {  	[sflag:s0] =	ssyncset.done $0x0  }
0x54: {  	[sflag:s0] =	ssyncadd.s32 $0xFFFFFFB0  }
0x55: {  	[tilespmem:s4], [sflag:$0x6] =	stream.indirect.gather [hbm4b:s1+s29], $0x80, s22, s29, $0xb8;
	[tilespmem:$0x1E280] =	vst v63  }
0x56: {  	_ =	swait.ge [sflag:s9], $0x2800  }
0x57: {  	[sflag:s9] =	ssyncset.done $0x0  }
0x58: {  	[sflag:s9] =	ssyncadd.s32 $0xFFFFD800  }
0x59: {  	_ =	swait.ge [sflag:s10], $0x2800  }
0x5a: {  	[sflag:s10] =	ssyncset.done $0x0  }
0x5b: {  	s20 =	simm.s32 $0x300;
	[sflag:s10] =	ssyncadd.s32 $0xFFFFD800  }
0x5c: {  	s15 =	simm.s32 $0x5300;
	v1 =	vld [tilespmem:s20+$0x80]  }
0x5d: {  	v2 =	vld [tilespmem:s15+$0x80]  }
0x5e: {  	v3 =	vld [tilespmem:s15+$0xFFFFFF00]  }
0x5f: {  	v4 =	vld [tilespmem:s20+$0xFFFFFF80]  }
0x60: {  	v5 =	vld [tilespmem:s15+$0xFFFFFF80]  }
0x61: {  	v6 =	vld [tilespmem:s15+$0x0]  }
0x62: {  	v1 =	vadd.f32 v2, v1;
	v2 =	vld [tilespmem:s20+$0x0]  }
0x63: {  	v7 =	vld [tilespmem:s20+$0xFFFFFF00]  }
0x64: {  	v1 =	vmax.f32 v1, $0.0e+00  }
0x65: {  	v4 =	vadd.f32 v5, v4;
	[tilespmem:s20+$0x80] =	vst v1;
	v1 =	vld [tilespmem:s20+$0x90]  }
0x66: {  	v8 =	vld [tilespmem:s15+$0x90]  }
0x67: {  	v9 =	vld [tilespmem:s20+$0xFFFFFF90];
	v4 =	vmax.f32 v4, $0.0e+00;
	v2 =	vadd.f32 v6, v2  }
0x68: {  	v5 =	vld [tilespmem:s20+$0xFFFFFF10];
	v3 =	vadd.f32 v3, v7;
	[tilespmem:s20+$0xFFFFFF80] =	vst v4  }
0x69: {  	v6 =	vld [tilespmem:s15+$0xFFFFFF90];
	v2 =	vmax.f32 v2, $0.0e+00  }
0x6a: {  	v3 =	vmax.f32 v3, $0.0e+00;
	v4 =	vld [tilespmem:s20+$0x10];
	[tilespmem:s20+$0x0] =	vst v2  }
0x6b: {  	[tilespmem:s20+$0xFFFFFF00] =	vst v3;
	v1 =	vadd.f32 v8, v1;
	v2 =	vld [tilespmem:s15+$0x10]  }
0x6c: {  	v3 =	vld [tilespmem:s15+$0xFFFFFF10]  }
0x6d: {  	v1 =	vmax.f32 v1, $0.0e+00  }
0x6e: {  	v6 =	vadd.f32 v6, v9;
	[tilespmem:s20+$0x90] =	vst v1;
	v1 =	vld [tilespmem:s20+$0xA0]  }
0x6f: {  	v8 =	vld [tilespmem:s15+$0xA0]  }
0x70: {  	v7 =	vld [tilespmem:s20+$0xFFFFFF20];
	v6 =	vmax.f32 v6, $0.0e+00;
	v2 =	vadd.f32 v2, v4  }
0x71: {  	v3 =	vadd.f32 v3, v5;
	v9 =	vld [tilespmem:s20+$0xFFFFFFA0];
	[tilespmem:s20+$0xFFFFFF90] =	vst v6  }
0x72: {  	v5 =	vld [tilespmem:s15+$0xFFFFFFA0];
	v2 =	vmax.f32 v2, $0.0e+00  }
0x73: {  	v3 =	vmax.f32 v3, $0.0e+00;
	v4 =	vld [tilespmem:s20+$0x20];
	[tilespmem:s20+$0x10] =	vst v2  }
0x74: {  	[tilespmem:s20+$0xFFFFFF10] =	vst v3;
	v1 =	vadd.f32 v8, v1;
	v2 =	vld [tilespmem:s15+$0x20]  }
0x75: {  	v3 =	vld [tilespmem:s15+$0xFFFFFF20]  }
0x76: {  	v1 =	vmax.f32 v1, $0.0e+00  }
0x77: {  	v5 =	vadd.f32 v5, v9;
	[tilespmem:s20+$0xA0] =	vst v1;
	v1 =	vld [tilespmem:s20+$0xB0]  }
0x78: {  	v8 =	vld [tilespmem:s15+$0xB0]  }
0x79: {  	v10 =	vld [tilespmem:s20+$0x30];
	v5 =	vmax.f32 v5, $0.0e+00;
	v2 =	vadd.f32 v2, v4  }
0x7a: {  	v3 =	vadd.f32 v3, v7;
	v9 =	vld [tilespmem:s20+$0xFFFFFFB0];
	[tilespmem:s20+$0xFFFFFFA0] =	vst v5  }
0x7b: {  	v4 =	vld [tilespmem:s15+$0xFFFFFFB0];
	v2 =	vmax.f32 v2, $0.0e+00  }
0x7c: {  	v6 =	vld [tilespmem:s20+$0xFFFFFF30];
	[tilespmem:s20+$0x20] =	vst v2;
	v2 =	vmax.f32 v3, $0.0e+00  }
0x7d: {  	v1 =	vadd.f32 v8, v1;
	[tilespmem:s20+$0xFFFFFF20] =	vst v2;
	v2 =	vld [tilespmem:s15+$0x30]  }
0x7e: {  	v7 =	vld [tilespmem:s15+$0xFFFFFF30]  }
0x7f: {  	v11 =	vld [tilespmem:s20+$0xFFFFFF40];
	v1 =	vmax.f32 v1, $0.0e+00  }
0x80: {  	v4 =	vadd.f32 v4, v9;
	[tilespmem:s20+$0xB0] =	vst v1;
	v1 =	vld [tilespmem:s20+$0xC0]  }
0x81: {  	v8 =	vld [tilespmem:s15+$0xC0]  }
0x82: {  	v12 =	vld [tilespmem:s20+$0xFFFFFFD0];
	v4 =	vmax.f32 v4, $0.0e+00;
	v2 =	vadd.f32 v2, v10  }
0x83: {  	v5 =	vld [tilespmem:s20+$0xFFFFFFC0];
	[tilespmem:s20+$0xFFFFFFB0] =	vst v4;
	v6 =	vadd.f32 v7, v6  }
0x84: {  	v7 =	vld [tilespmem:s15+$0xFFFFFFC0];
	v2 =	vmax.f32 v2, $0.0e+00  }
0x85: {  	v3 =	vld [tilespmem:s20+$0x40];
	[tilespmem:s20+$0x30] =	vst v2;
	v2 =	vmax.f32 v6, $0.0e+00  }
0x86: {  	v1 =	vadd.f32 v8, v1;
	v6 =	vld [tilespmem:s15+$0x40];
	[tilespmem:s20+$0xFFFFFF30] =	vst v2  }
0x87: {  	v2 =	vld [tilespmem:s15+$0xFFFFFF40]  }
0x88: {  	v9 =	vld [tilespmem:s20+$0xFFFFFF50];
	v1 =	vmax.f32 v1, $0.0e+00  }
0x89: {  	[tilespmem:s20+$0xC0] =	vst v1;
	v1 =	vadd.f32 v7, v5;
	v7 =	vld [tilespmem:s20+$0xD0]  }
0x8a: {  	v8 =	vld [tilespmem:s15+$0xD0]  }
0x8b: {  	v4 =	vld [tilespmem:s20+$0xFFFFFF60];
	v1 =	vmax.f32 v1, $0.0e+00;
	v3 =	vadd.f32 v6, v3  }
0x8c: {  	v10 =	vld [tilespmem:s20+$0x50];
	[tilespmem:s20+$0xFFFFFFC0] =	vst v1;
	v1 =	vadd.f32 v2, v11  }
0x8d: {  	v2 =	vld [tilespmem:s15+$0xFFFFFFD0];
	v3 =	vmax.f32 v3, $0.0e+00  }
0x8e: {  	v5 =	vld [tilespmem:s20+$0xFFFFFFE0];
	[tilespmem:s20+$0x40] =	vst v3;
	v1 =	vmax.f32 v1, $0.0e+00  }
0x8f: {  	v3 =	vld [tilespmem:s15+$0x50];
	v7 =	vadd.f32 v8, v7;
	[tilespmem:s20+$0xFFFFFF40] =	vst v1  }
0x90: {  	v1 =	vld [tilespmem:s15+$0xFFFFFF50]  }
0x91: {  	v6 =	vld [tilespmem:s20+$0x60];
	v7 =	vmax.f32 v7, $0.0e+00  }
0x92: {  	v2 =	vadd.f32 v2, v12;
	[tilespmem:s20+$0xD0] =	vst v7;
	v7 =	vld [tilespmem:s20+$0xE0]  }
0x93: {  	v11 =	vld [tilespmem:s15+$0xE0]  }
0x94: {  	v2 =	vmax.f32 v2, $0.0e+00;
	v8 =	vadd.f32 v3, v10;
	v3 =	vld [tilespmem:s20+$0xFFFFFF70]  }
0x95: {  	[tilespmem:s20+$0xFFFFFFD0] =	vst v2;
	v1 =	vadd.f32 v1, v9;
	v2 =	vld [tilespmem:s20+$0xFFFFFFF0]  }
0x96: {  	v9 =	vmax.f32 v8, $0.0e+00;
	v8 =	vld [tilespmem:s15+$0xFFFFFFE0]  }
0x97: {  	[tilespmem:s20+$0x50] =	vst v9;
	v9 =	vmax.f32 v1, $0.0e+00;
	v1 =	vld [tilespmem:s20+$0x70]  }
0x98: {  	[tilespmem:s20+$0xFFFFFF50] =	vst v9;
	v9 =	vld [tilespmem:s15+$0x60];
	v7 =	vadd.f32 v11, v7  }
0x99: {  	v10 =	vld [tilespmem:s15+$0xFFFFFF60]  }
0x9a: {  	s31 =	simm.s32 $0x500;
	s24 =	simm.s32 $0x5300;
	s13 =	simm.s32 $0x0;
	v11 =	vmax.f32 v7, $0.0e+00;
	v7 =	vld [tilespmem:s20+$0xF0]  }
.LBB2_7:
0x9b: {  	v12 =	vld [tilespmem:s31+$0x80];
	v5 =	vadd.f32 v8, v5;
	[tilespmem:s20+$0xE0] =	vst v11  }
0x9c: {  	s24 =	sadd.s32 $0x200, s24;
	v8 =	vld [tilespmem:s15+$0xF0]  }
0x9d: {  	s13 =	sadd.s32 $0x4, s13;
	v11 =	vld [tilespmem:s24+$0x80];
	v5 =	vmax.f32 v5, $0.0e+00;
	v6 =	vadd.f32 v9, v6  }
0x9e: {  	p1 =	slt.u32 s13, $0x4C;
	v9 =	vld [tilespmem:s24+$0xFFFFFF00];
	v4 =	vadd.f32 v10, v4;
	[tilespmem:s20+$0xFFFFFFE0] =	vst v5  }
0x9f: {  	v5 =	vld [tilespmem:s31+$0xFFFFFF80];
	v6 =	vmax.f32 v6, $0.0e+00  }
0xa0: {  	v10 =	vld [tilespmem:s24+$0xFFFFFF80];
	v4 =	vmax.f32 v4, $0.0e+00;
	[tilespmem:s20+$0x60] =	vst v6  }
0xa1: {  	v6 =	vld [tilespmem:s31+$0x0];
	[tilespmem:s20+$0xFFFFFF60] =	vst v4;
	v4 =	vadd.f32 v8, v7  }
0xa2: {  	v7 =	vld [tilespmem:s24+$0x0];
	v8 =	vadd.f32 v11, v12  }
0xa3: {  	v11 =	vld [tilespmem:s31+$0xFFFFFF00];
	v4 =	vmax.f32 v4, $0.0e+00  }
0xa4: {  	v12 =	vld [tilespmem:s31+$0xFFFFFF10];
	v8 =	vmax.f32 v8, $0.0e+00;
	[tilespmem:s20+$0xF0] =	vst v4  }
0xa5: {  	v4 =	vadd.f32 v10, v5;
	[tilespmem:s31+$0x80] =	vst v8;
	v5 =	vld [tilespmem:s31+$0x90]  }
0xa6: {  	v8 =	vld [tilespmem:s24+$0x90]  }
0xa7: {  	v4 =	vmax.f32 v4, $0.0e+00;
	v10 =	vld [tilespmem:s31+$0xFFFFFF90];
	v6 =	vadd.f32 v7, v6  }
0xa8: {  	v7 =	vadd.f32 v9, v11;
	[tilespmem:s31+$0xFFFFFF80] =	vst v4;
	v4 =	vld [tilespmem:s31+$0x10]  }
0xa9: {  	v9 =	vld [tilespmem:s24+$0xFFFFFF90];
	v6 =	vmax.f32 v6, $0.0e+00  }
0xaa: {  	v7 =	vmax.f32 v7, $0.0e+00;
	v11 =	vld [tilespmem:s31+$0xFFFFFF20];
	[tilespmem:s31+$0x0] =	vst v6  }
0xab: {  	[tilespmem:s31+$0xFFFFFF00] =	vst v7;
	v6 =	vld [tilespmem:s24+$0x10];
	v5 =	vadd.f32 v8, v5  }
0xac: {  	v7 =	vld [tilespmem:s24+$0xFFFFFF10]  }
0xad: {  	v8 =	vld [tilespmem:s31+$0xFFFFFFA0];
	v5 =	vmax.f32 v5, $0.0e+00  }
0xae: {  	v9 =	vadd.f32 v9, v10;
	[tilespmem:s31+$0x90] =	vst v5;
	v5 =	vld [tilespmem:s31+$0xA0]  }
0xaf: {  	v10 =	vld [tilespmem:s24+$0xA0]  }
0xb0: {  	v9 =	vmax.f32 v9, $0.0e+00;
	v4 =	vadd.f32 v6, v4;
	v6 =	vld [tilespmem:s31+$0x20]  }
0xb1: {  	v7 =	vadd.f32 v7, v12;
	v12 =	vld [tilespmem:s31+$0xFFFFFF30];
	[tilespmem:s31+$0xFFFFFF90] =	vst v9  }
0xb2: {  	v9 =	vld [tilespmem:s24+$0xFFFFFFA0];
	v4 =	vmax.f32 v4, $0.0e+00  }
0xb3: {  	v7 =	vmax.f32 v7, $0.0e+00;
	v13 =	vld [tilespmem:s31+$0xFFFFFFB0];
	[tilespmem:s31+$0x10] =	vst v4  }
0xb4: {  	[tilespmem:s31+$0xFFFFFF10] =	vst v7;
	v4 =	vld [tilespmem:s24+$0x20];
	v5 =	vadd.f32 v10, v5  }
0xb5: {  	v7 =	vld [tilespmem:s24+$0xFFFFFF20]  }
0xb6: {  	v10 =	vld [tilespmem:s31+$0x30];
	v5 =	vmax.f32 v5, $0.0e+00  }
0xb7: {  	v8 =	vadd.f32 v9, v8;
	[tilespmem:s31+$0xA0] =	vst v5;
	v5 =	vld [tilespmem:s31+$0xB0]  }
0xb8: {  	v9 =	vld [tilespmem:s24+$0xB0]  }
0xb9: {  	v14 =	vld [tilespmem:s31+$0xFFFFFF40];
	v8 =	vmax.f32 v8, $0.0e+00;
	v4 =	vadd.f32 v4, v6  }
0xba: {  	v6 =	vadd.f32 v7, v11;
	[tilespmem:s31+$0xFFFFFFA0] =	vst v8;
	v7 =	vld [tilespmem:s31+$0xFFFFFFC0]  }
0xbb: {  	v8 =	vld [tilespmem:s24+$0xFFFFFFB0];
	v4 =	vmax.f32 v4, $0.0e+00  }
0xbc: {  	v6 =	vmax.f32 v6, $0.0e+00;
	[tilespmem:s31+$0x20] =	vst v4;
	v11 =	vld [tilespmem:s31+$0x40]  }
0xbd: {  	[tilespmem:s31+$0xFFFFFF20] =	vst v6;
	v4 =	vld [tilespmem:s24+$0x30];
	v5 =	vadd.f32 v9, v5  }
0xbe: {  	v6 =	vld [tilespmem:s24+$0xFFFFFF30]  }
0xbf: {  	v9 =	vld [tilespmem:s31+$0xFFFFFF50];
	v5 =	vmax.f32 v5, $0.0e+00  }
0xc0: {  	v8 =	vadd.f32 v8, v13;
	[tilespmem:s31+$0xB0] =	vst v5;
	v5 =	vld [tilespmem:s31+$0xC0]  }
0xc1: {  	v13 =	vld [tilespmem:s24+$0xC0]  }
0xc2: {  	v8 =	vmax.f32 v8, $0.0e+00;
	v15 =	vld [tilespmem:s31+$0xFFFFFFD0];
	v4 =	vadd.f32 v4, v10  }
0xc3: {  	v6 =	vadd.f32 v6, v12;
	[tilespmem:s31+$0xFFFFFFB0] =	vst v8;
	v8 =	vld [tilespmem:s31+$0x50]  }
0xc4: {  	v10 =	vld [tilespmem:s24+$0xFFFFFFC0];
	v12 =	vmax.f32 v4, $0.0e+00  }
0xc5: {  	v6 =	vmax.f32 v6, $0.0e+00;
	v4 =	vld [tilespmem:s31+$0xFFFFFF60];
	[tilespmem:s31+$0x30] =	vst v12  }
0xc6: {  	[tilespmem:s31+$0xFFFFFF30] =	vst v6;
	v6 =	vld [tilespmem:s24+$0x40];
	v12 =	vadd.f32 v13, v5  }
0xc7: {  	v13 =	vld [tilespmem:s24+$0xFFFFFF40]  }
0xc8: {  	v5 =	vld [tilespmem:s31+$0xFFFFFFE0];
	v12 =	vmax.f32 v12, $0.0e+00  }
0xc9: {  	v7 =	vadd.f32 v10, v7;
	[tilespmem:s31+$0xC0] =	vst v12;
	v10 =	vld [tilespmem:s31+$0xD0]  }
0xca: {  	v12 =	vld [tilespmem:s24+$0xD0]  }
0xcb: {  	v7 =	vmax.f32 v7, $0.0e+00;
	v11 =	vadd.f32 v6, v11;
	v6 =	vld [tilespmem:s31+$0x60]  }
0xcc: {  	v13 =	vadd.f32 v13, v14;
	[tilespmem:s31+$0xFFFFFFC0] =	vst v7;
	v7 =	vld [tilespmem:s15+$0xFFFFFF70]  }
0xcd: {  	v14 =	vld [tilespmem:s24+$0xFFFFFFD0];
	v11 =	vmax.f32 v11, $0.0e+00  }
0xce: {  	v13 =	vmax.f32 v13, $0.0e+00;
	[tilespmem:s31+$0x40] =	vst v11;
	v11 =	vld [tilespmem:s15+$0xFFFFFFF0]  }
0xcf: {  	[tilespmem:s31+$0xFFFFFF40] =	vst v13;
	v13 =	vld [tilespmem:s24+$0x50];
	v10 =	vadd.f32 v12, v10  }
0xd0: {  	v12 =	vld [tilespmem:s24+$0xFFFFFF50]  }
0xd1: {  	v10 =	vmax.f32 v10, $0.0e+00;
	v3 =	vadd.f32 v7, v3;
	v7 =	vld [tilespmem:s15+$0x70];
	s15 =	smov.u32 s24  }
0xd2: {  	v14 =	vadd.f32 v14, v15;
	[tilespmem:s31+$0xD0] =	vst v10;
	v10 =	vld [tilespmem:s31+$0xE0]  }
0xd3: {  	v15 =	vld [tilespmem:s24+$0xE0];
	v16 =	vmax.f32 v3, $0.0e+00;
	v11 =	vadd.f32 v11, v2  }
0xd4: {  	v3 =	vld [tilespmem:s31+$0xFFFFFF70];
	v2 =	vmax.f32 v14, $0.0e+00;
	v13 =	vadd.f32 v13, v8;
	[tilespmem:s20+$0xFFFFFF70] =	vst v16  }
0xd5: {  	v9 =	vadd.f32 v12, v9;
	[tilespmem:s31+$0xFFFFFFD0] =	vst v2;
	v2 =	vld [tilespmem:s31+$0xFFFFFFF0];
	v11 =	vmax.f32 v11, $0.0e+00  }
.Ltmp2:
0xd6: {  	v8 =	vld [tilespmem:s24+$0xFFFFFFE0];
	v12 =	vmax.f32 v13, $0.0e+00;
	[tilespmem:s20+$0xFFFFFFF0] =	vst v11;
	v7 =	vadd.f32 v7, v1;
	(pc) =	sbr.rel @p1 .LBB2_7-.Ltmp2, $4  }
0xd7: {  	v9 =	vmax.f32 v9, $0.0e+00;
	[tilespmem:s31+$0x50] =	vst v12;
	v1 =	vld [tilespmem:s31+$0x70]  }
0xd8: {  	[tilespmem:s31+$0xFFFFFF50] =	vst v9;
	v9 =	vld [tilespmem:s24+$0x60];
	v11 =	vadd.f32 v15, v10;
	v7 =	vmax.f32 v7, $0.0e+00  }
0xd9: {  	v10 =	vld [tilespmem:s24+$0xFFFFFF60];
	[tilespmem:s20+$0x70] =	vst v7;
	s20 =	smov.u32 s31  }
0xda: {  	s31 =	sadd.s32 $0x200, s31;
	v11 =	vmax.f32 v11, $0.0e+00;
	v7 =	vld [tilespmem:s20+$0xF0]  }
0xdb: {  	_ =	sdelay $0x2  }
0xdc: {  	v4 =	vadd.f32 v10, v4  }
0xdd: {  	v5 =	vadd.f32 v8, v5  }
0xde: {  	[tilespmem:s20+$0xE0] =	vst v11;
	v6 =	vadd.f32 v9, v6;
	v4 =	vmax.f32 v4, $0.0e+00  }
0xdf: {  	v8 =	vld [tilespmem:s15+$0xF0];
	v5 =	vmax.f32 v5, $0.0e+00;
	[tilespmem:s20+$0xFFFFFF60] =	vst v4  }
0xe0: {  	[tilespmem:s20+$0xFFFFFFE0] =	vst v5;
	v4 =	vmax.f32 v6, $0.0e+00;
	v5 =	vld [tilespmem:s15+$0xFFFFFF70]  }
0xe1: {  	[tilespmem:s20+$0x60] =	vst v4;
	v4 =	vld [tilespmem:s15+$0xFFFFFFF0]  }
0xe2: {  	v6 =	vld [tilespmem:s15+$0x70];
	_ =	sdelay $0x1  }
0xe3: {  	v7 =	vadd.f32 v8, v7  }
0xe4: {  	v3 =	vadd.f32 v5, v3  }
0xe5: {  	v5 =	vmax.f32 v7, $0.0e+00;
	v2 =	vadd.f32 v4, v2  }
0xe6: {  	[tilespmem:s20+$0xF0] =	vst v5;
	v1 =	vadd.f32 v6, v1;
	v3 =	vmax.f32 v3, $0.0e+00  }
0xe7: {  	v2 =	vmax.f32 v2, $0.0e+00;
	[tilespmem:s20+$0xFFFFFF70] =	vst v3  }
0xe8: {  	[tilespmem:s20+$0xFFFFFFF0] =	vst v2;
	v1 =	vmax.f32 v1, $0.0e+00  }
0xe9: {  	[tilespmem:s20+$0x70] =	vst v1  }
0xea: {  	[spmem:s2] =	stream.indirect.scatter.add.f32 [tilespmem:s30], [sflag:$0x7], $0x80, s21, s29, $0xb8;
	[tilespmem:$0x1E280] =	vst v63  }
0xeb: {  	s13 =	sadd.s32 s19, s16;
	_ =	swait.ge [sflag:s26], $0x2800  }
0xec: {  	s20 =	sshrl.u32 s13, $0x3;
	[sflag:s26] =	ssyncset.done $0x0  }
0xed: {  	s24 =	sadd.s32 s5, s20;
	[sflag:s26] =	ssyncadd.s32 $0xFFFFD800  }
0xee: {  	[tilespmem:s3], [sflag:$0x1] =	stream.linear.gather [hbm4b:s24+s3], $0x50, $0x38;
	[tilespmem:$0x1E280] =	vst v63  }
0xef: {  	s13 =	sshll.u32 s13, $0x4;
	s15 =	sadd.s32 s6, s20  }
0xf0: {  	[tilespmem:s21], [sflag:$0x1] =	stream.linear.gather [hbm4b:s15+s3], $0x50, $0x38;
	[tilespmem:$0x1E280] =	vst v63  }
0xf1: {  	s31 =	simm.s32 $0x5200;
	s13 =	sadd.s32 s7, s13  }
0xf2: {  	[tilespmem:s31], [sflag:$0x3] =	stream.linear.gather [hbm4b:s13+s3], $0x2800, $0x38;
	[tilespmem:$0x1E280] =	vst v63  }
0xf3: {  	_ =	swait.ge [sflag:s28], $0x50  }
0xf4: {  	[sflag:s28] =	ssyncset.done $0x0  }
0xf5: {  	[sflag:s28] =	ssyncadd.s32 $0xFFFFFFB0  }
0xf6: {  	_ =	swait.ge [sflag:s28], $0x50  }
0xf7: {  	[sflag:s28] =	ssyncset.done $0x0  }
0xf8: {  	[sflag:s28] =	ssyncadd.s32 $0xFFFFFFB0  }
0xf9: {  	[tilespmem:s30], [sflag:$0x5] =	stream.indirect.gather [hbm4b:s1+s29], $0x80, s3, s29, $0xb8;
	[tilespmem:$0x1E280] =	vst v63  }
0xfa: {  	_ =	swait.ge [sflag:s11], $0x2800  }
0xfb: {  	[sflag:s11] =	ssyncset.done $0x0  }
0xfc: {  	[sflag:s11] =	ssyncadd.s32 $0xFFFFD800  }
0xfd: {  	_ =	swait.ge [sflag:s12], $0x2800  }
0xfe: {  	[sflag:s12] =	ssyncset.done $0x0  }
0xff: {  	s19 =	simm.s32 $0x2B00;
	[sflag:s12] =	ssyncadd.s32 $0xFFFFD800  }
0x100: {  	s15 =	simm.s32 $0x7B00;
	v1 =	vld [tilespmem:s19+$0x80]  }
0x101: {  	v2 =	vld [tilespmem:s15+$0x80]  }
0x102: {  	v3 =	vld [tilespmem:s15+$0xFFFFFF00]  }
0x103: {  	v4 =	vld [tilespmem:s19+$0xFFFFFF80]  }
0x104: {  	v5 =	vld [tilespmem:s15+$0xFFFFFF80]  }
0x105: {  	v6 =	vld [tilespmem:s15+$0x0]  }
0x106: {  	v1 =	vadd.f32 v2, v1;
	v2 =	vld [tilespmem:s19+$0x0]  }
0x107: {  	v7 =	vld [tilespmem:s19+$0xFFFFFF00]  }
0x108: {  	v1 =	vmax.f32 v1, $0.0e+00  }
0x109: {  	v4 =	vadd.f32 v5, v4;
	[tilespmem:s19+$0x80] =	vst v1;
	v1 =	vld [tilespmem:s19+$0x90]  }
0x10a: {  	v8 =	vld [tilespmem:s15+$0x90]  }
0x10b: {  	v9 =	vld [tilespmem:s19+$0xFFFFFF90];
	v4 =	vmax.f32 v4, $0.0e+00;
	v2 =	vadd.f32 v6, v2  }
0x10c: {  	v5 =	vld [tilespmem:s19+$0xFFFFFF10];
	v3 =	vadd.f32 v3, v7;
	[tilespmem:s19+$0xFFFFFF80] =	vst v4  }
0x10d: {  	v6 =	vld [tilespmem:s15+$0xFFFFFF90];
	v2 =	vmax.f32 v2, $0.0e+00  }
0x10e: {  	v3 =	vmax.f32 v3, $0.0e+00;
	v4 =	vld [tilespmem:s19+$0x10];
	[tilespmem:s19+$0x0] =	vst v2  }
0x10f: {  	[tilespmem:s19+$0xFFFFFF00] =	vst v3;
	v1 =	vadd.f32 v8, v1;
	v2 =	vld [tilespmem:s15+$0x10]  }
0x110: {  	v3 =	vld [tilespmem:s15+$0xFFFFFF10]  }
0x111: {  	v1 =	vmax.f32 v1, $0.0e+00  }
0x112: {  	v6 =	vadd.f32 v6, v9;
	[tilespmem:s19+$0x90] =	vst v1;
	v1 =	vld [tilespmem:s19+$0xA0]  }
0x113: {  	v8 =	vld [tilespmem:s15+$0xA0]  }
0x114: {  	v7 =	vld [tilespmem:s19+$0xFFFFFF20];
	v6 =	vmax.f32 v6, $0.0e+00;
	v2 =	vadd.f32 v2, v4  }
0x115: {  	v3 =	vadd.f32 v3, v5;
	v9 =	vld [tilespmem:s19+$0xFFFFFFA0];
	[tilespmem:s19+$0xFFFFFF90] =	vst v6  }
0x116: {  	v5 =	vld [tilespmem:s15+$0xFFFFFFA0];
	v2 =	vmax.f32 v2, $0.0e+00  }
0x117: {  	v3 =	vmax.f32 v3, $0.0e+00;
	v4 =	vld [tilespmem:s19+$0x20];
	[tilespmem:s19+$0x10] =	vst v2  }
0x118: {  	[tilespmem:s19+$0xFFFFFF10] =	vst v3;
	v1 =	vadd.f32 v8, v1;
	v2 =	vld [tilespmem:s15+$0x20]  }
0x119: {  	v3 =	vld [tilespmem:s15+$0xFFFFFF20]  }
0x11a: {  	v1 =	vmax.f32 v1, $0.0e+00  }
0x11b: {  	v5 =	vadd.f32 v5, v9;
	[tilespmem:s19+$0xA0] =	vst v1;
	v1 =	vld [tilespmem:s19+$0xB0]  }
0x11c: {  	v8 =	vld [tilespmem:s15+$0xB0]  }
0x11d: {  	v10 =	vld [tilespmem:s19+$0x30];
	v5 =	vmax.f32 v5, $0.0e+00;
	v2 =	vadd.f32 v2, v4  }
0x11e: {  	v3 =	vadd.f32 v3, v7;
	v9 =	vld [tilespmem:s19+$0xFFFFFFB0];
	[tilespmem:s19+$0xFFFFFFA0] =	vst v5  }
0x11f: {  	v4 =	vld [tilespmem:s15+$0xFFFFFFB0];
	v2 =	vmax.f32 v2, $0.0e+00  }
0x120: {  	v6 =	vld [tilespmem:s19+$0xFFFFFF30];
	[tilespmem:s19+$0x20] =	vst v2;
	v2 =	vmax.f32 v3, $0.0e+00  }
0x121: {  	v1 =	vadd.f32 v8, v1;
	[tilespmem:s19+$0xFFFFFF20] =	vst v2;
	v2 =	vld [tilespmem:s15+$0x30]  }
0x122: {  	v7 =	vld [tilespmem:s15+$0xFFFFFF30]  }
0x123: {  	v11 =	vld [tilespmem:s19+$0xFFFFFF40];
	v1 =	vmax.f32 v1, $0.0e+00  }
0x124: {  	v4 =	vadd.f32 v4, v9;
	[tilespmem:s19+$0xB0] =	vst v1;
	v1 =	vld [tilespmem:s19+$0xC0]  }
0x125: {  	v8 =	vld [tilespmem:s15+$0xC0]  }
0x126: {  	v12 =	vld [tilespmem:s19+$0xFFFFFFD0];
	v4 =	vmax.f32 v4, $0.0e+00;
	v2 =	vadd.f32 v2, v10  }
0x127: {  	v5 =	vld [tilespmem:s19+$0xFFFFFFC0];
	[tilespmem:s19+$0xFFFFFFB0] =	vst v4;
	v6 =	vadd.f32 v7, v6  }
0x128: {  	v7 =	vld [tilespmem:s15+$0xFFFFFFC0];
	v2 =	vmax.f32 v2, $0.0e+00  }
0x129: {  	v3 =	vld [tilespmem:s19+$0x40];
	[tilespmem:s19+$0x30] =	vst v2;
	v2 =	vmax.f32 v6, $0.0e+00  }
0x12a: {  	v1 =	vadd.f32 v8, v1;
	v6 =	vld [tilespmem:s15+$0x40];
	[tilespmem:s19+$0xFFFFFF30] =	vst v2  }
0x12b: {  	v2 =	vld [tilespmem:s15+$0xFFFFFF40]  }
0x12c: {  	v9 =	vld [tilespmem:s19+$0xFFFFFF50];
	v1 =	vmax.f32 v1, $0.0e+00  }
0x12d: {  	[tilespmem:s19+$0xC0] =	vst v1;
	v1 =	vadd.f32 v7, v5;
	v7 =	vld [tilespmem:s19+$0xD0]  }
0x12e: {  	v8 =	vld [tilespmem:s15+$0xD0]  }
0x12f: {  	v4 =	vld [tilespmem:s19+$0xFFFFFF60];
	v1 =	vmax.f32 v1, $0.0e+00;
	v3 =	vadd.f32 v6, v3  }
0x130: {  	v10 =	vld [tilespmem:s19+$0x50];
	[tilespmem:s19+$0xFFFFFFC0] =	vst v1;
	v1 =	vadd.f32 v2, v11  }
0x131: {  	v2 =	vld [tilespmem:s15+$0xFFFFFFD0];
	v3 =	vmax.f32 v3, $0.0e+00  }
0x132: {  	v5 =	vld [tilespmem:s19+$0xFFFFFFE0];
	[tilespmem:s19+$0x40] =	vst v3;
	v1 =	vmax.f32 v1, $0.0e+00  }
0x133: {  	v3 =	vld [tilespmem:s15+$0x50];
	v7 =	vadd.f32 v8, v7;
	[tilespmem:s19+$0xFFFFFF40] =	vst v1  }
0x134: {  	v1 =	vld [tilespmem:s15+$0xFFFFFF50]  }
0x135: {  	v6 =	vld [tilespmem:s19+$0x60];
	v7 =	vmax.f32 v7, $0.0e+00  }
0x136: {  	v2 =	vadd.f32 v2, v12;
	[tilespmem:s19+$0xD0] =	vst v7;
	v7 =	vld [tilespmem:s19+$0xE0]  }
0x137: {  	v11 =	vld [tilespmem:s15+$0xE0]  }
0x138: {  	v2 =	vmax.f32 v2, $0.0e+00;
	v8 =	vadd.f32 v3, v10;
	v3 =	vld [tilespmem:s19+$0xFFFFFF70]  }
0x139: {  	[tilespmem:s19+$0xFFFFFFD0] =	vst v2;
	v1 =	vadd.f32 v1, v9;
	v2 =	vld [tilespmem:s19+$0xFFFFFFF0]  }
0x13a: {  	v9 =	vmax.f32 v8, $0.0e+00;
	v8 =	vld [tilespmem:s15+$0xFFFFFFE0]  }
0x13b: {  	[tilespmem:s19+$0x50] =	vst v9;
	v9 =	vmax.f32 v1, $0.0e+00;
	v1 =	vld [tilespmem:s19+$0x70]  }
0x13c: {  	[tilespmem:s19+$0xFFFFFF50] =	vst v9;
	v9 =	vld [tilespmem:s15+$0x60];
	v7 =	vadd.f32 v11, v7  }
0x13d: {  	v10 =	vld [tilespmem:s15+$0xFFFFFF60]  }
0x13e: {  	s20 =	simm.s32 $0x2D00;
	s24 =	simm.s32 $0x7B00;
	s13 =	simm.s32 $0x0;
	v11 =	vmax.f32 v7, $0.0e+00;
	v7 =	vld [tilespmem:s19+$0xF0]  }
.LBB2_9:
0x13f: {  	v12 =	vld [tilespmem:s20+$0x80];
	v5 =	vadd.f32 v8, v5;
	[tilespmem:s19+$0xE0] =	vst v11  }
0x140: {  	s24 =	sadd.s32 $0x200, s24;
	v8 =	vld [tilespmem:s15+$0xF0]  }
0x141: {  	s13 =	sadd.s32 $0x4, s13;
	v11 =	vld [tilespmem:s24+$0x80];
	v5 =	vmax.f32 v5, $0.0e+00;
	v6 =	vadd.f32 v9, v6  }
0x142: {  	p1 =	slt.u32 s13, $0x4C;
	v9 =	vld [tilespmem:s24+$0xFFFFFF00];
	v4 =	vadd.f32 v10, v4;
	[tilespmem:s19+$0xFFFFFFE0] =	vst v5  }
0x143: {  	v5 =	vld [tilespmem:s20+$0xFFFFFF80];
	v6 =	vmax.f32 v6, $0.0e+00  }
0x144: {  	v10 =	vld [tilespmem:s24+$0xFFFFFF80];
	v4 =	vmax.f32 v4, $0.0e+00;
	[tilespmem:s19+$0x60] =	vst v6  }
0x145: {  	v6 =	vld [tilespmem:s20+$0x0];
	[tilespmem:s19+$0xFFFFFF60] =	vst v4;
	v4 =	vadd.f32 v8, v7  }
0x146: {  	v7 =	vld [tilespmem:s24+$0x0];
	v8 =	vadd.f32 v11, v12  }
0x147: {  	v11 =	vld [tilespmem:s20+$0xFFFFFF00];
	v4 =	vmax.f32 v4, $0.0e+00  }
0x148: {  	v12 =	vld [tilespmem:s20+$0xFFFFFF10];
	v8 =	vmax.f32 v8, $0.0e+00;
	[tilespmem:s19+$0xF0] =	vst v4  }
0x149: {  	v4 =	vadd.f32 v10, v5;
	[tilespmem:s20+$0x80] =	vst v8;
	v5 =	vld [tilespmem:s20+$0x90]  }
0x14a: {  	v8 =	vld [tilespmem:s24+$0x90]  }
0x14b: {  	v4 =	vmax.f32 v4, $0.0e+00;
	v10 =	vld [tilespmem:s20+$0xFFFFFF90];
	v6 =	vadd.f32 v7, v6  }
0x14c: {  	v7 =	vadd.f32 v9, v11;
	[tilespmem:s20+$0xFFFFFF80] =	vst v4;
	v4 =	vld [tilespmem:s20+$0x10]  }
0x14d: {  	v9 =	vld [tilespmem:s24+$0xFFFFFF90];
	v6 =	vmax.f32 v6, $0.0e+00  }
0x14e: {  	v7 =	vmax.f32 v7, $0.0e+00;
	v11 =	vld [tilespmem:s20+$0xFFFFFF20];
	[tilespmem:s20+$0x0] =	vst v6  }
0x14f: {  	[tilespmem:s20+$0xFFFFFF00] =	vst v7;
	v6 =	vld [tilespmem:s24+$0x10];
	v5 =	vadd.f32 v8, v5  }
0x150: {  	v7 =	vld [tilespmem:s24+$0xFFFFFF10]  }
0x151: {  	v8 =	vld [tilespmem:s20+$0xFFFFFFA0];
	v5 =	vmax.f32 v5, $0.0e+00  }
0x152: {  	v9 =	vadd.f32 v9, v10;
	[tilespmem:s20+$0x90] =	vst v5;
	v5 =	vld [tilespmem:s20+$0xA0]  }
0x153: {  	v10 =	vld [tilespmem:s24+$0xA0]  }
0x154: {  	v9 =	vmax.f32 v9, $0.0e+00;
	v4 =	vadd.f32 v6, v4;
	v6 =	vld [tilespmem:s20+$0x20]  }
0x155: {  	v7 =	vadd.f32 v7, v12;
	v12 =	vld [tilespmem:s20+$0xFFFFFF30];
	[tilespmem:s20+$0xFFFFFF90] =	vst v9  }
0x156: {  	v9 =	vld [tilespmem:s24+$0xFFFFFFA0];
	v4 =	vmax.f32 v4, $0.0e+00  }
0x157: {  	v7 =	vmax.f32 v7, $0.0e+00;
	v13 =	vld [tilespmem:s20+$0xFFFFFFB0];
	[tilespmem:s20+$0x10] =	vst v4  }
0x158: {  	[tilespmem:s20+$0xFFFFFF10] =	vst v7;
	v4 =	vld [tilespmem:s24+$0x20];
	v5 =	vadd.f32 v10, v5  }
0x159: {  	v7 =	vld [tilespmem:s24+$0xFFFFFF20]  }
0x15a: {  	v10 =	vld [tilespmem:s20+$0x30];
	v5 =	vmax.f32 v5, $0.0e+00  }
0x15b: {  	v8 =	vadd.f32 v9, v8;
	[tilespmem:s20+$0xA0] =	vst v5;
	v5 =	vld [tilespmem:s20+$0xB0]  }
0x15c: {  	v9 =	vld [tilespmem:s24+$0xB0]  }
0x15d: {  	v14 =	vld [tilespmem:s20+$0xFFFFFF40];
	v8 =	vmax.f32 v8, $0.0e+00;
	v4 =	vadd.f32 v4, v6  }
0x15e: {  	v6 =	vadd.f32 v7, v11;
	[tilespmem:s20+$0xFFFFFFA0] =	vst v8;
	v7 =	vld [tilespmem:s20+$0xFFFFFFC0]  }
0x15f: {  	v8 =	vld [tilespmem:s24+$0xFFFFFFB0];
	v4 =	vmax.f32 v4, $0.0e+00  }
0x160: {  	v6 =	vmax.f32 v6, $0.0e+00;
	[tilespmem:s20+$0x20] =	vst v4;
	v11 =	vld [tilespmem:s20+$0x40]  }
0x161: {  	[tilespmem:s20+$0xFFFFFF20] =	vst v6;
	v4 =	vld [tilespmem:s24+$0x30];
	v5 =	vadd.f32 v9, v5  }
0x162: {  	v6 =	vld [tilespmem:s24+$0xFFFFFF30]  }
0x163: {  	v9 =	vld [tilespmem:s20+$0xFFFFFF50];
	v5 =	vmax.f32 v5, $0.0e+00  }
0x164: {  	v8 =	vadd.f32 v8, v13;
	[tilespmem:s20+$0xB0] =	vst v5;
	v5 =	vld [tilespmem:s20+$0xC0]  }
0x165: {  	v13 =	vld [tilespmem:s24+$0xC0]  }
0x166: {  	v8 =	vmax.f32 v8, $0.0e+00;
	v15 =	vld [tilespmem:s20+$0xFFFFFFD0];
	v4 =	vadd.f32 v4, v10  }
0x167: {  	v6 =	vadd.f32 v6, v12;
	[tilespmem:s20+$0xFFFFFFB0] =	vst v8;
	v8 =	vld [tilespmem:s20+$0x50]  }
0x168: {  	v10 =	vld [tilespmem:s24+$0xFFFFFFC0];
	v12 =	vmax.f32 v4, $0.0e+00  }
0x169: {  	v6 =	vmax.f32 v6, $0.0e+00;
	v4 =	vld [tilespmem:s20+$0xFFFFFF60];
	[tilespmem:s20+$0x30] =	vst v12  }
0x16a: {  	[tilespmem:s20+$0xFFFFFF30] =	vst v6;
	v6 =	vld [tilespmem:s24+$0x40];
	v12 =	vadd.f32 v13, v5  }
0x16b: {  	v13 =	vld [tilespmem:s24+$0xFFFFFF40]  }
0x16c: {  	v5 =	vld [tilespmem:s20+$0xFFFFFFE0];
	v12 =	vmax.f32 v12, $0.0e+00  }
0x16d: {  	v7 =	vadd.f32 v10, v7;
	[tilespmem:s20+$0xC0] =	vst v12;
	v10 =	vld [tilespmem:s20+$0xD0]  }
0x16e: {  	v12 =	vld [tilespmem:s24+$0xD0]  }
0x16f: {  	v7 =	vmax.f32 v7, $0.0e+00;
	v11 =	vadd.f32 v6, v11;
	v6 =	vld [tilespmem:s20+$0x60]  }
0x170: {  	v13 =	vadd.f32 v13, v14;
	[tilespmem:s20+$0xFFFFFFC0] =	vst v7;
	v7 =	vld [tilespmem:s15+$0xFFFFFF70]  }
0x171: {  	v14 =	vld [tilespmem:s24+$0xFFFFFFD0];
	v11 =	vmax.f32 v11, $0.0e+00  }
0x172: {  	v13 =	vmax.f32 v13, $0.0e+00;
	[tilespmem:s20+$0x40] =	vst v11;
	v11 =	vld [tilespmem:s15+$0xFFFFFFF0]  }
0x173: {  	[tilespmem:s20+$0xFFFFFF40] =	vst v13;
	v13 =	vld [tilespmem:s24+$0x50];
	v10 =	vadd.f32 v12, v10  }
0x174: {  	v12 =	vld [tilespmem:s24+$0xFFFFFF50]  }
0x175: {  	v10 =	vmax.f32 v10, $0.0e+00;
	v3 =	vadd.f32 v7, v3;
	v7 =	vld [tilespmem:s15+$0x70];
	s15 =	smov.u32 s24  }
0x176: {  	v14 =	vadd.f32 v14, v15;
	[tilespmem:s20+$0xD0] =	vst v10;
	v10 =	vld [tilespmem:s20+$0xE0]  }
0x177: {  	v15 =	vld [tilespmem:s24+$0xE0];
	v16 =	vmax.f32 v3, $0.0e+00;
	v11 =	vadd.f32 v11, v2  }
0x178: {  	v3 =	vld [tilespmem:s20+$0xFFFFFF70];
	v2 =	vmax.f32 v14, $0.0e+00;
	v13 =	vadd.f32 v13, v8;
	[tilespmem:s19+$0xFFFFFF70] =	vst v16  }
0x179: {  	v9 =	vadd.f32 v12, v9;
	[tilespmem:s20+$0xFFFFFFD0] =	vst v2;
	v2 =	vld [tilespmem:s20+$0xFFFFFFF0];
	v11 =	vmax.f32 v11, $0.0e+00  }
.Ltmp3:
0x17a: {  	v8 =	vld [tilespmem:s24+$0xFFFFFFE0];
	v12 =	vmax.f32 v13, $0.0e+00;
	[tilespmem:s19+$0xFFFFFFF0] =	vst v11;
	v7 =	vadd.f32 v7, v1;
	(pc) =	sbr.rel @p1 .LBB2_9-.Ltmp3, $4  }
0x17b: {  	v9 =	vmax.f32 v9, $0.0e+00;
	[tilespmem:s20+$0x50] =	vst v12;
	v1 =	vld [tilespmem:s20+$0x70]  }
0x17c: {  	[tilespmem:s20+$0xFFFFFF50] =	vst v9;
	v9 =	vld [tilespmem:s24+$0x60];
	v11 =	vadd.f32 v15, v10;
	v7 =	vmax.f32 v7, $0.0e+00  }
0x17d: {  	v10 =	vld [tilespmem:s24+$0xFFFFFF60];
	[tilespmem:s19+$0x70] =	vst v7;
	s19 =	smov.u32 s20  }
0x17e: {  	s20 =	sadd.s32 $0x200, s20;
	v11 =	vmax.f32 v11, $0.0e+00;
	v7 =	vld [tilespmem:s19+$0xF0]  }
0x17f: {  	_ = 	snop  }
0x180: {  	v5 =	vadd.f32 v8, v5  }
0x181: {  	v6 =	vadd.f32 v9, v6  }
0x182: {  	[tilespmem:s19+$0xE0] =	vst v11;
	v5 =	vmax.f32 v5, $0.0e+00;
	v4 =	vadd.f32 v10, v4  }
0x183: {  	v58 =	vld [tilespmem:s15+$0xF0];
	[tilespmem:s19+$0xFFFFFFE0] =	vst v5;
	v59 =	vmax.f32 v6, $0.0e+00  }
0x184: {  	v61 =	vld [tilespmem:s15+$0xFFFFFFF0];
	v4 =	vmax.f32 v4, $0.0e+00;
	[tilespmem:s19+$0x60] =	vst v59  }
0x185: {  	[tilespmem:s19+$0xFFFFFF60] =	vst v4;
	v62 =	vld [tilespmem:s15+$0x70]  }
0x186: {  	v60 =	vld [tilespmem:s15+$0xFFFFFF70];
	_ =	sdelay $0x1  }
0x187: {  	v7 =	vadd.f32 v58, v7  }
0x188: {  	v2 =	vadd.f32 v61, v2  }
0x189: {  	v63 =	vmax.f32 v7, $0.0e+00;
	v1 =	vadd.f32 v62, v1  }
0x18a: {  	[tilespmem:s19+$0xF0] =	vst v63;
	v2 =	vmax.f32 v2, $0.0e+00;
	v3 =	vadd.f32 v60, v3  }
0x18b: {  	s13 =	sshll.u32 s18, $0x1;
	[tilespmem:s19+$0xFFFFFFF0] =	vst v2;
	v1 =	vmax.f32 v1, $0.0e+00  }
0x18c: {  	s13 =	smin.u32 s13, $0x79;
	v3 =	vmax.f32 v3, $0.0e+00;
	[tilespmem:s19+$0x70] =	vst v1  }
0x18d: {  	s18 =	sadd.s32 $0x1, s18;
	s13 =	smul.u32 $0x50, s13;
	[tilespmem:s19+$0xFFFFFF70] =	vst v3  }
0x18e: {  	[spmem:s2] =	stream.indirect.scatter.add.f32 [tilespmem:s4], [sflag:$0x7], $0x80, s23, s29, $0xb8;
	[tilespmem:$0x1E280] =	vst v63  }
0x18f: {  	p1 =	sne.s32 s18, $0x3E;
	s13 =	sadd.s32 s13, s17;
	_ =	swait.ge [sflag:s26], $0x2800  }
.Ltmp4:
0x190: {  	s13 =	sshrl.u32 s13, $0x3;
	[sflag:s26] =	ssyncset.done $0x0;
	(pc) =	sbr.rel @p1 .LBB2_6-.Ltmp4, $4  }
0x191: {  	s31 =	sadd.s32 s5, s13;
	[sflag:s26] =	ssyncadd.s32 $0xFFFFD800  }
0x192: {  	[tilespmem:s22], [sflag:$0x2] =	stream.linear.gather [hbm4b:s31+s3], $0x50, $0x38;
	[tilespmem:$0x1E280] =	vst v63  }
0x193: {  	s13 =	sadd.s32 s6, s13  }
0x194: {  	[tilespmem:s23], [sflag:$0x2] =	stream.linear.gather [hbm4b:s13+s3], $0x50, $0x38;
	[tilespmem:$0x1E280] =	vst v63  }
0x195: {  	_ =	swait.ge [sflag:s9], $0x2800  }
0x196: {  	[sflag:s9] =	ssyncset.done $0x0  }
0x197: {  	[sflag:s9] =	ssyncadd.s32 $0xFFFFD800  }
0x198: {  	_ =	swait.ge [sflag:s10], $0x2800  }
0x199: {  	[sflag:s10] =	ssyncset.done $0x0  }
0x19a: {  	s18 =	simm.s32 $0x300;
	[sflag:s10] =	ssyncadd.s32 $0xFFFFD800  }
0x19b: {  	s15 =	simm.s32 $0x5300;
	v1 =	vld [tilespmem:s18+$0x80]  }
0x19c: {  	v2 =	vld [tilespmem:s15+$0x80]  }
0x19d: {  	v3 =	vld [tilespmem:s15+$0xFFFFFF00]  }
0x19e: {  	v4 =	vld [tilespmem:s18+$0xFFFFFF80]  }
0x19f: {  	v5 =	vld [tilespmem:s15+$0xFFFFFF80]  }
0x1a0: {  	v6 =	vld [tilespmem:s15+$0x0]  }
0x1a1: {  	v1 =	vadd.f32 v2, v1;
	v2 =	vld [tilespmem:s18+$0x0]  }
0x1a2: {  	v7 =	vld [tilespmem:s18+$0xFFFFFF00]  }
0x1a3: {  	v1 =	vmax.f32 v1, $0.0e+00  }
0x1a4: {  	v4 =	vadd.f32 v5, v4;
	[tilespmem:s18+$0x80] =	vst v1;
	v1 =	vld [tilespmem:s18+$0x90]  }
0x1a5: {  	v8 =	vld [tilespmem:s15+$0x90]  }
0x1a6: {  	v9 =	vld [tilespmem:s18+$0xFFFFFF90];
	v4 =	vmax.f32 v4, $0.0e+00;
	v2 =	vadd.f32 v6, v2  }
0x1a7: {  	v5 =	vld [tilespmem:s18+$0xFFFFFF10];
	v3 =	vadd.f32 v3, v7;
	[tilespmem:s18+$0xFFFFFF80] =	vst v4  }
0x1a8: {  	v6 =	vld [tilespmem:s15+$0xFFFFFF90];
	v2 =	vmax.f32 v2, $0.0e+00  }
0x1a9: {  	v3 =	vmax.f32 v3, $0.0e+00;
	v4 =	vld [tilespmem:s18+$0x10];
	[tilespmem:s18+$0x0] =	vst v2  }
0x1aa: {  	[tilespmem:s18+$0xFFFFFF00] =	vst v3;
	v1 =	vadd.f32 v8, v1;
	v2 =	vld [tilespmem:s15+$0x10]  }
0x1ab: {  	v3 =	vld [tilespmem:s15+$0xFFFFFF10]  }
0x1ac: {  	v1 =	vmax.f32 v1, $0.0e+00  }
0x1ad: {  	v6 =	vadd.f32 v6, v9;
	[tilespmem:s18+$0x90] =	vst v1;
	v1 =	vld [tilespmem:s18+$0xA0]  }
0x1ae: {  	v8 =	vld [tilespmem:s15+$0xA0]  }
0x1af: {  	v7 =	vld [tilespmem:s18+$0xFFFFFF20];
	v6 =	vmax.f32 v6, $0.0e+00;
	v2 =	vadd.f32 v2, v4  }
0x1b0: {  	v3 =	vadd.f32 v3, v5;
	v9 =	vld [tilespmem:s18+$0xFFFFFFA0];
	[tilespmem:s18+$0xFFFFFF90] =	vst v6  }
0x1b1: {  	v5 =	vld [tilespmem:s15+$0xFFFFFFA0];
	v2 =	vmax.f32 v2, $0.0e+00  }
0x1b2: {  	v3 =	vmax.f32 v3, $0.0e+00;
	v4 =	vld [tilespmem:s18+$0x20];
	[tilespmem:s18+$0x10] =	vst v2  }
0x1b3: {  	[tilespmem:s18+$0xFFFFFF10] =	vst v3;
	v1 =	vadd.f32 v8, v1;
	v2 =	vld [tilespmem:s15+$0x20]  }
0x1b4: {  	v3 =	vld [tilespmem:s15+$0xFFFFFF20]  }
0x1b5: {  	v1 =	vmax.f32 v1, $0.0e+00  }
0x1b6: {  	v5 =	vadd.f32 v5, v9;
	[tilespmem:s18+$0xA0] =	vst v1;
	v1 =	vld [tilespmem:s18+$0xB0]  }
0x1b7: {  	v8 =	vld [tilespmem:s15+$0xB0]  }
0x1b8: {  	v10 =	vld [tilespmem:s18+$0x30];
	v5 =	vmax.f32 v5, $0.0e+00;
	v2 =	vadd.f32 v2, v4  }
0x1b9: {  	v3 =	vadd.f32 v3, v7;
	v9 =	vld [tilespmem:s18+$0xFFFFFFB0];
	[tilespmem:s18+$0xFFFFFFA0] =	vst v5  }
0x1ba: {  	v4 =	vld [tilespmem:s15+$0xFFFFFFB0];
	v2 =	vmax.f32 v2, $0.0e+00  }
0x1bb: {  	v6 =	vld [tilespmem:s18+$0xFFFFFF30];
	[tilespmem:s18+$0x20] =	vst v2;
	v2 =	vmax.f32 v3, $0.0e+00  }
0x1bc: {  	v1 =	vadd.f32 v8, v1;
	[tilespmem:s18+$0xFFFFFF20] =	vst v2;
	v2 =	vld [tilespmem:s15+$0x30]  }
0x1bd: {  	v7 =	vld [tilespmem:s15+$0xFFFFFF30]  }
0x1be: {  	v11 =	vld [tilespmem:s18+$0xFFFFFF40];
	v1 =	vmax.f32 v1, $0.0e+00  }
0x1bf: {  	v4 =	vadd.f32 v4, v9;
	[tilespmem:s18+$0xB0] =	vst v1;
	v1 =	vld [tilespmem:s18+$0xC0]  }
0x1c0: {  	v8 =	vld [tilespmem:s15+$0xC0]  }
0x1c1: {  	v12 =	vld [tilespmem:s18+$0xFFFFFFD0];
	v4 =	vmax.f32 v4, $0.0e+00;
	v2 =	vadd.f32 v2, v10  }
0x1c2: {  	v5 =	vld [tilespmem:s18+$0xFFFFFFC0];
	[tilespmem:s18+$0xFFFFFFB0] =	vst v4;
	v6 =	vadd.f32 v7, v6  }
0x1c3: {  	v7 =	vld [tilespmem:s15+$0xFFFFFFC0];
	v2 =	vmax.f32 v2, $0.0e+00  }
0x1c4: {  	v3 =	vld [tilespmem:s18+$0x40];
	[tilespmem:s18+$0x30] =	vst v2;
	v2 =	vmax.f32 v6, $0.0e+00  }
0x1c5: {  	v1 =	vadd.f32 v8, v1;
	v6 =	vld [tilespmem:s15+$0x40];
	[tilespmem:s18+$0xFFFFFF30] =	vst v2  }
0x1c6: {  	v2 =	vld [tilespmem:s15+$0xFFFFFF40]  }
0x1c7: {  	v9 =	vld [tilespmem:s18+$0xFFFFFF50];
	v1 =	vmax.f32 v1, $0.0e+00  }
0x1c8: {  	[tilespmem:s18+$0xC0] =	vst v1;
	v1 =	vadd.f32 v7, v5;
	v7 =	vld [tilespmem:s18+$0xD0]  }
0x1c9: {  	v8 =	vld [tilespmem:s15+$0xD0]  }
0x1ca: {  	v4 =	vld [tilespmem:s18+$0xFFFFFF60];
	v1 =	vmax.f32 v1, $0.0e+00;
	v3 =	vadd.f32 v6, v3  }
0x1cb: {  	v10 =	vld [tilespmem:s18+$0x50];
	[tilespmem:s18+$0xFFFFFFC0] =	vst v1;
	v1 =	vadd.f32 v2, v11  }
0x1cc: {  	v2 =	vld [tilespmem:s15+$0xFFFFFFD0];
	v3 =	vmax.f32 v3, $0.0e+00  }
0x1cd: {  	v5 =	vld [tilespmem:s18+$0xFFFFFFE0];
	[tilespmem:s18+$0x40] =	vst v3;
	v1 =	vmax.f32 v1, $0.0e+00  }
0x1ce: {  	v3 =	vld [tilespmem:s15+$0x50];
	v7 =	vadd.f32 v8, v7;
	[tilespmem:s18+$0xFFFFFF40] =	vst v1  }
0x1cf: {  	v1 =	vld [tilespmem:s15+$0xFFFFFF50]  }
0x1d0: {  	v6 =	vld [tilespmem:s18+$0x60];
	v7 =	vmax.f32 v7, $0.0e+00  }
0x1d1: {  	v2 =	vadd.f32 v2, v12;
	[tilespmem:s18+$0xD0] =	vst v7;
	v7 =	vld [tilespmem:s18+$0xE0]  }
0x1d2: {  	v11 =	vld [tilespmem:s15+$0xE0]  }
0x1d3: {  	v2 =	vmax.f32 v2, $0.0e+00;
	v8 =	vadd.f32 v3, v10;
	v3 =	vld [tilespmem:s18+$0xFFFFFF70]  }
0x1d4: {  	[tilespmem:s18+$0xFFFFFFD0] =	vst v2;
	v1 =	vadd.f32 v1, v9;
	v2 =	vld [tilespmem:s18+$0xFFFFFFF0]  }
0x1d5: {  	v9 =	vmax.f32 v8, $0.0e+00;
	v8 =	vld [tilespmem:s15+$0xFFFFFFE0]  }
0x1d6: {  	[tilespmem:s18+$0x50] =	vst v9;
	v9 =	vmax.f32 v1, $0.0e+00;
	v1 =	vld [tilespmem:s18+$0x70]  }
0x1d7: {  	[tilespmem:s18+$0xFFFFFF50] =	vst v9;
	v9 =	vld [tilespmem:s15+$0x60];
	v7 =	vadd.f32 v11, v7  }
0x1d8: {  	v10 =	vld [tilespmem:s15+$0xFFFFFF60]  }
0x1d9: {  	s13 =	simm.s32 $0x0;
	s19 =	simm.s32 $0x500;
	s20 =	simm.s32 $0x5300;
	v11 =	vmax.f32 v7, $0.0e+00;
	v7 =	vld [tilespmem:s18+$0xF0]  }
.LBB2_12:
0x1da: {  	v12 =	vld [tilespmem:s19+$0x80];
	v5 =	vadd.f32 v8, v5;
	[tilespmem:s18+$0xE0] =	vst v11  }
0x1db: {  	s20 =	sadd.s32 $0x200, s20;
	v8 =	vld [tilespmem:s15+$0xF0]  }
0x1dc: {  	s13 =	sadd.s32 $0x4, s13;
	v11 =	vld [tilespmem:s20+$0x80];
	v5 =	vmax.f32 v5, $0.0e+00;
	v6 =	vadd.f32 v9, v6  }
0x1dd: {  	p1 =	slt.u32 s13, $0x4C;
	v9 =	vld [tilespmem:s20+$0xFFFFFF00];
	v4 =	vadd.f32 v10, v4;
	[tilespmem:s18+$0xFFFFFFE0] =	vst v5  }
0x1de: {  	v5 =	vld [tilespmem:s19+$0xFFFFFF80];
	v6 =	vmax.f32 v6, $0.0e+00  }
0x1df: {  	v10 =	vld [tilespmem:s20+$0xFFFFFF80];
	v4 =	vmax.f32 v4, $0.0e+00;
	[tilespmem:s18+$0x60] =	vst v6  }
0x1e0: {  	v6 =	vld [tilespmem:s19+$0x0];
	[tilespmem:s18+$0xFFFFFF60] =	vst v4;
	v4 =	vadd.f32 v8, v7  }
0x1e1: {  	v7 =	vld [tilespmem:s20+$0x0];
	v8 =	vadd.f32 v11, v12  }
0x1e2: {  	v11 =	vld [tilespmem:s19+$0xFFFFFF00];
	v4 =	vmax.f32 v4, $0.0e+00  }
0x1e3: {  	v12 =	vld [tilespmem:s19+$0xFFFFFF10];
	v8 =	vmax.f32 v8, $0.0e+00;
	[tilespmem:s18+$0xF0] =	vst v4  }
0x1e4: {  	v4 =	vadd.f32 v10, v5;
	[tilespmem:s19+$0x80] =	vst v8;
	v5 =	vld [tilespmem:s19+$0x90]  }
0x1e5: {  	v8 =	vld [tilespmem:s20+$0x90]  }
0x1e6: {  	v4 =	vmax.f32 v4, $0.0e+00;
	v10 =	vld [tilespmem:s19+$0xFFFFFF90];
	v6 =	vadd.f32 v7, v6  }
0x1e7: {  	v7 =	vadd.f32 v9, v11;
	[tilespmem:s19+$0xFFFFFF80] =	vst v4;
	v4 =	vld [tilespmem:s19+$0x10]  }
0x1e8: {  	v9 =	vld [tilespmem:s20+$0xFFFFFF90];
	v6 =	vmax.f32 v6, $0.0e+00  }
0x1e9: {  	v7 =	vmax.f32 v7, $0.0e+00;
	v11 =	vld [tilespmem:s19+$0xFFFFFF20];
	[tilespmem:s19+$0x0] =	vst v6  }
0x1ea: {  	[tilespmem:s19+$0xFFFFFF00] =	vst v7;
	v6 =	vld [tilespmem:s20+$0x10];
	v5 =	vadd.f32 v8, v5  }
0x1eb: {  	v7 =	vld [tilespmem:s20+$0xFFFFFF10]  }
0x1ec: {  	v8 =	vld [tilespmem:s19+$0xFFFFFFA0];
	v5 =	vmax.f32 v5, $0.0e+00  }
0x1ed: {  	v9 =	vadd.f32 v9, v10;
	[tilespmem:s19+$0x90] =	vst v5;
	v5 =	vld [tilespmem:s19+$0xA0]  }
0x1ee: {  	v10 =	vld [tilespmem:s20+$0xA0]  }
0x1ef: {  	v9 =	vmax.f32 v9, $0.0e+00;
	v4 =	vadd.f32 v6, v4;
	v6 =	vld [tilespmem:s19+$0x20]  }
0x1f0: {  	v7 =	vadd.f32 v7, v12;
	v12 =	vld [tilespmem:s19+$0xFFFFFF30];
	[tilespmem:s19+$0xFFFFFF90] =	vst v9  }
0x1f1: {  	v9 =	vld [tilespmem:s20+$0xFFFFFFA0];
	v4 =	vmax.f32 v4, $0.0e+00  }
0x1f2: {  	v7 =	vmax.f32 v7, $0.0e+00;
	v13 =	vld [tilespmem:s19+$0xFFFFFFB0];
	[tilespmem:s19+$0x10] =	vst v4  }
0x1f3: {  	[tilespmem:s19+$0xFFFFFF10] =	vst v7;
	v4 =	vld [tilespmem:s20+$0x20];
	v5 =	vadd.f32 v10, v5  }
0x1f4: {  	v7 =	vld [tilespmem:s20+$0xFFFFFF20]  }
0x1f5: {  	v10 =	vld [tilespmem:s19+$0x30];
	v5 =	vmax.f32 v5, $0.0e+00  }
0x1f6: {  	v8 =	vadd.f32 v9, v8;
	[tilespmem:s19+$0xA0] =	vst v5;
	v5 =	vld [tilespmem:s19+$0xB0]  }
0x1f7: {  	v9 =	vld [tilespmem:s20+$0xB0]  }
0x1f8: {  	v14 =	vld [tilespmem:s19+$0xFFFFFF40];
	v8 =	vmax.f32 v8, $0.0e+00;
	v4 =	vadd.f32 v4, v6  }
0x1f9: {  	v6 =	vadd.f32 v7, v11;
	[tilespmem:s19+$0xFFFFFFA0] =	vst v8;
	v7 =	vld [tilespmem:s19+$0xFFFFFFC0]  }
0x1fa: {  	v8 =	vld [tilespmem:s20+$0xFFFFFFB0];
	v4 =	vmax.f32 v4, $0.0e+00  }
0x1fb: {  	v6 =	vmax.f32 v6, $0.0e+00;
	[tilespmem:s19+$0x20] =	vst v4;
	v11 =	vld [tilespmem:s19+$0x40]  }
0x1fc: {  	[tilespmem:s19+$0xFFFFFF20] =	vst v6;
	v4 =	vld [tilespmem:s20+$0x30];
	v5 =	vadd.f32 v9, v5  }
0x1fd: {  	v6 =	vld [tilespmem:s20+$0xFFFFFF30]  }
0x1fe: {  	v9 =	vld [tilespmem:s19+$0xFFFFFF50];
	v5 =	vmax.f32 v5, $0.0e+00  }
0x1ff: {  	v8 =	vadd.f32 v8, v13;
	[tilespmem:s19+$0xB0] =	vst v5;
	v5 =	vld [tilespmem:s19+$0xC0]  }
0x200: {  	v13 =	vld [tilespmem:s20+$0xC0]  }
0x201: {  	v8 =	vmax.f32 v8, $0.0e+00;
	v15 =	vld [tilespmem:s19+$0xFFFFFFD0];
	v4 =	vadd.f32 v4, v10  }
0x202: {  	v6 =	vadd.f32 v6, v12;
	[tilespmem:s19+$0xFFFFFFB0] =	vst v8;
	v8 =	vld [tilespmem:s19+$0x50]  }
0x203: {  	v10 =	vld [tilespmem:s20+$0xFFFFFFC0];
	v12 =	vmax.f32 v4, $0.0e+00  }
0x204: {  	v6 =	vmax.f32 v6, $0.0e+00;
	v4 =	vld [tilespmem:s19+$0xFFFFFF60];
	[tilespmem:s19+$0x30] =	vst v12  }
0x205: {  	[tilespmem:s19+$0xFFFFFF30] =	vst v6;
	v6 =	vld [tilespmem:s20+$0x40];
	v12 =	vadd.f32 v13, v5  }
0x206: {  	v13 =	vld [tilespmem:s20+$0xFFFFFF40]  }
0x207: {  	v5 =	vld [tilespmem:s19+$0xFFFFFFE0];
	v12 =	vmax.f32 v12, $0.0e+00  }
0x208: {  	v7 =	vadd.f32 v10, v7;
	[tilespmem:s19+$0xC0] =	vst v12;
	v10 =	vld [tilespmem:s19+$0xD0]  }
0x209: {  	v12 =	vld [tilespmem:s20+$0xD0]  }
0x20a: {  	v7 =	vmax.f32 v7, $0.0e+00;
	v11 =	vadd.f32 v6, v11;
	v6 =	vld [tilespmem:s19+$0x60]  }
0x20b: {  	v13 =	vadd.f32 v13, v14;
	[tilespmem:s19+$0xFFFFFFC0] =	vst v7;
	v7 =	vld [tilespmem:s15+$0xFFFFFF70]  }
0x20c: {  	v14 =	vld [tilespmem:s20+$0xFFFFFFD0];
	v11 =	vmax.f32 v11, $0.0e+00  }
0x20d: {  	v13 =	vmax.f32 v13, $0.0e+00;
	[tilespmem:s19+$0x40] =	vst v11;
	v11 =	vld [tilespmem:s15+$0xFFFFFFF0]  }
0x20e: {  	[tilespmem:s19+$0xFFFFFF40] =	vst v13;
	v13 =	vld [tilespmem:s20+$0x50];
	v10 =	vadd.f32 v12, v10  }
0x20f: {  	v12 =	vld [tilespmem:s20+$0xFFFFFF50]  }
0x210: {  	v10 =	vmax.f32 v10, $0.0e+00;
	v3 =	vadd.f32 v7, v3;
	v7 =	vld [tilespmem:s15+$0x70];
	s15 =	smov.u32 s20  }
0x211: {  	v14 =	vadd.f32 v14, v15;
	[tilespmem:s19+$0xD0] =	vst v10;
	v10 =	vld [tilespmem:s19+$0xE0]  }
0x212: {  	v15 =	vld [tilespmem:s20+$0xE0];
	v16 =	vmax.f32 v3, $0.0e+00;
	v11 =	vadd.f32 v11, v2  }
0x213: {  	v3 =	vld [tilespmem:s19+$0xFFFFFF70];
	v2 =	vmax.f32 v14, $0.0e+00;
	v13 =	vadd.f32 v13, v8;
	[tilespmem:s18+$0xFFFFFF70] =	vst v16  }
0x214: {  	v9 =	vadd.f32 v12, v9;
	[tilespmem:s19+$0xFFFFFFD0] =	vst v2;
	v2 =	vld [tilespmem:s19+$0xFFFFFFF0];
	v11 =	vmax.f32 v11, $0.0e+00  }
.Ltmp5:
0x215: {  	v8 =	vld [tilespmem:s20+$0xFFFFFFE0];
	v12 =	vmax.f32 v13, $0.0e+00;
	[tilespmem:s18+$0xFFFFFFF0] =	vst v11;
	v7 =	vadd.f32 v7, v1;
	(pc) =	sbr.rel @p1 .LBB2_12-.Ltmp5, $4  }
0x216: {  	v9 =	vmax.f32 v9, $0.0e+00;
	[tilespmem:s19+$0x50] =	vst v12;
	v1 =	vld [tilespmem:s19+$0x70]  }
0x217: {  	[tilespmem:s19+$0xFFFFFF50] =	vst v9;
	v9 =	vld [tilespmem:s20+$0x60];
	v11 =	vadd.f32 v15, v10;
	v7 =	vmax.f32 v7, $0.0e+00  }
0x218: {  	v10 =	vld [tilespmem:s20+$0xFFFFFF60];
	[tilespmem:s18+$0x70] =	vst v7;
	s18 =	smov.u32 s19  }
0x219: {  	s19 =	sadd.s32 $0x200, s19;
	v11 =	vmax.f32 v11, $0.0e+00;
	v7 =	vld [tilespmem:s18+$0xF0]  }
0x21a: {  	_ = 	snop  }
0x21b: {  	v5 =	vadd.f32 v8, v5  }
0x21c: {  	v6 =	vadd.f32 v9, v6  }
0x21d: {  	[tilespmem:s18+$0xE0] =	vst v11;
	v5 =	vmax.f32 v5, $0.0e+00;
	v4 =	vadd.f32 v10, v4  }
0x21e: {  	v58 =	vld [tilespmem:s15+$0xF0];
	[tilespmem:s18+$0xFFFFFFE0] =	vst v5;
	v59 =	vmax.f32 v6, $0.0e+00  }
0x21f: {  	v61 =	vld [tilespmem:s15+$0xFFFFFFF0];
	v4 =	vmax.f32 v4, $0.0e+00;
	[tilespmem:s18+$0x60] =	vst v59  }
0x220: {  	[tilespmem:s18+$0xFFFFFF60] =	vst v4;
	v62 =	vld [tilespmem:s15+$0x70]  }
0x221: {  	v60 =	vld [tilespmem:s15+$0xFFFFFF70];
	_ =	sdelay $0x1  }
0x222: {  	v7 =	vadd.f32 v58, v7  }
0x223: {  	v2 =	vadd.f32 v61, v2  }
0x224: {  	v63 =	vmax.f32 v7, $0.0e+00;
	v1 =	vadd.f32 v62, v1  }
0x225: {  	[tilespmem:s18+$0xF0] =	vst v63;
	v2 =	vmax.f32 v2, $0.0e+00;
	v3 =	vadd.f32 v60, v3  }
0x226: {  	[tilespmem:s18+$0xFFFFFFF0] =	vst v2;
	v1 =	vmax.f32 v1, $0.0e+00  }
0x227: {  	v3 =	vmax.f32 v3, $0.0e+00;
	[tilespmem:s18+$0x70] =	vst v1  }
0x228: {  	[tilespmem:s18+$0xFFFFFF70] =	vst v3  }
0x229: {  	[spmem:s2] =	stream.indirect.scatter.add.f32 [tilespmem:s30], [sflag:$0x7], $0x80, s21, s29, $0xb8;
	[tilespmem:$0x1E280] =	vst v63  }
0x22a: {  	_ =	swait.ge [sflag:s26], $0x2800  }
0x22b: {  	[sflag:s26] =	ssyncset.done $0x0  }
0x22c: {  	[sflag:s26] =	ssyncadd.s32 $0xFFFFD800  }
0x22d: {  	_ =	swait.ge [sflag:s0], $0x50  }
0x22e: {  	[sflag:s0] =	ssyncset.done $0x0  }
0x22f: {  	[sflag:s0] =	ssyncadd.s32 $0xFFFFFFB0  }
0x230: {  	_ =	swait.ge [sflag:s0], $0x50  }
0x231: {  	[sflag:s0] =	ssyncset.done $0x0  }
0x232: {  	s13 =	stileid.u32;
	[sflag:s0] =	ssyncadd.s32 $0xFFFFFFB0  }
0x233: {  	s13 =	sshll.u32 s13, $0x6;
	[bflag:$0x0] =	sbarrier.arrive $0xFFFF  }
0x234: {  	s19 =	sshrl.u32 s14, $0x3;
	s13 =	sor.u32 $0x1C07, s13;
	s20 =	rddreg [dreg:$0xa]  }
0x235: {  	[hbm:s20], [sflag:s13] =	dma.local [spmem:s19], $0x2700  }
0x236: {  	_ =	swait.ge [sflag:s26], $0x2700  }
0x237: {  	[sflag:s26] =	ssyncset.done $0x0;
	s18 =	rddreg [dreg:$0x9]  }
0x238: {  	s19 =	rddreg [dreg:$0xb];
	[sflag:s26] =	ssyncadd.s32 $0xFFFFD900;
	s15 =	sshrl.u32 @!p0 s18, $0x3  }
0x239: {  	[hbm:s19], [sflag:s13] =	dma.local @!p0 [spmem:s15], $0x100  }
0x23a: {  	s13 =	simm.s32 @!p0 $0x7  }
0x23b: {  	_ =	swait.ge @!p0 [sflag:s13], $0x100  }
0x23c: {  	s24 =	rddreg [dreg:$0xd]  }
0x23d: {  	s31 =	rddreg [dreg:$0xc];
	s19 =	sadd.s32 $0x1, s24  }
0x23e: {  	p1 =	sne.s32 s19, s31  }
.Ltmp6:
0x23f: {  	_ = 	snop;
	(pc) =	sbr.rel @p1 .LBB2_1-.Ltmp6, $3  }
0x240: {  	_ =	sdelay $0x1  }
0x241: {  	[sflag:s13] =	ssyncset.done @!p0 $0x0  }
0x242: {  	[sflag:s13] =	ssyncadd.s32 @!p0 $0xFFFFFF00  }
0x243: {  	_ =	sfence.sel $0x180000  }
0x244: {  	[bflag:$0x0] =	sbarrier.arrive $0xFFFF  }
0x245: {  	_ =	strace $0x90000047  }
0x246: {  	s0 =	stileid.u32;
	[bflag:$0x2] =	sbarrier.arrive $0xFFFF  }
0x247: {  	p0 =	sne.s32 s0, $0x0;
	s0 =	rddreg [dreg:$0x3]  }
0x248: {  	s0 =	sadd.s32 @!p0 $0x100000, s0  }
0x249: {  	[sflag:s0] =	ssyncadd.tile.s32 @!p0 $0x1;
	_ =	shalt  }
.Lfunc_end2:
_tile_overlayer_lowered:
.L_overlay_start_2:
0x24a: {  	(tag) =	ssettag $0x2  }
0x24b: {  	s0 =	rddreg [dreg:$0x0];
	s2 =	stileid.u32  }
0x24c: {  	s1 =	rddreg [dreg:$0x1];
	p0 =	sne.s32 s2, $0x0  }
0x24d: {  	s3 =	rddreg [dreg:$0x2];
	[bflag:$0x3] =	sbarrier.arrive $0xFFFF;
	s2 =	simm.s32 @!p0 $0x1C07  }
0x24e: {  	[timem:s3], [sflag:s2] =	dma.local @!p0 [hbm:s0], s1  }
0x24f: {  	s0 =	simm.s32 @!p0 $0x7  }
0x250: {  	_ =	swait.ge @!p0 [sflag:s0], s1  }
0x251: {  	s1 =	ssub.s32 @!p0 $0x0, s1;
	[sflag:s0] =	ssyncset.done @!p0 $0x0  }
0x252: {  	[sflag:s0] =	ssyncadd.s32 @!p0 s1  }
0x253: {  	[bflag:$0x3] =	sbarrier.arrive $0xFFFF  }
0x254: {  	_ =	shalt  }

</sc_bundles>
